<compile_context>
chip_gen: v7x
topology: tpu7x:2x2x1
jax: 0.10.2.dev20260603
libtpu: 0.0.44.dev20260713+nightly
codegen_flags: <defaults>
</compile_context>

<pallas_src>
import numpy as np

import jax
import jax.numpy as jnp
from jax import lax
from jax.experimental import pallas as pl
from jax.experimental.pallas import tpu as pltpu
from jax.experimental.pallas import tpu_sc as plsc

NUM_EMB = 1000000
FEAT = 32
BATCH = 16384
FIELDS = 26

NC = 2
NS = 16
NW = NC * NS
L = 16

GCOLS = 6
GLANES = GCOLS * 128
GROWS = GLANES // 4
NGROUPS = (NUM_EMB // 128) // GCOLS
BASE_G = NGROUPS // NW
EXTRA_G = NGROUPS % NW
TAIL_E = NUM_EMB - NGROUPS * GLANES
STAGE_ROWS = NUM_EMB // 4


def _tr_body(tt_hbm, rm_hbm, in0, in1, ob0, ob1, tin, tob,
             si0, si1, so0, so1):
    wid = lax.axis_index("s") * NC + lax.axis_index("c")
    cnt = BASE_G + (wid < EXTRA_G).astype(jnp.int32)

    lanes = lax.iota(jnp.int32, L)
    rpat = lax.shift_right_logical(lanes, 2)
    cpat = lax.shift_left(lax.bitwise_and(lanes, 3), 5)

    def _lane0(k):
        return pl.multiple_of((wid + NW * k) * GLANES, 128)

    def _transpose(src, dst, nlanes):
        @plsc.parallel_loop(0, nlanes // L, unroll=2)
        def _sub(m):
            l0 = m * L
            r0 = m * 4
            for f in range(FEAT):
                vals = src[f, pl.ds(l0, L)]
                plsc.store_scatter(dst, [rpat + r0, cpat + f], vals)

    def _step(k, cur_in, cur_si, cur_ob, cur_so, nxt_in, nxt_si):
        g = wid + NW * k

        @pl.when(k + 1 < cnt)
        def _():
            pltpu.async_copy(
                tt_hbm.at[:, pl.ds(_lane0(k + 1), GLANES)], nxt_in, nxt_si)

        pltpu.make_async_copy(
            tt_hbm.at[:, pl.ds(0, GLANES)], cur_in, cur_si).wait()

        @pl.when(k >= 2)
        def _():
            pltpu.make_async_copy(
                cur_ob, rm_hbm.at[pl.ds(0, GROWS), :], cur_so).wait()

        _transpose(cur_in, cur_ob, GLANES)
        pltpu.async_copy(cur_ob, rm_hbm.at[pl.ds(g * GROWS, GROWS), :],
                         cur_so)

    pltpu.async_copy(tt_hbm.at[:, pl.ds(_lane0(0), GLANES)], in0, si0)

    def _pair(k, carry):
        @pl.when(lax.bitwise_and(k, 1) == 0)
        def _():
            _step(k, in0, si0, ob0, so0, in1, si1)

        @pl.when(lax.bitwise_and(k, 1) == 1)
        def _():
            _step(k, in1, si1, ob1, so1, in0, si0)
        return carry

    lax.fori_loop(0, cnt, _pair, 0)
    pltpu.make_async_copy(ob0, rm_hbm.at[pl.ds(0, GROWS), :], so0).wait()
    pltpu.make_async_copy(ob1, rm_hbm.at[pl.ds(0, GROWS), :], so1).wait()

    @pl.when(wid == 0)
    def _():
        pltpu.sync_copy(tt_hbm.at[:, pl.ds(NGROUPS * GLANES, TAIL_E)], tin)
        _transpose(tin, tob, TAIL_E)
        pltpu.sync_copy(tob, rm_hbm.at[pl.ds(NGROUPS * GROWS, TAIL_E // 4), :])


_tr_call = pl.kernel(
    _tr_body,
    mesh=plsc.VectorSubcoreMesh(core_axis_name="c", subcore_axis_name="s"),
    out_type=jax.ShapeDtypeStruct((STAGE_ROWS, 128), jnp.float32),
    scratch_types=[
        pltpu.VMEM((FEAT, GLANES), jnp.float32),
        pltpu.VMEM((FEAT, GLANES), jnp.float32),
        pltpu.VMEM((GROWS, 128), jnp.float32),
        pltpu.VMEM((GROWS, 128), jnp.float32),
        pltpu.VMEM((FEAT, TAIL_E), jnp.float32),
        pltpu.VMEM((TAIL_E // 4, 128), jnp.float32),
        pltpu.SemaphoreType.DMA,
        pltpu.SemaphoreType.DMA,
        pltpu.SemaphoreType.DMA,
        pltpu.SemaphoreType.DMA,
    ],
    compiler_params=pltpu.CompilerParams(needs_layout_passes=False),
)

B_PER_W = BATCH // NW


def _embed_body(ipt_hbm, table_hbm, out_hbm, blk_v, rows0, rows1,
                sem0, sem1):
    wid = lax.axis_index("s") * NC + lax.axis_index("c")
    b0 = wid * B_PER_W
    pltpu.sync_copy(ipt_hbm.at[:, pl.ds(b0, B_PER_W)], blk_v)
    bufs = (rows0, rows1)
    sems = (sem0, sem1)
    pltpu.async_copy(table_hbm.at[blk_v.at[0]], bufs[0], sems[0])

    def _field_pair(g, carry):
        for b in (0, 1):
            fl = 2 * g + b
            p, q = b, 1 - b

            @pl.when(fl + 1 < FIELDS)
            def _():
                pltpu.async_copy(
                    table_hbm.at[blk_v.at[fl + 1]], bufs[q], sems[q])

            pltpu.make_async_copy(
                table_hbm.at[blk_v.at[fl]], bufs[p], sems[p]).wait()
            pltpu.sync_copy(bufs[p], out_hbm.at[pl.ds(b0, B_PER_W), fl, :])
        return carry

    lax.fori_loop(0, FIELDS // 2, _field_pair, 0)


_embed_call = pl.kernel(
    _embed_body,
    mesh=plsc.VectorSubcoreMesh(core_axis_name="c", subcore_axis_name="s"),
    out_type=jax.ShapeDtypeStruct((BATCH, FIELDS, FEAT), jnp.float32),
    scratch_types=[
        pltpu.VMEM((FIELDS, B_PER_W), jnp.int32),
        pltpu.VMEM((B_PER_W, FEAT), jnp.float32),
        pltpu.VMEM((B_PER_W, FEAT), jnp.float32),
        pltpu.SemaphoreType.DMA,
        pltpu.SemaphoreType.DMA,
    ],
    compiler_params=pltpu.CompilerParams(use_tc_tiling_on_sc=False),
)


def kernel(ip, table):
    staged = _tr_call(table.T)
    table_rm = staged.reshape(NUM_EMB, FEAT)
    return _embed_call(ip.T, table_rm)

# --- scband reference (transcript-rebuilt; emitter-appended) ---
"""Pipeline reference for scband-embed-4655744549085 (READ-ONLY COPY).

The authoritative reference and input builder live on the scoring server;
editing this copy changes nothing except your own understanding.
"""

import jax, jax.numpy as jnp
import numpy as np

NUM_EMBEDDINGS = 1000000
FEATURES = 32
BATCH = 16384
FIELDS = 26

def setup_inputs(seed: int = 0) -> dict:
    key = jax.random.key(seed)
    k_idx, k_tab = jax.random.split(key)
    ip = jax.random.randint(k_idx, (BATCH, FIELDS), 0, NUM_EMBEDDINGS, dtype=jnp.int64 if jax.config.read('jax_enable_x64') else jnp.int32)
    # flax nn.Embed default init: normal(stddev=1/sqrt(features)) variance-scaling-like; use normal scaled
    table = jax.random.normal(k_tab, (NUM_EMBEDDINGS, FEATURES), dtype=jnp.float32) * (1.0 / np.sqrt(FEATURES))
    return {"ip": ip, "table": table}

def reference(ip, table):
    # Faithful to flax nn.Embed.__call__: embedding lookup via take
    return jnp.take(table, ip, axis=0)

if __name__ == "__main__":
    import jax
    _d = setup_inputs()
    print(jax.jit(kernel)(*tuple(_d.values())))

</pallas_src>

<mosaic_0001>
#map = affine_map<(d0, d1) -> (0, 0)>
module attributes {stable_mosaic.version = 14 : i64} {
  func.func @_tr_body(%arg0: i32, %arg1: i32, %arg2: memref<32x1000000xf32, #tpu.memory_space<hbm>>, %arg3: memref<250000x128xf32, #tpu.memory_space<hbm>>, %arg4: memref<32x768xf32, #tpu.memory_space<vmem>>, %arg5: memref<32x768xf32, #tpu.memory_space<vmem>>, %arg6: memref<192x128xf32, #tpu.memory_space<vmem>>, %arg7: memref<192x128xf32, #tpu.memory_space<vmem>>, %arg8: memref<32x64xf32, #tpu.memory_space<vmem>>, %arg9: memref<16x128xf32, #tpu.memory_space<vmem>>, %arg10: memref<!tpu.dma_semaphore, #tpu.memory_space<semaphore_mem>>, %arg11: memref<!tpu.dma_semaphore, #tpu.memory_space<semaphore_mem>>, %arg12: memref<!tpu.dma_semaphore, #tpu.memory_space<semaphore_mem>>, %arg13: memref<!tpu.dma_semaphore, #tpu.memory_space<semaphore_mem>>) attributes {dimension_semantics = [#tpu.dimension_semantics<core_parallel>, #tpu.dimension_semantics<subcore_parallel>], iteration_bounds = array<i64: 2, 16>, scalar_prefetch = 0 : i64, scratch_operands = 10 : i64, tpu.core_type = #tpu.core_type<sc_vector_subcore>, window_params = [{transform_indices = #map}, {transform_indices = #map}]} {
    %mul3A = arith.constant 2 : i32
    %mul3A_0 = arith.muli %arg1, %mul3A : i32
    %add3A = arith.addi %mul3A_0, %arg0 : i32
    %lt3A = arith.constant 22 : i32
    %lt3A_1 = arith.cmpi slt, %add3A, %lt3A : i32
    %convert_element_type3A = arith.extui %lt3A_1 : i1 to i32
    %add3A_2 = arith.constant 40 : i32
    %add3A_3 = arith.addi %add3A_2, %convert_element_type3A : i32
    %iota3A = tpu.iota {dimensions = array<i32: 0>} : vector<16xi32>
    %shift_right_logical3A = arith.constant 2 : i32
    %shift_right_logical3A_4 = vector.broadcast %shift_right_logical3A : i32 to vector<16xi32>
    %shift_right_logical3A_5 = arith.shrui %iota3A, %shift_right_logical3A_4 : vector<16xi32>
    %and3A = arith.constant 3 : i32
    %and3A_6 = vector.broadcast %and3A : i32 to vector<16xi32>
    %and3A_7 = arith.andi %iota3A, %and3A_6 : vector<16xi32>
    %shift_left3A = arith.constant 5 : i32
    %shift_left3A_8 = vector.broadcast %shift_left3A : i32 to vector<16xi32>
    %shift_left3A_9 = arith.shli %and3A_7, %shift_left3A_8 : vector<16xi32>
    %add3A_10 = arith.constant 0 : i32
    %add3A_11 = arith.addi %add3A, %add3A_10 : i32
    %mul3A_12 = arith.constant 768 : i32
    %mul3A_13 = arith.muli %add3A_11, %mul3A_12 : i32
    %multiple_of3A = tpu.assume_multiple %mul3A_13, 128 : i32
    %dma_start3A = arith.constant 0 : i32
    %dma_start3A_14 = tpu.memref_slice %arg2[%dma_start3A, %multiple_of3A] : memref<32x1000000xf32, #tpu.memory_space<hbm>> -> memref<32x768xf32, #tpu.memory_space<hbm>>
    %dma_start3A_15 = arith.constant 0 : i32
    %dma_start3A_16 = tpu.memref_slice %arg2[%dma_start3A_15, %multiple_of3A] : memref<32x1000000xf32, #tpu.memory_space<hbm>> -> memref<32x768xf32, #tpu.memory_space<hbm>>
    tpu.enqueue_dma source(%dma_start3A_16 : memref<32x768xf32, #tpu.memory_space<hbm>>) target(%arg4 : memref<32x768xf32, #tpu.memory_space<vmem>>) target_semaphore(%arg10 : memref<!tpu.dma_semaphore, #tpu.memory_space<semaphore_mem>>)
    %while3A = arith.constant 0 : i32
    %while3A_17 = arith.constant 0 : i32
    %while3A_18 = arith.subi %add3A_3, %while3A_17 : i32
    %while3A_19 = arith.addi %while3A_17, %while3A_18 : i32
    %while3A_20 = arith.constant 1 : i32
    %while3A_21 = arith.divsi %while3A_18, %while3A_20 : i32
    %while3A_22 = arith.muli %while3A_21, %while3A_20 : i32
    %while3A_23 = arith.addi %while3A_17, %while3A_22 : i32
    %while3A_24 = arith.constant 1 : i32
    scf.for %while3A_40 = %while3A_17 to %while3A_23 step %while3A_24  : i32 {
      %and3A_41 = arith.constant 1 : i32
      %and3A_42 = arith.andi %while3A_40, %and3A_41 : i32
      %eq3A_43 = arith.constant 0 : i32
      %eq3A_44 = arith.cmpi eq, %and3A_42, %eq3A_43 : i32
      %convert_element_type3A_45 = arith.extui %eq3A_44 : i1 to i32
      %cond3A_46 = arith.constant 0 : i32
      %cond3A_47 = arith.cmpi ne, %convert_element_type3A_45, %cond3A_46 : i32
      scf.if %cond3A_47 {
        %mul3A_55 = arith.constant 32 : i32
        %mul3A_56 = arith.muli %mul3A_55, %while3A_40 : i32
        %add3A_57 = arith.addi %add3A, %mul3A_56 : i32
        %add3A_58 = arith.constant 1 : i32
        %add3A_59 = arith.addi %while3A_40, %add3A_58 : i32
        %lt3A_60 = arith.cmpi slt, %add3A_59, %add3A_3 : i32
        %convert_element_type3A_61 = arith.extui %lt3A_60 : i1 to i32
        %cond3A_62 = arith.constant 0 : i32
        %cond3A_63 = arith.cmpi ne, %convert_element_type3A_61, %cond3A_62 : i32
        scf.if %cond3A_63 {
          %add3A_82 = arith.constant 1 : i32
          %add3A_83 = arith.addi %while3A_40, %add3A_82 : i32
          %mul3A_84 = arith.constant 32 : i32
          %mul3A_85 = arith.muli %mul3A_84, %add3A_83 : i32
          %add3A_86 = arith.addi %add3A, %mul3A_85 : i32
          %mul3A_87 = arith.constant 768 : i32
          %mul3A_88 = arith.muli %add3A_86, %mul3A_87 : i32
          %multiple_of3A_89 = tpu.assume_multiple %mul3A_88, 128 : i32
          %dma_start3A_90 = arith.constant 0 : i32
          %dma_start3A_91 = tpu.memref_slice %arg2[%dma_start3A_90, %multiple_of3A_89] : memref<32x1000000xf32, #tpu.memory_space<hbm>> -> memref<32x768xf32, #tpu.memory_space<hbm>>
          %dma_start3A_92 = arith.constant 0 : i32
          %dma_start3A_93 = tpu.memref_slice %arg2[%dma_start3A_92, %multiple_of3A_89] : memref<32x1000000xf32, #tpu.memory_space<hbm>> -> memref<32x768xf32, #tpu.memory_space<hbm>>
          tpu.enqueue_dma source(%dma_start3A_93 : memref<32x768xf32, #tpu.memory_space<hbm>>) target(%arg5 : memref<32x768xf32, #tpu.memory_space<vmem>>) target_semaphore(%arg11 : memref<!tpu.dma_semaphore, #tpu.memory_space<semaphore_mem>>)
        } else {
        }
        %dma_wait3A_64 = arith.constant 0 : i32
        %dma_wait3A_65 = arith.constant 0 : i32
        %dma_wait3A_66 = tpu.memref_slice %arg2[%dma_wait3A_64, %dma_wait3A_65] : memref<32x1000000xf32, #tpu.memory_space<hbm>> -> memref<32x768xf32, #tpu.memory_space<hbm>>
        %dma_wait3A_67 = arith.constant 0 : i32
        %dma_wait3A_68 = arith.constant 0 : i32
        %dma_wait3A_69 = tpu.memref_slice %arg2[%dma_wait3A_67, %dma_wait3A_68] : memref<32x1000000xf32, #tpu.memory_space<hbm>> -> memref<32x768xf32, #tpu.memory_space<hbm>>
        tpu.wait_dma2 semaphore(%arg10 : memref<!tpu.dma_semaphore, #tpu.memory_space<semaphore_mem>>) src(%dma_wait3A_69 : memref<32x768xf32, #tpu.memory_space<hbm>>) dst(%arg4 : memref<32x768xf32, #tpu.memory_space<vmem>>)
        %ge3A = arith.constant 2 : i32
        %ge3A_70 = arith.cmpi sge, %while3A_40, %ge3A : i32
        %convert_element_type3A_71 = arith.extui %ge3A_70 : i1 to i32
        %cond3A_72 = arith.constant 0 : i32
        %cond3A_73 = arith.cmpi ne, %convert_element_type3A_71, %cond3A_72 : i32
        scf.if %cond3A_73 {
          %dma_wait3A_82 = arith.constant 0 : i32
          %dma_wait3A_83 = arith.constant 0 : i32
          %dma_wait3A_84 = tpu.memref_slice %arg3[%dma_wait3A_82, %dma_wait3A_83] : memref<250000x128xf32, #tpu.memory_space<hbm>> -> memref<192x128xf32, #tpu.memory_space<hbm>>
          %dma_wait3A_85 = arith.constant 0 : i32
          %dma_wait3A_86 = arith.constant 0 : i32
          %dma_wait3A_87 = tpu.memref_slice %arg3[%dma_wait3A_85, %dma_wait3A_86] : memref<250000x128xf32, #tpu.memory_space<hbm>> -> memref<192x128xf32, #tpu.memory_space<hbm>>
          tpu.wait_dma2 semaphore(%arg12 : memref<!tpu.dma_semaphore, #tpu.memory_space<semaphore_mem>>) src(%arg6 : memref<192x128xf32, #tpu.memory_space<vmem>>) dst(%dma_wait3A_87 : memref<192x128xf32, #tpu.memory_space<hbm>>)
        } else {
        }
        %parallel_loop3A = arith.constant 0 : i32
        %parallel_loop3A_74 = arith.constant 48 : i32
        %parallel_loop3A_75 = arith.constant 1 : i32
        scf.for %parallel_loop3A_82 = %parallel_loop3A to %parallel_loop3A_74 step %parallel_loop3A_75  : i32 {
          %parallel_loop3A_83 = arith.constant 16 : i32
          %parallel_loop3A_84 = arith.muli %parallel_loop3A_82, %parallel_loop3A_83 : i32
          %parallel_loop3A_85 = arith.constant 4 : i32
          %parallel_loop3A_86 = arith.muli %parallel_loop3A_82, %parallel_loop3A_85 : i32
          %parallel_loop3A_87 = arith.constant 0 : i32
          %parallel_loop3A_88 = arith.index_cast %parallel_loop3A_87 : i32 to index
          %parallel_loop3A_89 = arith.index_cast %parallel_loop3A_84 : i32 to index
          %parallel_loop3A_90 = tpu.vector_load %arg4[%parallel_loop3A_88, %parallel_loop3A_89] {strides = array<i32>} : memref<32x768xf32, #tpu.memory_space<vmem>>, vector<16xf32>,
          %parallel_loop3A_91 = vector.broadcast %parallel_loop3A_86 : i32 to vector<16xi32>
          %parallel_loop3A_92 = arith.addi %shift_right_logical3A_5, %parallel_loop3A_91 : vector<16xi32>
          %parallel_loop3A_93 = arith.constant 0 : i32
          %parallel_loop3A_94 = vector.broadcast %parallel_loop3A_93 : i32 to vector<16xi32>
          %parallel_loop3A_95 = arith.addi %shift_left3A_9, %parallel_loop3A_94 : vector<16xi32>
          tpu.vector_store_idx %arg6[%parallel_loop3A_92, %parallel_loop3A_95], %parallel_loop3A_90 : memref<192x128xf32, #tpu.memory_space<vmem>>[vector<16xi32>, vector<16xi32>], vector<16xf32>,
          %parallel_loop3A_96 = arith.constant 1 : i32
          %parallel_loop3A_97 = arith.index_cast %parallel_loop3A_96 : i32 to index
          %parallel_loop3A_98 = arith.index_cast %parallel_loop3A_84 : i32 to index
          %parallel_loop3A_99 = tpu.vector_load %arg4[%parallel_loop3A_97, %parallel_loop3A_98] {strides = array<i32>} : memref<32x768xf32, #tpu.memory_space<vmem>>, vector<16xf32>,
          %parallel_loop3A_100 = vector.broadcast %parallel_loop3A_86 : i32 to vector<16xi32>
          %parallel_loop3A_101 = arith.addi %shift_right_logical3A_5, %parallel_loop3A_100 : vector<16xi32>
          %parallel_loop3A_102 = arith.constant 1 : i32
          %parallel_loop3A_103 = vector.broadcast %parallel_loop3A_102 : i32 to vector<16xi32>
          %parallel_loop3A_104 = arith.addi %shift_left3A_9, %parallel_loop3A_103 : vector<16xi32>
          tpu.vector_store_idx %arg6[%parallel_loop3A_101, %parallel_loop3A_104], %parallel_loop3A_99 : memref<192x128xf32, #tpu.memory_space<vmem>>[vector<16xi32>, vector<16xi32>], vector<16xf32>,
          %parallel_loop3A_105 = arith.constant 2 : i32
          %parallel_loop3A_106 = arith.index_cast %parallel_loop3A_105 : i32 to index
          %parallel_loop3A_107 = arith.index_cast %parallel_loop3A_84 : i32 to index
          %parallel_loop3A_108 = tpu.vector_load %arg4[%parallel_loop3A_106, %parallel_loop3A_107] {strides = array<i32>} : memref<32x768xf32, #tpu.memory_space<vmem>>, vector<16xf32>,
          %parallel_loop3A_109 = vector.broadcast %parallel_loop3A_86 : i32 to vector<16xi32>
          %parallel_loop3A_110 = arith.addi %shift_right_logical3A_5, %parallel_loop3A_109 : vector<16xi32>
          %parallel_loop3A_111 = arith.constant 2 : i32
          %parallel_loop3A_112 = vector.broadcast %parallel_loop3A_111 : i32 to vector<16xi32>
          %parallel_loop3A_113 = arith.addi %shift_left3A_9, %parallel_loop3A_112 : vector<16xi32>
          tpu.vector_store_idx %arg6[%parallel_loop3A_110, %parallel_loop3A_113], %parallel_loop3A_108 : memref<192x128xf32, #tpu.memory_space<vmem>>[vector<16xi32>, vector<16xi32>], vector<16xf32>,
          %parallel_loop3A_114 = arith.constant 3 : i32
          %parallel_loop3A_115 = arith.index_cast %parallel_loop3A_114 : i32 to index
          %parallel_loop3A_116 = arith.index_cast %parallel_loop3A_84 : i32 to index
          %parallel_loop3A_117 = tpu.vector_load %arg4[%parallel_loop3A_115, %parallel_loop3A_116] {strides = array<i32>} : memref<32x768xf32, #tpu.memory_space<vmem>>, vector<16xf32>,
          %parallel_loop3A_118 = vector.broadcast %parallel_loop3A_86 : i32 to vector<16xi32>
          %parallel_loop3A_119 = arith.addi %shift_right_logical3A_5, %parallel_loop3A_118 : vector<16xi32>
          %parallel_loop3A_120 = arith.constant 3 : i32
          %parallel_loop3A_121 = vector.broadcast %parallel_loop3A_120 : i32 to vector<16xi32>
          %parallel_loop3A_122 = arith.addi %shift_left3A_9, %parallel_loop3A_121 : vector<16xi32>
          tpu.vector_store_idx %arg6[%parallel_loop3A_119, %parallel_loop3A_122], %parallel_loop3A_117 : memref<192x128xf32, #tpu.memory_space<vmem>>[vector<16xi32>, vector<16xi32>], vector<16xf32>,
          %parallel_loop3A_123 = arith.constant 4 : i32
          %parallel_loop3A_124 = arith.index_cast %parallel_loop3A_123 : i32 to index
          %parallel_loop3A_125 = arith.index_cast %parallel_loop3A_84 : i32 to index
          %parallel_loop3A_126 = tpu.vector_load %arg4[%parallel_loop3A_124, %parallel_loop3A_125] {strides = array<i32>} : memref<32x768xf32, #tpu.memory_space<vmem>>, vector<16xf32>,
          %parallel_loop3A_127 = vector.broadcast %parallel_loop3A_86 : i32 to vector<16xi32>
          %parallel_loop3A_128 = arith.addi %shift_right_logical3A_5, %parallel_loop3A_127 : vector<16xi32>
          %parallel_loop3A_129 = arith.constant 4 : i32
          %parallel_loop3A_130 = vector.broadcast %parallel_loop3A_129 : i32 to vector<16xi32>
          %parallel_loop3A_131 = arith.addi %shift_left3A_9, %parallel_loop3A_130 : vector<16xi32>
          tpu.vector_store_idx %arg6[%parallel_loop3A_128, %parallel_loop3A_131], %parallel_loop3A_126 : memref<192x128xf32, #tpu.memory_space<vmem>>[vector<16xi32>, vector<16xi32>], vector<16xf32>,
          %parallel_loop3A_132 = arith.constant 5 : i32
          %parallel_loop3A_133 = arith.index_cast %parallel_loop3A_132 : i32 to index
          %parallel_loop3A_134 = arith.index_cast %parallel_loop3A_84 : i32 to index
          %parallel_loop3A_135 = tpu.vector_load %arg4[%parallel_loop3A_133, %parallel_loop3A_134] {strides = array<i32>} : memref<32x768xf32, #tpu.memory_space<vmem>>, vector<16xf32>,
          %parallel_loop3A_136 = vector.broadcast %parallel_loop3A_86 : i32 to vector<16xi32>
          %parallel_loop3A_137 = arith.addi %shift_right_logical3A_5, %parallel_loop3A_136 : vector<16xi32>
          %parallel_loop3A_138 = arith.constant 5 : i32
          %parallel_loop3A_139 = vector.broadcast %parallel_loop3A_138 : i32 to vector<16xi32>
          %parallel_loop3A_140 = arith.addi %shift_left3A_9, %parallel_loop3A_139 : vector<16xi32>
          tpu.vector_store_idx %arg6[%parallel_loop3A_137, %parallel_loop3A_140], %parallel_loop3A_135 : memref<192x128xf32, #tpu.memory_space<vmem>>[vector<16xi32>, vector<16xi32>], vector<16xf32>,
          %parallel_loop3A_141 = arith.constant 6 : i32
          %parallel_loop3A_142 = arith.index_cast %parallel_loop3A_141 : i32 to index
          %parallel_loop3A_143 = arith.index_cast %parallel_loop3A_84 : i32 to index
          %parallel_loop3A_144 = tpu.vector_load %arg4[%parallel_loop3A_142, %parallel_loop3A_143] {strides = array<i32>} : memref<32x768xf32, #tpu.memory_space<vmem>>, vector<16xf32>,
          %parallel_loop3A_145 = vector.broadcast %parallel_loop3A_86 : i32 to vector<16xi32>
          %parallel_loop3A_146 = arith.addi %shift_right_logical3A_5, %parallel_loop3A_145 : vector<16xi32>
          %parallel_loop3A_147 = arith.constant 6 : i32
          %parallel_loop3A_148 = vector.broadcast %parallel_loop3A_147 : i32 to vector<16xi32>
          %parallel_loop3A_149 = arith.addi %shift_left3A_9, %parallel_loop3A_148 : vector<16xi32>
          tpu.vector_store_idx %arg6[%parallel_loop3A_146, %parallel_loop3A_149], %parallel_loop3A_144 : memref<192x128xf32, #tpu.memory_space<vmem>>[vector<16xi32>, vector<16xi32>], vector<16xf32>,
          %parallel_loop3A_150 = arith.constant 7 : i32
          %parallel_loop3A_151 = arith.index_cast %parallel_loop3A_150 : i32 to index
          %parallel_loop3A_152 = arith.index_cast %parallel_loop3A_84 : i32 to index
          %parallel_loop3A_153 = tpu.vector_load %arg4[%parallel_loop3A_151, %parallel_loop3A_152] {strides = array<i32>} : memref<32x768xf32, #tpu.memory_space<vmem>>, vector<16xf32>,
          %parallel_loop3A_154 = vector.broadcast %parallel_loop3A_86 : i32 to vector<16xi32>
          %parallel_loop3A_155 = arith.addi %shift_right_logical3A_5, %parallel_loop3A_154 : vector<16xi32>
          %parallel_loop3A_156 = arith.constant 7 : i32
          %parallel_loop3A_157 = vector.broadcast %parallel_loop3A_156 : i32 to vector<16xi32>
          %parallel_loop3A_158 = arith.addi %shift_left3A_9, %parallel_loop3A_157 : vector<16xi32>
          tpu.vector_store_idx %arg6[%parallel_loop3A_155, %parallel_loop3A_158], %parallel_loop3A_153 : memref<192x128xf32, #tpu.memory_space<vmem>>[vector<16xi32>, vector<16xi32>], vector<16xf32>,
          %parallel_loop3A_159 = arith.constant 8 : i32
          %parallel_loop3A_160 = arith.index_cast %parallel_loop3A_159 : i32 to index
          %parallel_loop3A_161 = arith.index_cast %parallel_loop3A_84 : i32 to index
          %parallel_loop3A_162 = tpu.vector_load %arg4[%parallel_loop3A_160, %parallel_loop3A_161] {strides = array<i32>} : memref<32x768xf32, #tpu.memory_space<vmem>>, vector<16xf32>,
          %parallel_loop3A_163 = vector.broadcast %parallel_loop3A_86 : i32 to vector<16xi32>
          %parallel_loop3A_164 = arith.addi %shift_right_logical3A_5, %parallel_loop3A_163 : vector<16xi32>
          %parallel_loop3A_165 = arith.constant 8 : i32
          %parallel_loop3A_166 = vector.broadcast %parallel_loop3A_165 : i32 to vector<16xi32>
          %parallel_loop3A_167 = arith.addi %shift_left3A_9, %parallel_loop3A_166 : vector<16xi32>
          tpu.vector_store_idx %arg6[%parallel_loop3A_164, %parallel_loop3A_167], %parallel_loop3A_162 : memref<192x128xf32, #tpu.memory_space<vmem>>[vector<16xi32>, vector<16xi32>], vector<16xf32>,
          %parallel_loop3A_168 = arith.constant 9 : i32
          %parallel_loop3A_169 = arith.index_cast %parallel_loop3A_168 : i32 to index
          %parallel_loop3A_170 = arith.index_cast %parallel_loop3A_84 : i32 to index
          %parallel_loop3A_171 = tpu.vector_load %arg4[%parallel_loop3A_169, %parallel_loop3A_170] {strides = array<i32>} : memref<32x768xf32, #tpu.memory_space<vmem>>, vector<16xf32>,
          %parallel_loop3A_172 = vector.broadcast %parallel_loop3A_86 : i32 to vector<16xi32>
          %parallel_loop3A_173 = arith.addi %shift_right_logical3A_5, %parallel_loop3A_172 : vector<16xi32>
          %parallel_loop3A_174 = arith.constant 9 : i32
          %parallel_loop3A_175 = vector.broadcast %parallel_loop3A_174 : i32 to vector<16xi32>
          %parallel_loop3A_176 = arith.addi %shift_left3A_9, %parallel_loop3A_175 : vector<16xi32>
          tpu.vector_store_idx %arg6[%parallel_loop3A_173, %parallel_loop3A_176], %parallel_loop3A_171 : memref<192x128xf32, #tpu.memory_space<vmem>>[vector<16xi32>, vector<16xi32>], vector<16xf32>,
          %parallel_loop3A_177 = arith.constant 10 : i32
          %parallel_loop3A_178 = arith.index_cast %parallel_loop3A_177 : i32 to index
          %parallel_loop3A_179 = arith.index_cast %parallel_loop3A_84 : i32 to index
          %parallel_loop3A_180 = tpu.vector_load %arg4[%parallel_loop3A_178, %parallel_loop3A_179] {strides = array<i32>} : memref<32x768xf32, #tpu.memory_space<vmem>>, vector<16xf32>,
          %parallel_loop3A_181 = vector.broadcast %parallel_loop3A_86 : i32 to vector<16xi32>
          %parallel_loop3A_182 = arith.addi %shift_right_logical3A_5, %parallel_loop3A_181 : vector<16xi32>
          %parallel_loop3A_183 = arith.constant 10 : i32
          %parallel_loop3A_184 = vector.broadcast %parallel_loop3A_183 : i32 to vector<16xi32>
          %parallel_loop3A_185 = arith.addi %shift_left3A_9, %parallel_loop3A_184 : vector<16xi32>
          tpu.vector_store_idx %arg6[%parallel_loop3A_182, %parallel_loop3A_185], %parallel_loop3A_180 : memref<192x128xf32, #tpu.memory_space<vmem>>[vector<16xi32>, vector<16xi32>], vector<16xf32>,
          %parallel_loop3A_186 = arith.constant 11 : i32
          %parallel_loop3A_187 = arith.index_cast %parallel_loop3A_186 : i32 to index
          %parallel_loop3A_188 = arith.index_cast %parallel_loop3A_84 : i32 to index
          %parallel_loop3A_189 = tpu.vector_load %arg4[%parallel_loop3A_187, %parallel_loop3A_188] {strides = array<i32>} : memref<32x768xf32, #tpu.memory_space<vmem>>, vector<16xf32>,
          %parallel_loop3A_190 = vector.broadcast %parallel_loop3A_86 : i32 to vector<16xi32>
          %parallel_loop3A_191 = arith.addi %shift_right_logical3A_5, %parallel_loop3A_190 : vector<16xi32>
          %parallel_loop3A_192 = arith.constant 11 : i32
          %parallel_loop3A_193 = vector.broadcast %parallel_loop3A_192 : i32 to vector<16xi32>
          %parallel_loop3A_194 = arith.addi %shift_left3A_9, %parallel_loop3A_193 : vector<16xi32>
          tpu.vector_store_idx %arg6[%parallel_loop3A_191, %parallel_loop3A_194], %parallel_loop3A_189 : memref<192x128xf32, #tpu.memory_space<vmem>>[vector<16xi32>, vector<16xi32>], vector<16xf32>,
          %parallel_loop3A_195 = arith.constant 12 : i32
          %parallel_loop3A_196 = arith.index_cast %parallel_loop3A_195 : i32 to index
          %parallel_loop3A_197 = arith.index_cast %parallel_loop3A_84 : i32 to index
          %parallel_loop3A_198 = tpu.vector_load %arg4[%parallel_loop3A_196, %parallel_loop3A_197] {strides = array<i32>} : memref<32x768xf32, #tpu.memory_space<vmem>>, vector<16xf32>,
          %parallel_loop3A_199 = vector.broadcast %parallel_loop3A_86 : i32 to vector<16xi32>
          %parallel_loop3A_200 = arith.addi %shift_right_logical3A_5, %parallel_loop3A_199 : vector<16xi32>
          %parallel_loop3A_201 = arith.constant 12 : i32
          %parallel_loop3A_202 = vector.broadcast %parallel_loop3A_201 : i32 to vector<16xi32>
          %parallel_loop3A_203 = arith.addi %shift_left3A_9, %parallel_loop3A_202 : vector<16xi32>
          tpu.vector_store_idx %arg6[%parallel_loop3A_200, %parallel_loop3A_203], %parallel_loop3A_198 : memref<192x128xf32, #tpu.memory_space<vmem>>[vector<16xi32>, vector<16xi32>], vector<16xf32>,
          %parallel_loop3A_204 = arith.constant 13 : i32
          %parallel_loop3A_205 = arith.index_cast %parallel_loop3A_204 : i32 to index
          %parallel_loop3A_206 = arith.index_cast %parallel_loop3A_84 : i32 to index
          %parallel_loop3A_207 = tpu.vector_load %arg4[%parallel_loop3A_205, %parallel_loop3A_206] {strides = array<i32>} : memref<32x768xf32, #tpu.memory_space<vmem>>, vector<16xf32>,
          %parallel_loop3A_208 = vector.broadcast %parallel_loop3A_86 : i32 to vector<16xi32>
          %parallel_loop3A_209 = arith.addi %shift_right_logical3A_5, %parallel_loop3A_208 : vector<16xi32>
          %parallel_loop3A_210 = arith.constant 13 : i32
          %parallel_loop3A_211 = vector.broadcast %parallel_loop3A_210 : i32 to vector<16xi32>
          %parallel_loop3A_212 = arith.addi %shift_left3A_9, %parallel_loop3A_211 : vector<16xi32>
          tpu.vector_store_idx %arg6[%parallel_loop3A_209, %parallel_loop3A_212], %parallel_loop3A_207 : memref<192x128xf32, #tpu.memory_space<vmem>>[vector<16xi32>, vector<16xi32>], vector<16xf32>,
          %parallel_loop3A_213 = arith.constant 14 : i32
          %parallel_loop3A_214 = arith.index_cast %parallel_loop3A_213 : i32 to index
          %parallel_loop3A_215 = arith.index_cast %parallel_loop3A_84 : i32 to index
          %parallel_loop3A_216 = tpu.vector_load %arg4[%parallel_loop3A_214, %parallel_loop3A_215] {strides = array<i32>} : memref<32x768xf32, #tpu.memory_space<vmem>>, vector<16xf32>,
          %parallel_loop3A_217 = vector.broadcast %parallel_loop3A_86 : i32 to vector<16xi32>
          %parallel_loop3A_218 = arith.addi %shift_right_logical3A_5, %parallel_loop3A_217 : vector<16xi32>
          %parallel_loop3A_219 = arith.constant 14 : i32
          %parallel_loop3A_220 = vector.broadcast %parallel_loop3A_219 : i32 to vector<16xi32>
          %parallel_loop3A_221 = arith.addi %shift_left3A_9, %parallel_loop3A_220 : vector<16xi32>
          tpu.vector_store_idx %arg6[%parallel_loop3A_218, %parallel_loop3A_221], %parallel_loop3A_216 : memref<192x128xf32, #tpu.memory_space<vmem>>[vector<16xi32>, vector<16xi32>], vector<16xf32>,
          %parallel_loop3A_222 = arith.constant 15 : i32
          %parallel_loop3A_223 = arith.index_cast %parallel_loop3A_222 : i32 to index
          %parallel_loop3A_224 = arith.index_cast %parallel_loop3A_84 : i32 to index
          %parallel_loop3A_225 = tpu.vector_load %arg4[%parallel_loop3A_223, %parallel_loop3A_224] {strides = array<i32>} : memref<32x768xf32, #tpu.memory_space<vmem>>, vector<16xf32>,
          %parallel_loop3A_226 = vector.broadcast %parallel_loop3A_86 : i32 to vector<16xi32>
          %parallel_loop3A_227 = arith.addi %shift_right_logical3A_5, %parallel_loop3A_226 : vector<16xi32>
          %parallel_loop3A_228 = arith.constant 15 : i32
          %parallel_loop3A_229 = vector.broadcast %parallel_loop3A_228 : i32 to vector<16xi32>
          %parallel_loop3A_230 = arith.addi %shift_left3A_9, %parallel_loop3A_229 : vector<16xi32>
          tpu.vector_store_idx %arg6[%parallel_loop3A_227, %parallel_loop3A_230], %parallel_loop3A_225 : memref<192x128xf32, #tpu.memory_space<vmem>>[vector<16xi32>, vector<16xi32>], vector<16xf32>,
          %parallel_loop3A_231 = arith.constant 16 : i32
          %parallel_loop3A_232 = arith.index_cast %parallel_loop3A_231 : i32 to index
          %parallel_loop3A_233 = arith.index_cast %parallel_loop3A_84 : i32 to index
          %parallel_loop3A_234 = tpu.vector_load %arg4[%parallel_loop3A_232, %parallel_loop3A_233] {strides = array<i32>} : memref<32x768xf32, #tpu.memory_space<vmem>>, vector<16xf32>,
          %parallel_loop3A_235 = vector.broadcast %parallel_loop3A_86 : i32 to vector<16xi32>
          %parallel_loop3A_236 = arith.addi %shift_right_logical3A_5, %parallel_loop3A_235 : vector<16xi32>
          %parallel_loop3A_237 = arith.constant 16 : i32
          %parallel_loop3A_238 = vector.broadcast %parallel_loop3A_237 : i32 to vector<16xi32>
          %parallel_loop3A_239 = arith.addi %shift_left3A_9, %parallel_loop3A_238 : vector<16xi32>
          tpu.vector_store_idx %arg6[%parallel_loop3A_236, %parallel_loop3A_239], %parallel_loop3A_234 : memref<192x128xf32, #tpu.memory_space<vmem>>[vector<16xi32>, vector<16xi32>], vector<16xf32>,
          %parallel_loop3A_240 = arith.constant 17 : i32
          %parallel_loop3A_241 = arith.index_cast %parallel_loop3A_240 : i32 to index
          %parallel_loop3A_242 = arith.index_cast %parallel_loop3A_84 : i32 to index
          %parallel_loop3A_243 = tpu.vector_load %arg4[%parallel_loop3A_241, %parallel_loop3A_242] {strides = array<i32>} : memref<32x768xf32, #tpu.memory_space<vmem>>, vector<16xf32>,
          %parallel_loop3A_244 = vector.broadcast %parallel_loop3A_86 : i32 to vector<16xi32>
          %parallel_loop3A_245 = arith.addi %shift_right_logical3A_5, %parallel_loop3A_244 : vector<16xi32>
          %parallel_loop3A_246 = arith.constant 17 : i32
          %parallel_loop3A_247 = vector.broadcast %parallel_loop3A_246 : i32 to vector<16xi32>
          %parallel_loop3A_248 = arith.addi %shift_left3A_9, %parallel_loop3A_247 : vector<16xi32>
          tpu.vector_store_idx %arg6[%parallel_loop3A_245, %parallel_loop3A_248], %parallel_loop3A_243 : memref<192x128xf32, #tpu.memory_space<vmem>>[vector<16xi32>, vector<16xi32>], vector<16xf32>,
          %parallel_loop3A_249 = arith.constant 18 : i32
          %parallel_loop3A_250 = arith.index_cast %parallel_loop3A_249 : i32 to index
          %parallel_loop3A_251 = arith.index_cast %parallel_loop3A_84 : i32 to index
          %parallel_loop3A_252 = tpu.vector_load %arg4[%parallel_loop3A_250, %parallel_loop3A_251] {strides = array<i32>} : memref<32x768xf32, #tpu.memory_space<vmem>>, vector<16xf32>,
          %parallel_loop3A_253 = vector.broadcast %parallel_loop3A_86 : i32 to vector<16xi32>
          %parallel_loop3A_254 = arith.addi %shift_right_logical3A_5, %parallel_loop3A_253 : vector<16xi32>
          %parallel_loop3A_255 = arith.constant 18 : i32
          %parallel_loop3A_256 = vector.broadcast %parallel_loop3A_255 : i32 to vector<16xi32>
          %parallel_loop3A_257 = arith.addi %shift_left3A_9, %parallel_loop3A_256 : vector<16xi32>
          tpu.vector_store_idx %arg6[%parallel_loop3A_254, %parallel_loop3A_257], %parallel_loop3A_252 : memref<192x128xf32, #tpu.memory_space<vmem>>[vector<16xi32>, vector<16xi32>], vector<16xf32>,
          %parallel_loop3A_258 = arith.constant 19 : i32
          %parallel_loop3A_259 = arith.index_cast %parallel_loop3A_258 : i32 to index
          %parallel_loop3A_260 = arith.index_cast %parallel_loop3A_84 : i32 to index
          %parallel_loop3A_261 = tpu.vector_load %arg4[%parallel_loop3A_259, %parallel_loop3A_260] {strides = array<i32>} : memref<32x768xf32, #tpu.memory_space<vmem>>, vector<16xf32>,
          %parallel_loop3A_262 = vector.broadcast %parallel_loop3A_86 : i32 to vector<16xi32>
          %parallel_loop3A_263 = arith.addi %shift_right_logical3A_5, %parallel_loop3A_262 : vector<16xi32>
          %parallel_loop3A_264 = arith.constant 19 : i32
          %parallel_loop3A_265 = vector.broadcast %parallel_loop3A_264 : i32 to vector<16xi32>
          %parallel_loop3A_266 = arith.addi %shift_left3A_9, %parallel_loop3A_265 : vector<16xi32>
          tpu.vector_store_idx %arg6[%parallel_loop3A_263, %parallel_loop3A_266], %parallel_loop3A_261 : memref<192x128xf32, #tpu.memory_space<vmem>>[vector<16xi32>, vector<16xi32>], vector<16xf32>,
          %parallel_loop3A_267 = arith.constant 20 : i32
          %parallel_loop3A_268 = arith.index_cast %parallel_loop3A_267 : i32 to index
          %parallel_loop3A_269 = arith.index_cast %parallel_loop3A_84 : i32 to index
          %parallel_loop3A_270 = tpu.vector_load %arg4[%parallel_loop3A_268, %parallel_loop3A_269] {strides = array<i32>} : memref<32x768xf32, #tpu.memory_space<vmem>>, vector<16xf32>,
          %parallel_loop3A_271 = vector.broadcast %parallel_loop3A_86 : i32 to vector<16xi32>
          %parallel_loop3A_272 = arith.addi %shift_right_logical3A_5, %parallel_loop3A_271 : vector<16xi32>
          %parallel_loop3A_273 = arith.constant 20 : i32
          %parallel_loop3A_274 = vector.broadcast %parallel_loop3A_273 : i32 to vector<16xi32>
          %parallel_loop3A_275 = arith.addi %shift_left3A_9, %parallel_loop3A_274 : vector<16xi32>
          tpu.vector_store_idx %arg6[%parallel_loop3A_272, %parallel_loop3A_275], %parallel_loop3A_270 : memref<192x128xf32, #tpu.memory_space<vmem>>[vector<16xi32>, vector<16xi32>], vector<16xf32>,
          %parallel_loop3A_276 = arith.constant 21 : i32
          %parallel_loop3A_277 = arith.index_cast %parallel_loop3A_276 : i32 to index
          %parallel_loop3A_278 = arith.index_cast %parallel_loop3A_84 : i32 to index
          %parallel_loop3A_279 = tpu.vector_load %arg4[%parallel_loop3A_277, %parallel_loop3A_278] {strides = array<i32>} : memref<32x768xf32, #tpu.memory_space<vmem>>, vector<16xf32>,
          %parallel_loop3A_280 = vector.broadcast %parallel_loop3A_86 : i32 to vector<16xi32>
          %parallel_loop3A_281 = arith.addi %shift_right_logical3A_5, %parallel_loop3A_280 : vector<16xi32>
          %parallel_loop3A_282 = arith.constant 21 : i32
          %parallel_loop3A_283 = vector.broadcast %parallel_loop3A_282 : i32 to vector<16xi32>
          %parallel_loop3A_284 = arith.addi %shift_left3A_9, %parallel_loop3A_283 : vector<16xi32>
          tpu.vector_store_idx %arg6[%parallel_loop3A_281, %parallel_loop3A_284], %parallel_loop3A_279 : memref<192x128xf32, #tpu.memory_space<vmem>>[vector<16xi32>, vector<16xi32>], vector<16xf32>,
          %parallel_loop3A_285 = arith.constant 22 : i32
          %parallel_loop3A_286 = arith.index_cast %parallel_loop3A_285 : i32 to index
          %parallel_loop3A_287 = arith.index_cast %parallel_loop3A_84 : i32 to index
          %parallel_loop3A_288 = tpu.vector_load %arg4[%parallel_loop3A_286, %parallel_loop3A_287] {strides = array<i32>} : memref<32x768xf32, #tpu.memory_space<vmem>>, vector<16xf32>,
          %parallel_loop3A_289 = vector.broadcast %parallel_loop3A_86 : i32 to vector<16xi32>
          %parallel_loop3A_290 = arith.addi %shift_right_logical3A_5, %parallel_loop3A_289 : vector<16xi32>
          %parallel_loop3A_291 = arith.constant 22 : i32
          %parallel_loop3A_292 = vector.broadcast %parallel_loop3A_291 : i32 to vector<16xi32>
          %parallel_loop3A_293 = arith.addi %shift_left3A_9, %parallel_loop3A_292 : vector<16xi32>
          tpu.vector_store_idx %arg6[%parallel_loop3A_290, %parallel_loop3A_293], %parallel_loop3A_288 : memref<192x128xf32, #tpu.memory_space<vmem>>[vector<16xi32>, vector<16xi32>], vector<16xf32>,
          %parallel_loop3A_294 = arith.constant 23 : i32
          %parallel_loop3A_295 = arith.index_cast %parallel_loop3A_294 : i32 to index
          %parallel_loop3A_296 = arith.index_cast %parallel_loop3A_84 : i32 to index
          %parallel_loop3A_297 = tpu.vector_load %arg4[%parallel_loop3A_295, %parallel_loop3A_296] {strides = array<i32>} : memref<32x768xf32, #tpu.memory_space<vmem>>, vector<16xf32>,
          %parallel_loop3A_298 = vector.broadcast %parallel_loop3A_86 : i32 to vector<16xi32>
          %parallel_loop3A_299 = arith.addi %shift_right_logical3A_5, %parallel_loop3A_298 : vector<16xi32>
          %parallel_loop3A_300 = arith.constant 23 : i32
          %parallel_loop3A_301 = vector.broadcast %parallel_loop3A_300 : i32 to vector<16xi32>
          %parallel_loop3A_302 = arith.addi %shift_left3A_9, %parallel_loop3A_301 : vector<16xi32>
          tpu.vector_store_idx %arg6[%parallel_loop3A_299, %parallel_loop3A_302], %parallel_loop3A_297 : memref<192x128xf32, #tpu.memory_space<vmem>>[vector<16xi32>, vector<16xi32>], vector<16xf32>,
          %parallel_loop3A_303 = arith.constant 24 : i32
          %parallel_loop3A_304 = arith.index_cast %parallel_loop3A_303 : i32 to index
          %parallel_loop3A_305 = arith.index_cast %parallel_loop3A_84 : i32 to index
          %parallel_loop3A_306 = tpu.vector_load %arg4[%parallel_loop3A_304, %parallel_loop3A_305] {strides = array<i32>} : memref<32x768xf32, #tpu.memory_space<vmem>>, vector<16xf32>,
          %parallel_loop3A_307 = vector.broadcast %parallel_loop3A_86 : i32 to vector<16xi32>
          %parallel_loop3A_308 = arith.addi %shift_right_logical3A_5, %parallel_loop3A_307 : vector<16xi32>
          %parallel_loop3A_309 = arith.constant 24 : i32
          %parallel_loop3A_310 = vector.broadcast %parallel_loop3A_309 : i32 to vector<16xi32>
          %parallel_loop3A_311 = arith.addi %shift_left3A_9, %parallel_loop3A_310 : vector<16xi32>
          tpu.vector_store_idx %arg6[%parallel_loop3A_308, %parallel_loop3A_311], %parallel_loop3A_306 : memref<192x128xf32, #tpu.memory_space<vmem>>[vector<16xi32>, vector<16xi32>], vector<16xf32>,
          %parallel_loop3A_312 = arith.constant 25 : i32
          %parallel_loop3A_313 = arith.index_cast %parallel_loop3A_312 : i32 to index
          %parallel_loop3A_314 = arith.index_cast %parallel_loop3A_84 : i32 to index
          %parallel_loop3A_315 = tpu.vector_load %arg4[%parallel_loop3A_313, %parallel_loop3A_314] {strides = array<i32>} : memref<32x768xf32, #tpu.memory_space<vmem>>, vector<16xf32>,
          %parallel_loop3A_316 = vector.broadcast %parallel_loop3A_86 : i32 to vector<16xi32>
          %parallel_loop3A_317 = arith.addi %shift_right_logical3A_5, %parallel_loop3A_316 : vector<16xi32>
          %parallel_loop3A_318 = arith.constant 25 : i32
          %parallel_loop3A_319 = vector.broadcast %parallel_loop3A_318 : i32 to vector<16xi32>
          %parallel_loop3A_320 = arith.addi %shift_left3A_9, %parallel_loop3A_319 : vector<16xi32>
          tpu.vector_store_idx %arg6[%parallel_loop3A_317, %parallel_loop3A_320], %parallel_loop3A_315 : memref<192x128xf32, #tpu.memory_space<vmem>>[vector<16xi32>, vector<16xi32>], vector<16xf32>,
          %parallel_loop3A_321 = arith.constant 26 : i32
          %parallel_loop3A_322 = arith.index_cast %parallel_loop3A_321 : i32 to index
          %parallel_loop3A_323 = arith.index_cast %parallel_loop3A_84 : i32 to index
          %parallel_loop3A_324 = tpu.vector_load %arg4[%parallel_loop3A_322, %parallel_loop3A_323] {strides = array<i32>} : memref<32x768xf32, #tpu.memory_space<vmem>>, vector<16xf32>,
          %parallel_loop3A_325 = vector.broadcast %parallel_loop3A_86 : i32 to vector<16xi32>
          %parallel_loop3A_326 = arith.addi %shift_right_logical3A_5, %parallel_loop3A_325 : vector<16xi32>
          %parallel_loop3A_327 = arith.constant 26 : i32
          %parallel_loop3A_328 = vector.broadcast %parallel_loop3A_327 : i32 to vector<16xi32>
          %parallel_loop3A_329 = arith.addi %shift_left3A_9, %parallel_loop3A_328 : vector<16xi32>
          tpu.vector_store_idx %arg6[%parallel_loop3A_326, %parallel_loop3A_329], %parallel_loop3A_324 : memref<192x128xf32, #tpu.memory_space<vmem>>[vector<16xi32>, vector<16xi32>], vector<16xf32>,
          %parallel_loop3A_330 = arith.constant 27 : i32
          %parallel_loop3A_331 = arith.index_cast %parallel_loop3A_330 : i32 to index
          %parallel_loop3A_332 = arith.index_cast %parallel_loop3A_84 : i32 to index
          %parallel_loop3A_333 = tpu.vector_load %arg4[%parallel_loop3A_331, %parallel_loop3A_332] {strides = array<i32>} : memref<32x768xf32, #tpu.memory_space<vmem>>, vector<16xf32>,
          %parallel_loop3A_334 = vector.broadcast %parallel_loop3A_86 : i32 to vector<16xi32>
          %parallel_loop3A_335 = arith.addi %shift_right_logical3A_5, %parallel_loop3A_334 : vector<16xi32>
          %parallel_loop3A_336 = arith.constant 27 : i32
          %parallel_loop3A_337 = vector.broadcast %parallel_loop3A_336 : i32 to vector<16xi32>
          %parallel_loop3A_338 = arith.addi %shift_left3A_9, %parallel_loop3A_337 : vector<16xi32>
          tpu.vector_store_idx %arg6[%parallel_loop3A_335, %parallel_loop3A_338], %parallel_loop3A_333 : memref<192x128xf32, #tpu.memory_space<vmem>>[vector<16xi32>, vector<16xi32>], vector<16xf32>,
          %parallel_loop3A_339 = arith.constant 28 : i32
          %parallel_loop3A_340 = arith.index_cast %parallel_loop3A_339 : i32 to index
          %parallel_loop3A_341 = arith.index_cast %parallel_loop3A_84 : i32 to index
          %parallel_loop3A_342 = tpu.vector_load %arg4[%parallel_loop3A_340, %parallel_loop3A_341] {strides = array<i32>} : memref<32x768xf32, #tpu.memory_space<vmem>>, vector<16xf32>,
          %parallel_loop3A_343 = vector.broadcast %parallel_loop3A_86 : i32 to vector<16xi32>
          %parallel_loop3A_344 = arith.addi %shift_right_logical3A_5, %parallel_loop3A_343 : vector<16xi32>
          %parallel_loop3A_345 = arith.constant 28 : i32
          %parallel_loop3A_346 = vector.broadcast %parallel_loop3A_345 : i32 to vector<16xi32>
          %parallel_loop3A_347 = arith.addi %shift_left3A_9, %parallel_loop3A_346 : vector<16xi32>
          tpu.vector_store_idx %arg6[%parallel_loop3A_344, %parallel_loop3A_347], %parallel_loop3A_342 : memref<192x128xf32, #tpu.memory_space<vmem>>[vector<16xi32>, vector<16xi32>], vector<16xf32>,
          %parallel_loop3A_348 = arith.constant 29 : i32
          %parallel_loop3A_349 = arith.index_cast %parallel_loop3A_348 : i32 to index
          %parallel_loop3A_350 = arith.index_cast %parallel_loop3A_84 : i32 to index
          %parallel_loop3A_351 = tpu.vector_load %arg4[%parallel_loop3A_349, %parallel_loop3A_350] {strides = array<i32>} : memref<32x768xf32, #tpu.memory_space<vmem>>, vector<16xf32>,
          %parallel_loop3A_352 = vector.broadcast %parallel_loop3A_86 : i32 to vector<16xi32>
          %parallel_loop3A_353 = arith.addi %shift_right_logical3A_5, %parallel_loop3A_352 : vector<16xi32>
          %parallel_loop3A_354 = arith.constant 29 : i32
          %parallel_loop3A_355 = vector.broadcast %parallel_loop3A_354 : i32 to vector<16xi32>
          %parallel_loop3A_356 = arith.addi %shift_left3A_9, %parallel_loop3A_355 : vector<16xi32>
          tpu.vector_store_idx %arg6[%parallel_loop3A_353, %parallel_loop3A_356], %parallel_loop3A_351 : memref<192x128xf32, #tpu.memory_space<vmem>>[vector<16xi32>, vector<16xi32>], vector<16xf32>,
          %parallel_loop3A_357 = arith.constant 30 : i32
          %parallel_loop3A_358 = arith.index_cast %parallel_loop3A_357 : i32 to index
          %parallel_loop3A_359 = arith.index_cast %parallel_loop3A_84 : i32 to index
          %parallel_loop3A_360 = tpu.vector_load %arg4[%parallel_loop3A_358, %parallel_loop3A_359] {strides = array<i32>} : memref<32x768xf32, #tpu.memory_space<vmem>>, vector<16xf32>,
          %parallel_loop3A_361 = vector.broadcast %parallel_loop3A_86 : i32 to vector<16xi32>
          %parallel_loop3A_362 = arith.addi %shift_right_logical3A_5, %parallel_loop3A_361 : vector<16xi32>
          %parallel_loop3A_363 = arith.constant 30 : i32
          %parallel_loop3A_364 = vector.broadcast %parallel_loop3A_363 : i32 to vector<16xi32>
          %parallel_loop3A_365 = arith.addi %shift_left3A_9, %parallel_loop3A_364 : vector<16xi32>
          tpu.vector_store_idx %arg6[%parallel_loop3A_362, %parallel_loop3A_365], %parallel_loop3A_360 : memref<192x128xf32, #tpu.memory_space<vmem>>[vector<16xi32>, vector<16xi32>], vector<16xf32>,
          %parallel_loop3A_366 = arith.constant 31 : i32
          %parallel_loop3A_367 = arith.index_cast %parallel_loop3A_366 : i32 to index
          %parallel_loop3A_368 = arith.index_cast %parallel_loop3A_84 : i32 to index
          %parallel_loop3A_369 = tpu.vector_load %arg4[%parallel_loop3A_367, %parallel_loop3A_368] {strides = array<i32>} : memref<32x768xf32, #tpu.memory_space<vmem>>, vector<16xf32>,
          %parallel_loop3A_370 = vector.broadcast %parallel_loop3A_86 : i32 to vector<16xi32>
          %parallel_loop3A_371 = arith.addi %shift_right_logical3A_5, %parallel_loop3A_370 : vector<16xi32>
          %parallel_loop3A_372 = arith.constant 31 : i32
          %parallel_loop3A_373 = vector.broadcast %parallel_loop3A_372 : i32 to vector<16xi32>
          %parallel_loop3A_374 = arith.addi %shift_left3A_9, %parallel_loop3A_373 : vector<16xi32>
          tpu.vector_store_idx %arg6[%parallel_loop3A_371, %parallel_loop3A_374], %parallel_loop3A_369 : memref<192x128xf32, #tpu.memory_space<vmem>>[vector<16xi32>, vector<16xi32>], vector<16xf32>,
        } {sc.loop_unroll_factor = 2 : i64, sc.parallel_access}
        %mul3A_76 = arith.constant 192 : i32
        %mul3A_77 = arith.muli %add3A_57, %mul3A_76 : i32
        %dma_start3A_78 = arith.constant 0 : i32
        %dma_start3A_79 = tpu.memref_slice %arg3[%mul3A_77, %dma_start3A_78] : memref<250000x128xf32, #tpu.memory_space<hbm>> -> memref<192x128xf32, #tpu.memory_space<hbm>>
        %dma_start3A_80 = arith.constant 0 : i32
        %dma_start3A_81 = tpu.memref_slice %arg3[%mul3A_77, %dma_start3A_80] : memref<250000x128xf32, #tpu.memory_space<hbm>> -> memref<192x128xf32, #tpu.memory_space<hbm>>
        tpu.enqueue_dma source(%arg6 : memref<192x128xf32, #tpu.memory_space<vmem>>) target(%dma_start3A_81 : memref<192x128xf32, #tpu.memory_space<hbm>>) target_semaphore(%arg12 : memref<!tpu.dma_semaphore, #tpu.memory_space<semaphore_mem>>)
      } else {
      }
      %and3A_48 = arith.constant 1 : i32
      %and3A_49 = arith.andi %while3A_40, %and3A_48 : i32
      %eq3A_50 = arith.constant 1 : i32
      %eq3A_51 = arith.cmpi eq, %and3A_49, %eq3A_50 : i32
      %convert_element_type3A_52 = arith.extui %eq3A_51 : i1 to i32
      %cond3A_53 = arith.constant 0 : i32
      %cond3A_54 = arith.cmpi ne, %convert_element_type3A_52, %cond3A_53 : i32
      scf.if %cond3A_54 {
        %mul3A_55 = arith.constant 32 : i32
        %mul3A_56 = arith.muli %mul3A_55, %while3A_40 : i32
        %add3A_57 = arith.addi %add3A, %mul3A_56 : i32
        %add3A_58 = arith.constant 1 : i32
        %add3A_59 = arith.addi %while3A_40, %add3A_58 : i32
        %lt3A_60 = arith.cmpi slt, %add3A_59, %add3A_3 : i32
        %convert_element_type3A_61 = arith.extui %lt3A_60 : i1 to i32
        %cond3A_62 = arith.constant 0 : i32
        %cond3A_63 = arith.cmpi ne, %convert_element_type3A_61, %cond3A_62 : i32
        scf.if %cond3A_63 {
          %add3A_82 = arith.constant 1 : i32
          %add3A_83 = arith.addi %while3A_40, %add3A_82 : i32
          %mul3A_84 = arith.constant 32 : i32
          %mul3A_85 = arith.muli %mul3A_84, %add3A_83 : i32
          %add3A_86 = arith.addi %add3A, %mul3A_85 : i32
          %mul3A_87 = arith.constant 768 : i32
          %mul3A_88 = arith.muli %add3A_86, %mul3A_87 : i32
          %multiple_of3A_89 = tpu.assume_multiple %mul3A_88, 128 : i32
          %dma_start3A_90 = arith.constant 0 : i32
          %dma_start3A_91 = tpu.memref_slice %arg2[%dma_start3A_90, %multiple_of3A_89] : memref<32x1000000xf32, #tpu.memory_space<hbm>> -> memref<32x768xf32, #tpu.memory_space<hbm>>
          %dma_start3A_92 = arith.constant 0 : i32
          %dma_start3A_93 = tpu.memref_slice %arg2[%dma_start3A_92, %multiple_of3A_89] : memref<32x1000000xf32, #tpu.memory_space<hbm>> -> memref<32x768xf32, #tpu.memory_space<hbm>>
          tpu.enqueue_dma source(%dma_start3A_93 : memref<32x768xf32, #tpu.memory_space<hbm>>) target(%arg4 : memref<32x768xf32, #tpu.memory_space<vmem>>) target_semaphore(%arg10 : memref<!tpu.dma_semaphore, #tpu.memory_space<semaphore_mem>>)
        } else {
        }
        %dma_wait3A_64 = arith.constant 0 : i32
        %dma_wait3A_65 = arith.constant 0 : i32
        %dma_wait3A_66 = tpu.memref_slice %arg2[%dma_wait3A_64, %dma_wait3A_65] : memref<32x1000000xf32, #tpu.memory_space<hbm>> -> memref<32x768xf32, #tpu.memory_space<hbm>>
        %dma_wait3A_67 = arith.constant 0 : i32
        %dma_wait3A_68 = arith.constant 0 : i32
        %dma_wait3A_69 = tpu.memref_slice %arg2[%dma_wait3A_67, %dma_wait3A_68] : memref<32x1000000xf32, #tpu.memory_space<hbm>> -> memref<32x768xf32, #tpu.memory_space<hbm>>
        tpu.wait_dma2 semaphore(%arg11 : memref<!tpu.dma_semaphore, #tpu.memory_space<semaphore_mem>>) src(%dma_wait3A_69 : memref<32x768xf32, #tpu.memory_space<hbm>>) dst(%arg5 : memref<32x768xf32, #tpu.memory_space<vmem>>)
        %ge3A = arith.constant 2 : i32
        %ge3A_70 = arith.cmpi sge, %while3A_40, %ge3A : i32
        %convert_element_type3A_71 = arith.extui %ge3A_70 : i1 to i32
        %cond3A_72 = arith.constant 0 : i32
        %cond3A_73 = arith.cmpi ne, %convert_element_type3A_71, %cond3A_72 : i32
        scf.if %cond3A_73 {
          %dma_wait3A_82 = arith.constant 0 : i32
          %dma_wait3A_83 = arith.constant 0 : i32
          %dma_wait3A_84 = tpu.memref_slice %arg3[%dma_wait3A_82, %dma_wait3A_83] : memref<250000x128xf32, #tpu.memory_space<hbm>> -> memref<192x128xf32, #tpu.memory_space<hbm>>
          %dma_wait3A_85 = arith.constant 0 : i32
          %dma_wait3A_86 = arith.constant 0 : i32
          %dma_wait3A_87 = tpu.memref_slice %arg3[%dma_wait3A_85, %dma_wait3A_86] : memref<250000x128xf32, #tpu.memory_space<hbm>> -> memref<192x128xf32, #tpu.memory_space<hbm>>
          tpu.wait_dma2 semaphore(%arg13 : memref<!tpu.dma_semaphore, #tpu.memory_space<semaphore_mem>>) src(%arg7 : memref<192x128xf32, #tpu.memory_space<vmem>>) dst(%dma_wait3A_87 : memref<192x128xf32, #tpu.memory_space<hbm>>)
        } else {
        }
        %parallel_loop3A = arith.constant 0 : i32
        %parallel_loop3A_74 = arith.constant 48 : i32
        %parallel_loop3A_75 = arith.constant 1 : i32
        scf.for %parallel_loop3A_82 = %parallel_loop3A to %parallel_loop3A_74 step %parallel_loop3A_75  : i32 {
          %parallel_loop3A_83 = arith.constant 16 : i32
          %parallel_loop3A_84 = arith.muli %parallel_loop3A_82, %parallel_loop3A_83 : i32
          %parallel_loop3A_85 = arith.constant 4 : i32
          %parallel_loop3A_86 = arith.muli %parallel_loop3A_82, %parallel_loop3A_85 : i32
          %parallel_loop3A_87 = arith.constant 0 : i32
          %parallel_loop3A_88 = arith.index_cast %parallel_loop3A_87 : i32 to index
          %parallel_loop3A_89 = arith.index_cast %parallel_loop3A_84 : i32 to index
          %parallel_loop3A_90 = tpu.vector_load %arg5[%parallel_loop3A_88, %parallel_loop3A_89] {strides = array<i32>} : memref<32x768xf32, #tpu.memory_space<vmem>>, vector<16xf32>,
          %parallel_loop3A_91 = vector.broadcast %parallel_loop3A_86 : i32 to vector<16xi32>
          %parallel_loop3A_92 = arith.addi %shift_right_logical3A_5, %parallel_loop3A_91 : vector<16xi32>
          %parallel_loop3A_93 = arith.constant 0 : i32
          %parallel_loop3A_94 = vector.broadcast %parallel_loop3A_93 : i32 to vector<16xi32>
          %parallel_loop3A_95 = arith.addi %shift_left3A_9, %parallel_loop3A_94 : vector<16xi32>
          tpu.vector_store_idx %arg7[%parallel_loop3A_92, %parallel_loop3A_95], %parallel_loop3A_90 : memref<192x128xf32, #tpu.memory_space<vmem>>[vector<16xi32>, vector<16xi32>], vector<16xf32>,
          %parallel_loop3A_96 = arith.constant 1 : i32
          %parallel_loop3A_97 = arith.index_cast %parallel_loop3A_96 : i32 to index
          %parallel_loop3A_98 = arith.index_cast %parallel_loop3A_84 : i32 to index
          %parallel_loop3A_99 = tpu.vector_load %arg5[%parallel_loop3A_97, %parallel_loop3A_98] {strides = array<i32>} : memref<32x768xf32, #tpu.memory_space<vmem>>, vector<16xf32>,
          %parallel_loop3A_100 = vector.broadcast %parallel_loop3A_86 : i32 to vector<16xi32>
          %parallel_loop3A_101 = arith.addi %shift_right_logical3A_5, %parallel_loop3A_100 : vector<16xi32>
          %parallel_loop3A_102 = arith.constant 1 : i32
          %parallel_loop3A_103 = vector.broadcast %parallel_loop3A_102 : i32 to vector<16xi32>
          %parallel_loop3A_104 = arith.addi %shift_left3A_9, %parallel_loop3A_103 : vector<16xi32>
          tpu.vector_store_idx %arg7[%parallel_loop3A_101, %parallel_loop3A_104], %parallel_loop3A_99 : memref<192x128xf32, #tpu.memory_space<vmem>>[vector<16xi32>, vector<16xi32>], vector<16xf32>,
          %parallel_loop3A_105 = arith.constant 2 : i32
          %parallel_loop3A_106 = arith.index_cast %parallel_loop3A_105 : i32 to index
          %parallel_loop3A_107 = arith.index_cast %parallel_loop3A_84 : i32 to index
          %parallel_loop3A_108 = tpu.vector_load %arg5[%parallel_loop3A_106, %parallel_loop3A_107] {strides = array<i32>} : memref<32x768xf32, #tpu.memory_space<vmem>>, vector<16xf32>,
          %parallel_loop3A_109 = vector.broadcast %parallel_loop3A_86 : i32 to vector<16xi32>
          %parallel_loop3A_110 = arith.addi %shift_right_logical3A_5, %parallel_loop3A_109 : vector<16xi32>
          %parallel_loop3A_111 = arith.constant 2 : i32
          %parallel_loop3A_112 = vector.broadcast %parallel_loop3A_111 : i32 to vector<16xi32>
          %parallel_loop3A_113 = arith.addi %shift_left3A_9, %parallel_loop3A_112 : vector<16xi32>
          tpu.vector_store_idx %arg7[%parallel_loop3A_110, %parallel_loop3A_113], %parallel_loop3A_108 : memref<192x128xf32, #tpu.memory_space<vmem>>[vector<16xi32>, vector<16xi32>], vector<16xf32>,
          %parallel_loop3A_114 = arith.constant 3 : i32
          %parallel_loop3A_115 = arith.index_cast %parallel_loop3A_114 : i32 to index
          %parallel_loop3A_116 = arith.index_cast %parallel_loop3A_84 : i32 to index
          %parallel_loop3A_117 = tpu.vector_load %arg5[%parallel_loop3A_115, %parallel_loop3A_116] {strides = array<i32>} : memref<32x768xf32, #tpu.memory_space<vmem>>, vector<16xf32>,
          %parallel_loop3A_118 = vector.broadcast %parallel_loop3A_86 : i32 to vector<16xi32>
          %parallel_loop3A_119 = arith.addi %shift_right_logical3A_5, %parallel_loop3A_118 : vector<16xi32>
          %parallel_loop3A_120 = arith.constant 3 : i32
          %parallel_loop3A_121 = vector.broadcast %parallel_loop3A_120 : i32 to vector<16xi32>
          %parallel_loop3A_122 = arith.addi %shift_left3A_9, %parallel_loop3A_121 : vector<16xi32>
          tpu.vector_store_idx %arg7[%parallel_loop3A_119, %parallel_loop3A_122], %parallel_loop3A_117 : memref<192x128xf32, #tpu.memory_space<vmem>>[vector<16xi32>, vector<16xi32>], vector<16xf32>,
          %parallel_loop3A_123 = arith.constant 4 : i32
          %parallel_loop3A_124 = arith.index_cast %parallel_loop3A_123 : i32 to index
          %parallel_loop3A_125 = arith.index_cast %parallel_loop3A_84 : i32 to index
          %parallel_loop3A_126 = tpu.vector_load %arg5[%parallel_loop3A_124, %parallel_loop3A_125] {strides = array<i32>} : memref<32x768xf32, #tpu.memory_space<vmem>>, vector<16xf32>,
          %parallel_loop3A_127 = vector.broadcast %parallel_loop3A_86 : i32 to vector<16xi32>
          %parallel_loop3A_128 = arith.addi %shift_right_logical3A_5, %parallel_loop3A_127 : vector<16xi32>
          %parallel_loop3A_129 = arith.constant 4 : i32
          %parallel_loop3A_130 = vector.broadcast %parallel_loop3A_129 : i32 to vector<16xi32>
          %parallel_loop3A_131 = arith.addi %shift_left3A_9, %parallel_loop3A_130 : vector<16xi32>
          tpu.vector_store_idx %arg7[%parallel_loop3A_128, %parallel_loop3A_131], %parallel_loop3A_126 : memref<192x128xf32, #tpu.memory_space<vmem>>[vector<16xi32>, vector<16xi32>], vector<16xf32>,
          %parallel_loop3A_132 = arith.constant 5 : i32
          %parallel_loop3A_133 = arith.index_cast %parallel_loop3A_132 : i32 to index
          %parallel_loop3A_134 = arith.index_cast %parallel_loop3A_84 : i32 to index
          %parallel_loop3A_135 = tpu.vector_load %arg5[%parallel_loop3A_133, %parallel_loop3A_134] {strides = array<i32>} : memref<32x768xf32, #tpu.memory_space<vmem>>, vector<16xf32>,
          %parallel_loop3A_136 = vector.broadcast %parallel_loop3A_86 : i32 to vector<16xi32>
          %parallel_loop3A_137 = arith.addi %shift_right_logical3A_5, %parallel_loop3A_136 : vector<16xi32>
          %parallel_loop3A_138 = arith.constant 5 : i32
          %parallel_loop3A_139 = vector.broadcast %parallel_loop3A_138 : i32 to vector<16xi32>
          %parallel_loop3A_140 = arith.addi %shift_left3A_9, %parallel_loop3A_139 : vector<16xi32>
          tpu.vector_store_idx %arg7[%parallel_loop3A_137, %parallel_loop3A_140], %parallel_loop3A_135 : memref<192x128xf32, #tpu.memory_space<vmem>>[vector<16xi32>, vector<16xi32>], vector<16xf32>,
          %parallel_loop3A_141 = arith.constant 6 : i32
          %parallel_loop3A_142 = arith.index_cast %parallel_loop3A_141 : i32 to index
          %parallel_loop3A_143 = arith.index_cast %parallel_loop3A_84 : i32 to index
          %parallel_loop3A_144 = tpu.vector_load %arg5[%parallel_loop3A_142, %parallel_loop3A_143] {strides = array<i32>} : memref<32x768xf32, #tpu.memory_space<vmem>>, vector<16xf32>,
          %parallel_loop3A_145 = vector.broadcast %parallel_loop3A_86 : i32 to vector<16xi32>
          %parallel_loop3A_146 = arith.addi %shift_right_logical3A_5, %parallel_loop3A_145 : vector<16xi32>
          %parallel_loop3A_147 = arith.constant 6 : i32
          %parallel_loop3A_148 = vector.broadcast %parallel_loop3A_147 : i32 to vector<16xi32>
          %parallel_loop3A_149 = arith.addi %shift_left3A_9, %parallel_loop3A_148 : vector<16xi32>
          tpu.vector_store_idx %arg7[%parallel_loop3A_146, %parallel_loop3A_149], %parallel_loop3A_144 : memref<192x128xf32, #tpu.memory_space<vmem>>[vector<16xi32>, vector<16xi32>], vector<16xf32>,
          %parallel_loop3A_150 = arith.constant 7 : i32
          %parallel_loop3A_151 = arith.index_cast %parallel_loop3A_150 : i32 to index
          %parallel_loop3A_152 = arith.index_cast %parallel_loop3A_84 : i32 to index
          %parallel_loop3A_153 = tpu.vector_load %arg5[%parallel_loop3A_151, %parallel_loop3A_152] {strides = array<i32>} : memref<32x768xf32, #tpu.memory_space<vmem>>, vector<16xf32>,
          %parallel_loop3A_154 = vector.broadcast %parallel_loop3A_86 : i32 to vector<16xi32>
          %parallel_loop3A_155 = arith.addi %shift_right_logical3A_5, %parallel_loop3A_154 : vector<16xi32>
          %parallel_loop3A_156 = arith.constant 7 : i32
          %parallel_loop3A_157 = vector.broadcast %parallel_loop3A_156 : i32 to vector<16xi32>
          %parallel_loop3A_158 = arith.addi %shift_left3A_9, %parallel_loop3A_157 : vector<16xi32>
          tpu.vector_store_idx %arg7[%parallel_loop3A_155, %parallel_loop3A_158], %parallel_loop3A_153 : memref<192x128xf32, #tpu.memory_space<vmem>>[vector<16xi32>, vector<16xi32>], vector<16xf32>,
          %parallel_loop3A_159 = arith.constant 8 : i32
          %parallel_loop3A_160 = arith.index_cast %parallel_loop3A_159 : i32 to index
          %parallel_loop3A_161 = arith.index_cast %parallel_loop3A_84 : i32 to index
          %parallel_loop3A_162 = tpu.vector_load %arg5[%parallel_loop3A_160, %parallel_loop3A_161] {strides = array<i32>} : memref<32x768xf32, #tpu.memory_space<vmem>>, vector<16xf32>,
          %parallel_loop3A_163 = vector.broadcast %parallel_loop3A_86 : i32 to vector<16xi32>
          %parallel_loop3A_164 = arith.addi %shift_right_logical3A_5, %parallel_loop3A_163 : vector<16xi32>
          %parallel_loop3A_165 = arith.constant 8 : i32
          %parallel_loop3A_166 = vector.broadcast %parallel_loop3A_165 : i32 to vector<16xi32>
          %parallel_loop3A_167 = arith.addi %shift_left3A_9, %parallel_loop3A_166 : vector<16xi32>
          tpu.vector_store_idx %arg7[%parallel_loop3A_164, %parallel_loop3A_167], %parallel_loop3A_162 : memref<192x128xf32, #tpu.memory_space<vmem>>[vector<16xi32>, vector<16xi32>], vector<16xf32>,
          %parallel_loop3A_168 = arith.constant 9 : i32
          %parallel_loop3A_169 = arith.index_cast %parallel_loop3A_168 : i32 to index
          %parallel_loop3A_170 = arith.index_cast %parallel_loop3A_84 : i32 to index
          %parallel_loop3A_171 = tpu.vector_load %arg5[%parallel_loop3A_169, %parallel_loop3A_170] {strides = array<i32>} : memref<32x768xf32, #tpu.memory_space<vmem>>, vector<16xf32>,
          %parallel_loop3A_172 = vector.broadcast %parallel_loop3A_86 : i32 to vector<16xi32>
          %parallel_loop3A_173 = arith.addi %shift_right_logical3A_5, %parallel_loop3A_172 : vector<16xi32>
          %parallel_loop3A_174 = arith.constant 9 : i32
          %parallel_loop3A_175 = vector.broadcast %parallel_loop3A_174 : i32 to vector<16xi32>
          %parallel_loop3A_176 = arith.addi %shift_left3A_9, %parallel_loop3A_175 : vector<16xi32>
          tpu.vector_store_idx %arg7[%parallel_loop3A_173, %parallel_loop3A_176], %parallel_loop3A_171 : memref<192x128xf32, #tpu.memory_space<vmem>>[vector<16xi32>, vector<16xi32>], vector<16xf32>,
          %parallel_loop3A_177 = arith.constant 10 : i32
          %parallel_loop3A_178 = arith.index_cast %parallel_loop3A_177 : i32 to index
          %parallel_loop3A_179 = arith.index_cast %parallel_loop3A_84 : i32 to index
          %parallel_loop3A_180 = tpu.vector_load %arg5[%parallel_loop3A_178, %parallel_loop3A_179] {strides = array<i32>} : memref<32x768xf32, #tpu.memory_space<vmem>>, vector<16xf32>,
          %parallel_loop3A_181 = vector.broadcast %parallel_loop3A_86 : i32 to vector<16xi32>
          %parallel_loop3A_182 = arith.addi %shift_right_logical3A_5, %parallel_loop3A_181 : vector<16xi32>
          %parallel_loop3A_183 = arith.constant 10 : i32
          %parallel_loop3A_184 = vector.broadcast %parallel_loop3A_183 : i32 to vector<16xi32>
          %parallel_loop3A_185 = arith.addi %shift_left3A_9, %parallel_loop3A_184 : vector<16xi32>
          tpu.vector_store_idx %arg7[%parallel_loop3A_182, %parallel_loop3A_185], %parallel_loop3A_180 : memref<192x128xf32, #tpu.memory_space<vmem>>[vector<16xi32>, vector<16xi32>], vector<16xf32>,
          %parallel_loop3A_186 = arith.constant 11 : i32
          %parallel_loop3A_187 = arith.index_cast %parallel_loop3A_186 : i32 to index
          %parallel_loop3A_188 = arith.index_cast %parallel_loop3A_84 : i32 to index
          %parallel_loop3A_189 = tpu.vector_load %arg5[%parallel_loop3A_187, %parallel_loop3A_188] {strides = array<i32>} : memref<32x768xf32, #tpu.memory_space<vmem>>, vector<16xf32>,
          %parallel_loop3A_190 = vector.broadcast %parallel_loop3A_86 : i32 to vector<16xi32>
          %parallel_loop3A_191 = arith.addi %shift_right_logical3A_5, %parallel_loop3A_190 : vector<16xi32>
          %parallel_loop3A_192 = arith.constant 11 : i32
          %parallel_loop3A_193 = vector.broadcast %parallel_loop3A_192 : i32 to vector<16xi32>
          %parallel_loop3A_194 = arith.addi %shift_left3A_9, %parallel_loop3A_193 : vector<16xi32>
          tpu.vector_store_idx %arg7[%parallel_loop3A_191, %parallel_loop3A_194], %parallel_loop3A_189 : memref<192x128xf32, #tpu.memory_space<vmem>>[vector<16xi32>, vector<16xi32>], vector<16xf32>,
          %parallel_loop3A_195 = arith.constant 12 : i32
          %parallel_loop3A_196 = arith.index_cast %parallel_loop3A_195 : i32 to index
          %parallel_loop3A_197 = arith.index_cast %parallel_loop3A_84 : i32 to index
          %parallel_loop3A_198 = tpu.vector_load %arg5[%parallel_loop3A_196, %parallel_loop3A_197] {strides = array<i32>} : memref<32x768xf32, #tpu.memory_space<vmem>>, vector<16xf32>,
          %parallel_loop3A_199 = vector.broadcast %parallel_loop3A_86 : i32 to vector<16xi32>
          %parallel_loop3A_200 = arith.addi %shift_right_logical3A_5, %parallel_loop3A_199 : vector<16xi32>
          %parallel_loop3A_201 = arith.constant 12 : i32
          %parallel_loop3A_202 = vector.broadcast %parallel_loop3A_201 : i32 to vector<16xi32>
          %parallel_loop3A_203 = arith.addi %shift_left3A_9, %parallel_loop3A_202 : vector<16xi32>
          tpu.vector_store_idx %arg7[%parallel_loop3A_200, %parallel_loop3A_203], %parallel_loop3A_198 : memref<192x128xf32, #tpu.memory_space<vmem>>[vector<16xi32>, vector<16xi32>], vector<16xf32>,
          %parallel_loop3A_204 = arith.constant 13 : i32
          %parallel_loop3A_205 = arith.index_cast %parallel_loop3A_204 : i32 to index
          %parallel_loop3A_206 = arith.index_cast %parallel_loop3A_84 : i32 to index
          %parallel_loop3A_207 = tpu.vector_load %arg5[%parallel_loop3A_205, %parallel_loop3A_206] {strides = array<i32>} : memref<32x768xf32, #tpu.memory_space<vmem>>, vector<16xf32>,
          %parallel_loop3A_208 = vector.broadcast %parallel_loop3A_86 : i32 to vector<16xi32>
          %parallel_loop3A_209 = arith.addi %shift_right_logical3A_5, %parallel_loop3A_208 : vector<16xi32>
          %parallel_loop3A_210 = arith.constant 13 : i32
          %parallel_loop3A_211 = vector.broadcast %parallel_loop3A_210 : i32 to vector<16xi32>
          %parallel_loop3A_212 = arith.addi %shift_left3A_9, %parallel_loop3A_211 : vector<16xi32>
          tpu.vector_store_idx %arg7[%parallel_loop3A_209, %parallel_loop3A_212], %parallel_loop3A_207 : memref<192x128xf32, #tpu.memory_space<vmem>>[vector<16xi32>, vector<16xi32>], vector<16xf32>,
          %parallel_loop3A_213 = arith.constant 14 : i32
          %parallel_loop3A_214 = arith.index_cast %parallel_loop3A_213 : i32 to index
          %parallel_loop3A_215 = arith.index_cast %parallel_loop3A_84 : i32 to index
          %parallel_loop3A_216 = tpu.vector_load %arg5[%parallel_loop3A_214, %parallel_loop3A_215] {strides = array<i32>} : memref<32x768xf32, #tpu.memory_space<vmem>>, vector<16xf32>,
          %parallel_loop3A_217 = vector.broadcast %parallel_loop3A_86 : i32 to vector<16xi32>
          %parallel_loop3A_218 = arith.addi %shift_right_logical3A_5, %parallel_loop3A_217 : vector<16xi32>
          %parallel_loop3A_219 = arith.constant 14 : i32
          %parallel_loop3A_220 = vector.broadcast %parallel_loop3A_219 : i32 to vector<16xi32>
          %parallel_loop3A_221 = arith.addi %shift_left3A_9, %parallel_loop3A_220 : vector<16xi32>
          tpu.vector_store_idx %arg7[%parallel_loop3A_218, %parallel_loop3A_221], %parallel_loop3A_216 : memref<192x128xf32, #tpu.memory_space<vmem>>[vector<16xi32>, vector<16xi32>], vector<16xf32>,
          %parallel_loop3A_222 = arith.constant 15 : i32
          %parallel_loop3A_223 = arith.index_cast %parallel_loop3A_222 : i32 to index
          %parallel_loop3A_224 = arith.index_cast %parallel_loop3A_84 : i32 to index
          %parallel_loop3A_225 = tpu.vector_load %arg5[%parallel_loop3A_223, %parallel_loop3A_224] {strides = array<i32>} : memref<32x768xf32, #tpu.memory_space<vmem>>, vector<16xf32>,
          %parallel_loop3A_226 = vector.broadcast %parallel_loop3A_86 : i32 to vector<16xi32>
          %parallel_loop3A_227 = arith.addi %shift_right_logical3A_5, %parallel_loop3A_226 : vector<16xi32>
          %parallel_loop3A_228 = arith.constant 15 : i32
          %parallel_loop3A_229 = vector.broadcast %parallel_loop3A_228 : i32 to vector<16xi32>
          %parallel_loop3A_230 = arith.addi %shift_left3A_9, %parallel_loop3A_229 : vector<16xi32>
          tpu.vector_store_idx %arg7[%parallel_loop3A_227, %parallel_loop3A_230], %parallel_loop3A_225 : memref<192x128xf32, #tpu.memory_space<vmem>>[vector<16xi32>, vector<16xi32>], vector<16xf32>,
          %parallel_loop3A_231 = arith.constant 16 : i32
          %parallel_loop3A_232 = arith.index_cast %parallel_loop3A_231 : i32 to index
          %parallel_loop3A_233 = arith.index_cast %parallel_loop3A_84 : i32 to index
          %parallel_loop3A_234 = tpu.vector_load %arg5[%parallel_loop3A_232, %parallel_loop3A_233] {strides = array<i32>} : memref<32x768xf32, #tpu.memory_space<vmem>>, vector<16xf32>,
          %parallel_loop3A_235 = vector.broadcast %parallel_loop3A_86 : i32 to vector<16xi32>
          %parallel_loop3A_236 = arith.addi %shift_right_logical3A_5, %parallel_loop3A_235 : vector<16xi32>
          %parallel_loop3A_237 = arith.constant 16 : i32
          %parallel_loop3A_238 = vector.broadcast %parallel_loop3A_237 : i32 to vector<16xi32>
          %parallel_loop3A_239 = arith.addi %shift_left3A_9, %parallel_loop3A_238 : vector<16xi32>
          tpu.vector_store_idx %arg7[%parallel_loop3A_236, %parallel_loop3A_239], %parallel_loop3A_234 : memref<192x128xf32, #tpu.memory_space<vmem>>[vector<16xi32>, vector<16xi32>], vector<16xf32>,
          %parallel_loop3A_240 = arith.constant 17 : i32
          %parallel_loop3A_241 = arith.index_cast %parallel_loop3A_240 : i32 to index
          %parallel_loop3A_242 = arith.index_cast %parallel_loop3A_84 : i32 to index
          %parallel_loop3A_243 = tpu.vector_load %arg5[%parallel_loop3A_241, %parallel_loop3A_242] {strides = array<i32>} : memref<32x768xf32, #tpu.memory_space<vmem>>, vector<16xf32>,
          %parallel_loop3A_244 = vector.broadcast %parallel_loop3A_86 : i32 to vector<16xi32>
          %parallel_loop3A_245 = arith.addi %shift_right_logical3A_5, %parallel_loop3A_244 : vector<16xi32>
          %parallel_loop3A_246 = arith.constant 17 : i32
          %parallel_loop3A_247 = vector.broadcast %parallel_loop3A_246 : i32 to vector<16xi32>
          %parallel_loop3A_248 = arith.addi %shift_left3A_9, %parallel_loop3A_247 : vector<16xi32>
          tpu.vector_store_idx %arg7[%parallel_loop3A_245, %parallel_loop3A_248], %parallel_loop3A_243 : memref<192x128xf32, #tpu.memory_space<vmem>>[vector<16xi32>, vector<16xi32>], vector<16xf32>,
          %parallel_loop3A_249 = arith.constant 18 : i32
          %parallel_loop3A_250 = arith.index_cast %parallel_loop3A_249 : i32 to index
          %parallel_loop3A_251 = arith.index_cast %parallel_loop3A_84 : i32 to index
          %parallel_loop3A_252 = tpu.vector_load %arg5[%parallel_loop3A_250, %parallel_loop3A_251] {strides = array<i32>} : memref<32x768xf32, #tpu.memory_space<vmem>>, vector<16xf32>,
          %parallel_loop3A_253 = vector.broadcast %parallel_loop3A_86 : i32 to vector<16xi32>
          %parallel_loop3A_254 = arith.addi %shift_right_logical3A_5, %parallel_loop3A_253 : vector<16xi32>
          %parallel_loop3A_255 = arith.constant 18 : i32
          %parallel_loop3A_256 = vector.broadcast %parallel_loop3A_255 : i32 to vector<16xi32>
          %parallel_loop3A_257 = arith.addi %shift_left3A_9, %parallel_loop3A_256 : vector<16xi32>
          tpu.vector_store_idx %arg7[%parallel_loop3A_254, %parallel_loop3A_257], %parallel_loop3A_252 : memref<192x128xf32, #tpu.memory_space<vmem>>[vector<16xi32>, vector<16xi32>], vector<16xf32>,
          %parallel_loop3A_258 = arith.constant 19 : i32
          %parallel_loop3A_259 = arith.index_cast %parallel_loop3A_258 : i32 to index
          %parallel_loop3A_260 = arith.index_cast %parallel_loop3A_84 : i32 to index
          %parallel_loop3A_261 = tpu.vector_load %arg5[%parallel_loop3A_259, %parallel_loop3A_260] {strides = array<i32>} : memref<32x768xf32, #tpu.memory_space<vmem>>, vector<16xf32>,
          %parallel_loop3A_262 = vector.broadcast %parallel_loop3A_86 : i32 to vector<16xi32>
          %parallel_loop3A_263 = arith.addi %shift_right_logical3A_5, %parallel_loop3A_262 : vector<16xi32>
          %parallel_loop3A_264 = arith.constant 19 : i32
          %parallel_loop3A_265 = vector.broadcast %parallel_loop3A_264 : i32 to vector<16xi32>
          %parallel_loop3A_266 = arith.addi %shift_left3A_9, %parallel_loop3A_265 : vector<16xi32>
          tpu.vector_store_idx %arg7[%parallel_loop3A_263, %parallel_loop3A_266], %parallel_loop3A_261 : memref<192x128xf32, #tpu.memory_space<vmem>>[vector<16xi32>, vector<16xi32>], vector<16xf32>,
          %parallel_loop3A_267 = arith.constant 20 : i32
          %parallel_loop3A_268 = arith.index_cast %parallel_loop3A_267 : i32 to index
          %parallel_loop3A_269 = arith.index_cast %parallel_loop3A_84 : i32 to index
          %parallel_loop3A_270 = tpu.vector_load %arg5[%parallel_loop3A_268, %parallel_loop3A_269] {strides = array<i32>} : memref<32x768xf32, #tpu.memory_space<vmem>>, vector<16xf32>,
          %parallel_loop3A_271 = vector.broadcast %parallel_loop3A_86 : i32 to vector<16xi32>
          %parallel_loop3A_272 = arith.addi %shift_right_logical3A_5, %parallel_loop3A_271 : vector<16xi32>
          %parallel_loop3A_273 = arith.constant 20 : i32
          %parallel_loop3A_274 = vector.broadcast %parallel_loop3A_273 : i32 to vector<16xi32>
          %parallel_loop3A_275 = arith.addi %shift_left3A_9, %parallel_loop3A_274 : vector<16xi32>
          tpu.vector_store_idx %arg7[%parallel_loop3A_272, %parallel_loop3A_275], %parallel_loop3A_270 : memref<192x128xf32, #tpu.memory_space<vmem>>[vector<16xi32>, vector<16xi32>], vector<16xf32>,
          %parallel_loop3A_276 = arith.constant 21 : i32
          %parallel_loop3A_277 = arith.index_cast %parallel_loop3A_276 : i32 to index
          %parallel_loop3A_278 = arith.index_cast %parallel_loop3A_84 : i32 to index
          %parallel_loop3A_279 = tpu.vector_load %arg5[%parallel_loop3A_277, %parallel_loop3A_278] {strides = array<i32>} : memref<32x768xf32, #tpu.memory_space<vmem>>, vector<16xf32>,
          %parallel_loop3A_280 = vector.broadcast %parallel_loop3A_86 : i32 to vector<16xi32>
          %parallel_loop3A_281 = arith.addi %shift_right_logical3A_5, %parallel_loop3A_280 : vector<16xi32>
          %parallel_loop3A_282 = arith.constant 21 : i32
          %parallel_loop3A_283 = vector.broadcast %parallel_loop3A_282 : i32 to vector<16xi32>
          %parallel_loop3A_284 = arith.addi %shift_left3A_9, %parallel_loop3A_283 : vector<16xi32>
          tpu.vector_store_idx %arg7[%parallel_loop3A_281, %parallel_loop3A_284], %parallel_loop3A_279 : memref<192x128xf32, #tpu.memory_space<vmem>>[vector<16xi32>, vector<16xi32>], vector<16xf32>,
          %parallel_loop3A_285 = arith.constant 22 : i32
          %parallel_loop3A_286 = arith.index_cast %parallel_loop3A_285 : i32 to index
          %parallel_loop3A_287 = arith.index_cast %parallel_loop3A_84 : i32 to index
          %parallel_loop3A_288 = tpu.vector_load %arg5[%parallel_loop3A_286, %parallel_loop3A_287] {strides = array<i32>} : memref<32x768xf32, #tpu.memory_space<vmem>>, vector<16xf32>,
          %parallel_loop3A_289 = vector.broadcast %parallel_loop3A_86 : i32 to vector<16xi32>
          %parallel_loop3A_290 = arith.addi %shift_right_logical3A_5, %parallel_loop3A_289 : vector<16xi32>
          %parallel_loop3A_291 = arith.constant 22 : i32
          %parallel_loop3A_292 = vector.broadcast %parallel_loop3A_291 : i32 to vector<16xi32>
          %parallel_loop3A_293 = arith.addi %shift_left3A_9, %parallel_loop3A_292 : vector<16xi32>
          tpu.vector_store_idx %arg7[%parallel_loop3A_290, %parallel_loop3A_293], %parallel_loop3A_288 : memref<192x128xf32, #tpu.memory_space<vmem>>[vector<16xi32>, vector<16xi32>], vector<16xf32>,
          %parallel_loop3A_294 = arith.constant 23 : i32
          %parallel_loop3A_295 = arith.index_cast %parallel_loop3A_294 : i32 to index
          %parallel_loop3A_296 = arith.index_cast %parallel_loop3A_84 : i32 to index
          %parallel_loop3A_297 = tpu.vector_load %arg5[%parallel_loop3A_295, %parallel_loop3A_296] {strides = array<i32>} : memref<32x768xf32, #tpu.memory_space<vmem>>, vector<16xf32>,
          %parallel_loop3A_298 = vector.broadcast %parallel_loop3A_86 : i32 to vector<16xi32>
          %parallel_loop3A_299 = arith.addi %shift_right_logical3A_5, %parallel_loop3A_298 : vector<16xi32>
          %parallel_loop3A_300 = arith.constant 23 : i32
          %parallel_loop3A_301 = vector.broadcast %parallel_loop3A_300 : i32 to vector<16xi32>
          %parallel_loop3A_302 = arith.addi %shift_left3A_9, %parallel_loop3A_301 : vector<16xi32>
          tpu.vector_store_idx %arg7[%parallel_loop3A_299, %parallel_loop3A_302], %parallel_loop3A_297 : memref<192x128xf32, #tpu.memory_space<vmem>>[vector<16xi32>, vector<16xi32>], vector<16xf32>,
          %parallel_loop3A_303 = arith.constant 24 : i32
          %parallel_loop3A_304 = arith.index_cast %parallel_loop3A_303 : i32 to index
          %parallel_loop3A_305 = arith.index_cast %parallel_loop3A_84 : i32 to index
          %parallel_loop3A_306 = tpu.vector_load %arg5[%parallel_loop3A_304, %parallel_loop3A_305] {strides = array<i32>} : memref<32x768xf32, #tpu.memory_space<vmem>>, vector<16xf32>,
          %parallel_loop3A_307 = vector.broadcast %parallel_loop3A_86 : i32 to vector<16xi32>
          %parallel_loop3A_308 = arith.addi %shift_right_logical3A_5, %parallel_loop3A_307 : vector<16xi32>
          %parallel_loop3A_309 = arith.constant 24 : i32
          %parallel_loop3A_310 = vector.broadcast %parallel_loop3A_309 : i32 to vector<16xi32>
          %parallel_loop3A_311 = arith.addi %shift_left3A_9, %parallel_loop3A_310 : vector<16xi32>
          tpu.vector_store_idx %arg7[%parallel_loop3A_308, %parallel_loop3A_311], %parallel_loop3A_306 : memref<192x128xf32, #tpu.memory_space<vmem>>[vector<16xi32>, vector<16xi32>], vector<16xf32>,
          %parallel_loop3A_312 = arith.constant 25 : i32
          %parallel_loop3A_313 = arith.index_cast %parallel_loop3A_312 : i32 to index
          %parallel_loop3A_314 = arith.index_cast %parallel_loop3A_84 : i32 to index
          %parallel_loop3A_315 = tpu.vector_load %arg5[%parallel_loop3A_313, %parallel_loop3A_314] {strides = array<i32>} : memref<32x768xf32, #tpu.memory_space<vmem>>, vector<16xf32>,
          %parallel_loop3A_316 = vector.broadcast %parallel_loop3A_86 : i32 to vector<16xi32>
          %parallel_loop3A_317 = arith.addi %shift_right_logical3A_5, %parallel_loop3A_316 : vector<16xi32>
          %parallel_loop3A_318 = arith.constant 25 : i32
          %parallel_loop3A_319 = vector.broadcast %parallel_loop3A_318 : i32 to vector<16xi32>
          %parallel_loop3A_320 = arith.addi %shift_left3A_9, %parallel_loop3A_319 : vector<16xi32>
          tpu.vector_store_idx %arg7[%parallel_loop3A_317, %parallel_loop3A_320], %parallel_loop3A_315 : memref<192x128xf32, #tpu.memory_space<vmem>>[vector<16xi32>, vector<16xi32>], vector<16xf32>,
          %parallel_loop3A_321 = arith.constant 26 : i32
          %parallel_loop3A_322 = arith.index_cast %parallel_loop3A_321 : i32 to index
          %parallel_loop3A_323 = arith.index_cast %parallel_loop3A_84 : i32 to index
          %parallel_loop3A_324 = tpu.vector_load %arg5[%parallel_loop3A_322, %parallel_loop3A_323] {strides = array<i32>} : memref<32x768xf32, #tpu.memory_space<vmem>>, vector<16xf32>,
          %parallel_loop3A_325 = vector.broadcast %parallel_loop3A_86 : i32 to vector<16xi32>
          %parallel_loop3A_326 = arith.addi %shift_right_logical3A_5, %parallel_loop3A_325 : vector<16xi32>
          %parallel_loop3A_327 = arith.constant 26 : i32
          %parallel_loop3A_328 = vector.broadcast %parallel_loop3A_327 : i32 to vector<16xi32>
          %parallel_loop3A_329 = arith.addi %shift_left3A_9, %parallel_loop3A_328 : vector<16xi32>
          tpu.vector_store_idx %arg7[%parallel_loop3A_326, %parallel_loop3A_329], %parallel_loop3A_324 : memref<192x128xf32, #tpu.memory_space<vmem>>[vector<16xi32>, vector<16xi32>], vector<16xf32>,
          %parallel_loop3A_330 = arith.constant 27 : i32
          %parallel_loop3A_331 = arith.index_cast %parallel_loop3A_330 : i32 to index
          %parallel_loop3A_332 = arith.index_cast %parallel_loop3A_84 : i32 to index
          %parallel_loop3A_333 = tpu.vector_load %arg5[%parallel_loop3A_331, %parallel_loop3A_332] {strides = array<i32>} : memref<32x768xf32, #tpu.memory_space<vmem>>, vector<16xf32>,
          %parallel_loop3A_334 = vector.broadcast %parallel_loop3A_86 : i32 to vector<16xi32>
          %parallel_loop3A_335 = arith.addi %shift_right_logical3A_5, %parallel_loop3A_334 : vector<16xi32>
          %parallel_loop3A_336 = arith.constant 27 : i32
          %parallel_loop3A_337 = vector.broadcast %parallel_loop3A_336 : i32 to vector<16xi32>
          %parallel_loop3A_338 = arith.addi %shift_left3A_9, %parallel_loop3A_337 : vector<16xi32>
          tpu.vector_store_idx %arg7[%parallel_loop3A_335, %parallel_loop3A_338], %parallel_loop3A_333 : memref<192x128xf32, #tpu.memory_space<vmem>>[vector<16xi32>, vector<16xi32>], vector<16xf32>,
          %parallel_loop3A_339 = arith.constant 28 : i32
          %parallel_loop3A_340 = arith.index_cast %parallel_loop3A_339 : i32 to index
          %parallel_loop3A_341 = arith.index_cast %parallel_loop3A_84 : i32 to index
          %parallel_loop3A_342 = tpu.vector_load %arg5[%parallel_loop3A_340, %parallel_loop3A_341] {strides = array<i32>} : memref<32x768xf32, #tpu.memory_space<vmem>>, vector<16xf32>,
          %parallel_loop3A_343 = vector.broadcast %parallel_loop3A_86 : i32 to vector<16xi32>
          %parallel_loop3A_344 = arith.addi %shift_right_logical3A_5, %parallel_loop3A_343 : vector<16xi32>
          %parallel_loop3A_345 = arith.constant 28 : i32
          %parallel_loop3A_346 = vector.broadcast %parallel_loop3A_345 : i32 to vector<16xi32>
          %parallel_loop3A_347 = arith.addi %shift_left3A_9, %parallel_loop3A_346 : vector<16xi32>
          tpu.vector_store_idx %arg7[%parallel_loop3A_344, %parallel_loop3A_347], %parallel_loop3A_342 : memref<192x128xf32, #tpu.memory_space<vmem>>[vector<16xi32>, vector<16xi32>], vector<16xf32>,
          %parallel_loop3A_348 = arith.constant 29 : i32
          %parallel_loop3A_349 = arith.index_cast %parallel_loop3A_348 : i32 to index
          %parallel_loop3A_350 = arith.index_cast %parallel_loop3A_84 : i32 to index
          %parallel_loop3A_351 = tpu.vector_load %arg5[%parallel_loop3A_349, %parallel_loop3A_350] {strides = array<i32>} : memref<32x768xf32, #tpu.memory_space<vmem>>, vector<16xf32>,
          %parallel_loop3A_352 = vector.broadcast %parallel_loop3A_86 : i32 to vector<16xi32>
          %parallel_loop3A_353 = arith.addi %shift_right_logical3A_5, %parallel_loop3A_352 : vector<16xi32>
          %parallel_loop3A_354 = arith.constant 29 : i32
          %parallel_loop3A_355 = vector.broadcast %parallel_loop3A_354 : i32 to vector<16xi32>
          %parallel_loop3A_356 = arith.addi %shift_left3A_9, %parallel_loop3A_355 : vector<16xi32>
          tpu.vector_store_idx %arg7[%parallel_loop3A_353, %parallel_loop3A_356], %parallel_loop3A_351 : memref<192x128xf32, #tpu.memory_space<vmem>>[vector<16xi32>, vector<16xi32>], vector<16xf32>,
          %parallel_loop3A_357 = arith.constant 30 : i32
          %parallel_loop3A_358 = arith.index_cast %parallel_loop3A_357 : i32 to index
          %parallel_loop3A_359 = arith.index_cast %parallel_loop3A_84 : i32 to index
          %parallel_loop3A_360 = tpu.vector_load %arg5[%parallel_loop3A_358, %parallel_loop3A_359] {strides = array<i32>} : memref<32x768xf32, #tpu.memory_space<vmem>>, vector<16xf32>,
          %parallel_loop3A_361 = vector.broadcast %parallel_loop3A_86 : i32 to vector<16xi32>
          %parallel_loop3A_362 = arith.addi %shift_right_logical3A_5, %parallel_loop3A_361 : vector<16xi32>
          %parallel_loop3A_363 = arith.constant 30 : i32
          %parallel_loop3A_364 = vector.broadcast %parallel_loop3A_363 : i32 to vector<16xi32>
          %parallel_loop3A_365 = arith.addi %shift_left3A_9, %parallel_loop3A_364 : vector<16xi32>
          tpu.vector_store_idx %arg7[%parallel_loop3A_362, %parallel_loop3A_365], %parallel_loop3A_360 : memref<192x128xf32, #tpu.memory_space<vmem>>[vector<16xi32>, vector<16xi32>], vector<16xf32>,
          %parallel_loop3A_366 = arith.constant 31 : i32
          %parallel_loop3A_367 = arith.index_cast %parallel_loop3A_366 : i32 to index
          %parallel_loop3A_368 = arith.index_cast %parallel_loop3A_84 : i32 to index
          %parallel_loop3A_369 = tpu.vector_load %arg5[%parallel_loop3A_367, %parallel_loop3A_368] {strides = array<i32>} : memref<32x768xf32, #tpu.memory_space<vmem>>, vector<16xf32>,
          %parallel_loop3A_370 = vector.broadcast %parallel_loop3A_86 : i32 to vector<16xi32>
          %parallel_loop3A_371 = arith.addi %shift_right_logical3A_5, %parallel_loop3A_370 : vector<16xi32>
          %parallel_loop3A_372 = arith.constant 31 : i32
          %parallel_loop3A_373 = vector.broadcast %parallel_loop3A_372 : i32 to vector<16xi32>
          %parallel_loop3A_374 = arith.addi %shift_left3A_9, %parallel_loop3A_373 : vector<16xi32>
          tpu.vector_store_idx %arg7[%parallel_loop3A_371, %parallel_loop3A_374], %parallel_loop3A_369 : memref<192x128xf32, #tpu.memory_space<vmem>>[vector<16xi32>, vector<16xi32>], vector<16xf32>,
        } {sc.loop_unroll_factor = 2 : i64, sc.parallel_access}
        %mul3A_76 = arith.constant 192 : i32
        %mul3A_77 = arith.muli %add3A_57, %mul3A_76 : i32
        %dma_start3A_78 = arith.constant 0 : i32
        %dma_start3A_79 = tpu.memref_slice %arg3[%mul3A_77, %dma_start3A_78] : memref<250000x128xf32, #tpu.memory_space<hbm>> -> memref<192x128xf32, #tpu.memory_space<hbm>>
        %dma_start3A_80 = arith.constant 0 : i32
        %dma_start3A_81 = tpu.memref_slice %arg3[%mul3A_77, %dma_start3A_80] : memref<250000x128xf32, #tpu.memory_space<hbm>> -> memref<192x128xf32, #tpu.memory_space<hbm>>
        tpu.enqueue_dma source(%arg7 : memref<192x128xf32, #tpu.memory_space<vmem>>) target(%dma_start3A_81 : memref<192x128xf32, #tpu.memory_space<hbm>>) target_semaphore(%arg13 : memref<!tpu.dma_semaphore, #tpu.memory_space<semaphore_mem>>)
      } else {
      }
    }
    %while3A_25 = arith.constant 1 : i32
    scf.for %while3A_40 = %while3A_23 to %while3A_19 step %while3A_25  : i32 {
      %and3A_41 = arith.constant 1 : i32
      %and3A_42 = arith.andi %while3A_40, %and3A_41 : i32
      %eq3A_43 = arith.constant 0 : i32
      %eq3A_44 = arith.cmpi eq, %and3A_42, %eq3A_43 : i32
      %convert_element_type3A_45 = arith.extui %eq3A_44 : i1 to i32
      %cond3A_46 = arith.constant 0 : i32
      %cond3A_47 = arith.cmpi ne, %convert_element_type3A_45, %cond3A_46 : i32
      scf.if %cond3A_47 {
        %mul3A_55 = arith.constant 32 : i32
        %mul3A_56 = arith.muli %mul3A_55, %while3A_40 : i32
        %add3A_57 = arith.addi %add3A, %mul3A_56 : i32
        %add3A_58 = arith.constant 1 : i32
        %add3A_59 = arith.addi %while3A_40, %add3A_58 : i32
        %lt3A_60 = arith.cmpi slt, %add3A_59, %add3A_3 : i32
        %convert_element_type3A_61 = arith.extui %lt3A_60 : i1 to i32
        %cond3A_62 = arith.constant 0 : i32
        %cond3A_63 = arith.cmpi ne, %convert_element_type3A_61, %cond3A_62 : i32
        scf.if %cond3A_63 {
          %add3A_82 = arith.constant 1 : i32
          %add3A_83 = arith.addi %while3A_40, %add3A_82 : i32
          %mul3A_84 = arith.constant 32 : i32
          %mul3A_85 = arith.muli %mul3A_84, %add3A_83 : i32
          %add3A_86 = arith.addi %add3A, %mul3A_85 : i32
          %mul3A_87 = arith.constant 768 : i32
          %mul3A_88 = arith.muli %add3A_86, %mul3A_87 : i32
          %multiple_of3A_89 = tpu.assume_multiple %mul3A_88, 128 : i32
          %dma_start3A_90 = arith.constant 0 : i32
          %dma_start3A_91 = tpu.memref_slice %arg2[%dma_start3A_90, %multiple_of3A_89] : memref<32x1000000xf32, #tpu.memory_space<hbm>> -> memref<32x768xf32, #tpu.memory_space<hbm>>
          %dma_start3A_92 = arith.constant 0 : i32
          %dma_start3A_93 = tpu.memref_slice %arg2[%dma_start3A_92, %multiple_of3A_89] : memref<32x1000000xf32, #tpu.memory_space<hbm>> -> memref<32x768xf32, #tpu.memory_space<hbm>>
          tpu.enqueue_dma source(%dma_start3A_93 : memref<32x768xf32, #tpu.memory_space<hbm>>) target(%arg5 : memref<32x768xf32, #tpu.memory_space<vmem>>) target_semaphore(%arg11 : memref<!tpu.dma_semaphore, #tpu.memory_space<semaphore_mem>>)
        } else {
        }
        %dma_wait3A_64 = arith.constant 0 : i32
        %dma_wait3A_65 = arith.constant 0 : i32
        %dma_wait3A_66 = tpu.memref_slice %arg2[%dma_wait3A_64, %dma_wait3A_65] : memref<32x1000000xf32, #tpu.memory_space<hbm>> -> memref<32x768xf32, #tpu.memory_space<hbm>>
        %dma_wait3A_67 = arith.constant 0 : i32
        %dma_wait3A_68 = arith.constant 0 : i32
        %dma_wait3A_69 = tpu.memref_slice %arg2[%dma_wait3A_67, %dma_wait3A_68] : memref<32x1000000xf32, #tpu.memory_space<hbm>> -> memref<32x768xf32, #tpu.memory_space<hbm>>
        tpu.wait_dma2 semaphore(%arg10 : memref<!tpu.dma_semaphore, #tpu.memory_space<semaphore_mem>>) src(%dma_wait3A_69 : memref<32x768xf32, #tpu.memory_space<hbm>>) dst(%arg4 : memref<32x768xf32, #tpu.memory_space<vmem>>)
        %ge3A = arith.constant 2 : i32
        %ge3A_70 = arith.cmpi sge, %while3A_40, %ge3A : i32
        %convert_element_type3A_71 = arith.extui %ge3A_70 : i1 to i32
        %cond3A_72 = arith.constant 0 : i32
        %cond3A_73 = arith.cmpi ne, %convert_element_type3A_71, %cond3A_72 : i32
        scf.if %cond3A_73 {
          %dma_wait3A_82 = arith.constant 0 : i32
          %dma_wait3A_83 = arith.constant 0 : i32
          %dma_wait3A_84 = tpu.memref_slice %arg3[%dma_wait3A_82, %dma_wait3A_83] : memref<250000x128xf32, #tpu.memory_space<hbm>> -> memref<192x128xf32, #tpu.memory_space<hbm>>
          %dma_wait3A_85 = arith.constant 0 : i32
          %dma_wait3A_86 = arith.constant 0 : i32
          %dma_wait3A_87 = tpu.memref_slice %arg3[%dma_wait3A_85, %dma_wait3A_86] : memref<250000x128xf32, #tpu.memory_space<hbm>> -> memref<192x128xf32, #tpu.memory_space<hbm>>
          tpu.wait_dma2 semaphore(%arg12 : memref<!tpu.dma_semaphore, #tpu.memory_space<semaphore_mem>>) src(%arg6 : memref<192x128xf32, #tpu.memory_space<vmem>>) dst(%dma_wait3A_87 : memref<192x128xf32, #tpu.memory_space<hbm>>)
        } else {
        }
        %parallel_loop3A = arith.constant 0 : i32
        %parallel_loop3A_74 = arith.constant 48 : i32
        %parallel_loop3A_75 = arith.constant 1 : i32
        scf.for %parallel_loop3A_82 = %parallel_loop3A to %parallel_loop3A_74 step %parallel_loop3A_75  : i32 {
          %parallel_loop3A_83 = arith.constant 16 : i32
          %parallel_loop3A_84 = arith.muli %parallel_loop3A_82, %parallel_loop3A_83 : i32
          %parallel_loop3A_85 = arith.constant 4 : i32
          %parallel_loop3A_86 = arith.muli %parallel_loop3A_82, %parallel_loop3A_85 : i32
          %parallel_loop3A_87 = arith.constant 0 : i32
          %parallel_loop3A_88 = arith.index_cast %parallel_loop3A_87 : i32 to index
          %parallel_loop3A_89 = arith.index_cast %parallel_loop3A_84 : i32 to index
          %parallel_loop3A_90 = tpu.vector_load %arg4[%parallel_loop3A_88, %parallel_loop3A_89] {strides = array<i32>} : memref<32x768xf32, #tpu.memory_space<vmem>>, vector<16xf32>,
          %parallel_loop3A_91 = vector.broadcast %parallel_loop3A_86 : i32 to vector<16xi32>
          %parallel_loop3A_92 = arith.addi %shift_right_logical3A_5, %parallel_loop3A_91 : vector<16xi32>
          %parallel_loop3A_93 = arith.constant 0 : i32
          %parallel_loop3A_94 = vector.broadcast %parallel_loop3A_93 : i32 to vector<16xi32>
          %parallel_loop3A_95 = arith.addi %shift_left3A_9, %parallel_loop3A_94 : vector<16xi32>
          tpu.vector_store_idx %arg6[%parallel_loop3A_92, %parallel_loop3A_95], %parallel_loop3A_90 : memref<192x128xf32, #tpu.memory_space<vmem>>[vector<16xi32>, vector<16xi32>], vector<16xf32>,
          %parallel_loop3A_96 = arith.constant 1 : i32
          %parallel_loop3A_97 = arith.index_cast %parallel_loop3A_96 : i32 to index
          %parallel_loop3A_98 = arith.index_cast %parallel_loop3A_84 : i32 to index
          %parallel_loop3A_99 = tpu.vector_load %arg4[%parallel_loop3A_97, %parallel_loop3A_98] {strides = array<i32>} : memref<32x768xf32, #tpu.memory_space<vmem>>, vector<16xf32>,
          %parallel_loop3A_100 = vector.broadcast %parallel_loop3A_86 : i32 to vector<16xi32>
          %parallel_loop3A_101 = arith.addi %shift_right_logical3A_5, %parallel_loop3A_100 : vector<16xi32>
          %parallel_loop3A_102 = arith.constant 1 : i32
          %parallel_loop3A_103 = vector.broadcast %parallel_loop3A_102 : i32 to vector<16xi32>
          %parallel_loop3A_104 = arith.addi %shift_left3A_9, %parallel_loop3A_103 : vector<16xi32>
          tpu.vector_store_idx %arg6[%parallel_loop3A_101, %parallel_loop3A_104], %parallel_loop3A_99 : memref<192x128xf32, #tpu.memory_space<vmem>>[vector<16xi32>, vector<16xi32>], vector<16xf32>,
          %parallel_loop3A_105 = arith.constant 2 : i32
          %parallel_loop3A_106 = arith.index_cast %parallel_loop3A_105 : i32 to index
          %parallel_loop3A_107 = arith.index_cast %parallel_loop3A_84 : i32 to index
          %parallel_loop3A_108 = tpu.vector_load %arg4[%parallel_loop3A_106, %parallel_loop3A_107] {strides = array<i32>} : memref<32x768xf32, #tpu.memory_space<vmem>>, vector<16xf32>,
          %parallel_loop3A_109 = vector.broadcast %parallel_loop3A_86 : i32 to vector<16xi32>
          %parallel_loop3A_110 = arith.addi %shift_right_logical3A_5, %parallel_loop3A_109 : vector<16xi32>
          %parallel_loop3A_111 = arith.constant 2 : i32
          %parallel_loop3A_112 = vector.broadcast %parallel_loop3A_111 : i32 to vector<16xi32>
          %parallel_loop3A_113 = arith.addi %shift_left3A_9, %parallel_loop3A_112 : vector<16xi32>
          tpu.vector_store_idx %arg6[%parallel_loop3A_110, %parallel_loop3A_113], %parallel_loop3A_108 : memref<192x128xf32, #tpu.memory_space<vmem>>[vector<16xi32>, vector<16xi32>], vector<16xf32>,
          %parallel_loop3A_114 = arith.constant 3 : i32
          %parallel_loop3A_115 = arith.index_cast %parallel_loop3A_114 : i32 to index
          %parallel_loop3A_116 = arith.index_cast %parallel_loop3A_84 : i32 to index
          %parallel_loop3A_117 = tpu.vector_load %arg4[%parallel_loop3A_115, %parallel_loop3A_116] {strides = array<i32>} : memref<32x768xf32, #tpu.memory_space<vmem>>, vector<16xf32>,
          %parallel_loop3A_118 = vector.broadcast %parallel_loop3A_86 : i32 to vector<16xi32>
          %parallel_loop3A_119 = arith.addi %shift_right_logical3A_5, %parallel_loop3A_118 : vector<16xi32>
          %parallel_loop3A_120 = arith.constant 3 : i32
          %parallel_loop3A_121 = vector.broadcast %parallel_loop3A_120 : i32 to vector<16xi32>
          %parallel_loop3A_122 = arith.addi %shift_left3A_9, %parallel_loop3A_121 : vector<16xi32>
          tpu.vector_store_idx %arg6[%parallel_loop3A_119, %parallel_loop3A_122], %parallel_loop3A_117 : memref<192x128xf32, #tpu.memory_space<vmem>>[vector<16xi32>, vector<16xi32>], vector<16xf32>,
          %parallel_loop3A_123 = arith.constant 4 : i32
          %parallel_loop3A_124 = arith.index_cast %parallel_loop3A_123 : i32 to index
          %parallel_loop3A_125 = arith.index_cast %parallel_loop3A_84 : i32 to index
          %parallel_loop3A_126 = tpu.vector_load %arg4[%parallel_loop3A_124, %parallel_loop3A_125] {strides = array<i32>} : memref<32x768xf32, #tpu.memory_space<vmem>>, vector<16xf32>,
          %parallel_loop3A_127 = vector.broadcast %parallel_loop3A_86 : i32 to vector<16xi32>
          %parallel_loop3A_128 = arith.addi %shift_right_logical3A_5, %parallel_loop3A_127 : vector<16xi32>
          %parallel_loop3A_129 = arith.constant 4 : i32
          %parallel_loop3A_130 = vector.broadcast %parallel_loop3A_129 : i32 to vector<16xi32>
          %parallel_loop3A_131 = arith.addi %shift_left3A_9, %parallel_loop3A_130 : vector<16xi32>
          tpu.vector_store_idx %arg6[%parallel_loop3A_128, %parallel_loop3A_131], %parallel_loop3A_126 : memref<192x128xf32, #tpu.memory_space<vmem>>[vector<16xi32>, vector<16xi32>], vector<16xf32>,
          %parallel_loop3A_132 = arith.constant 5 : i32
          %parallel_loop3A_133 = arith.index_cast %parallel_loop3A_132 : i32 to index
          %parallel_loop3A_134 = arith.index_cast %parallel_loop3A_84 : i32 to index
          %parallel_loop3A_135 = tpu.vector_load %arg4[%parallel_loop3A_133, %parallel_loop3A_134] {strides = array<i32>} : memref<32x768xf32, #tpu.memory_space<vmem>>, vector<16xf32>,
          %parallel_loop3A_136 = vector.broadcast %parallel_loop3A_86 : i32 to vector<16xi32>
          %parallel_loop3A_137 = arith.addi %shift_right_logical3A_5, %parallel_loop3A_136 : vector<16xi32>
          %parallel_loop3A_138 = arith.constant 5 : i32
          %parallel_loop3A_139 = vector.broadcast %parallel_loop3A_138 : i32 to vector<16xi32>
          %parallel_loop3A_140 = arith.addi %shift_left3A_9, %parallel_loop3A_139 : vector<16xi32>
          tpu.vector_store_idx %arg6[%parallel_loop3A_137, %parallel_loop3A_140], %parallel_loop3A_135 : memref<192x128xf32, #tpu.memory_space<vmem>>[vector<16xi32>, vector<16xi32>], vector<16xf32>,
          %parallel_loop3A_141 = arith.constant 6 : i32
          %parallel_loop3A_142 = arith.index_cast %parallel_loop3A_141 : i32 to index
          %parallel_loop3A_143 = arith.index_cast %parallel_loop3A_84 : i32 to index
          %parallel_loop3A_144 = tpu.vector_load %arg4[%parallel_loop3A_142, %parallel_loop3A_143] {strides = array<i32>} : memref<32x768xf32, #tpu.memory_space<vmem>>, vector<16xf32>,
          %parallel_loop3A_145 = vector.broadcast %parallel_loop3A_86 : i32 to vector<16xi32>
          %parallel_loop3A_146 = arith.addi %shift_right_logical3A_5, %parallel_loop3A_145 : vector<16xi32>
          %parallel_loop3A_147 = arith.constant 6 : i32
          %parallel_loop3A_148 = vector.broadcast %parallel_loop3A_147 : i32 to vector<16xi32>
          %parallel_loop3A_149 = arith.addi %shift_left3A_9, %parallel_loop3A_148 : vector<16xi32>
          tpu.vector_store_idx %arg6[%parallel_loop3A_146, %parallel_loop3A_149], %parallel_loop3A_144 : memref<192x128xf32, #tpu.memory_space<vmem>>[vector<16xi32>, vector<16xi32>], vector<16xf32>,
          %parallel_loop3A_150 = arith.constant 7 : i32
          %parallel_loop3A_151 = arith.index_cast %parallel_loop3A_150 : i32 to index
          %parallel_loop3A_152 = arith.index_cast %parallel_loop3A_84 : i32 to index
          %parallel_loop3A_153 = tpu.vector_load %arg4[%parallel_loop3A_151, %parallel_loop3A_152] {strides = array<i32>} : memref<32x768xf32, #tpu.memory_space<vmem>>, vector<16xf32>,
          %parallel_loop3A_154 = vector.broadcast %parallel_loop3A_86 : i32 to vector<16xi32>
          %parallel_loop3A_155 = arith.addi %shift_right_logical3A_5, %parallel_loop3A_154 : vector<16xi32>
          %parallel_loop3A_156 = arith.constant 7 : i32
          %parallel_loop3A_157 = vector.broadcast %parallel_loop3A_156 : i32 to vector<16xi32>
          %parallel_loop3A_158 = arith.addi %shift_left3A_9, %parallel_loop3A_157 : vector<16xi32>
          tpu.vector_store_idx %arg6[%parallel_loop3A_155, %parallel_loop3A_158], %parallel_loop3A_153 : memref<192x128xf32, #tpu.memory_space<vmem>>[vector<16xi32>, vector<16xi32>], vector<16xf32>,
          %parallel_loop3A_159 = arith.constant 8 : i32
          %parallel_loop3A_160 = arith.index_cast %parallel_loop3A_159 : i32 to index
          %parallel_loop3A_161 = arith.index_cast %parallel_loop3A_84 : i32 to index
          %parallel_loop3A_162 = tpu.vector_load %arg4[%parallel_loop3A_160, %parallel_loop3A_161] {strides = array<i32>} : memref<32x768xf32, #tpu.memory_space<vmem>>, vector<16xf32>,
          %parallel_loop3A_163 = vector.broadcast %parallel_loop3A_86 : i32 to vector<16xi32>
          %parallel_loop3A_164 = arith.addi %shift_right_logical3A_5, %parallel_loop3A_163 : vector<16xi32>
          %parallel_loop3A_165 = arith.constant 8 : i32
          %parallel_loop3A_166 = vector.broadcast %parallel_loop3A_165 : i32 to vector<16xi32>
          %parallel_loop3A_167 = arith.addi %shift_left3A_9, %parallel_loop3A_166 : vector<16xi32>
          tpu.vector_store_idx %arg6[%parallel_loop3A_164, %parallel_loop3A_167], %parallel_loop3A_162 : memref<192x128xf32, #tpu.memory_space<vmem>>[vector<16xi32>, vector<16xi32>], vector<16xf32>,
          %parallel_loop3A_168 = arith.constant 9 : i32
          %parallel_loop3A_169 = arith.index_cast %parallel_loop3A_168 : i32 to index
          %parallel_loop3A_170 = arith.index_cast %parallel_loop3A_84 : i32 to index
          %parallel_loop3A_171 = tpu.vector_load %arg4[%parallel_loop3A_169, %parallel_loop3A_170] {strides = array<i32>} : memref<32x768xf32, #tpu.memory_space<vmem>>, vector<16xf32>,
          %parallel_loop3A_172 = vector.broadcast %parallel_loop3A_86 : i32 to vector<16xi32>
          %parallel_loop3A_173 = arith.addi %shift_right_logical3A_5, %parallel_loop3A_172 : vector<16xi32>
          %parallel_loop3A_174 = arith.constant 9 : i32
          %parallel_loop3A_175 = vector.broadcast %parallel_loop3A_174 : i32 to vector<16xi32>
          %parallel_loop3A_176 = arith.addi %shift_left3A_9, %parallel_loop3A_175 : vector<16xi32>
          tpu.vector_store_idx %arg6[%parallel_loop3A_173, %parallel_loop3A_176], %parallel_loop3A_171 : memref<192x128xf32, #tpu.memory_space<vmem>>[vector<16xi32>, vector<16xi32>], vector<16xf32>,
          %parallel_loop3A_177 = arith.constant 10 : i32
          %parallel_loop3A_178 = arith.index_cast %parallel_loop3A_177 : i32 to index
          %parallel_loop3A_179 = arith.index_cast %parallel_loop3A_84 : i32 to index
          %parallel_loop3A_180 = tpu.vector_load %arg4[%parallel_loop3A_178, %parallel_loop3A_179] {strides = array<i32>} : memref<32x768xf32, #tpu.memory_space<vmem>>, vector<16xf32>,
          %parallel_loop3A_181 = vector.broadcast %parallel_loop3A_86 : i32 to vector<16xi32>
          %parallel_loop3A_182 = arith.addi %shift_right_logical3A_5, %parallel_loop3A_181 : vector<16xi32>
          %parallel_loop3A_183 = arith.constant 10 : i32
          %parallel_loop3A_184 = vector.broadcast %parallel_loop3A_183 : i32 to vector<16xi32>
          %parallel_loop3A_185 = arith.addi %shift_left3A_9, %parallel_loop3A_184 : vector<16xi32>
          tpu.vector_store_idx %arg6[%parallel_loop3A_182, %parallel_loop3A_185], %parallel_loop3A_180 : memref<192x128xf32, #tpu.memory_space<vmem>>[vector<16xi32>, vector<16xi32>], vector<16xf32>,
          %parallel_loop3A_186 = arith.constant 11 : i32
          %parallel_loop3A_187 = arith.index_cast %parallel_loop3A_186 : i32 to index
          %parallel_loop3A_188 = arith.index_cast %parallel_loop3A_84 : i32 to index
          %parallel_loop3A_189 = tpu.vector_load %arg4[%parallel_loop3A_187, %parallel_loop3A_188] {strides = array<i32>} : memref<32x768xf32, #tpu.memory_space<vmem>>, vector<16xf32>,
          %parallel_loop3A_190 = vector.broadcast %parallel_loop3A_86 : i32 to vector<16xi32>
          %parallel_loop3A_191 = arith.addi %shift_right_logical3A_5, %parallel_loop3A_190 : vector<16xi32>
          %parallel_loop3A_192 = arith.constant 11 : i32
          %parallel_loop3A_193 = vector.broadcast %parallel_loop3A_192 : i32 to vector<16xi32>
          %parallel_loop3A_194 = arith.addi %shift_left3A_9, %parallel_loop3A_193 : vector<16xi32>
          tpu.vector_store_idx %arg6[%parallel_loop3A_191, %parallel_loop3A_194], %parallel_loop3A_189 : memref<192x128xf32, #tpu.memory_space<vmem>>[vector<16xi32>, vector<16xi32>], vector<16xf32>,
          %parallel_loop3A_195 = arith.constant 12 : i32
          %parallel_loop3A_196 = arith.index_cast %parallel_loop3A_195 : i32 to index
          %parallel_loop3A_197 = arith.index_cast %parallel_loop3A_84 : i32 to index
          %parallel_loop3A_198 = tpu.vector_load %arg4[%parallel_loop3A_196, %parallel_loop3A_197] {strides = array<i32>} : memref<32x768xf32, #tpu.memory_space<vmem>>, vector<16xf32>,
          %parallel_loop3A_199 = vector.broadcast %parallel_loop3A_86 : i32 to vector<16xi32>
          %parallel_loop3A_200 = arith.addi %shift_right_logical3A_5, %parallel_loop3A_199 : vector<16xi32>
          %parallel_loop3A_201 = arith.constant 12 : i32
          %parallel_loop3A_202 = vector.broadcast %parallel_loop3A_201 : i32 to vector<16xi32>
          %parallel_loop3A_203 = arith.addi %shift_left3A_9, %parallel_loop3A_202 : vector<16xi32>
          tpu.vector_store_idx %arg6[%parallel_loop3A_200, %parallel_loop3A_203], %parallel_loop3A_198 : memref<192x128xf32, #tpu.memory_space<vmem>>[vector<16xi32>, vector<16xi32>], vector<16xf32>,
          %parallel_loop3A_204 = arith.constant 13 : i32
          %parallel_loop3A_205 = arith.index_cast %parallel_loop3A_204 : i32 to index
          %parallel_loop3A_206 = arith.index_cast %parallel_loop3A_84 : i32 to index
          %parallel_loop3A_207 = tpu.vector_load %arg4[%parallel_loop3A_205, %parallel_loop3A_206] {strides = array<i32>} : memref<32x768xf32, #tpu.memory_space<vmem>>, vector<16xf32>,
          %parallel_loop3A_208 = vector.broadcast %parallel_loop3A_86 : i32 to vector<16xi32>
          %parallel_loop3A_209 = arith.addi %shift_right_logical3A_5, %parallel_loop3A_208 : vector<16xi32>
          %parallel_loop3A_210 = arith.constant 13 : i32
          %parallel_loop3A_211 = vector.broadcast %parallel_loop3A_210 : i32 to vector<16xi32>
          %parallel_loop3A_212 = arith.addi %shift_left3A_9, %parallel_loop3A_211 : vector<16xi32>
          tpu.vector_store_idx %arg6[%parallel_loop3A_209, %parallel_loop3A_212], %parallel_loop3A_207 : memref<192x128xf32, #tpu.memory_space<vmem>>[vector<16xi32>, vector<16xi32>], vector<16xf32>,
          %parallel_loop3A_213 = arith.constant 14 : i32
          %parallel_loop3A_214 = arith.index_cast %parallel_loop3A_213 : i32 to index
          %parallel_loop3A_215 = arith.index_cast %parallel_loop3A_84 : i32 to index
          %parallel_loop3A_216 = tpu.vector_load %arg4[%parallel_loop3A_214, %parallel_loop3A_215] {strides = array<i32>} : memref<32x768xf32, #tpu.memory_space<vmem>>, vector<16xf32>,
          %parallel_loop3A_217 = vector.broadcast %parallel_loop3A_86 : i32 to vector<16xi32>
          %parallel_loop3A_218 = arith.addi %shift_right_logical3A_5, %parallel_loop3A_217 : vector<16xi32>
          %parallel_loop3A_219 = arith.constant 14 : i32
          %parallel_loop3A_220 = vector.broadcast %parallel_loop3A_219 : i32 to vector<16xi32>
          %parallel_loop3A_221 = arith.addi %shift_left3A_9, %parallel_loop3A_220 : vector<16xi32>
          tpu.vector_store_idx %arg6[%parallel_loop3A_218, %parallel_loop3A_221], %parallel_loop3A_216 : memref<192x128xf32, #tpu.memory_space<vmem>>[vector<16xi32>, vector<16xi32>], vector<16xf32>,
          %parallel_loop3A_222 = arith.constant 15 : i32
          %parallel_loop3A_223 = arith.index_cast %parallel_loop3A_222 : i32 to index
          %parallel_loop3A_224 = arith.index_cast %parallel_loop3A_84 : i32 to index
          %parallel_loop3A_225 = tpu.vector_load %arg4[%parallel_loop3A_223, %parallel_loop3A_224] {strides = array<i32>} : memref<32x768xf32, #tpu.memory_space<vmem>>, vector<16xf32>,
          %parallel_loop3A_226 = vector.broadcast %parallel_loop3A_86 : i32 to vector<16xi32>
          %parallel_loop3A_227 = arith.addi %shift_right_logical3A_5, %parallel_loop3A_226 : vector<16xi32>
          %parallel_loop3A_228 = arith.constant 15 : i32
          %parallel_loop3A_229 = vector.broadcast %parallel_loop3A_228 : i32 to vector<16xi32>
          %parallel_loop3A_230 = arith.addi %shift_left3A_9, %parallel_loop3A_229 : vector<16xi32>
          tpu.vector_store_idx %arg6[%parallel_loop3A_227, %parallel_loop3A_230], %parallel_loop3A_225 : memref<192x128xf32, #tpu.memory_space<vmem>>[vector<16xi32>, vector<16xi32>], vector<16xf32>,
          %parallel_loop3A_231 = arith.constant 16 : i32
          %parallel_loop3A_232 = arith.index_cast %parallel_loop3A_231 : i32 to index
          %parallel_loop3A_233 = arith.index_cast %parallel_loop3A_84 : i32 to index
          %parallel_loop3A_234 = tpu.vector_load %arg4[%parallel_loop3A_232, %parallel_loop3A_233] {strides = array<i32>} : memref<32x768xf32, #tpu.memory_space<vmem>>, vector<16xf32>,
          %parallel_loop3A_235 = vector.broadcast %parallel_loop3A_86 : i32 to vector<16xi32>
          %parallel_loop3A_236 = arith.addi %shift_right_logical3A_5, %parallel_loop3A_235 : vector<16xi32>
          %parallel_loop3A_237 = arith.constant 16 : i32
          %parallel_loop3A_238 = vector.broadcast %parallel_loop3A_237 : i32 to vector<16xi32>
          %parallel_loop3A_239 = arith.addi %shift_left3A_9, %parallel_loop3A_238 : vector<16xi32>
          tpu.vector_store_idx %arg6[%parallel_loop3A_236, %parallel_loop3A_239], %parallel_loop3A_234 : memref<192x128xf32, #tpu.memory_space<vmem>>[vector<16xi32>, vector<16xi32>], vector<16xf32>,
          %parallel_loop3A_240 = arith.constant 17 : i32
          %parallel_loop3A_241 = arith.index_cast %parallel_loop3A_240 : i32 to index
          %parallel_loop3A_242 = arith.index_cast %parallel_loop3A_84 : i32 to index
          %parallel_loop3A_243 = tpu.vector_load %arg4[%parallel_loop3A_241, %parallel_loop3A_242] {strides = array<i32>} : memref<32x768xf32, #tpu.memory_space<vmem>>, vector<16xf32>,
          %parallel_loop3A_244 = vector.broadcast %parallel_loop3A_86 : i32 to vector<16xi32>
          %parallel_loop3A_245 = arith.addi %shift_right_logical3A_5, %parallel_loop3A_244 : vector<16xi32>
          %parallel_loop3A_246 = arith.constant 17 : i32
          %parallel_loop3A_247 = vector.broadcast %parallel_loop3A_246 : i32 to vector<16xi32>
          %parallel_loop3A_248 = arith.addi %shift_left3A_9, %parallel_loop3A_247 : vector<16xi32>
          tpu.vector_store_idx %arg6[%parallel_loop3A_245, %parallel_loop3A_248], %parallel_loop3A_243 : memref<192x128xf32, #tpu.memory_space<vmem>>[vector<16xi32>, vector<16xi32>], vector<16xf32>,
          %parallel_loop3A_249 = arith.constant 18 : i32
          %parallel_loop3A_250 = arith.index_cast %parallel_loop3A_249 : i32 to index
          %parallel_loop3A_251 = arith.index_cast %parallel_loop3A_84 : i32 to index
          %parallel_loop3A_252 = tpu.vector_load %arg4[%parallel_loop3A_250, %parallel_loop3A_251] {strides = array<i32>} : memref<32x768xf32, #tpu.memory_space<vmem>>, vector<16xf32>,
          %parallel_loop3A_253 = vector.broadcast %parallel_loop3A_86 : i32 to vector<16xi32>
          %parallel_loop3A_254 = arith.addi %shift_right_logical3A_5, %parallel_loop3A_253 : vector<16xi32>
          %parallel_loop3A_255 = arith.constant 18 : i32
          %parallel_loop3A_256 = vector.broadcast %parallel_loop3A_255 : i32 to vector<16xi32>
          %parallel_loop3A_257 = arith.addi %shift_left3A_9, %parallel_loop3A_256 : vector<16xi32>
          tpu.vector_store_idx %arg6[%parallel_loop3A_254, %parallel_loop3A_257], %parallel_loop3A_252 : memref<192x128xf32, #tpu.memory_space<vmem>>[vector<16xi32>, vector<16xi32>], vector<16xf32>,
          %parallel_loop3A_258 = arith.constant 19 : i32
          %parallel_loop3A_259 = arith.index_cast %parallel_loop3A_258 : i32 to index
          %parallel_loop3A_260 = arith.index_cast %parallel_loop3A_84 : i32 to index
          %parallel_loop3A_261 = tpu.vector_load %arg4[%parallel_loop3A_259, %parallel_loop3A_260] {strides = array<i32>} : memref<32x768xf32, #tpu.memory_space<vmem>>, vector<16xf32>,
          %parallel_loop3A_262 = vector.broadcast %parallel_loop3A_86 : i32 to vector<16xi32>
          %parallel_loop3A_263 = arith.addi %shift_right_logical3A_5, %parallel_loop3A_262 : vector<16xi32>
          %parallel_loop3A_264 = arith.constant 19 : i32
          %parallel_loop3A_265 = vector.broadcast %parallel_loop3A_264 : i32 to vector<16xi32>
          %parallel_loop3A_266 = arith.addi %shift_left3A_9, %parallel_loop3A_265 : vector<16xi32>
          tpu.vector_store_idx %arg6[%parallel_loop3A_263, %parallel_loop3A_266], %parallel_loop3A_261 : memref<192x128xf32, #tpu.memory_space<vmem>>[vector<16xi32>, vector<16xi32>], vector<16xf32>,
          %parallel_loop3A_267 = arith.constant 20 : i32
          %parallel_loop3A_268 = arith.index_cast %parallel_loop3A_267 : i32 to index
          %parallel_loop3A_269 = arith.index_cast %parallel_loop3A_84 : i32 to index
          %parallel_loop3A_270 = tpu.vector_load %arg4[%parallel_loop3A_268, %parallel_loop3A_269] {strides = array<i32>} : memref<32x768xf32, #tpu.memory_space<vmem>>, vector<16xf32>,
          %parallel_loop3A_271 = vector.broadcast %parallel_loop3A_86 : i32 to vector<16xi32>
          %parallel_loop3A_272 = arith.addi %shift_right_logical3A_5, %parallel_loop3A_271 : vector<16xi32>
          %parallel_loop3A_273 = arith.constant 20 : i32
          %parallel_loop3A_274 = vector.broadcast %parallel_loop3A_273 : i32 to vector<16xi32>
          %parallel_loop3A_275 = arith.addi %shift_left3A_9, %parallel_loop3A_274 : vector<16xi32>
          tpu.vector_store_idx %arg6[%parallel_loop3A_272, %parallel_loop3A_275], %parallel_loop3A_270 : memref<192x128xf32, #tpu.memory_space<vmem>>[vector<16xi32>, vector<16xi32>], vector<16xf32>,
          %parallel_loop3A_276 = arith.constant 21 : i32
          %parallel_loop3A_277 = arith.index_cast %parallel_loop3A_276 : i32 to index
          %parallel_loop3A_278 = arith.index_cast %parallel_loop3A_84 : i32 to index
          %parallel_loop3A_279 = tpu.vector_load %arg4[%parallel_loop3A_277, %parallel_loop3A_278] {strides = array<i32>} : memref<32x768xf32, #tpu.memory_space<vmem>>, vector<16xf32>,
          %parallel_loop3A_280 = vector.broadcast %parallel_loop3A_86 : i32 to vector<16xi32>
          %parallel_loop3A_281 = arith.addi %shift_right_logical3A_5, %parallel_loop3A_280 : vector<16xi32>
          %parallel_loop3A_282 = arith.constant 21 : i32
          %parallel_loop3A_283 = vector.broadcast %parallel_loop3A_282 : i32 to vector<16xi32>
          %parallel_loop3A_284 = arith.addi %shift_left3A_9, %parallel_loop3A_283 : vector<16xi32>
          tpu.vector_store_idx %arg6[%parallel_loop3A_281, %parallel_loop3A_284], %parallel_loop3A_279 : memref<192x128xf32, #tpu.memory_space<vmem>>[vector<16xi32>, vector<16xi32>], vector<16xf32>,
          %parallel_loop3A_285 = arith.constant 22 : i32
          %parallel_loop3A_286 = arith.index_cast %parallel_loop3A_285 : i32 to index
          %parallel_loop3A_287 = arith.index_cast %parallel_loop3A_84 : i32 to index
          %parallel_loop3A_288 = tpu.vector_load %arg4[%parallel_loop3A_286, %parallel_loop3A_287] {strides = array<i32>} : memref<32x768xf32, #tpu.memory_space<vmem>>, vector<16xf32>,
          %parallel_loop3A_289 = vector.broadcast %parallel_loop3A_86 : i32 to vector<16xi32>
          %parallel_loop3A_290 = arith.addi %shift_right_logical3A_5, %parallel_loop3A_289 : vector<16xi32>
          %parallel_loop3A_291 = arith.constant 22 : i32
          %parallel_loop3A_292 = vector.broadcast %parallel_loop3A_291 : i32 to vector<16xi32>
          %parallel_loop3A_293 = arith.addi %shift_left3A_9, %parallel_loop3A_292 : vector<16xi32>
          tpu.vector_store_idx %arg6[%parallel_loop3A_290, %parallel_loop3A_293], %parallel_loop3A_288 : memref<192x128xf32, #tpu.memory_space<vmem>>[vector<16xi32>, vector<16xi32>], vector<16xf32>,
          %parallel_loop3A_294 = arith.constant 23 : i32
          %parallel_loop3A_295 = arith.index_cast %parallel_loop3A_294 : i32 to index
          %parallel_loop3A_296 = arith.index_cast %parallel_loop3A_84 : i32 to index
          %parallel_loop3A_297 = tpu.vector_load %arg4[%parallel_loop3A_295, %parallel_loop3A_296] {strides = array<i32>} : memref<32x768xf32, #tpu.memory_space<vmem>>, vector<16xf32>,
          %parallel_loop3A_298 = vector.broadcast %parallel_loop3A_86 : i32 to vector<16xi32>
          %parallel_loop3A_299 = arith.addi %shift_right_logical3A_5, %parallel_loop3A_298 : vector<16xi32>
          %parallel_loop3A_300 = arith.constant 23 : i32
          %parallel_loop3A_301 = vector.broadcast %parallel_loop3A_300 : i32 to vector<16xi32>
          %parallel_loop3A_302 = arith.addi %shift_left3A_9, %parallel_loop3A_301 : vector<16xi32>
          tpu.vector_store_idx %arg6[%parallel_loop3A_299, %parallel_loop3A_302], %parallel_loop3A_297 : memref<192x128xf32, #tpu.memory_space<vmem>>[vector<16xi32>, vector<16xi32>], vector<16xf32>,
          %parallel_loop3A_303 = arith.constant 24 : i32
          %parallel_loop3A_304 = arith.index_cast %parallel_loop3A_303 : i32 to index
          %parallel_loop3A_305 = arith.index_cast %parallel_loop3A_84 : i32 to index
          %parallel_loop3A_306 = tpu.vector_load %arg4[%parallel_loop3A_304, %parallel_loop3A_305] {strides = array<i32>} : memref<32x768xf32, #tpu.memory_space<vmem>>, vector<16xf32>,
          %parallel_loop3A_307 = vector.broadcast %parallel_loop3A_86 : i32 to vector<16xi32>
          %parallel_loop3A_308 = arith.addi %shift_right_logical3A_5, %parallel_loop3A_307 : vector<16xi32>
          %parallel_loop3A_309 = arith.constant 24 : i32
          %parallel_loop3A_310 = vector.broadcast %parallel_loop3A_309 : i32 to vector<16xi32>
          %parallel_loop3A_311 = arith.addi %shift_left3A_9, %parallel_loop3A_310 : vector<16xi32>
          tpu.vector_store_idx %arg6[%parallel_loop3A_308, %parallel_loop3A_311], %parallel_loop3A_306 : memref<192x128xf32, #tpu.memory_space<vmem>>[vector<16xi32>, vector<16xi32>], vector<16xf32>,
          %parallel_loop3A_312 = arith.constant 25 : i32
          %parallel_loop3A_313 = arith.index_cast %parallel_loop3A_312 : i32 to index
          %parallel_loop3A_314 = arith.index_cast %parallel_loop3A_84 : i32 to index
          %parallel_loop3A_315 = tpu.vector_load %arg4[%parallel_loop3A_313, %parallel_loop3A_314] {strides = array<i32>} : memref<32x768xf32, #tpu.memory_space<vmem>>, vector<16xf32>,
          %parallel_loop3A_316 = vector.broadcast %parallel_loop3A_86 : i32 to vector<16xi32>
          %parallel_loop3A_317 = arith.addi %shift_right_logical3A_5, %parallel_loop3A_316 : vector<16xi32>
          %parallel_loop3A_318 = arith.constant 25 : i32
          %parallel_loop3A_319 = vector.broadcast %parallel_loop3A_318 : i32 to vector<16xi32>
          %parallel_loop3A_320 = arith.addi %shift_left3A_9, %parallel_loop3A_319 : vector<16xi32>
          tpu.vector_store_idx %arg6[%parallel_loop3A_317, %parallel_loop3A_320], %parallel_loop3A_315 : memref<192x128xf32, #tpu.memory_space<vmem>>[vector<16xi32>, vector<16xi32>], vector<16xf32>,
          %parallel_loop3A_321 = arith.constant 26 : i32
          %parallel_loop3A_322 = arith.index_cast %parallel_loop3A_321 : i32 to index
          %parallel_loop3A_323 = arith.index_cast %parallel_loop3A_84 : i32 to index
          %parallel_loop3A_324 = tpu.vector_load %arg4[%parallel_loop3A_322, %parallel_loop3A_323] {strides = array<i32>} : memref<32x768xf32, #tpu.memory_space<vmem>>, vector<16xf32>,
          %parallel_loop3A_325 = vector.broadcast %parallel_loop3A_86 : i32 to vector<16xi32>
          %parallel_loop3A_326 = arith.addi %shift_right_logical3A_5, %parallel_loop3A_325 : vector<16xi32>
          %parallel_loop3A_327 = arith.constant 26 : i32
          %parallel_loop3A_328 = vector.broadcast %parallel_loop3A_327 : i32 to vector<16xi32>
          %parallel_loop3A_329 = arith.addi %shift_left3A_9, %parallel_loop3A_328 : vector<16xi32>
          tpu.vector_store_idx %arg6[%parallel_loop3A_326, %parallel_loop3A_329], %parallel_loop3A_324 : memref<192x128xf32, #tpu.memory_space<vmem>>[vector<16xi32>, vector<16xi32>], vector<16xf32>,
          %parallel_loop3A_330 = arith.constant 27 : i32
          %parallel_loop3A_331 = arith.index_cast %parallel_loop3A_330 : i32 to index
          %parallel_loop3A_332 = arith.index_cast %parallel_loop3A_84 : i32 to index
          %parallel_loop3A_333 = tpu.vector_load %arg4[%parallel_loop3A_331, %parallel_loop3A_332] {strides = array<i32>} : memref<32x768xf32, #tpu.memory_space<vmem>>, vector<16xf32>,
          %parallel_loop3A_334 = vector.broadcast %parallel_loop3A_86 : i32 to vector<16xi32>
          %parallel_loop3A_335 = arith.addi %shift_right_logical3A_5, %parallel_loop3A_334 : vector<16xi32>
          %parallel_loop3A_336 = arith.constant 27 : i32
          %parallel_loop3A_337 = vector.broadcast %parallel_loop3A_336 : i32 to vector<16xi32>
          %parallel_loop3A_338 = arith.addi %shift_left3A_9, %parallel_loop3A_337 : vector<16xi32>
          tpu.vector_store_idx %arg6[%parallel_loop3A_335, %parallel_loop3A_338], %parallel_loop3A_333 : memref<192x128xf32, #tpu.memory_space<vmem>>[vector<16xi32>, vector<16xi32>], vector<16xf32>,
          %parallel_loop3A_339 = arith.constant 28 : i32
          %parallel_loop3A_340 = arith.index_cast %parallel_loop3A_339 : i32 to index
          %parallel_loop3A_341 = arith.index_cast %parallel_loop3A_84 : i32 to index
          %parallel_loop3A_342 = tpu.vector_load %arg4[%parallel_loop3A_340, %parallel_loop3A_341] {strides = array<i32>} : memref<32x768xf32, #tpu.memory_space<vmem>>, vector<16xf32>,
          %parallel_loop3A_343 = vector.broadcast %parallel_loop3A_86 : i32 to vector<16xi32>
          %parallel_loop3A_344 = arith.addi %shift_right_logical3A_5, %parallel_loop3A_343 : vector<16xi32>
          %parallel_loop3A_345 = arith.constant 28 : i32
          %parallel_loop3A_346 = vector.broadcast %parallel_loop3A_345 : i32 to vector<16xi32>
          %parallel_loop3A_347 = arith.addi %shift_left3A_9, %parallel_loop3A_346 : vector<16xi32>
          tpu.vector_store_idx %arg6[%parallel_loop3A_344, %parallel_loop3A_347], %parallel_loop3A_342 : memref<192x128xf32, #tpu.memory_space<vmem>>[vector<16xi32>, vector<16xi32>], vector<16xf32>,
          %parallel_loop3A_348 = arith.constant 29 : i32
          %parallel_loop3A_349 = arith.index_cast %parallel_loop3A_348 : i32 to index
          %parallel_loop3A_350 = arith.index_cast %parallel_loop3A_84 : i32 to index
          %parallel_loop3A_351 = tpu.vector_load %arg4[%parallel_loop3A_349, %parallel_loop3A_350] {strides = array<i32>} : memref<32x768xf32, #tpu.memory_space<vmem>>, vector<16xf32>,
          %parallel_loop3A_352 = vector.broadcast %parallel_loop3A_86 : i32 to vector<16xi32>
          %parallel_loop3A_353 = arith.addi %shift_right_logical3A_5, %parallel_loop3A_352 : vector<16xi32>
          %parallel_loop3A_354 = arith.constant 29 : i32
          %parallel_loop3A_355 = vector.broadcast %parallel_loop3A_354 : i32 to vector<16xi32>
          %parallel_loop3A_356 = arith.addi %shift_left3A_9, %parallel_loop3A_355 : vector<16xi32>
          tpu.vector_store_idx %arg6[%parallel_loop3A_353, %parallel_loop3A_356], %parallel_loop3A_351 : memref<192x128xf32, #tpu.memory_space<vmem>>[vector<16xi32>, vector<16xi32>], vector<16xf32>,
          %parallel_loop3A_357 = arith.constant 30 : i32
          %parallel_loop3A_358 = arith.index_cast %parallel_loop3A_357 : i32 to index
          %parallel_loop3A_359 = arith.index_cast %parallel_loop3A_84 : i32 to index
          %parallel_loop3A_360 = tpu.vector_load %arg4[%parallel_loop3A_358, %parallel_loop3A_359] {strides = array<i32>} : memref<32x768xf32, #tpu.memory_space<vmem>>, vector<16xf32>,
          %parallel_loop3A_361 = vector.broadcast %parallel_loop3A_86 : i32 to vector<16xi32>
          %parallel_loop3A_362 = arith.addi %shift_right_logical3A_5, %parallel_loop3A_361 : vector<16xi32>
          %parallel_loop3A_363 = arith.constant 30 : i32
          %parallel_loop3A_364 = vector.broadcast %parallel_loop3A_363 : i32 to vector<16xi32>
          %parallel_loop3A_365 = arith.addi %shift_left3A_9, %parallel_loop3A_364 : vector<16xi32>
          tpu.vector_store_idx %arg6[%parallel_loop3A_362, %parallel_loop3A_365], %parallel_loop3A_360 : memref<192x128xf32, #tpu.memory_space<vmem>>[vector<16xi32>, vector<16xi32>], vector<16xf32>,
          %parallel_loop3A_366 = arith.constant 31 : i32
          %parallel_loop3A_367 = arith.index_cast %parallel_loop3A_366 : i32 to index
          %parallel_loop3A_368 = arith.index_cast %parallel_loop3A_84 : i32 to index
          %parallel_loop3A_369 = tpu.vector_load %arg4[%parallel_loop3A_367, %parallel_loop3A_368] {strides = array<i32>} : memref<32x768xf32, #tpu.memory_space<vmem>>, vector<16xf32>,
          %parallel_loop3A_370 = vector.broadcast %parallel_loop3A_86 : i32 to vector<16xi32>
          %parallel_loop3A_371 = arith.addi %shift_right_logical3A_5, %parallel_loop3A_370 : vector<16xi32>
          %parallel_loop3A_372 = arith.constant 31 : i32
          %parallel_loop3A_373 = vector.broadcast %parallel_loop3A_372 : i32 to vector<16xi32>
          %parallel_loop3A_374 = arith.addi %shift_left3A_9, %parallel_loop3A_373 : vector<16xi32>
          tpu.vector_store_idx %arg6[%parallel_loop3A_371, %parallel_loop3A_374], %parallel_loop3A_369 : memref<192x128xf32, #tpu.memory_space<vmem>>[vector<16xi32>, vector<16xi32>], vector<16xf32>,
        } {sc.loop_unroll_factor = 2 : i64, sc.parallel_access}
        %mul3A_76 = arith.constant 192 : i32
        %mul3A_77 = arith.muli %add3A_57, %mul3A_76 : i32
        %dma_start3A_78 = arith.constant 0 : i32
        %dma_start3A_79 = tpu.memref_slice %arg3[%mul3A_77, %dma_start3A_78] : memref<250000x128xf32, #tpu.memory_space<hbm>> -> memref<192x128xf32, #tpu.memory_space<hbm>>
        %dma_start3A_80 = arith.constant 0 : i32
        %dma_start3A_81 = tpu.memref_slice %arg3[%mul3A_77, %dma_start3A_80] : memref<250000x128xf32, #tpu.memory_space<hbm>> -> memref<192x128xf32, #tpu.memory_space<hbm>>
        tpu.enqueue_dma source(%arg6 : memref<192x128xf32, #tpu.memory_space<vmem>>) target(%dma_start3A_81 : memref<192x128xf32, #tpu.memory_space<hbm>>) target_semaphore(%arg12 : memref<!tpu.dma_semaphore, #tpu.memory_space<semaphore_mem>>)
      } else {
      }
      %and3A_48 = arith.constant 1 : i32
      %and3A_49 = arith.andi %while3A_40, %and3A_48 : i32
      %eq3A_50 = arith.constant 1 : i32
      %eq3A_51 = arith.cmpi eq, %and3A_49, %eq3A_50 : i32
      %convert_element_type3A_52 = arith.extui %eq3A_51 : i1 to i32
      %cond3A_53 = arith.constant 0 : i32
      %cond3A_54 = arith.cmpi ne, %convert_element_type3A_52, %cond3A_53 : i32
      scf.if %cond3A_54 {
        %mul3A_55 = arith.constant 32 : i32
        %mul3A_56 = arith.muli %mul3A_55, %while3A_40 : i32
        %add3A_57 = arith.addi %add3A, %mul3A_56 : i32
        %add3A_58 = arith.constant 1 : i32
        %add3A_59 = arith.addi %while3A_40, %add3A_58 : i32
        %lt3A_60 = arith.cmpi slt, %add3A_59, %add3A_3 : i32
        %convert_element_type3A_61 = arith.extui %lt3A_60 : i1 to i32
        %cond3A_62 = arith.constant 0 : i32
        %cond3A_63 = arith.cmpi ne, %convert_element_type3A_61, %cond3A_62 : i32
        scf.if %cond3A_63 {
          %add3A_82 = arith.constant 1 : i32
          %add3A_83 = arith.addi %while3A_40, %add3A_82 : i32
          %mul3A_84 = arith.constant 32 : i32
          %mul3A_85 = arith.muli %mul3A_84, %add3A_83 : i32
          %add3A_86 = arith.addi %add3A, %mul3A_85 : i32
          %mul3A_87 = arith.constant 768 : i32
          %mul3A_88 = arith.muli %add3A_86, %mul3A_87 : i32
          %multiple_of3A_89 = tpu.assume_multiple %mul3A_88, 128 : i32
          %dma_start3A_90 = arith.constant 0 : i32
          %dma_start3A_91 = tpu.memref_slice %arg2[%dma_start3A_90, %multiple_of3A_89] : memref<32x1000000xf32, #tpu.memory_space<hbm>> -> memref<32x768xf32, #tpu.memory_space<hbm>>
          %dma_start3A_92 = arith.constant 0 : i32
          %dma_start3A_93 = tpu.memref_slice %arg2[%dma_start3A_92, %multiple_of3A_89] : memref<32x1000000xf32, #tpu.memory_space<hbm>> -> memref<32x768xf32, #tpu.memory_space<hbm>>
          tpu.enqueue_dma source(%dma_start3A_93 : memref<32x768xf32, #tpu.memory_space<hbm>>) target(%arg4 : memref<32x768xf32, #tpu.memory_space<vmem>>) target_semaphore(%arg10 : memref<!tpu.dma_semaphore, #tpu.memory_space<semaphore_mem>>)
        } else {
        }
        %dma_wait3A_64 = arith.constant 0 : i32
        %dma_wait3A_65 = arith.constant 0 : i32
        %dma_wait3A_66 = tpu.memref_slice %arg2[%dma_wait3A_64, %dma_wait3A_65] : memref<32x1000000xf32, #tpu.memory_space<hbm>> -> memref<32x768xf32, #tpu.memory_space<hbm>>
        %dma_wait3A_67 = arith.constant 0 : i32
        %dma_wait3A_68 = arith.constant 0 : i32
        %dma_wait3A_69 = tpu.memref_slice %arg2[%dma_wait3A_67, %dma_wait3A_68] : memref<32x1000000xf32, #tpu.memory_space<hbm>> -> memref<32x768xf32, #tpu.memory_space<hbm>>
        tpu.wait_dma2 semaphore(%arg11 : memref<!tpu.dma_semaphore, #tpu.memory_space<semaphore_mem>>) src(%dma_wait3A_69 : memref<32x768xf32, #tpu.memory_space<hbm>>) dst(%arg5 : memref<32x768xf32, #tpu.memory_space<vmem>>)
        %ge3A = arith.constant 2 : i32
        %ge3A_70 = arith.cmpi sge, %while3A_40, %ge3A : i32
        %convert_element_type3A_71 = arith.extui %ge3A_70 : i1 to i32
        %cond3A_72 = arith.constant 0 : i32
        %cond3A_73 = arith.cmpi ne, %convert_element_type3A_71, %cond3A_72 : i32
        scf.if %cond3A_73 {
          %dma_wait3A_82 = arith.constant 0 : i32
          %dma_wait3A_83 = arith.constant 0 : i32
          %dma_wait3A_84 = tpu.memref_slice %arg3[%dma_wait3A_82, %dma_wait3A_83] : memref<250000x128xf32, #tpu.memory_space<hbm>> -> memref<192x128xf32, #tpu.memory_space<hbm>>
          %dma_wait3A_85 = arith.constant 0 : i32
          %dma_wait3A_86 = arith.constant 0 : i32
          %dma_wait3A_87 = tpu.memref_slice %arg3[%dma_wait3A_85, %dma_wait3A_86] : memref<250000x128xf32, #tpu.memory_space<hbm>> -> memref<192x128xf32, #tpu.memory_space<hbm>>
          tpu.wait_dma2 semaphore(%arg13 : memref<!tpu.dma_semaphore, #tpu.memory_space<semaphore_mem>>) src(%arg7 : memref<192x128xf32, #tpu.memory_space<vmem>>) dst(%dma_wait3A_87 : memref<192x128xf32, #tpu.memory_space<hbm>>)
        } else {
        }
        %parallel_loop3A = arith.constant 0 : i32
        %parallel_loop3A_74 = arith.constant 48 : i32
        %parallel_loop3A_75 = arith.constant 1 : i32
        scf.for %parallel_loop3A_82 = %parallel_loop3A to %parallel_loop3A_74 step %parallel_loop3A_75  : i32 {
          %parallel_loop3A_83 = arith.constant 16 : i32
          %parallel_loop3A_84 = arith.muli %parallel_loop3A_82, %parallel_loop3A_83 : i32
          %parallel_loop3A_85 = arith.constant 4 : i32
          %parallel_loop3A_86 = arith.muli %parallel_loop3A_82, %parallel_loop3A_85 : i32
          %parallel_loop3A_87 = arith.constant 0 : i32
          %parallel_loop3A_88 = arith.index_cast %parallel_loop3A_87 : i32 to index
          %parallel_loop3A_89 = arith.index_cast %parallel_loop3A_84 : i32 to index
          %parallel_loop3A_90 = tpu.vector_load %arg5[%parallel_loop3A_88, %parallel_loop3A_89] {strides = array<i32>} : memref<32x768xf32, #tpu.memory_space<vmem>>, vector<16xf32>,
          %parallel_loop3A_91 = vector.broadcast %parallel_loop3A_86 : i32 to vector<16xi32>
          %parallel_loop3A_92 = arith.addi %shift_right_logical3A_5, %parallel_loop3A_91 : vector<16xi32>
          %parallel_loop3A_93 = arith.constant 0 : i32
          %parallel_loop3A_94 = vector.broadcast %parallel_loop3A_93 : i32 to vector<16xi32>
          %parallel_loop3A_95 = arith.addi %shift_left3A_9, %parallel_loop3A_94 : vector<16xi32>
          tpu.vector_store_idx %arg7[%parallel_loop3A_92, %parallel_loop3A_95], %parallel_loop3A_90 : memref<192x128xf32, #tpu.memory_space<vmem>>[vector<16xi32>, vector<16xi32>], vector<16xf32>,
          %parallel_loop3A_96 = arith.constant 1 : i32
          %parallel_loop3A_97 = arith.index_cast %parallel_loop3A_96 : i32 to index
          %parallel_loop3A_98 = arith.index_cast %parallel_loop3A_84 : i32 to index
          %parallel_loop3A_99 = tpu.vector_load %arg5[%parallel_loop3A_97, %parallel_loop3A_98] {strides = array<i32>} : memref<32x768xf32, #tpu.memory_space<vmem>>, vector<16xf32>,
          %parallel_loop3A_100 = vector.broadcast %parallel_loop3A_86 : i32 to vector<16xi32>
          %parallel_loop3A_101 = arith.addi %shift_right_logical3A_5, %parallel_loop3A_100 : vector<16xi32>
          %parallel_loop3A_102 = arith.constant 1 : i32
          %parallel_loop3A_103 = vector.broadcast %parallel_loop3A_102 : i32 to vector<16xi32>
          %parallel_loop3A_104 = arith.addi %shift_left3A_9, %parallel_loop3A_103 : vector<16xi32>
          tpu.vector_store_idx %arg7[%parallel_loop3A_101, %parallel_loop3A_104], %parallel_loop3A_99 : memref<192x128xf32, #tpu.memory_space<vmem>>[vector<16xi32>, vector<16xi32>], vector<16xf32>,
          %parallel_loop3A_105 = arith.constant 2 : i32
          %parallel_loop3A_106 = arith.index_cast %parallel_loop3A_105 : i32 to index
          %parallel_loop3A_107 = arith.index_cast %parallel_loop3A_84 : i32 to index
          %parallel_loop3A_108 = tpu.vector_load %arg5[%parallel_loop3A_106, %parallel_loop3A_107] {strides = array<i32>} : memref<32x768xf32, #tpu.memory_space<vmem>>, vector<16xf32>,
          %parallel_loop3A_109 = vector.broadcast %parallel_loop3A_86 : i32 to vector<16xi32>
          %parallel_loop3A_110 = arith.addi %shift_right_logical3A_5, %parallel_loop3A_109 : vector<16xi32>
          %parallel_loop3A_111 = arith.constant 2 : i32
          %parallel_loop3A_112 = vector.broadcast %parallel_loop3A_111 : i32 to vector<16xi32>
          %parallel_loop3A_113 = arith.addi %shift_left3A_9, %parallel_loop3A_112 : vector<16xi32>
          tpu.vector_store_idx %arg7[%parallel_loop3A_110, %parallel_loop3A_113], %parallel_loop3A_108 : memref<192x128xf32, #tpu.memory_space<vmem>>[vector<16xi32>, vector<16xi32>], vector<16xf32>,
          %parallel_loop3A_114 = arith.constant 3 : i32
          %parallel_loop3A_115 = arith.index_cast %parallel_loop3A_114 : i32 to index
          %parallel_loop3A_116 = arith.index_cast %parallel_loop3A_84 : i32 to index
          %parallel_loop3A_117 = tpu.vector_load %arg5[%parallel_loop3A_115, %parallel_loop3A_116] {strides = array<i32>} : memref<32x768xf32, #tpu.memory_space<vmem>>, vector<16xf32>,
          %parallel_loop3A_118 = vector.broadcast %parallel_loop3A_86 : i32 to vector<16xi32>
          %parallel_loop3A_119 = arith.addi %shift_right_logical3A_5, %parallel_loop3A_118 : vector<16xi32>
          %parallel_loop3A_120 = arith.constant 3 : i32
          %parallel_loop3A_121 = vector.broadcast %parallel_loop3A_120 : i32 to vector<16xi32>
          %parallel_loop3A_122 = arith.addi %shift_left3A_9, %parallel_loop3A_121 : vector<16xi32>
          tpu.vector_store_idx %arg7[%parallel_loop3A_119, %parallel_loop3A_122], %parallel_loop3A_117 : memref<192x128xf32, #tpu.memory_space<vmem>>[vector<16xi32>, vector<16xi32>], vector<16xf32>,
          %parallel_loop3A_123 = arith.constant 4 : i32
          %parallel_loop3A_124 = arith.index_cast %parallel_loop3A_123 : i32 to index
          %parallel_loop3A_125 = arith.index_cast %parallel_loop3A_84 : i32 to index
          %parallel_loop3A_126 = tpu.vector_load %arg5[%parallel_loop3A_124, %parallel_loop3A_125] {strides = array<i32>} : memref<32x768xf32, #tpu.memory_space<vmem>>, vector<16xf32>,
          %parallel_loop3A_127 = vector.broadcast %parallel_loop3A_86 : i32 to vector<16xi32>
          %parallel_loop3A_128 = arith.addi %shift_right_logical3A_5, %parallel_loop3A_127 : vector<16xi32>
          %parallel_loop3A_129 = arith.constant 4 : i32
          %parallel_loop3A_130 = vector.broadcast %parallel_loop3A_129 : i32 to vector<16xi32>
          %parallel_loop3A_131 = arith.addi %shift_left3A_9, %parallel_loop3A_130 : vector<16xi32>
          tpu.vector_store_idx %arg7[%parallel_loop3A_128, %parallel_loop3A_131], %parallel_loop3A_126 : memref<192x128xf32, #tpu.memory_space<vmem>>[vector<16xi32>, vector<16xi32>], vector<16xf32>,
          %parallel_loop3A_132 = arith.constant 5 : i32
          %parallel_loop3A_133 = arith.index_cast %parallel_loop3A_132 : i32 to index
          %parallel_loop3A_134 = arith.index_cast %parallel_loop3A_84 : i32 to index
          %parallel_loop3A_135 = tpu.vector_load %arg5[%parallel_loop3A_133, %parallel_loop3A_134] {strides = array<i32>} : memref<32x768xf32, #tpu.memory_space<vmem>>, vector<16xf32>,
          %parallel_loop3A_136 = vector.broadcast %parallel_loop3A_86 : i32 to vector<16xi32>
          %parallel_loop3A_137 = arith.addi %shift_right_logical3A_5, %parallel_loop3A_136 : vector<16xi32>
          %parallel_loop3A_138 = arith.constant 5 : i32
          %parallel_loop3A_139 = vector.broadcast %parallel_loop3A_138 : i32 to vector<16xi32>
          %parallel_loop3A_140 = arith.addi %shift_left3A_9, %parallel_loop3A_139 : vector<16xi32>
          tpu.vector_store_idx %arg7[%parallel_loop3A_137, %parallel_loop3A_140], %parallel_loop3A_135 : memref<192x128xf32, #tpu.memory_space<vmem>>[vector<16xi32>, vector<16xi32>], vector<16xf32>,
          %parallel_loop3A_141 = arith.constant 6 : i32
          %parallel_loop3A_142 = arith.index_cast %parallel_loop3A_141 : i32 to index
          %parallel_loop3A_143 = arith.index_cast %parallel_loop3A_84 : i32 to index
          %parallel_loop3A_144 = tpu.vector_load %arg5[%parallel_loop3A_142, %parallel_loop3A_143] {strides = array<i32>} : memref<32x768xf32, #tpu.memory_space<vmem>>, vector<16xf32>,
          %parallel_loop3A_145 = vector.broadcast %parallel_loop3A_86 : i32 to vector<16xi32>
          %parallel_loop3A_146 = arith.addi %shift_right_logical3A_5, %parallel_loop3A_145 : vector<16xi32>
          %parallel_loop3A_147 = arith.constant 6 : i32
          %parallel_loop3A_148 = vector.broadcast %parallel_loop3A_147 : i32 to vector<16xi32>
          %parallel_loop3A_149 = arith.addi %shift_left3A_9, %parallel_loop3A_148 : vector<16xi32>
          tpu.vector_store_idx %arg7[%parallel_loop3A_146, %parallel_loop3A_149], %parallel_loop3A_144 : memref<192x128xf32, #tpu.memory_space<vmem>>[vector<16xi32>, vector<16xi32>], vector<16xf32>,
          %parallel_loop3A_150 = arith.constant 7 : i32
          %parallel_loop3A_151 = arith.index_cast %parallel_loop3A_150 : i32 to index
          %parallel_loop3A_152 = arith.index_cast %parallel_loop3A_84 : i32 to index
          %parallel_loop3A_153 = tpu.vector_load %arg5[%parallel_loop3A_151, %parallel_loop3A_152] {strides = array<i32>} : memref<32x768xf32, #tpu.memory_space<vmem>>, vector<16xf32>,
          %parallel_loop3A_154 = vector.broadcast %parallel_loop3A_86 : i32 to vector<16xi32>
          %parallel_loop3A_155 = arith.addi %shift_right_logical3A_5, %parallel_loop3A_154 : vector<16xi32>
          %parallel_loop3A_156 = arith.constant 7 : i32
          %parallel_loop3A_157 = vector.broadcast %parallel_loop3A_156 : i32 to vector<16xi32>
          %parallel_loop3A_158 = arith.addi %shift_left3A_9, %parallel_loop3A_157 : vector<16xi32>
          tpu.vector_store_idx %arg7[%parallel_loop3A_155, %parallel_loop3A_158], %parallel_loop3A_153 : memref<192x128xf32, #tpu.memory_space<vmem>>[vector<16xi32>, vector<16xi32>], vector<16xf32>,
          %parallel_loop3A_159 = arith.constant 8 : i32
          %parallel_loop3A_160 = arith.index_cast %parallel_loop3A_159 : i32 to index
          %parallel_loop3A_161 = arith.index_cast %parallel_loop3A_84 : i32 to index
          %parallel_loop3A_162 = tpu.vector_load %arg5[%parallel_loop3A_160, %parallel_loop3A_161] {strides = array<i32>} : memref<32x768xf32, #tpu.memory_space<vmem>>, vector<16xf32>,
          %parallel_loop3A_163 = vector.broadcast %parallel_loop3A_86 : i32 to vector<16xi32>
          %parallel_loop3A_164 = arith.addi %shift_right_logical3A_5, %parallel_loop3A_163 : vector<16xi32>
          %parallel_loop3A_165 = arith.constant 8 : i32
          %parallel_loop3A_166 = vector.broadcast %parallel_loop3A_165 : i32 to vector<16xi32>
          %parallel_loop3A_167 = arith.addi %shift_left3A_9, %parallel_loop3A_166 : vector<16xi32>
          tpu.vector_store_idx %arg7[%parallel_loop3A_164, %parallel_loop3A_167], %parallel_loop3A_162 : memref<192x128xf32, #tpu.memory_space<vmem>>[vector<16xi32>, vector<16xi32>], vector<16xf32>,
          %parallel_loop3A_168 = arith.constant 9 : i32
          %parallel_loop3A_169 = arith.index_cast %parallel_loop3A_168 : i32 to index
          %parallel_loop3A_170 = arith.index_cast %parallel_loop3A_84 : i32 to index
          %parallel_loop3A_171 = tpu.vector_load %arg5[%parallel_loop3A_169, %parallel_loop3A_170] {strides = array<i32>} : memref<32x768xf32, #tpu.memory_space<vmem>>, vector<16xf32>,
          %parallel_loop3A_172 = vector.broadcast %parallel_loop3A_86 : i32 to vector<16xi32>
          %parallel_loop3A_173 = arith.addi %shift_right_logical3A_5, %parallel_loop3A_172 : vector<16xi32>
          %parallel_loop3A_174 = arith.constant 9 : i32
          %parallel_loop3A_175 = vector.broadcast %parallel_loop3A_174 : i32 to vector<16xi32>
          %parallel_loop3A_176 = arith.addi %shift_left3A_9, %parallel_loop3A_175 : vector<16xi32>
          tpu.vector_store_idx %arg7[%parallel_loop3A_173, %parallel_loop3A_176], %parallel_loop3A_171 : memref<192x128xf32, #tpu.memory_space<vmem>>[vector<16xi32>, vector<16xi32>], vector<16xf32>,
          %parallel_loop3A_177 = arith.constant 10 : i32
          %parallel_loop3A_178 = arith.index_cast %parallel_loop3A_177 : i32 to index
          %parallel_loop3A_179 = arith.index_cast %parallel_loop3A_84 : i32 to index
          %parallel_loop3A_180 = tpu.vector_load %arg5[%parallel_loop3A_178, %parallel_loop3A_179] {strides = array<i32>} : memref<32x768xf32, #tpu.memory_space<vmem>>, vector<16xf32>,
          %parallel_loop3A_181 = vector.broadcast %parallel_loop3A_86 : i32 to vector<16xi32>
          %parallel_loop3A_182 = arith.addi %shift_right_logical3A_5, %parallel_loop3A_181 : vector<16xi32>
          %parallel_loop3A_183 = arith.constant 10 : i32
          %parallel_loop3A_184 = vector.broadcast %parallel_loop3A_183 : i32 to vector<16xi32>
          %parallel_loop3A_185 = arith.addi %shift_left3A_9, %parallel_loop3A_184 : vector<16xi32>
          tpu.vector_store_idx %arg7[%parallel_loop3A_182, %parallel_loop3A_185], %parallel_loop3A_180 : memref<192x128xf32, #tpu.memory_space<vmem>>[vector<16xi32>, vector<16xi32>], vector<16xf32>,
          %parallel_loop3A_186 = arith.constant 11 : i32
          %parallel_loop3A_187 = arith.index_cast %parallel_loop3A_186 : i32 to index
          %parallel_loop3A_188 = arith.index_cast %parallel_loop3A_84 : i32 to index
          %parallel_loop3A_189 = tpu.vector_load %arg5[%parallel_loop3A_187, %parallel_loop3A_188] {strides = array<i32>} : memref<32x768xf32, #tpu.memory_space<vmem>>, vector<16xf32>,
          %parallel_loop3A_190 = vector.broadcast %parallel_loop3A_86 : i32 to vector<16xi32>
          %parallel_loop3A_191 = arith.addi %shift_right_logical3A_5, %parallel_loop3A_190 : vector<16xi32>
          %parallel_loop3A_192 = arith.constant 11 : i32
          %parallel_loop3A_193 = vector.broadcast %parallel_loop3A_192 : i32 to vector<16xi32>
          %parallel_loop3A_194 = arith.addi %shift_left3A_9, %parallel_loop3A_193 : vector<16xi32>
          tpu.vector_store_idx %arg7[%parallel_loop3A_191, %parallel_loop3A_194], %parallel_loop3A_189 : memref<192x128xf32, #tpu.memory_space<vmem>>[vector<16xi32>, vector<16xi32>], vector<16xf32>,
          %parallel_loop3A_195 = arith.constant 12 : i32
          %parallel_loop3A_196 = arith.index_cast %parallel_loop3A_195 : i32 to index
          %parallel_loop3A_197 = arith.index_cast %parallel_loop3A_84 : i32 to index
          %parallel_loop3A_198 = tpu.vector_load %arg5[%parallel_loop3A_196, %parallel_loop3A_197] {strides = array<i32>} : memref<32x768xf32, #tpu.memory_space<vmem>>, vector<16xf32>,
          %parallel_loop3A_199 = vector.broadcast %parallel_loop3A_86 : i32 to vector<16xi32>
          %parallel_loop3A_200 = arith.addi %shift_right_logical3A_5, %parallel_loop3A_199 : vector<16xi32>
          %parallel_loop3A_201 = arith.constant 12 : i32
          %parallel_loop3A_202 = vector.broadcast %parallel_loop3A_201 : i32 to vector<16xi32>
          %parallel_loop3A_203 = arith.addi %shift_left3A_9, %parallel_loop3A_202 : vector<16xi32>
          tpu.vector_store_idx %arg7[%parallel_loop3A_200, %parallel_loop3A_203], %parallel_loop3A_198 : memref<192x128xf32, #tpu.memory_space<vmem>>[vector<16xi32>, vector<16xi32>], vector<16xf32>,
          %parallel_loop3A_204 = arith.constant 13 : i32
          %parallel_loop3A_205 = arith.index_cast %parallel_loop3A_204 : i32 to index
          %parallel_loop3A_206 = arith.index_cast %parallel_loop3A_84 : i32 to index
          %parallel_loop3A_207 = tpu.vector_load %arg5[%parallel_loop3A_205, %parallel_loop3A_206] {strides = array<i32>} : memref<32x768xf32, #tpu.memory_space<vmem>>, vector<16xf32>,
          %parallel_loop3A_208 = vector.broadcast %parallel_loop3A_86 : i32 to vector<16xi32>
          %parallel_loop3A_209 = arith.addi %shift_right_logical3A_5, %parallel_loop3A_208 : vector<16xi32>
          %parallel_loop3A_210 = arith.constant 13 : i32
          %parallel_loop3A_211 = vector.broadcast %parallel_loop3A_210 : i32 to vector<16xi32>
          %parallel_loop3A_212 = arith.addi %shift_left3A_9, %parallel_loop3A_211 : vector<16xi32>
          tpu.vector_store_idx %arg7[%parallel_loop3A_209, %parallel_loop3A_212], %parallel_loop3A_207 : memref<192x128xf32, #tpu.memory_space<vmem>>[vector<16xi32>, vector<16xi32>], vector<16xf32>,
          %parallel_loop3A_213 = arith.constant 14 : i32
          %parallel_loop3A_214 = arith.index_cast %parallel_loop3A_213 : i32 to index
          %parallel_loop3A_215 = arith.index_cast %parallel_loop3A_84 : i32 to index
          %parallel_loop3A_216 = tpu.vector_load %arg5[%parallel_loop3A_214, %parallel_loop3A_215] {strides = array<i32>} : memref<32x768xf32, #tpu.memory_space<vmem>>, vector<16xf32>,
          %parallel_loop3A_217 = vector.broadcast %parallel_loop3A_86 : i32 to vector<16xi32>
          %parallel_loop3A_218 = arith.addi %shift_right_logical3A_5, %parallel_loop3A_217 : vector<16xi32>
          %parallel_loop3A_219 = arith.constant 14 : i32
          %parallel_loop3A_220 = vector.broadcast %parallel_loop3A_219 : i32 to vector<16xi32>
          %parallel_loop3A_221 = arith.addi %shift_left3A_9, %parallel_loop3A_220 : vector<16xi32>
          tpu.vector_store_idx %arg7[%parallel_loop3A_218, %parallel_loop3A_221], %parallel_loop3A_216 : memref<192x128xf32, #tpu.memory_space<vmem>>[vector<16xi32>, vector<16xi32>], vector<16xf32>,
          %parallel_loop3A_222 = arith.constant 15 : i32
          %parallel_loop3A_223 = arith.index_cast %parallel_loop3A_222 : i32 to index
          %parallel_loop3A_224 = arith.index_cast %parallel_loop3A_84 : i32 to index
          %parallel_loop3A_225 = tpu.vector_load %arg5[%parallel_loop3A_223, %parallel_loop3A_224] {strides = array<i32>} : memref<32x768xf32, #tpu.memory_space<vmem>>, vector<16xf32>,
          %parallel_loop3A_226 = vector.broadcast %parallel_loop3A_86 : i32 to vector<16xi32>
          %parallel_loop3A_227 = arith.addi %shift_right_logical3A_5, %parallel_loop3A_226 : vector<16xi32>
          %parallel_loop3A_228 = arith.constant 15 : i32
          %parallel_loop3A_229 = vector.broadcast %parallel_loop3A_228 : i32 to vector<16xi32>
          %parallel_loop3A_230 = arith.addi %shift_left3A_9, %parallel_loop3A_229 : vector<16xi32>
          tpu.vector_store_idx %arg7[%parallel_loop3A_227, %parallel_loop3A_230], %parallel_loop3A_225 : memref<192x128xf32, #tpu.memory_space<vmem>>[vector<16xi32>, vector<16xi32>], vector<16xf32>,
          %parallel_loop3A_231 = arith.constant 16 : i32
          %parallel_loop3A_232 = arith.index_cast %parallel_loop3A_231 : i32 to index
          %parallel_loop3A_233 = arith.index_cast %parallel_loop3A_84 : i32 to index
          %parallel_loop3A_234 = tpu.vector_load %arg5[%parallel_loop3A_232, %parallel_loop3A_233] {strides = array<i32>} : memref<32x768xf32, #tpu.memory_space<vmem>>, vector<16xf32>,
          %parallel_loop3A_235 = vector.broadcast %parallel_loop3A_86 : i32 to vector<16xi32>
          %parallel_loop3A_236 = arith.addi %shift_right_logical3A_5, %parallel_loop3A_235 : vector<16xi32>
          %parallel_loop3A_237 = arith.constant 16 : i32
          %parallel_loop3A_238 = vector.broadcast %parallel_loop3A_237 : i32 to vector<16xi32>
          %parallel_loop3A_239 = arith.addi %shift_left3A_9, %parallel_loop3A_238 : vector<16xi32>
          tpu.vector_store_idx %arg7[%parallel_loop3A_236, %parallel_loop3A_239], %parallel_loop3A_234 : memref<192x128xf32, #tpu.memory_space<vmem>>[vector<16xi32>, vector<16xi32>], vector<16xf32>,
          %parallel_loop3A_240 = arith.constant 17 : i32
          %parallel_loop3A_241 = arith.index_cast %parallel_loop3A_240 : i32 to index
          %parallel_loop3A_242 = arith.index_cast %parallel_loop3A_84 : i32 to index
          %parallel_loop3A_243 = tpu.vector_load %arg5[%parallel_loop3A_241, %parallel_loop3A_242] {strides = array<i32>} : memref<32x768xf32, #tpu.memory_space<vmem>>, vector<16xf32>,
          %parallel_loop3A_244 = vector.broadcast %parallel_loop3A_86 : i32 to vector<16xi32>
          %parallel_loop3A_245 = arith.addi %shift_right_logical3A_5, %parallel_loop3A_244 : vector<16xi32>
          %parallel_loop3A_246 = arith.constant 17 : i32
          %parallel_loop3A_247 = vector.broadcast %parallel_loop3A_246 : i32 to vector<16xi32>
          %parallel_loop3A_248 = arith.addi %shift_left3A_9, %parallel_loop3A_247 : vector<16xi32>
          tpu.vector_store_idx %arg7[%parallel_loop3A_245, %parallel_loop3A_248], %parallel_loop3A_243 : memref<192x128xf32, #tpu.memory_space<vmem>>[vector<16xi32>, vector<16xi32>], vector<16xf32>,
          %parallel_loop3A_249 = arith.constant 18 : i32
          %parallel_loop3A_250 = arith.index_cast %parallel_loop3A_249 : i32 to index
          %parallel_loop3A_251 = arith.index_cast %parallel_loop3A_84 : i32 to index
          %parallel_loop3A_252 = tpu.vector_load %arg5[%parallel_loop3A_250, %parallel_loop3A_251] {strides = array<i32>} : memref<32x768xf32, #tpu.memory_space<vmem>>, vector<16xf32>,
          %parallel_loop3A_253 = vector.broadcast %parallel_loop3A_86 : i32 to vector<16xi32>
          %parallel_loop3A_254 = arith.addi %shift_right_logical3A_5, %parallel_loop3A_253 : vector<16xi32>
          %parallel_loop3A_255 = arith.constant 18 : i32
          %parallel_loop3A_256 = vector.broadcast %parallel_loop3A_255 : i32 to vector<16xi32>
          %parallel_loop3A_257 = arith.addi %shift_left3A_9, %parallel_loop3A_256 : vector<16xi32>
          tpu.vector_store_idx %arg7[%parallel_loop3A_254, %parallel_loop3A_257], %parallel_loop3A_252 : memref<192x128xf32, #tpu.memory_space<vmem>>[vector<16xi32>, vector<16xi32>], vector<16xf32>,
          %parallel_loop3A_258 = arith.constant 19 : i32
          %parallel_loop3A_259 = arith.index_cast %parallel_loop3A_258 : i32 to index
          %parallel_loop3A_260 = arith.index_cast %parallel_loop3A_84 : i32 to index
          %parallel_loop3A_261 = tpu.vector_load %arg5[%parallel_loop3A_259, %parallel_loop3A_260] {strides = array<i32>} : memref<32x768xf32, #tpu.memory_space<vmem>>, vector<16xf32>,
          %parallel_loop3A_262 = vector.broadcast %parallel_loop3A_86 : i32 to vector<16xi32>
          %parallel_loop3A_263 = arith.addi %shift_right_logical3A_5, %parallel_loop3A_262 : vector<16xi32>
          %parallel_loop3A_264 = arith.constant 19 : i32
          %parallel_loop3A_265 = vector.broadcast %parallel_loop3A_264 : i32 to vector<16xi32>
          %parallel_loop3A_266 = arith.addi %shift_left3A_9, %parallel_loop3A_265 : vector<16xi32>
          tpu.vector_store_idx %arg7[%parallel_loop3A_263, %parallel_loop3A_266], %parallel_loop3A_261 : memref<192x128xf32, #tpu.memory_space<vmem>>[vector<16xi32>, vector<16xi32>], vector<16xf32>,
          %parallel_loop3A_267 = arith.constant 20 : i32
          %parallel_loop3A_268 = arith.index_cast %parallel_loop3A_267 : i32 to index
          %parallel_loop3A_269 = arith.index_cast %parallel_loop3A_84 : i32 to index
          %parallel_loop3A_270 = tpu.vector_load %arg5[%parallel_loop3A_268, %parallel_loop3A_269] {strides = array<i32>} : memref<32x768xf32, #tpu.memory_space<vmem>>, vector<16xf32>,
          %parallel_loop3A_271 = vector.broadcast %parallel_loop3A_86 : i32 to vector<16xi32>
          %parallel_loop3A_272 = arith.addi %shift_right_logical3A_5, %parallel_loop3A_271 : vector<16xi32>
          %parallel_loop3A_273 = arith.constant 20 : i32
          %parallel_loop3A_274 = vector.broadcast %parallel_loop3A_273 : i32 to vector<16xi32>
          %parallel_loop3A_275 = arith.addi %shift_left3A_9, %parallel_loop3A_274 : vector<16xi32>
          tpu.vector_store_idx %arg7[%parallel_loop3A_272, %parallel_loop3A_275], %parallel_loop3A_270 : memref<192x128xf32, #tpu.memory_space<vmem>>[vector<16xi32>, vector<16xi32>], vector<16xf32>,
          %parallel_loop3A_276 = arith.constant 21 : i32
          %parallel_loop3A_277 = arith.index_cast %parallel_loop3A_276 : i32 to index
          %parallel_loop3A_278 = arith.index_cast %parallel_loop3A_84 : i32 to index
          %parallel_loop3A_279 = tpu.vector_load %arg5[%parallel_loop3A_277, %parallel_loop3A_278] {strides = array<i32>} : memref<32x768xf32, #tpu.memory_space<vmem>>, vector<16xf32>,
          %parallel_loop3A_280 = vector.broadcast %parallel_loop3A_86 : i32 to vector<16xi32>
          %parallel_loop3A_281 = arith.addi %shift_right_logical3A_5, %parallel_loop3A_280 : vector<16xi32>
          %parallel_loop3A_282 = arith.constant 21 : i32
          %parallel_loop3A_283 = vector.broadcast %parallel_loop3A_282 : i32 to vector<16xi32>
          %parallel_loop3A_284 = arith.addi %shift_left3A_9, %parallel_loop3A_283 : vector<16xi32>
          tpu.vector_store_idx %arg7[%parallel_loop3A_281, %parallel_loop3A_284], %parallel_loop3A_279 : memref<192x128xf32, #tpu.memory_space<vmem>>[vector<16xi32>, vector<16xi32>], vector<16xf32>,
          %parallel_loop3A_285 = arith.constant 22 : i32
          %parallel_loop3A_286 = arith.index_cast %parallel_loop3A_285 : i32 to index
          %parallel_loop3A_287 = arith.index_cast %parallel_loop3A_84 : i32 to index
          %parallel_loop3A_288 = tpu.vector_load %arg5[%parallel_loop3A_286, %parallel_loop3A_287] {strides = array<i32>} : memref<32x768xf32, #tpu.memory_space<vmem>>, vector<16xf32>,
          %parallel_loop3A_289 = vector.broadcast %parallel_loop3A_86 : i32 to vector<16xi32>
          %parallel_loop3A_290 = arith.addi %shift_right_logical3A_5, %parallel_loop3A_289 : vector<16xi32>
          %parallel_loop3A_291 = arith.constant 22 : i32
          %parallel_loop3A_292 = vector.broadcast %parallel_loop3A_291 : i32 to vector<16xi32>
          %parallel_loop3A_293 = arith.addi %shift_left3A_9, %parallel_loop3A_292 : vector<16xi32>
          tpu.vector_store_idx %arg7[%parallel_loop3A_290, %parallel_loop3A_293], %parallel_loop3A_288 : memref<192x128xf32, #tpu.memory_space<vmem>>[vector<16xi32>, vector<16xi32>], vector<16xf32>,
          %parallel_loop3A_294 = arith.constant 23 : i32
          %parallel_loop3A_295 = arith.index_cast %parallel_loop3A_294 : i32 to index
          %parallel_loop3A_296 = arith.index_cast %parallel_loop3A_84 : i32 to index
          %parallel_loop3A_297 = tpu.vector_load %arg5[%parallel_loop3A_295, %parallel_loop3A_296] {strides = array<i32>} : memref<32x768xf32, #tpu.memory_space<vmem>>, vector<16xf32>,
          %parallel_loop3A_298 = vector.broadcast %parallel_loop3A_86 : i32 to vector<16xi32>
          %parallel_loop3A_299 = arith.addi %shift_right_logical3A_5, %parallel_loop3A_298 : vector<16xi32>
          %parallel_loop3A_300 = arith.constant 23 : i32
          %parallel_loop3A_301 = vector.broadcast %parallel_loop3A_300 : i32 to vector<16xi32>
          %parallel_loop3A_302 = arith.addi %shift_left3A_9, %parallel_loop3A_301 : vector<16xi32>
          tpu.vector_store_idx %arg7[%parallel_loop3A_299, %parallel_loop3A_302], %parallel_loop3A_297 : memref<192x128xf32, #tpu.memory_space<vmem>>[vector<16xi32>, vector<16xi32>], vector<16xf32>,
          %parallel_loop3A_303 = arith.constant 24 : i32
          %parallel_loop3A_304 = arith.index_cast %parallel_loop3A_303 : i32 to index
          %parallel_loop3A_305 = arith.index_cast %parallel_loop3A_84 : i32 to index
          %parallel_loop3A_306 = tpu.vector_load %arg5[%parallel_loop3A_304, %parallel_loop3A_305] {strides = array<i32>} : memref<32x768xf32, #tpu.memory_space<vmem>>, vector<16xf32>,
          %parallel_loop3A_307 = vector.broadcast %parallel_loop3A_86 : i32 to vector<16xi32>
          %parallel_loop3A_308 = arith.addi %shift_right_logical3A_5, %parallel_loop3A_307 : vector<16xi32>
          %parallel_loop3A_309 = arith.constant 24 : i32
          %parallel_loop3A_310 = vector.broadcast %parallel_loop3A_309 : i32 to vector<16xi32>
          %parallel_loop3A_311 = arith.addi %shift_left3A_9, %parallel_loop3A_310 : vector<16xi32>
          tpu.vector_store_idx %arg7[%parallel_loop3A_308, %parallel_loop3A_311], %parallel_loop3A_306 : memref<192x128xf32, #tpu.memory_space<vmem>>[vector<16xi32>, vector<16xi32>], vector<16xf32>,
          %parallel_loop3A_312 = arith.constant 25 : i32
          %parallel_loop3A_313 = arith.index_cast %parallel_loop3A_312 : i32 to index
          %parallel_loop3A_314 = arith.index_cast %parallel_loop3A_84 : i32 to index
          %parallel_loop3A_315 = tpu.vector_load %arg5[%parallel_loop3A_313, %parallel_loop3A_314] {strides = array<i32>} : memref<32x768xf32, #tpu.memory_space<vmem>>, vector<16xf32>,
          %parallel_loop3A_316 = vector.broadcast %parallel_loop3A_86 : i32 to vector<16xi32>
          %parallel_loop3A_317 = arith.addi %shift_right_logical3A_5, %parallel_loop3A_316 : vector<16xi32>
          %parallel_loop3A_318 = arith.constant 25 : i32
          %parallel_loop3A_319 = vector.broadcast %parallel_loop3A_318 : i32 to vector<16xi32>
          %parallel_loop3A_320 = arith.addi %shift_left3A_9, %parallel_loop3A_319 : vector<16xi32>
          tpu.vector_store_idx %arg7[%parallel_loop3A_317, %parallel_loop3A_320], %parallel_loop3A_315 : memref<192x128xf32, #tpu.memory_space<vmem>>[vector<16xi32>, vector<16xi32>], vector<16xf32>,
          %parallel_loop3A_321 = arith.constant 26 : i32
          %parallel_loop3A_322 = arith.index_cast %parallel_loop3A_321 : i32 to index
          %parallel_loop3A_323 = arith.index_cast %parallel_loop3A_84 : i32 to index
          %parallel_loop3A_324 = tpu.vector_load %arg5[%parallel_loop3A_322, %parallel_loop3A_323] {strides = array<i32>} : memref<32x768xf32, #tpu.memory_space<vmem>>, vector<16xf32>,
          %parallel_loop3A_325 = vector.broadcast %parallel_loop3A_86 : i32 to vector<16xi32>
          %parallel_loop3A_326 = arith.addi %shift_right_logical3A_5, %parallel_loop3A_325 : vector<16xi32>
          %parallel_loop3A_327 = arith.constant 26 : i32
          %parallel_loop3A_328 = vector.broadcast %parallel_loop3A_327 : i32 to vector<16xi32>
          %parallel_loop3A_329 = arith.addi %shift_left3A_9, %parallel_loop3A_328 : vector<16xi32>
          tpu.vector_store_idx %arg7[%parallel_loop3A_326, %parallel_loop3A_329], %parallel_loop3A_324 : memref<192x128xf32, #tpu.memory_space<vmem>>[vector<16xi32>, vector<16xi32>], vector<16xf32>,
          %parallel_loop3A_330 = arith.constant 27 : i32
          %parallel_loop3A_331 = arith.index_cast %parallel_loop3A_330 : i32 to index
          %parallel_loop3A_332 = arith.index_cast %parallel_loop3A_84 : i32 to index
          %parallel_loop3A_333 = tpu.vector_load %arg5[%parallel_loop3A_331, %parallel_loop3A_332] {strides = array<i32>} : memref<32x768xf32, #tpu.memory_space<vmem>>, vector<16xf32>,
          %parallel_loop3A_334 = vector.broadcast %parallel_loop3A_86 : i32 to vector<16xi32>
          %parallel_loop3A_335 = arith.addi %shift_right_logical3A_5, %parallel_loop3A_334 : vector<16xi32>
          %parallel_loop3A_336 = arith.constant 27 : i32
          %parallel_loop3A_337 = vector.broadcast %parallel_loop3A_336 : i32 to vector<16xi32>
          %parallel_loop3A_338 = arith.addi %shift_left3A_9, %parallel_loop3A_337 : vector<16xi32>
          tpu.vector_store_idx %arg7[%parallel_loop3A_335, %parallel_loop3A_338], %parallel_loop3A_333 : memref<192x128xf32, #tpu.memory_space<vmem>>[vector<16xi32>, vector<16xi32>], vector<16xf32>,
          %parallel_loop3A_339 = arith.constant 28 : i32
          %parallel_loop3A_340 = arith.index_cast %parallel_loop3A_339 : i32 to index
          %parallel_loop3A_341 = arith.index_cast %parallel_loop3A_84 : i32 to index
          %parallel_loop3A_342 = tpu.vector_load %arg5[%parallel_loop3A_340, %parallel_loop3A_341] {strides = array<i32>} : memref<32x768xf32, #tpu.memory_space<vmem>>, vector<16xf32>,
          %parallel_loop3A_343 = vector.broadcast %parallel_loop3A_86 : i32 to vector<16xi32>
          %parallel_loop3A_344 = arith.addi %shift_right_logical3A_5, %parallel_loop3A_343 : vector<16xi32>
          %parallel_loop3A_345 = arith.constant 28 : i32
          %parallel_loop3A_346 = vector.broadcast %parallel_loop3A_345 : i32 to vector<16xi32>
          %parallel_loop3A_347 = arith.addi %shift_left3A_9, %parallel_loop3A_346 : vector<16xi32>
          tpu.vector_store_idx %arg7[%parallel_loop3A_344, %parallel_loop3A_347], %parallel_loop3A_342 : memref<192x128xf32, #tpu.memory_space<vmem>>[vector<16xi32>, vector<16xi32>], vector<16xf32>,
          %parallel_loop3A_348 = arith.constant 29 : i32
          %parallel_loop3A_349 = arith.index_cast %parallel_loop3A_348 : i32 to index
          %parallel_loop3A_350 = arith.index_cast %parallel_loop3A_84 : i32 to index
          %parallel_loop3A_351 = tpu.vector_load %arg5[%parallel_loop3A_349, %parallel_loop3A_350] {strides = array<i32>} : memref<32x768xf32, #tpu.memory_space<vmem>>, vector<16xf32>,
          %parallel_loop3A_352 = vector.broadcast %parallel_loop3A_86 : i32 to vector<16xi32>
          %parallel_loop3A_353 = arith.addi %shift_right_logical3A_5, %parallel_loop3A_352 : vector<16xi32>
          %parallel_loop3A_354 = arith.constant 29 : i32
          %parallel_loop3A_355 = vector.broadcast %parallel_loop3A_354 : i32 to vector<16xi32>
          %parallel_loop3A_356 = arith.addi %shift_left3A_9, %parallel_loop3A_355 : vector<16xi32>
          tpu.vector_store_idx %arg7[%parallel_loop3A_353, %parallel_loop3A_356], %parallel_loop3A_351 : memref<192x128xf32, #tpu.memory_space<vmem>>[vector<16xi32>, vector<16xi32>], vector<16xf32>,
          %parallel_loop3A_357 = arith.constant 30 : i32
          %parallel_loop3A_358 = arith.index_cast %parallel_loop3A_357 : i32 to index
          %parallel_loop3A_359 = arith.index_cast %parallel_loop3A_84 : i32 to index
          %parallel_loop3A_360 = tpu.vector_load %arg5[%parallel_loop3A_358, %parallel_loop3A_359] {strides = array<i32>} : memref<32x768xf32, #tpu.memory_space<vmem>>, vector<16xf32>,
          %parallel_loop3A_361 = vector.broadcast %parallel_loop3A_86 : i32 to vector<16xi32>
          %parallel_loop3A_362 = arith.addi %shift_right_logical3A_5, %parallel_loop3A_361 : vector<16xi32>
          %parallel_loop3A_363 = arith.constant 30 : i32
          %parallel_loop3A_364 = vector.broadcast %parallel_loop3A_363 : i32 to vector<16xi32>
          %parallel_loop3A_365 = arith.addi %shift_left3A_9, %parallel_loop3A_364 : vector<16xi32>
          tpu.vector_store_idx %arg7[%parallel_loop3A_362, %parallel_loop3A_365], %parallel_loop3A_360 : memref<192x128xf32, #tpu.memory_space<vmem>>[vector<16xi32>, vector<16xi32>], vector<16xf32>,
          %parallel_loop3A_366 = arith.constant 31 : i32
          %parallel_loop3A_367 = arith.index_cast %parallel_loop3A_366 : i32 to index
          %parallel_loop3A_368 = arith.index_cast %parallel_loop3A_84 : i32 to index
          %parallel_loop3A_369 = tpu.vector_load %arg5[%parallel_loop3A_367, %parallel_loop3A_368] {strides = array<i32>} : memref<32x768xf32, #tpu.memory_space<vmem>>, vector<16xf32>,
          %parallel_loop3A_370 = vector.broadcast %parallel_loop3A_86 : i32 to vector<16xi32>
          %parallel_loop3A_371 = arith.addi %shift_right_logical3A_5, %parallel_loop3A_370 : vector<16xi32>
          %parallel_loop3A_372 = arith.constant 31 : i32
          %parallel_loop3A_373 = vector.broadcast %parallel_loop3A_372 : i32 to vector<16xi32>
          %parallel_loop3A_374 = arith.addi %shift_left3A_9, %parallel_loop3A_373 : vector<16xi32>
          tpu.vector_store_idx %arg7[%parallel_loop3A_371, %parallel_loop3A_374], %parallel_loop3A_369 : memref<192x128xf32, #tpu.memory_space<vmem>>[vector<16xi32>, vector<16xi32>], vector<16xf32>,
        } {sc.loop_unroll_factor = 2 : i64, sc.parallel_access}
        %mul3A_76 = arith.constant 192 : i32
        %mul3A_77 = arith.muli %add3A_57, %mul3A_76 : i32
        %dma_start3A_78 = arith.constant 0 : i32
        %dma_start3A_79 = tpu.memref_slice %arg3[%mul3A_77, %dma_start3A_78] : memref<250000x128xf32, #tpu.memory_space<hbm>> -> memref<192x128xf32, #tpu.memory_space<hbm>>
        %dma_start3A_80 = arith.constant 0 : i32
        %dma_start3A_81 = tpu.memref_slice %arg3[%mul3A_77, %dma_start3A_80] : memref<250000x128xf32, #tpu.memory_space<hbm>> -> memref<192x128xf32, #tpu.memory_space<hbm>>
        tpu.enqueue_dma source(%arg7 : memref<192x128xf32, #tpu.memory_space<vmem>>) target(%dma_start3A_81 : memref<192x128xf32, #tpu.memory_space<hbm>>) target_semaphore(%arg13 : memref<!tpu.dma_semaphore, #tpu.memory_space<semaphore_mem>>)
      } else {
      }
    }
    %dma_wait3A = arith.constant 0 : i32
    %dma_wait3A_26 = arith.constant 0 : i32
    %dma_wait3A_27 = tpu.memref_slice %arg3[%dma_wait3A, %dma_wait3A_26] : memref<250000x128xf32, #tpu.memory_space<hbm>> -> memref<192x128xf32, #tpu.memory_space<hbm>>
    %dma_wait3A_28 = arith.constant 0 : i32
    %dma_wait3A_29 = arith.constant 0 : i32
    %dma_wait3A_30 = tpu.memref_slice %arg3[%dma_wait3A_28, %dma_wait3A_29] : memref<250000x128xf32, #tpu.memory_space<hbm>> -> memref<192x128xf32, #tpu.memory_space<hbm>>
    tpu.wait_dma2 semaphore(%arg12 : memref<!tpu.dma_semaphore, #tpu.memory_space<semaphore_mem>>) src(%arg6 : memref<192x128xf32, #tpu.memory_space<vmem>>) dst(%dma_wait3A_30 : memref<192x128xf32, #tpu.memory_space<hbm>>)
    %dma_wait3A_31 = arith.constant 0 : i32
    %dma_wait3A_32 = arith.constant 0 : i32
    %dma_wait3A_33 = tpu.memref_slice %arg3[%dma_wait3A_31, %dma_wait3A_32] : memref<250000x128xf32, #tpu.memory_space<hbm>> -> memref<192x128xf32, #tpu.memory_space<hbm>>
    %dma_wait3A_34 = arith.constant 0 : i32
    %dma_wait3A_35 = arith.constant 0 : i32
    %dma_wait3A_36 = tpu.memref_slice %arg3[%dma_wait3A_34, %dma_wait3A_35] : memref<250000x128xf32, #tpu.memory_space<hbm>> -> memref<192x128xf32, #tpu.memory_space<hbm>>
    tpu.wait_dma2 semaphore(%arg13 : memref<!tpu.dma_semaphore, #tpu.memory_space<semaphore_mem>>) src(%arg7 : memref<192x128xf32, #tpu.memory_space<vmem>>) dst(%dma_wait3A_36 : memref<192x128xf32, #tpu.memory_space<hbm>>)
    %eq3A = arith.constant 0 : i32
    %eq3A_37 = arith.cmpi eq, %add3A, %eq3A : i32
    %convert_element_type3A_38 = arith.extui %eq3A_37 : i1 to i32
    %cond3A = arith.constant 0 : i32
    %cond3A_39 = arith.cmpi ne, %convert_element_type3A_38, %cond3A : i32
    scf.if %cond3A_39 {
      "tpu.region"() ({
        %run_scoped3A = tpu.sem_alloc : memref<!tpu.dma_semaphore, #tpu.memory_space<semaphore_mem>>
        %dma_start3A_42 = arith.constant 0 : i32
        %dma_start3A_43 = arith.constant 999936 : i32
        %dma_start3A_44 = tpu.memref_slice %arg2[%dma_start3A_42, %dma_start3A_43] : memref<32x1000000xf32, #tpu.memory_space<hbm>> -> memref<32x64xf32, #tpu.memory_space<hbm>>
        %dma_start3A_45 = arith.constant 0 : i32
        %dma_start3A_46 = arith.constant 999936 : i32
        %dma_start3A_47 = tpu.memref_slice %arg2[%dma_start3A_45, %dma_start3A_46] : memref<32x1000000xf32, #tpu.memory_space<hbm>> -> memref<32x64xf32, #tpu.memory_space<hbm>>
        tpu.enqueue_dma source(%dma_start3A_47 : memref<32x64xf32, #tpu.memory_space<hbm>>) target(%arg8 : memref<32x64xf32, #tpu.memory_space<vmem>>) target_semaphore(%run_scoped3A : memref<!tpu.dma_semaphore, #tpu.memory_space<semaphore_mem>>)
        %dma_wait3A_48 = arith.constant 0 : i32
        %dma_wait3A_49 = arith.constant 999936 : i32
        %dma_wait3A_50 = tpu.memref_slice %arg2[%dma_wait3A_48, %dma_wait3A_49] : memref<32x1000000xf32, #tpu.memory_space<hbm>> -> memref<32x64xf32, #tpu.memory_space<hbm>>
        %dma_wait3A_51 = arith.constant 0 : i32
        %dma_wait3A_52 = arith.constant 999936 : i32
        %dma_wait3A_53 = tpu.memref_slice %arg2[%dma_wait3A_51, %dma_wait3A_52] : memref<32x1000000xf32, #tpu.memory_space<hbm>> -> memref<32x64xf32, #tpu.memory_space<hbm>>
        tpu.wait_dma2 semaphore(%run_scoped3A : memref<!tpu.dma_semaphore, #tpu.memory_space<semaphore_mem>>) src(%dma_wait3A_53 : memref<32x64xf32, #tpu.memory_space<hbm>>) dst(%arg8 : memref<32x64xf32, #tpu.memory_space<vmem>>)
        tpu.yield
      }) : () -> ()
      %parallel_loop3A = arith.constant 0 : i32
      %parallel_loop3A_40 = arith.constant 4 : i32
      %parallel_loop3A_41 = arith.constant 1 : i32
      scf.for %parallel_loop3A_42 = %parallel_loop3A to %parallel_loop3A_40 step %parallel_loop3A_41  : i32 {
        %parallel_loop3A_43 = arith.constant 16 : i32
        %parallel_loop3A_44 = arith.muli %parallel_loop3A_42, %parallel_loop3A_43 : i32
        %parallel_loop3A_45 = arith.constant 4 : i32
        %parallel_loop3A_46 = arith.muli %parallel_loop3A_42, %parallel_loop3A_45 : i32
        %parallel_loop3A_47 = arith.constant 0 : i32
        %parallel_loop3A_48 = arith.index_cast %parallel_loop3A_47 : i32 to index
        %parallel_loop3A_49 = arith.index_cast %parallel_loop3A_44 : i32 to index
        %parallel_loop3A_50 = tpu.vector_load %arg8[%parallel_loop3A_48, %parallel_loop3A_49] {strides = array<i32>} : memref<32x64xf32, #tpu.memory_space<vmem>>, vector<16xf32>,
        %parallel_loop3A_51 = vector.broadcast %parallel_loop3A_46 : i32 to vector<16xi32>
        %parallel_loop3A_52 = arith.addi %shift_right_logical3A_5, %parallel_loop3A_51 : vector<16xi32>
        %parallel_loop3A_53 = arith.constant 0 : i32
        %parallel_loop3A_54 = vector.broadcast %parallel_loop3A_53 : i32 to vector<16xi32>
        %parallel_loop3A_55 = arith.addi %shift_left3A_9, %parallel_loop3A_54 : vector<16xi32>
        tpu.vector_store_idx %arg9[%parallel_loop3A_52, %parallel_loop3A_55], %parallel_loop3A_50 : memref<16x128xf32, #tpu.memory_space<vmem>>[vector<16xi32>, vector<16xi32>], vector<16xf32>,
        %parallel_loop3A_56 = arith.constant 1 : i32
        %parallel_loop3A_57 = arith.index_cast %parallel_loop3A_56 : i32 to index
        %parallel_loop3A_58 = arith.index_cast %parallel_loop3A_44 : i32 to index
        %parallel_loop3A_59 = tpu.vector_load %arg8[%parallel_loop3A_57, %parallel_loop3A_58] {strides = array<i32>} : memref<32x64xf32, #tpu.memory_space<vmem>>, vector<16xf32>,
        %parallel_loop3A_60 = vector.broadcast %parallel_loop3A_46 : i32 to vector<16xi32>
        %parallel_loop3A_61 = arith.addi %shift_right_logical3A_5, %parallel_loop3A_60 : vector<16xi32>
        %parallel_loop3A_62 = arith.constant 1 : i32
        %parallel_loop3A_63 = vector.broadcast %parallel_loop3A_62 : i32 to vector<16xi32>
        %parallel_loop3A_64 = arith.addi %shift_left3A_9, %parallel_loop3A_63 : vector<16xi32>
        tpu.vector_store_idx %arg9[%parallel_loop3A_61, %parallel_loop3A_64], %parallel_loop3A_59 : memref<16x128xf32, #tpu.memory_space<vmem>>[vector<16xi32>, vector<16xi32>], vector<16xf32>,
        %parallel_loop3A_65 = arith.constant 2 : i32
        %parallel_loop3A_66 = arith.index_cast %parallel_loop3A_65 : i32 to index
        %parallel_loop3A_67 = arith.index_cast %parallel_loop3A_44 : i32 to index
        %parallel_loop3A_68 = tpu.vector_load %arg8[%parallel_loop3A_66, %parallel_loop3A_67] {strides = array<i32>} : memref<32x64xf32, #tpu.memory_space<vmem>>, vector<16xf32>,
        %parallel_loop3A_69 = vector.broadcast %parallel_loop3A_46 : i32 to vector<16xi32>
        %parallel_loop3A_70 = arith.addi %shift_right_logical3A_5, %parallel_loop3A_69 : vector<16xi32>
        %parallel_loop3A_71 = arith.constant 2 : i32
        %parallel_loop3A_72 = vector.broadcast %parallel_loop3A_71 : i32 to vector<16xi32>
        %parallel_loop3A_73 = arith.addi %shift_left3A_9, %parallel_loop3A_72 : vector<16xi32>
        tpu.vector_store_idx %arg9[%parallel_loop3A_70, %parallel_loop3A_73], %parallel_loop3A_68 : memref<16x128xf32, #tpu.memory_space<vmem>>[vector<16xi32>, vector<16xi32>], vector<16xf32>,
        %parallel_loop3A_74 = arith.constant 3 : i32
        %parallel_loop3A_75 = arith.index_cast %parallel_loop3A_74 : i32 to index
        %parallel_loop3A_76 = arith.index_cast %parallel_loop3A_44 : i32 to index
        %parallel_loop3A_77 = tpu.vector_load %arg8[%parallel_loop3A_75, %parallel_loop3A_76] {strides = array<i32>} : memref<32x64xf32, #tpu.memory_space<vmem>>, vector<16xf32>,
        %parallel_loop3A_78 = vector.broadcast %parallel_loop3A_46 : i32 to vector<16xi32>
        %parallel_loop3A_79 = arith.addi %shift_right_logical3A_5, %parallel_loop3A_78 : vector<16xi32>
        %parallel_loop3A_80 = arith.constant 3 : i32
        %parallel_loop3A_81 = vector.broadcast %parallel_loop3A_80 : i32 to vector<16xi32>
        %parallel_loop3A_82 = arith.addi %shift_left3A_9, %parallel_loop3A_81 : vector<16xi32>
        tpu.vector_store_idx %arg9[%parallel_loop3A_79, %parallel_loop3A_82], %parallel_loop3A_77 : memref<16x128xf32, #tpu.memory_space<vmem>>[vector<16xi32>, vector<16xi32>], vector<16xf32>,
        %parallel_loop3A_83 = arith.constant 4 : i32
        %parallel_loop3A_84 = arith.index_cast %parallel_loop3A_83 : i32 to index
        %parallel_loop3A_85 = arith.index_cast %parallel_loop3A_44 : i32 to index
        %parallel_loop3A_86 = tpu.vector_load %arg8[%parallel_loop3A_84, %parallel_loop3A_85] {strides = array<i32>} : memref<32x64xf32, #tpu.memory_space<vmem>>, vector<16xf32>,
        %parallel_loop3A_87 = vector.broadcast %parallel_loop3A_46 : i32 to vector<16xi32>
        %parallel_loop3A_88 = arith.addi %shift_right_logical3A_5, %parallel_loop3A_87 : vector<16xi32>
        %parallel_loop3A_89 = arith.constant 4 : i32
        %parallel_loop3A_90 = vector.broadcast %parallel_loop3A_89 : i32 to vector<16xi32>
        %parallel_loop3A_91 = arith.addi %shift_left3A_9, %parallel_loop3A_90 : vector<16xi32>
        tpu.vector_store_idx %arg9[%parallel_loop3A_88, %parallel_loop3A_91], %parallel_loop3A_86 : memref<16x128xf32, #tpu.memory_space<vmem>>[vector<16xi32>, vector<16xi32>], vector<16xf32>,
        %parallel_loop3A_92 = arith.constant 5 : i32
        %parallel_loop3A_93 = arith.index_cast %parallel_loop3A_92 : i32 to index
        %parallel_loop3A_94 = arith.index_cast %parallel_loop3A_44 : i32 to index
        %parallel_loop3A_95 = tpu.vector_load %arg8[%parallel_loop3A_93, %parallel_loop3A_94] {strides = array<i32>} : memref<32x64xf32, #tpu.memory_space<vmem>>, vector<16xf32>,
        %parallel_loop3A_96 = vector.broadcast %parallel_loop3A_46 : i32 to vector<16xi32>
        %parallel_loop3A_97 = arith.addi %shift_right_logical3A_5, %parallel_loop3A_96 : vector<16xi32>
        %parallel_loop3A_98 = arith.constant 5 : i32
        %parallel_loop3A_99 = vector.broadcast %parallel_loop3A_98 : i32 to vector<16xi32>
        %parallel_loop3A_100 = arith.addi %shift_left3A_9, %parallel_loop3A_99 : vector<16xi32>
        tpu.vector_store_idx %arg9[%parallel_loop3A_97, %parallel_loop3A_100], %parallel_loop3A_95 : memref<16x128xf32, #tpu.memory_space<vmem>>[vector<16xi32>, vector<16xi32>], vector<16xf32>,
        %parallel_loop3A_101 = arith.constant 6 : i32
        %parallel_loop3A_102 = arith.index_cast %parallel_loop3A_101 : i32 to index
        %parallel_loop3A_103 = arith.index_cast %parallel_loop3A_44 : i32 to index
        %parallel_loop3A_104 = tpu.vector_load %arg8[%parallel_loop3A_102, %parallel_loop3A_103] {strides = array<i32>} : memref<32x64xf32, #tpu.memory_space<vmem>>, vector<16xf32>,
        %parallel_loop3A_105 = vector.broadcast %parallel_loop3A_46 : i32 to vector<16xi32>
        %parallel_loop3A_106 = arith.addi %shift_right_logical3A_5, %parallel_loop3A_105 : vector<16xi32>
        %parallel_loop3A_107 = arith.constant 6 : i32
        %parallel_loop3A_108 = vector.broadcast %parallel_loop3A_107 : i32 to vector<16xi32>
        %parallel_loop3A_109 = arith.addi %shift_left3A_9, %parallel_loop3A_108 : vector<16xi32>
        tpu.vector_store_idx %arg9[%parallel_loop3A_106, %parallel_loop3A_109], %parallel_loop3A_104 : memref<16x128xf32, #tpu.memory_space<vmem>>[vector<16xi32>, vector<16xi32>], vector<16xf32>,
        %parallel_loop3A_110 = arith.constant 7 : i32
        %parallel_loop3A_111 = arith.index_cast %parallel_loop3A_110 : i32 to index
        %parallel_loop3A_112 = arith.index_cast %parallel_loop3A_44 : i32 to index
        %parallel_loop3A_113 = tpu.vector_load %arg8[%parallel_loop3A_111, %parallel_loop3A_112] {strides = array<i32>} : memref<32x64xf32, #tpu.memory_space<vmem>>, vector<16xf32>,
        %parallel_loop3A_114 = vector.broadcast %parallel_loop3A_46 : i32 to vector<16xi32>
        %parallel_loop3A_115 = arith.addi %shift_right_logical3A_5, %parallel_loop3A_114 : vector<16xi32>
        %parallel_loop3A_116 = arith.constant 7 : i32
        %parallel_loop3A_117 = vector.broadcast %parallel_loop3A_116 : i32 to vector<16xi32>
        %parallel_loop3A_118 = arith.addi %shift_left3A_9, %parallel_loop3A_117 : vector<16xi32>
        tpu.vector_store_idx %arg9[%parallel_loop3A_115, %parallel_loop3A_118], %parallel_loop3A_113 : memref<16x128xf32, #tpu.memory_space<vmem>>[vector<16xi32>, vector<16xi32>], vector<16xf32>,
        %parallel_loop3A_119 = arith.constant 8 : i32
        %parallel_loop3A_120 = arith.index_cast %parallel_loop3A_119 : i32 to index
        %parallel_loop3A_121 = arith.index_cast %parallel_loop3A_44 : i32 to index
        %parallel_loop3A_122 = tpu.vector_load %arg8[%parallel_loop3A_120, %parallel_loop3A_121] {strides = array<i32>} : memref<32x64xf32, #tpu.memory_space<vmem>>, vector<16xf32>,
        %parallel_loop3A_123 = vector.broadcast %parallel_loop3A_46 : i32 to vector<16xi32>
        %parallel_loop3A_124 = arith.addi %shift_right_logical3A_5, %parallel_loop3A_123 : vector<16xi32>
        %parallel_loop3A_125 = arith.constant 8 : i32
        %parallel_loop3A_126 = vector.broadcast %parallel_loop3A_125 : i32 to vector<16xi32>
        %parallel_loop3A_127 = arith.addi %shift_left3A_9, %parallel_loop3A_126 : vector<16xi32>
        tpu.vector_store_idx %arg9[%parallel_loop3A_124, %parallel_loop3A_127], %parallel_loop3A_122 : memref<16x128xf32, #tpu.memory_space<vmem>>[vector<16xi32>, vector<16xi32>], vector<16xf32>,
        %parallel_loop3A_128 = arith.constant 9 : i32
        %parallel_loop3A_129 = arith.index_cast %parallel_loop3A_128 : i32 to index
        %parallel_loop3A_130 = arith.index_cast %parallel_loop3A_44 : i32 to index
        %parallel_loop3A_131 = tpu.vector_load %arg8[%parallel_loop3A_129, %parallel_loop3A_130] {strides = array<i32>} : memref<32x64xf32, #tpu.memory_space<vmem>>, vector<16xf32>,
        %parallel_loop3A_132 = vector.broadcast %parallel_loop3A_46 : i32 to vector<16xi32>
        %parallel_loop3A_133 = arith.addi %shift_right_logical3A_5, %parallel_loop3A_132 : vector<16xi32>
        %parallel_loop3A_134 = arith.constant 9 : i32
        %parallel_loop3A_135 = vector.broadcast %parallel_loop3A_134 : i32 to vector<16xi32>
        %parallel_loop3A_136 = arith.addi %shift_left3A_9, %parallel_loop3A_135 : vector<16xi32>
        tpu.vector_store_idx %arg9[%parallel_loop3A_133, %parallel_loop3A_136], %parallel_loop3A_131 : memref<16x128xf32, #tpu.memory_space<vmem>>[vector<16xi32>, vector<16xi32>], vector<16xf32>,
        %parallel_loop3A_137 = arith.constant 10 : i32
        %parallel_loop3A_138 = arith.index_cast %parallel_loop3A_137 : i32 to index
        %parallel_loop3A_139 = arith.index_cast %parallel_loop3A_44 : i32 to index
        %parallel_loop3A_140 = tpu.vector_load %arg8[%parallel_loop3A_138, %parallel_loop3A_139] {strides = array<i32>} : memref<32x64xf32, #tpu.memory_space<vmem>>, vector<16xf32>,
        %parallel_loop3A_141 = vector.broadcast %parallel_loop3A_46 : i32 to vector<16xi32>
        %parallel_loop3A_142 = arith.addi %shift_right_logical3A_5, %parallel_loop3A_141 : vector<16xi32>
        %parallel_loop3A_143 = arith.constant 10 : i32
        %parallel_loop3A_144 = vector.broadcast %parallel_loop3A_143 : i32 to vector<16xi32>
        %parallel_loop3A_145 = arith.addi %shift_left3A_9, %parallel_loop3A_144 : vector<16xi32>
        tpu.vector_store_idx %arg9[%parallel_loop3A_142, %parallel_loop3A_145], %parallel_loop3A_140 : memref<16x128xf32, #tpu.memory_space<vmem>>[vector<16xi32>, vector<16xi32>], vector<16xf32>,
        %parallel_loop3A_146 = arith.constant 11 : i32
        %parallel_loop3A_147 = arith.index_cast %parallel_loop3A_146 : i32 to index
        %parallel_loop3A_148 = arith.index_cast %parallel_loop3A_44 : i32 to index
        %parallel_loop3A_149 = tpu.vector_load %arg8[%parallel_loop3A_147, %parallel_loop3A_148] {strides = array<i32>} : memref<32x64xf32, #tpu.memory_space<vmem>>, vector<16xf32>,
        %parallel_loop3A_150 = vector.broadcast %parallel_loop3A_46 : i32 to vector<16xi32>
        %parallel_loop3A_151 = arith.addi %shift_right_logical3A_5, %parallel_loop3A_150 : vector<16xi32>
        %parallel_loop3A_152 = arith.constant 11 : i32
        %parallel_loop3A_153 = vector.broadcast %parallel_loop3A_152 : i32 to vector<16xi32>
        %parallel_loop3A_154 = arith.addi %shift_left3A_9, %parallel_loop3A_153 : vector<16xi32>
        tpu.vector_store_idx %arg9[%parallel_loop3A_151, %parallel_loop3A_154], %parallel_loop3A_149 : memref<16x128xf32, #tpu.memory_space<vmem>>[vector<16xi32>, vector<16xi32>], vector<16xf32>,
        %parallel_loop3A_155 = arith.constant 12 : i32
        %parallel_loop3A_156 = arith.index_cast %parallel_loop3A_155 : i32 to index
        %parallel_loop3A_157 = arith.index_cast %parallel_loop3A_44 : i32 to index
        %parallel_loop3A_158 = tpu.vector_load %arg8[%parallel_loop3A_156, %parallel_loop3A_157] {strides = array<i32>} : memref<32x64xf32, #tpu.memory_space<vmem>>, vector<16xf32>,
        %parallel_loop3A_159 = vector.broadcast %parallel_loop3A_46 : i32 to vector<16xi32>
        %parallel_loop3A_160 = arith.addi %shift_right_logical3A_5, %parallel_loop3A_159 : vector<16xi32>
        %parallel_loop3A_161 = arith.constant 12 : i32
        %parallel_loop3A_162 = vector.broadcast %parallel_loop3A_161 : i32 to vector<16xi32>
        %parallel_loop3A_163 = arith.addi %shift_left3A_9, %parallel_loop3A_162 : vector<16xi32>
        tpu.vector_store_idx %arg9[%parallel_loop3A_160, %parallel_loop3A_163], %parallel_loop3A_158 : memref<16x128xf32, #tpu.memory_space<vmem>>[vector<16xi32>, vector<16xi32>], vector<16xf32>,
        %parallel_loop3A_164 = arith.constant 13 : i32
        %parallel_loop3A_165 = arith.index_cast %parallel_loop3A_164 : i32 to index
        %parallel_loop3A_166 = arith.index_cast %parallel_loop3A_44 : i32 to index
        %parallel_loop3A_167 = tpu.vector_load %arg8[%parallel_loop3A_165, %parallel_loop3A_166] {strides = array<i32>} : memref<32x64xf32, #tpu.memory_space<vmem>>, vector<16xf32>,
        %parallel_loop3A_168 = vector.broadcast %parallel_loop3A_46 : i32 to vector<16xi32>
        %parallel_loop3A_169 = arith.addi %shift_right_logical3A_5, %parallel_loop3A_168 : vector<16xi32>
        %parallel_loop3A_170 = arith.constant 13 : i32
        %parallel_loop3A_171 = vector.broadcast %parallel_loop3A_170 : i32 to vector<16xi32>
        %parallel_loop3A_172 = arith.addi %shift_left3A_9, %parallel_loop3A_171 : vector<16xi32>
        tpu.vector_store_idx %arg9[%parallel_loop3A_169, %parallel_loop3A_172], %parallel_loop3A_167 : memref<16x128xf32, #tpu.memory_space<vmem>>[vector<16xi32>, vector<16xi32>], vector<16xf32>,
        %parallel_loop3A_173 = arith.constant 14 : i32
        %parallel_loop3A_174 = arith.index_cast %parallel_loop3A_173 : i32 to index
        %parallel_loop3A_175 = arith.index_cast %parallel_loop3A_44 : i32 to index
        %parallel_loop3A_176 = tpu.vector_load %arg8[%parallel_loop3A_174, %parallel_loop3A_175] {strides = array<i32>} : memref<32x64xf32, #tpu.memory_space<vmem>>, vector<16xf32>,
        %parallel_loop3A_177 = vector.broadcast %parallel_loop3A_46 : i32 to vector<16xi32>
        %parallel_loop3A_178 = arith.addi %shift_right_logical3A_5, %parallel_loop3A_177 : vector<16xi32>
        %parallel_loop3A_179 = arith.constant 14 : i32
        %parallel_loop3A_180 = vector.broadcast %parallel_loop3A_179 : i32 to vector<16xi32>
        %parallel_loop3A_181 = arith.addi %shift_left3A_9, %parallel_loop3A_180 : vector<16xi32>
        tpu.vector_store_idx %arg9[%parallel_loop3A_178, %parallel_loop3A_181], %parallel_loop3A_176 : memref<16x128xf32, #tpu.memory_space<vmem>>[vector<16xi32>, vector<16xi32>], vector<16xf32>,
        %parallel_loop3A_182 = arith.constant 15 : i32
        %parallel_loop3A_183 = arith.index_cast %parallel_loop3A_182 : i32 to index
        %parallel_loop3A_184 = arith.index_cast %parallel_loop3A_44 : i32 to index
        %parallel_loop3A_185 = tpu.vector_load %arg8[%parallel_loop3A_183, %parallel_loop3A_184] {strides = array<i32>} : memref<32x64xf32, #tpu.memory_space<vmem>>, vector<16xf32>,
        %parallel_loop3A_186 = vector.broadcast %parallel_loop3A_46 : i32 to vector<16xi32>
        %parallel_loop3A_187 = arith.addi %shift_right_logical3A_5, %parallel_loop3A_186 : vector<16xi32>
        %parallel_loop3A_188 = arith.constant 15 : i32
        %parallel_loop3A_189 = vector.broadcast %parallel_loop3A_188 : i32 to vector<16xi32>
        %parallel_loop3A_190 = arith.addi %shift_left3A_9, %parallel_loop3A_189 : vector<16xi32>
        tpu.vector_store_idx %arg9[%parallel_loop3A_187, %parallel_loop3A_190], %parallel_loop3A_185 : memref<16x128xf32, #tpu.memory_space<vmem>>[vector<16xi32>, vector<16xi32>], vector<16xf32>,
        %parallel_loop3A_191 = arith.constant 16 : i32
        %parallel_loop3A_192 = arith.index_cast %parallel_loop3A_191 : i32 to index
        %parallel_loop3A_193 = arith.index_cast %parallel_loop3A_44 : i32 to index
        %parallel_loop3A_194 = tpu.vector_load %arg8[%parallel_loop3A_192, %parallel_loop3A_193] {strides = array<i32>} : memref<32x64xf32, #tpu.memory_space<vmem>>, vector<16xf32>,
        %parallel_loop3A_195 = vector.broadcast %parallel_loop3A_46 : i32 to vector<16xi32>
        %parallel_loop3A_196 = arith.addi %shift_right_logical3A_5, %parallel_loop3A_195 : vector<16xi32>
        %parallel_loop3A_197 = arith.constant 16 : i32
        %parallel_loop3A_198 = vector.broadcast %parallel_loop3A_197 : i32 to vector<16xi32>
        %parallel_loop3A_199 = arith.addi %shift_left3A_9, %parallel_loop3A_198 : vector<16xi32>
        tpu.vector_store_idx %arg9[%parallel_loop3A_196, %parallel_loop3A_199], %parallel_loop3A_194 : memref<16x128xf32, #tpu.memory_space<vmem>>[vector<16xi32>, vector<16xi32>], vector<16xf32>,
        %parallel_loop3A_200 = arith.constant 17 : i32
        %parallel_loop3A_201 = arith.index_cast %parallel_loop3A_200 : i32 to index
        %parallel_loop3A_202 = arith.index_cast %parallel_loop3A_44 : i32 to index
        %parallel_loop3A_203 = tpu.vector_load %arg8[%parallel_loop3A_201, %parallel_loop3A_202] {strides = array<i32>} : memref<32x64xf32, #tpu.memory_space<vmem>>, vector<16xf32>,
        %parallel_loop3A_204 = vector.broadcast %parallel_loop3A_46 : i32 to vector<16xi32>
        %parallel_loop3A_205 = arith.addi %shift_right_logical3A_5, %parallel_loop3A_204 : vector<16xi32>
        %parallel_loop3A_206 = arith.constant 17 : i32
        %parallel_loop3A_207 = vector.broadcast %parallel_loop3A_206 : i32 to vector<16xi32>
        %parallel_loop3A_208 = arith.addi %shift_left3A_9, %parallel_loop3A_207 : vector<16xi32>
        tpu.vector_store_idx %arg9[%parallel_loop3A_205, %parallel_loop3A_208], %parallel_loop3A_203 : memref<16x128xf32, #tpu.memory_space<vmem>>[vector<16xi32>, vector<16xi32>], vector<16xf32>,
        %parallel_loop3A_209 = arith.constant 18 : i32
        %parallel_loop3A_210 = arith.index_cast %parallel_loop3A_209 : i32 to index
        %parallel_loop3A_211 = arith.index_cast %parallel_loop3A_44 : i32 to index
        %parallel_loop3A_212 = tpu.vector_load %arg8[%parallel_loop3A_210, %parallel_loop3A_211] {strides = array<i32>} : memref<32x64xf32, #tpu.memory_space<vmem>>, vector<16xf32>,
        %parallel_loop3A_213 = vector.broadcast %parallel_loop3A_46 : i32 to vector<16xi32>
        %parallel_loop3A_214 = arith.addi %shift_right_logical3A_5, %parallel_loop3A_213 : vector<16xi32>
        %parallel_loop3A_215 = arith.constant 18 : i32
        %parallel_loop3A_216 = vector.broadcast %parallel_loop3A_215 : i32 to vector<16xi32>
        %parallel_loop3A_217 = arith.addi %shift_left3A_9, %parallel_loop3A_216 : vector<16xi32>
        tpu.vector_store_idx %arg9[%parallel_loop3A_214, %parallel_loop3A_217], %parallel_loop3A_212 : memref<16x128xf32, #tpu.memory_space<vmem>>[vector<16xi32>, vector<16xi32>], vector<16xf32>,
        %parallel_loop3A_218 = arith.constant 19 : i32
        %parallel_loop3A_219 = arith.index_cast %parallel_loop3A_218 : i32 to index
        %parallel_loop3A_220 = arith.index_cast %parallel_loop3A_44 : i32 to index
        %parallel_loop3A_221 = tpu.vector_load %arg8[%parallel_loop3A_219, %parallel_loop3A_220] {strides = array<i32>} : memref<32x64xf32, #tpu.memory_space<vmem>>, vector<16xf32>,
        %parallel_loop3A_222 = vector.broadcast %parallel_loop3A_46 : i32 to vector<16xi32>
        %parallel_loop3A_223 = arith.addi %shift_right_logical3A_5, %parallel_loop3A_222 : vector<16xi32>
        %parallel_loop3A_224 = arith.constant 19 : i32
        %parallel_loop3A_225 = vector.broadcast %parallel_loop3A_224 : i32 to vector<16xi32>
        %parallel_loop3A_226 = arith.addi %shift_left3A_9, %parallel_loop3A_225 : vector<16xi32>
        tpu.vector_store_idx %arg9[%parallel_loop3A_223, %parallel_loop3A_226], %parallel_loop3A_221 : memref<16x128xf32, #tpu.memory_space<vmem>>[vector<16xi32>, vector<16xi32>], vector<16xf32>,
        %parallel_loop3A_227 = arith.constant 20 : i32
        %parallel_loop3A_228 = arith.index_cast %parallel_loop3A_227 : i32 to index
        %parallel_loop3A_229 = arith.index_cast %parallel_loop3A_44 : i32 to index
        %parallel_loop3A_230 = tpu.vector_load %arg8[%parallel_loop3A_228, %parallel_loop3A_229] {strides = array<i32>} : memref<32x64xf32, #tpu.memory_space<vmem>>, vector<16xf32>,
        %parallel_loop3A_231 = vector.broadcast %parallel_loop3A_46 : i32 to vector<16xi32>
        %parallel_loop3A_232 = arith.addi %shift_right_logical3A_5, %parallel_loop3A_231 : vector<16xi32>
        %parallel_loop3A_233 = arith.constant 20 : i32
        %parallel_loop3A_234 = vector.broadcast %parallel_loop3A_233 : i32 to vector<16xi32>
        %parallel_loop3A_235 = arith.addi %shift_left3A_9, %parallel_loop3A_234 : vector<16xi32>
        tpu.vector_store_idx %arg9[%parallel_loop3A_232, %parallel_loop3A_235], %parallel_loop3A_230 : memref<16x128xf32, #tpu.memory_space<vmem>>[vector<16xi32>, vector<16xi32>], vector<16xf32>,
        %parallel_loop3A_236 = arith.constant 21 : i32
        %parallel_loop3A_237 = arith.index_cast %parallel_loop3A_236 : i32 to index
        %parallel_loop3A_238 = arith.index_cast %parallel_loop3A_44 : i32 to index
        %parallel_loop3A_239 = tpu.vector_load %arg8[%parallel_loop3A_237, %parallel_loop3A_238] {strides = array<i32>} : memref<32x64xf32, #tpu.memory_space<vmem>>, vector<16xf32>,
        %parallel_loop3A_240 = vector.broadcast %parallel_loop3A_46 : i32 to vector<16xi32>
        %parallel_loop3A_241 = arith.addi %shift_right_logical3A_5, %parallel_loop3A_240 : vector<16xi32>
        %parallel_loop3A_242 = arith.constant 21 : i32
        %parallel_loop3A_243 = vector.broadcast %parallel_loop3A_242 : i32 to vector<16xi32>
        %parallel_loop3A_244 = arith.addi %shift_left3A_9, %parallel_loop3A_243 : vector<16xi32>
        tpu.vector_store_idx %arg9[%parallel_loop3A_241, %parallel_loop3A_244], %parallel_loop3A_239 : memref<16x128xf32, #tpu.memory_space<vmem>>[vector<16xi32>, vector<16xi32>], vector<16xf32>,
        %parallel_loop3A_245 = arith.constant 22 : i32
        %parallel_loop3A_246 = arith.index_cast %parallel_loop3A_245 : i32 to index
        %parallel_loop3A_247 = arith.index_cast %parallel_loop3A_44 : i32 to index
        %parallel_loop3A_248 = tpu.vector_load %arg8[%parallel_loop3A_246, %parallel_loop3A_247] {strides = array<i32>} : memref<32x64xf32, #tpu.memory_space<vmem>>, vector<16xf32>,
        %parallel_loop3A_249 = vector.broadcast %parallel_loop3A_46 : i32 to vector<16xi32>
        %parallel_loop3A_250 = arith.addi %shift_right_logical3A_5, %parallel_loop3A_249 : vector<16xi32>
        %parallel_loop3A_251 = arith.constant 22 : i32
        %parallel_loop3A_252 = vector.broadcast %parallel_loop3A_251 : i32 to vector<16xi32>
        %parallel_loop3A_253 = arith.addi %shift_left3A_9, %parallel_loop3A_252 : vector<16xi32>
        tpu.vector_store_idx %arg9[%parallel_loop3A_250, %parallel_loop3A_253], %parallel_loop3A_248 : memref<16x128xf32, #tpu.memory_space<vmem>>[vector<16xi32>, vector<16xi32>], vector<16xf32>,
        %parallel_loop3A_254 = arith.constant 23 : i32
        %parallel_loop3A_255 = arith.index_cast %parallel_loop3A_254 : i32 to index
        %parallel_loop3A_256 = arith.index_cast %parallel_loop3A_44 : i32 to index
        %parallel_loop3A_257 = tpu.vector_load %arg8[%parallel_loop3A_255, %parallel_loop3A_256] {strides = array<i32>} : memref<32x64xf32, #tpu.memory_space<vmem>>, vector<16xf32>,
        %parallel_loop3A_258 = vector.broadcast %parallel_loop3A_46 : i32 to vector<16xi32>
        %parallel_loop3A_259 = arith.addi %shift_right_logical3A_5, %parallel_loop3A_258 : vector<16xi32>
        %parallel_loop3A_260 = arith.constant 23 : i32
        %parallel_loop3A_261 = vector.broadcast %parallel_loop3A_260 : i32 to vector<16xi32>
        %parallel_loop3A_262 = arith.addi %shift_left3A_9, %parallel_loop3A_261 : vector<16xi32>
        tpu.vector_store_idx %arg9[%parallel_loop3A_259, %parallel_loop3A_262], %parallel_loop3A_257 : memref<16x128xf32, #tpu.memory_space<vmem>>[vector<16xi32>, vector<16xi32>], vector<16xf32>,
        %parallel_loop3A_263 = arith.constant 24 : i32
        %parallel_loop3A_264 = arith.index_cast %parallel_loop3A_263 : i32 to index
        %parallel_loop3A_265 = arith.index_cast %parallel_loop3A_44 : i32 to index
        %parallel_loop3A_266 = tpu.vector_load %arg8[%parallel_loop3A_264, %parallel_loop3A_265] {strides = array<i32>} : memref<32x64xf32, #tpu.memory_space<vmem>>, vector<16xf32>,
        %parallel_loop3A_267 = vector.broadcast %parallel_loop3A_46 : i32 to vector<16xi32>
        %parallel_loop3A_268 = arith.addi %shift_right_logical3A_5, %parallel_loop3A_267 : vector<16xi32>
        %parallel_loop3A_269 = arith.constant 24 : i32
        %parallel_loop3A_270 = vector.broadcast %parallel_loop3A_269 : i32 to vector<16xi32>
        %parallel_loop3A_271 = arith.addi %shift_left3A_9, %parallel_loop3A_270 : vector<16xi32>
        tpu.vector_store_idx %arg9[%parallel_loop3A_268, %parallel_loop3A_271], %parallel_loop3A_266 : memref<16x128xf32, #tpu.memory_space<vmem>>[vector<16xi32>, vector<16xi32>], vector<16xf32>,
        %parallel_loop3A_272 = arith.constant 25 : i32
        %parallel_loop3A_273 = arith.index_cast %parallel_loop3A_272 : i32 to index
        %parallel_loop3A_274 = arith.index_cast %parallel_loop3A_44 : i32 to index
        %parallel_loop3A_275 = tpu.vector_load %arg8[%parallel_loop3A_273, %parallel_loop3A_274] {strides = array<i32>} : memref<32x64xf32, #tpu.memory_space<vmem>>, vector<16xf32>,
        %parallel_loop3A_276 = vector.broadcast %parallel_loop3A_46 : i32 to vector<16xi32>
        %parallel_loop3A_277 = arith.addi %shift_right_logical3A_5, %parallel_loop3A_276 : vector<16xi32>
        %parallel_loop3A_278 = arith.constant 25 : i32
        %parallel_loop3A_279 = vector.broadcast %parallel_loop3A_278 : i32 to vector<16xi32>
        %parallel_loop3A_280 = arith.addi %shift_left3A_9, %parallel_loop3A_279 : vector<16xi32>
        tpu.vector_store_idx %arg9[%parallel_loop3A_277, %parallel_loop3A_280], %parallel_loop3A_275 : memref<16x128xf32, #tpu.memory_space<vmem>>[vector<16xi32>, vector<16xi32>], vector<16xf32>,
        %parallel_loop3A_281 = arith.constant 26 : i32
        %parallel_loop3A_282 = arith.index_cast %parallel_loop3A_281 : i32 to index
        %parallel_loop3A_283 = arith.index_cast %parallel_loop3A_44 : i32 to index
        %parallel_loop3A_284 = tpu.vector_load %arg8[%parallel_loop3A_282, %parallel_loop3A_283] {strides = array<i32>} : memref<32x64xf32, #tpu.memory_space<vmem>>, vector<16xf32>,
        %parallel_loop3A_285 = vector.broadcast %parallel_loop3A_46 : i32 to vector<16xi32>
        %parallel_loop3A_286 = arith.addi %shift_right_logical3A_5, %parallel_loop3A_285 : vector<16xi32>
        %parallel_loop3A_287 = arith.constant 26 : i32
        %parallel_loop3A_288 = vector.broadcast %parallel_loop3A_287 : i32 to vector<16xi32>
        %parallel_loop3A_289 = arith.addi %shift_left3A_9, %parallel_loop3A_288 : vector<16xi32>
        tpu.vector_store_idx %arg9[%parallel_loop3A_286, %parallel_loop3A_289], %parallel_loop3A_284 : memref<16x128xf32, #tpu.memory_space<vmem>>[vector<16xi32>, vector<16xi32>], vector<16xf32>,
        %parallel_loop3A_290 = arith.constant 27 : i32
        %parallel_loop3A_291 = arith.index_cast %parallel_loop3A_290 : i32 to index
        %parallel_loop3A_292 = arith.index_cast %parallel_loop3A_44 : i32 to index
        %parallel_loop3A_293 = tpu.vector_load %arg8[%parallel_loop3A_291, %parallel_loop3A_292] {strides = array<i32>} : memref<32x64xf32, #tpu.memory_space<vmem>>, vector<16xf32>,
        %parallel_loop3A_294 = vector.broadcast %parallel_loop3A_46 : i32 to vector<16xi32>
        %parallel_loop3A_295 = arith.addi %shift_right_logical3A_5, %parallel_loop3A_294 : vector<16xi32>
        %parallel_loop3A_296 = arith.constant 27 : i32
        %parallel_loop3A_297 = vector.broadcast %parallel_loop3A_296 : i32 to vector<16xi32>
        %parallel_loop3A_298 = arith.addi %shift_left3A_9, %parallel_loop3A_297 : vector<16xi32>
        tpu.vector_store_idx %arg9[%parallel_loop3A_295, %parallel_loop3A_298], %parallel_loop3A_293 : memref<16x128xf32, #tpu.memory_space<vmem>>[vector<16xi32>, vector<16xi32>], vector<16xf32>,
        %parallel_loop3A_299 = arith.constant 28 : i32
        %parallel_loop3A_300 = arith.index_cast %parallel_loop3A_299 : i32 to index
        %parallel_loop3A_301 = arith.index_cast %parallel_loop3A_44 : i32 to index
        %parallel_loop3A_302 = tpu.vector_load %arg8[%parallel_loop3A_300, %parallel_loop3A_301] {strides = array<i32>} : memref<32x64xf32, #tpu.memory_space<vmem>>, vector<16xf32>,
        %parallel_loop3A_303 = vector.broadcast %parallel_loop3A_46 : i32 to vector<16xi32>
        %parallel_loop3A_304 = arith.addi %shift_right_logical3A_5, %parallel_loop3A_303 : vector<16xi32>
        %parallel_loop3A_305 = arith.constant 28 : i32
        %parallel_loop3A_306 = vector.broadcast %parallel_loop3A_305 : i32 to vector<16xi32>
        %parallel_loop3A_307 = arith.addi %shift_left3A_9, %parallel_loop3A_306 : vector<16xi32>
        tpu.vector_store_idx %arg9[%parallel_loop3A_304, %parallel_loop3A_307], %parallel_loop3A_302 : memref<16x128xf32, #tpu.memory_space<vmem>>[vector<16xi32>, vector<16xi32>], vector<16xf32>,
        %parallel_loop3A_308 = arith.constant 29 : i32
        %parallel_loop3A_309 = arith.index_cast %parallel_loop3A_308 : i32 to index
        %parallel_loop3A_310 = arith.index_cast %parallel_loop3A_44 : i32 to index
        %parallel_loop3A_311 = tpu.vector_load %arg8[%parallel_loop3A_309, %parallel_loop3A_310] {strides = array<i32>} : memref<32x64xf32, #tpu.memory_space<vmem>>, vector<16xf32>,
        %parallel_loop3A_312 = vector.broadcast %parallel_loop3A_46 : i32 to vector<16xi32>
        %parallel_loop3A_313 = arith.addi %shift_right_logical3A_5, %parallel_loop3A_312 : vector<16xi32>
        %parallel_loop3A_314 = arith.constant 29 : i32
        %parallel_loop3A_315 = vector.broadcast %parallel_loop3A_314 : i32 to vector<16xi32>
        %parallel_loop3A_316 = arith.addi %shift_left3A_9, %parallel_loop3A_315 : vector<16xi32>
        tpu.vector_store_idx %arg9[%parallel_loop3A_313, %parallel_loop3A_316], %parallel_loop3A_311 : memref<16x128xf32, #tpu.memory_space<vmem>>[vector<16xi32>, vector<16xi32>], vector<16xf32>,
        %parallel_loop3A_317 = arith.constant 30 : i32
        %parallel_loop3A_318 = arith.index_cast %parallel_loop3A_317 : i32 to index
        %parallel_loop3A_319 = arith.index_cast %parallel_loop3A_44 : i32 to index
        %parallel_loop3A_320 = tpu.vector_load %arg8[%parallel_loop3A_318, %parallel_loop3A_319] {strides = array<i32>} : memref<32x64xf32, #tpu.memory_space<vmem>>, vector<16xf32>,
        %parallel_loop3A_321 = vector.broadcast %parallel_loop3A_46 : i32 to vector<16xi32>
        %parallel_loop3A_322 = arith.addi %shift_right_logical3A_5, %parallel_loop3A_321 : vector<16xi32>
        %parallel_loop3A_323 = arith.constant 30 : i32
        %parallel_loop3A_324 = vector.broadcast %parallel_loop3A_323 : i32 to vector<16xi32>
        %parallel_loop3A_325 = arith.addi %shift_left3A_9, %parallel_loop3A_324 : vector<16xi32>
        tpu.vector_store_idx %arg9[%parallel_loop3A_322, %parallel_loop3A_325], %parallel_loop3A_320 : memref<16x128xf32, #tpu.memory_space<vmem>>[vector<16xi32>, vector<16xi32>], vector<16xf32>,
        %parallel_loop3A_326 = arith.constant 31 : i32
        %parallel_loop3A_327 = arith.index_cast %parallel_loop3A_326 : i32 to index
        %parallel_loop3A_328 = arith.index_cast %parallel_loop3A_44 : i32 to index
        %parallel_loop3A_329 = tpu.vector_load %arg8[%parallel_loop3A_327, %parallel_loop3A_328] {strides = array<i32>} : memref<32x64xf32, #tpu.memory_space<vmem>>, vector<16xf32>,
        %parallel_loop3A_330 = vector.broadcast %parallel_loop3A_46 : i32 to vector<16xi32>
        %parallel_loop3A_331 = arith.addi %shift_right_logical3A_5, %parallel_loop3A_330 : vector<16xi32>
        %parallel_loop3A_332 = arith.constant 31 : i32
        %parallel_loop3A_333 = vector.broadcast %parallel_loop3A_332 : i32 to vector<16xi32>
        %parallel_loop3A_334 = arith.addi %shift_left3A_9, %parallel_loop3A_333 : vector<16xi32>
        tpu.vector_store_idx %arg9[%parallel_loop3A_331, %parallel_loop3A_334], %parallel_loop3A_329 : memref<16x128xf32, #tpu.memory_space<vmem>>[vector<16xi32>, vector<16xi32>], vector<16xf32>,
      } {sc.loop_unroll_factor = 2 : i64, sc.parallel_access}
      "tpu.region"() ({
        %run_scoped3A = tpu.sem_alloc : memref<!tpu.dma_semaphore, #tpu.memory_space<semaphore_mem>>
        %dma_start3A_42 = arith.constant 249984 : i32
        %dma_start3A_43 = arith.constant 0 : i32
        %dma_start3A_44 = tpu.memref_slice %arg3[%dma_start3A_42, %dma_start3A_43] : memref<250000x128xf32, #tpu.memory_space<hbm>> -> memref<16x128xf32, #tpu.memory_space<hbm>>
        %dma_start3A_45 = arith.constant 249984 : i32
        %dma_start3A_46 = arith.constant 0 : i32
        %dma_start3A_47 = tpu.memref_slice %arg3[%dma_start3A_45, %dma_start3A_46] : memref<250000x128xf32, #tpu.memory_space<hbm>> -> memref<16x128xf32, #tpu.memory_space<hbm>>
        tpu.enqueue_dma source(%arg9 : memref<16x128xf32, #tpu.memory_space<vmem>>) target(%dma_start3A_47 : memref<16x128xf32, #tpu.memory_space<hbm>>) target_semaphore(%run_scoped3A : memref<!tpu.dma_semaphore, #tpu.memory_space<semaphore_mem>>)
        %dma_wait3A_48 = arith.constant 249984 : i32
        %dma_wait3A_49 = arith.constant 0 : i32
        %dma_wait3A_50 = tpu.memref_slice %arg3[%dma_wait3A_48, %dma_wait3A_49] : memref<250000x128xf32, #tpu.memory_space<hbm>> -> memref<16x128xf32, #tpu.memory_space<hbm>>
        %dma_wait3A_51 = arith.constant 249984 : i32
        %dma_wait3A_52 = arith.constant 0 : i32
        %dma_wait3A_53 = tpu.memref_slice %arg3[%dma_wait3A_51, %dma_wait3A_52] : memref<250000x128xf32, #tpu.memory_space<hbm>> -> memref<16x128xf32, #tpu.memory_space<hbm>>
        tpu.wait_dma2 semaphore(%run_scoped3A : memref<!tpu.dma_semaphore, #tpu.memory_space<semaphore_mem>>) src(%arg9 : memref<16x128xf32, #tpu.memory_space<vmem>>) dst(%dma_wait3A_53 : memref<16x128xf32, #tpu.memory_space<hbm>>)
        tpu.yield
      }) : () -> ()
    } else {
    }
    return
  }
}

#map = affine_map<(d0, d1) -> (0, 0)>
#map1 = affine_map<(d0, d1) -> (0, 0, 0)>
module attributes {stable_mosaic.version = 14 : i64} {
  func.func @_embed_body(%arg0: i32, %arg1: i32, %arg2: memref<26x16384xi32, #tpu.memory_space<hbm>>, %arg3: memref<1000000x32xf32, #tpu.memory_space<hbm>>, %arg4: memref<16384x26x32xf32, #tpu.memory_space<hbm>>, %arg5: memref<26x512xi32, #tpu.memory_space<vmem>>, %arg6: memref<512x32xf32, #tpu.memory_space<vmem>>, %arg7: memref<512x32xf32, #tpu.memory_space<vmem>>, %arg8: memref<!tpu.dma_semaphore, #tpu.memory_space<semaphore_mem>>, %arg9: memref<!tpu.dma_semaphore, #tpu.memory_space<semaphore_mem>>) attributes {dimension_semantics = [#tpu.dimension_semantics<core_parallel>, #tpu.dimension_semantics<subcore_parallel>], iteration_bounds = array<i64: 2, 16>, scalar_prefetch = 0 : i64, scratch_operands = 5 : i64, tpu.core_type = #tpu.core_type<sc_vector_subcore>, window_params = [{transform_indices = #map}, {transform_indices = #map}, {transform_indices = #map1}]} {
    %mul3A = arith.constant 2 : i32
    %mul3A_0 = arith.muli %arg1, %mul3A : i32
    %add3A = arith.addi %mul3A_0, %arg0 : i32
    %mul3A_1 = arith.constant 512 : i32
    %mul3A_2 = arith.muli %add3A, %mul3A_1 : i32
    "tpu.region"() ({
      %run_scoped3A = tpu.sem_alloc : memref<!tpu.dma_semaphore, #tpu.memory_space<semaphore_mem>>
      %dma_start3A_14 = arith.constant 0 : i32
      %dma_start3A_15 = tpu.memref_slice %arg2[%dma_start3A_14, %mul3A_2] : memref<26x16384xi32, #tpu.memory_space<hbm>> -> memref<26x512xi32, #tpu.memory_space<hbm>>
      %dma_start3A_16 = arith.constant 0 : i32
      %dma_start3A_17 = tpu.memref_slice %arg2[%dma_start3A_16, %mul3A_2] : memref<26x16384xi32, #tpu.memory_space<hbm>> -> memref<26x512xi32, #tpu.memory_space<hbm>>
      tpu.enqueue_dma source(%dma_start3A_17 : memref<26x512xi32, #tpu.memory_space<hbm>>) target(%arg5 : memref<26x512xi32, #tpu.memory_space<vmem>>) target_semaphore(%run_scoped3A : memref<!tpu.dma_semaphore, #tpu.memory_space<semaphore_mem>>)
      %dma_wait3A = arith.constant 0 : i32
      %dma_wait3A_18 = tpu.memref_slice %arg2[%dma_wait3A, %mul3A_2] : memref<26x16384xi32, #tpu.memory_space<hbm>> -> memref<26x512xi32, #tpu.memory_space<hbm>>
      %dma_wait3A_19 = arith.constant 0 : i32
      %dma_wait3A_20 = tpu.memref_slice %arg2[%dma_wait3A_19, %mul3A_2] : memref<26x16384xi32, #tpu.memory_space<hbm>> -> memref<26x512xi32, #tpu.memory_space<hbm>>
      tpu.wait_dma2 semaphore(%run_scoped3A : memref<!tpu.dma_semaphore, #tpu.memory_space<semaphore_mem>>) src(%dma_wait3A_20 : memref<26x512xi32, #tpu.memory_space<hbm>>) dst(%arg5 : memref<26x512xi32, #tpu.memory_space<vmem>>)
      tpu.yield
    }) : () -> ()
    %dma_start3A = arith.constant 0 : i32
    %dma_start3A_3 = arith.constant 0 : i32
    %dma_start3A_4 = tpu.memref_slice %arg5[%dma_start3A, %dma_start3A_3] : memref<26x512xi32, #tpu.memory_space<vmem>> -> memref<1x512xi32, #tpu.memory_space<vmem>>
    %dma_start3A_5 = tpu.memref_squeeze %dma_start3A_4 : memref<1x512xi32, #tpu.memory_space<vmem>> -> memref<512xi32, #tpu.memory_space<vmem>>
    %dma_start3A_6 = arith.constant 0 : i32
    %dma_start3A_7 = arith.constant 0 : i32
    %dma_start3A_8 = tpu.memref_slice %arg3[%dma_start3A_6, %dma_start3A_7] : memref<1000000x32xf32, #tpu.memory_space<hbm>> -> memref<1000000x32xf32, #tpu.memory_space<hbm>>
    tpu.enqueue_indirect_dma source(%dma_start3A_8 : memref<1000000x32xf32, #tpu.memory_space<hbm>>) target(%arg6 : memref<512x32xf32, #tpu.memory_space<vmem>>) offsets(%dma_start3A_5 : memref<512xi32, #tpu.memory_space<vmem>>) semaphore(%arg8 : memref<!tpu.dma_semaphore, #tpu.memory_space<semaphore_mem>>)
    %scan3A = arith.constant 0 : i32
    %scan3A_9 = arith.constant 0 : i32
    %scan3A_10 = arith.constant 13 : i32
    %scan3A_11 = arith.addi %scan3A_9, %scan3A_10 : i32
    %scan3A_12 = arith.constant 1 : i32
    scf.for %scan3A_14 = %scan3A_9 to %scan3A_11 step %scan3A_12  : i32 {
      %mul3A_15 = arith.constant 2 : i32
      %mul3A_16 = arith.muli %mul3A_15, %scan3A_14 : i32
      %add3A_17 = arith.constant 0 : i32
      %add3A_18 = arith.addi %mul3A_16, %add3A_17 : i32
      %add3A_19 = arith.constant 1 : i32
      %add3A_20 = arith.addi %add3A_18, %add3A_19 : i32
      %lt3A = arith.constant 26 : i32
      %lt3A_21 = arith.cmpi slt, %add3A_20, %lt3A : i32
      %convert_element_type3A = arith.extui %lt3A_21 : i1 to i32
      %cond3A = arith.constant 0 : i32
      %cond3A_22 = arith.cmpi ne, %convert_element_type3A, %cond3A : i32
      scf.if %cond3A_22 {
        %add3A_45 = arith.constant 1 : i32
        %add3A_46 = arith.addi %add3A_18, %add3A_45 : i32
        %dma_start3A_47 = arith.constant 0 : i32
        %dma_start3A_48 = tpu.memref_slice %arg5[%add3A_46, %dma_start3A_47] : memref<26x512xi32, #tpu.memory_space<vmem>> -> memref<1x512xi32, #tpu.memory_space<vmem>>
        %dma_start3A_49 = tpu.memref_squeeze %dma_start3A_48 : memref<1x512xi32, #tpu.memory_space<vmem>> -> memref<512xi32, #tpu.memory_space<vmem>>
        %dma_start3A_50 = arith.constant 0 : i32
        %dma_start3A_51 = arith.constant 0 : i32
        %dma_start3A_52 = tpu.memref_slice %arg3[%dma_start3A_50, %dma_start3A_51] : memref<1000000x32xf32, #tpu.memory_space<hbm>> -> memref<1000000x32xf32, #tpu.memory_space<hbm>>
        tpu.enqueue_indirect_dma source(%dma_start3A_52 : memref<1000000x32xf32, #tpu.memory_space<hbm>>) target(%arg7 : memref<512x32xf32, #tpu.memory_space<vmem>>) offsets(%dma_start3A_49 : memref<512xi32, #tpu.memory_space<vmem>>) semaphore(%arg9 : memref<!tpu.dma_semaphore, #tpu.memory_space<semaphore_mem>>)
      } else {
      }
      %dma_wait3A = arith.constant 0 : i32
      %dma_wait3A_23 = tpu.memref_slice %arg5[%add3A_18, %dma_wait3A] : memref<26x512xi32, #tpu.memory_space<vmem>> -> memref<1x512xi32, #tpu.memory_space<vmem>>
      %dma_wait3A_24 = tpu.memref_squeeze %dma_wait3A_23 : memref<1x512xi32, #tpu.memory_space<vmem>> -> memref<512xi32, #tpu.memory_space<vmem>>
      %dma_wait3A_25 = arith.constant 0 : i32
      %dma_wait3A_26 = arith.constant 0 : i32
      %dma_wait3A_27 = tpu.memref_slice %arg3[%dma_wait3A_25, %dma_wait3A_26] : memref<1000000x32xf32, #tpu.memory_space<hbm>> -> memref<1000000x32xf32, #tpu.memory_space<hbm>>
      tpu.wait_indirect_dma semaphore(%arg8 : memref<!tpu.dma_semaphore, #tpu.memory_space<semaphore_mem>>) src(%dma_wait3A_27 : memref<1000000x32xf32, #tpu.memory_space<hbm>>) dst(%arg6 : memref<512x32xf32, #tpu.memory_space<vmem>>)
      "tpu.region"() ({
        %run_scoped3A = tpu.sem_alloc : memref<!tpu.dma_semaphore, #tpu.memory_space<semaphore_mem>>
        %dma_start3A_45 = arith.constant 0 : i32
        %dma_start3A_46 = tpu.memref_slice %arg4[%mul3A_2, %add3A_18, %dma_start3A_45] : memref<16384x26x32xf32, #tpu.memory_space<hbm>> -> memref<512x1x32xf32, #tpu.memory_space<hbm>>
        %dma_start3A_47 = tpu.memref_squeeze %dma_start3A_46 : memref<512x1x32xf32, #tpu.memory_space<hbm>> -> memref<512x32xf32, #tpu.memory_space<hbm>>
        %dma_start3A_48 = arith.constant 0 : i32
        %dma_start3A_49 = tpu.memref_slice %arg4[%mul3A_2, %add3A_18, %dma_start3A_48] : memref<16384x26x32xf32, #tpu.memory_space<hbm>> -> memref<512x1x32xf32, #tpu.memory_space<hbm>>
        %dma_start3A_50 = tpu.memref_squeeze %dma_start3A_49 : memref<512x1x32xf32, #tpu.memory_space<hbm>> -> memref<512x32xf32, #tpu.memory_space<hbm>>
        tpu.enqueue_dma source(%arg6 : memref<512x32xf32, #tpu.memory_space<vmem>>) target(%dma_start3A_50 : memref<512x32xf32, #tpu.memory_space<hbm>>) target_semaphore(%run_scoped3A : memref<!tpu.dma_semaphore, #tpu.memory_space<semaphore_mem>>)
        %dma_wait3A_51 = arith.constant 0 : i32
        %dma_wait3A_52 = tpu.memref_slice %arg4[%mul3A_2, %add3A_18, %dma_wait3A_51] : memref<16384x26x32xf32, #tpu.memory_space<hbm>> -> memref<512x1x32xf32, #tpu.memory_space<hbm>>
        %dma_wait3A_53 = tpu.memref_squeeze %dma_wait3A_52 : memref<512x1x32xf32, #tpu.memory_space<hbm>> -> memref<512x32xf32, #tpu.memory_space<hbm>>
        %dma_wait3A_54 = arith.constant 0 : i32
        %dma_wait3A_55 = tpu.memref_slice %arg4[%mul3A_2, %add3A_18, %dma_wait3A_54] : memref<16384x26x32xf32, #tpu.memory_space<hbm>> -> memref<512x1x32xf32, #tpu.memory_space<hbm>>
        %dma_wait3A_56 = tpu.memref_squeeze %dma_wait3A_55 : memref<512x1x32xf32, #tpu.memory_space<hbm>> -> memref<512x32xf32, #tpu.memory_space<hbm>>
        tpu.wait_dma2 semaphore(%run_scoped3A : memref<!tpu.dma_semaphore, #tpu.memory_space<semaphore_mem>>) src(%arg6 : memref<512x32xf32, #tpu.memory_space<vmem>>) dst(%dma_wait3A_56 : memref<512x32xf32, #tpu.memory_space<hbm>>)
        tpu.yield
      }) : () -> ()
      %mul3A_28 = arith.constant 2 : i32
      %mul3A_29 = arith.muli %mul3A_28, %scan3A_14 : i32
      %add3A_30 = arith.constant 1 : i32
      %add3A_31 = arith.addi %mul3A_29, %add3A_30 : i32
      %add3A_32 = arith.constant 1 : i32
      %add3A_33 = arith.addi %add3A_31, %add3A_32 : i32
      %lt3A_34 = arith.constant 26 : i32
      %lt3A_35 = arith.cmpi slt, %add3A_33, %lt3A_34 : i32
      %convert_element_type3A_36 = arith.extui %lt3A_35 : i1 to i32
      %cond3A_37 = arith.constant 0 : i32
      %cond3A_38 = arith.cmpi ne, %convert_element_type3A_36, %cond3A_37 : i32
      scf.if %cond3A_38 {
        %add3A_45 = arith.constant 1 : i32
        %add3A_46 = arith.addi %add3A_31, %add3A_45 : i32
        %dma_start3A_47 = arith.constant 0 : i32
        %dma_start3A_48 = tpu.memref_slice %arg5[%add3A_46, %dma_start3A_47] : memref<26x512xi32, #tpu.memory_space<vmem>> -> memref<1x512xi32, #tpu.memory_space<vmem>>
        %dma_start3A_49 = tpu.memref_squeeze %dma_start3A_48 : memref<1x512xi32, #tpu.memory_space<vmem>> -> memref<512xi32, #tpu.memory_space<vmem>>
        %dma_start3A_50 = arith.constant 0 : i32
        %dma_start3A_51 = arith.constant 0 : i32
        %dma_start3A_52 = tpu.memref_slice %arg3[%dma_start3A_50, %dma_start3A_51] : memref<1000000x32xf32, #tpu.memory_space<hbm>> -> memref<1000000x32xf32, #tpu.memory_space<hbm>>
        tpu.enqueue_indirect_dma source(%dma_start3A_52 : memref<1000000x32xf32, #tpu.memory_space<hbm>>) target(%arg6 : memref<512x32xf32, #tpu.memory_space<vmem>>) offsets(%dma_start3A_49 : memref<512xi32, #tpu.memory_space<vmem>>) semaphore(%arg8 : memref<!tpu.dma_semaphore, #tpu.memory_space<semaphore_mem>>)
      } else {
      }
      %dma_wait3A_39 = arith.constant 0 : i32
      %dma_wait3A_40 = tpu.memref_slice %arg5[%add3A_31, %dma_wait3A_39] : memref<26x512xi32, #tpu.memory_space<vmem>> -> memref<1x512xi32, #tpu.memory_space<vmem>>
      %dma_wait3A_41 = tpu.memref_squeeze %dma_wait3A_40 : memref<1x512xi32, #tpu.memory_space<vmem>> -> memref<512xi32, #tpu.memory_space<vmem>>
      %dma_wait3A_42 = arith.constant 0 : i32
      %dma_wait3A_43 = arith.constant 0 : i32
      %dma_wait3A_44 = tpu.memref_slice %arg3[%dma_wait3A_42, %dma_wait3A_43] : memref<1000000x32xf32, #tpu.memory_space<hbm>> -> memref<1000000x32xf32, #tpu.memory_space<hbm>>
      tpu.wait_indirect_dma semaphore(%arg9 : memref<!tpu.dma_semaphore, #tpu.memory_space<semaphore_mem>>) src(%dma_wait3A_44 : memref<1000000x32xf32, #tpu.memory_space<hbm>>) dst(%arg7 : memref<512x32xf32, #tpu.memory_space<vmem>>)
      "tpu.region"() ({
        %run_scoped3A = tpu.sem_alloc : memref<!tpu.dma_semaphore, #tpu.memory_space<semaphore_mem>>
        %dma_start3A_45 = arith.constant 0 : i32
        %dma_start3A_46 = tpu.memref_slice %arg4[%mul3A_2, %add3A_31, %dma_start3A_45] : memref<16384x26x32xf32, #tpu.memory_space<hbm>> -> memref<512x1x32xf32, #tpu.memory_space<hbm>>
        %dma_start3A_47 = tpu.memref_squeeze %dma_start3A_46 : memref<512x1x32xf32, #tpu.memory_space<hbm>> -> memref<512x32xf32, #tpu.memory_space<hbm>>
        %dma_start3A_48 = arith.constant 0 : i32
        %dma_start3A_49 = tpu.memref_slice %arg4[%mul3A_2, %add3A_31, %dma_start3A_48] : memref<16384x26x32xf32, #tpu.memory_space<hbm>> -> memref<512x1x32xf32, #tpu.memory_space<hbm>>
        %dma_start3A_50 = tpu.memref_squeeze %dma_start3A_49 : memref<512x1x32xf32, #tpu.memory_space<hbm>> -> memref<512x32xf32, #tpu.memory_space<hbm>>
        tpu.enqueue_dma source(%arg7 : memref<512x32xf32, #tpu.memory_space<vmem>>) target(%dma_start3A_50 : memref<512x32xf32, #tpu.memory_space<hbm>>) target_semaphore(%run_scoped3A : memref<!tpu.dma_semaphore, #tpu.memory_space<semaphore_mem>>)
        %dma_wait3A_51 = arith.constant 0 : i32
        %dma_wait3A_52 = tpu.memref_slice %arg4[%mul3A_2, %add3A_31, %dma_wait3A_51] : memref<16384x26x32xf32, #tpu.memory_space<hbm>> -> memref<512x1x32xf32, #tpu.memory_space<hbm>>
        %dma_wait3A_53 = tpu.memref_squeeze %dma_wait3A_52 : memref<512x1x32xf32, #tpu.memory_space<hbm>> -> memref<512x32xf32, #tpu.memory_space<hbm>>
        %dma_wait3A_54 = arith.constant 0 : i32
        %dma_wait3A_55 = tpu.memref_slice %arg4[%mul3A_2, %add3A_31, %dma_wait3A_54] : memref<16384x26x32xf32, #tpu.memory_space<hbm>> -> memref<512x1x32xf32, #tpu.memory_space<hbm>>
        %dma_wait3A_56 = tpu.memref_squeeze %dma_wait3A_55 : memref<512x1x32xf32, #tpu.memory_space<hbm>> -> memref<512x32xf32, #tpu.memory_space<hbm>>
        tpu.wait_dma2 semaphore(%run_scoped3A : memref<!tpu.dma_semaphore, #tpu.memory_space<semaphore_mem>>) src(%arg7 : memref<512x32xf32, #tpu.memory_space<vmem>>) dst(%dma_wait3A_56 : memref<512x32xf32, #tpu.memory_space<hbm>>)
        tpu.yield
      }) : () -> ()
    }
    %scan3A_13 = arith.constant 13 : i32
    return
  }
}

</mosaic_0001>

<sc_bundles>
// kernel: kernel.4.cloned.1.call-start
scs
__scs_entry_jumppad:
0x0: {  	(pc) =	sbr.rel $0x88, $3  }
0x1: {  	(tag) =	ssettag $0x0;
	lr =	simm.s32 $0x1  }
0x2: {  	[smem:$0x3F9F] =	sst lr;
	_ =	strace $0xD0000000  }
0x3: {  	_ = 	snop  }
0x4: {  	_ = 	snop  }
0x5: {  	_ = 	snop  }
0x6: {  	_ = 	snop  }
0x7: {  	_ = 	snop  }
__scs_overlays_trampoline_lowered:
0x8: {  	[smem:$0x3FAE] =	sst s0  }
0x9: {  	[smem:$0x3FAF] =	sst s1  }
0xa: {  	[smem:$0x3FB0] =	sst s2  }
0xb: {  	[smem:$0x3FB1] =	sst s3  }
0xc: {  	[smem:$0x3FB2] =	sst s4  }
0xd: {  	[smem:$0x3FB3] =	sst s5  }
0xe: {  	[smem:$0x3FB4] =	sst s6  }
0xf: {  	[smem:$0x3FB5] =	sst s7  }
0x10: {  	[smem:$0x3FB6] =	sst s8  }
0x11: {  	[smem:$0x3FB7] =	sst s9;
	s0 =	simm.s32 @!p0 $0x0  }
0x12: {  	s1 =	sld [smem:$0x3F9D];
	s0 =	simm.s32 @p0 $0x1  }
0x13: {  	[smem:$0x3FB8] =	sst s0;
	s0 =	simm.s32 @!p1 $0x0  }
0x14: {  	s2 =	sld [smem:$0x3F9C];
	s0 =	simm.s32 @p1 $0x1  }
0x15: {  	[smem:$0x3FB9] =	sst s0;
	s0 =	simm.s32 @!p2 $0x0  }
0x16: {  	s3 =	sld [smem:$0x3FDB];
	s0 =	simm.s32 @p2 $0x1  }
0x17: {  	s4 =	simm.s32 $0x1BF5;
	[smem:$0x3FBB] =	sst s0  }
0x18: {  	s0 =	sld [smem:$0x3F9E];
	_ =	swait.ge [sflag:s4], $0x0  }
0x19: {  	s7 =	sld [smem:$0x3F9F]  }
0x1a: {  	s8 =	sadd.s32 $0xFFFFE003, lr  }
0x1b: {  	s9 =	sadd.s32 $0xFFFFFEF7, lr;
	s5 =	simm.s32 $0xFFFFFFFF;
	p2 =	slt.u32 s8, $0xFFFFF086  }
0x1c: {  	p1 =	slt.u32 s9, $0xF7A;
	s5 =	simm.s32 @!p2 $0x0  }
0x1d: {  	s5 =	simm.s32 @p1 $0x1;
	p0 =	seq.s32 s7, s2  }
0x1e: {  	s7 =	smul.u32 @!p0 $0xF7A, s2;
	p2 =	seq.s32 @!p0 s5, $0x0  }
0x1f: {  	s9 =	smul.u32 $0xF7A, s1;
	s8 =	simm.s32 @!p0 $0x1BF5;
	p2 =	por !p2, p0  }
0x20: {  	[sflag:s8] =	ssyncset.s32 @!p0 $0xFFFFF086;
	s6 =	sadd.s32 @!p0 s3, s7;
	s7 =	simm.s32 @!p0 $0x108  }
0x21: {  	s3 =	sadd.s32 s3, s9;
	s6 =	sadd.s32 @!p0 $0x88, s6;
	s7 =	simm.s32 @p2 $0x1082  }
0x22: {  	[simem:s7], [sflag:s8] =	dma.local @!p0 [hbm:s6], $0xF7A  }
0x23: {  	s9 =	sor.u32 $0xD0000000, s2;
	s6 =	simm.s32 $0x108;
	_ =	swait.ge @!p0 [sflag:s8], $0x0  }
0x24: {  	s3 =	sadd.s32 $0x88, s3;
	s6 =	simm.s32 @!p1 $0x1082;
	[sflag:s4] =	ssyncset.s32 $0xFFFFF086  }
0x25: {  	[simem:s6], [sflag:s4] =	dma.local [hbm:s3], $0xF7A  }
0x26: {  	[smem:$0x3F9F] =	sst s1;
	(tag) =	ssettag s2;
	_ =	strace s9  }
0x27: {  	s1 =	sld [smem:$0x3FAF]  }
0x28: {  	s2 =	sld [smem:$0x3FB0]  }
0x29: {  	s4 =	sld [smem:$0x3FB2]  }
0x2a: {  	p0 =	seq.s32 s5, $0x0;
	s5 =	sld [smem:$0x3FB3]  }
0x2b: {  	s6 =	sld [smem:$0x3FB4]  }
0x2c: {  	s7 =	sld [smem:$0x3FB5]  }
0x2d: {  	s3 =	simm.s32 $0x108;
	s8 =	sld [smem:$0x3FB6]  }
0x2e: {  	s3 =	simm.s32 @!p0 $0x1082;
	s9 =	sld [smem:$0x3FB7]  }
0x2f: {  	lr =	sadd.s32 s0, s3;
	s0 =	sld [smem:$0x3FAE]  }
0x30: {  	s3 =	sld [smem:$0x3FB1]  }
0x31: {  	[smem:$0x3FBA] =	sst s10  }
0x32: {  	s10 =	sld [smem:$0x3FB8];
	_ =	sdelay $0x3  }
0x33: {  	p0 =	seq.s32 s10, $0x1;
	s10 =	sld [smem:$0x3FBA];
	_ =	sdelay $0x3  }
0x34: {  	[smem:$0x3FBA] =	sst s10  }
0x35: {  	s10 =	sld [smem:$0x3FB9];
	_ =	sdelay $0x3  }
0x36: {  	p1 =	seq.s32 s10, $0x1;
	s10 =	sld [smem:$0x3FBA];
	_ =	sdelay $0x3  }
0x37: {  	[smem:$0x3FBA] =	sst s10  }
0x38: {  	s10 =	sld [smem:$0x3FBB]  }
0x39: {  	_ = 	snop;
	(pc) =	sbr.ind lr, $3  }
0x3a: {  	_ = 	snop  }
0x3b: {  	_ = 	snop  }
0x3c: {  	p2 =	seq.s32 s10, $0x1;
	s10 =	sld [smem:$0x3FBA]  }
0x3d: {  	_ =	shalt  }
0x3e: {  	_ =	shalt  }
0x3f: {  	_ =	shalt  }
0x40: {  	_ =	shalt  }
0x41: {  	_ =	shalt  }
0x42: {  	_ =	shalt  }
0x43: {  	_ =	shalt  }
0x44: {  	_ =	shalt  }
0x45: {  	_ =	shalt  }
0x46: {  	_ =	shalt  }
0x47: {  	_ =	shalt  }
0x48: {  	_ =	shalt  }
0x49: {  	_ =	shalt  }
0x4a: {  	_ =	shalt  }
0x4b: {  	_ =	shalt  }
0x4c: {  	_ =	shalt  }
0x4d: {  	_ =	shalt  }
0x4e: {  	_ =	shalt  }
0x4f: {  	_ =	shalt  }
0x50: {  	_ =	shalt  }
0x51: {  	_ =	shalt  }
0x52: {  	_ =	shalt  }
0x53: {  	_ =	shalt  }
0x54: {  	_ =	shalt  }
0x55: {  	_ =	shalt  }
0x56: {  	_ =	shalt  }
0x57: {  	_ =	shalt  }
0x58: {  	_ =	shalt  }
0x59: {  	_ =	shalt  }
0x5a: {  	_ =	shalt  }
0x5b: {  	_ =	shalt  }
0x5c: {  	_ =	shalt  }
0x5d: {  	_ =	shalt  }
0x5e: {  	_ =	shalt  }
0x5f: {  	_ =	shalt  }
0x60: {  	_ =	shalt  }
0x61: {  	_ =	shalt  }
0x62: {  	_ =	shalt  }
0x63: {  	_ =	shalt  }
0x64: {  	_ =	shalt  }
0x65: {  	_ =	shalt  }
0x66: {  	_ =	shalt  }
0x67: {  	_ =	shalt  }
0x68: {  	_ =	shalt  }
0x69: {  	_ =	shalt  }
0x6a: {  	_ =	shalt  }
0x6b: {  	_ =	shalt  }
0x6c: {  	_ =	shalt  }
0x6d: {  	_ =	shalt  }
0x6e: {  	_ =	shalt  }
0x6f: {  	_ =	shalt  }
0x70: {  	_ =	shalt  }
0x71: {  	_ =	shalt  }
0x72: {  	_ =	shalt  }
0x73: {  	_ =	shalt  }
0x74: {  	_ =	shalt  }
0x75: {  	_ =	shalt  }
0x76: {  	_ =	shalt  }
0x77: {  	_ =	shalt  }
0x78: {  	_ =	shalt  }
0x79: {  	_ =	shalt  }
0x7a: {  	_ =	shalt  }
0x7b: {  	_ =	shalt  }
0x7c: {  	_ =	shalt  }
0x7d: {  	_ =	shalt  }
0x7e: {  	_ =	shalt  }
0x7f: {  	_ =	shalt  }
0x80: {  	_ =	shalt  }
0x81: {  	_ =	shalt  }
0x82: {  	_ =	shalt  }
0x83: {  	_ =	shalt  }
0x84: {  	_ =	shalt  }
0x85: {  	_ =	shalt  }
0x86: {  	_ =	shalt  }
0x87: {  	_ =	shalt  }
.Lfunc_end0:
.L_simem_size_0:
called_computation.1_lowered:
.L_overlay_start_0:
0x88: {  	s2 =	sld [smem:$0x3FD9]  }
0x89: {  	s3 =	sld [smem:$0x3FFE];
	_ =	sdelay $0x1  }
0x8a: {  	s1 =	srdreg.scid  }
0x8b: {  	s0 =	sand.u32 $0x1, s1  }
0x8c: {  	s17 =	sshll.u32 s0, $0xA;
	s2 =	sadd.s32 s3, s2  }
0x8d: {  	s2 =	sadd.s32 s2, s17  }
0x8e: {  	[smem:$0x3FC6] =	sst s2  }
0x8f: {  	_ = 	snop  }
0x90: {  	s2 =	sld [smem:$0x3FC8];
	(tm) =	ssettm $0x1  }
0x91: {  	s18 =	sld [smem:$0x3FFB];
	_ =	sdelay $0x3  }
0x92: {  	_ =	strace s18  }
0x93: {  	s3 =	sld [smem:$0x3FFC];
	_ =	sdelay $0x3  }
0x94: {  	_ =	strace s3  }
0x95: {  	s3 =	sld [smem:$0x3FFD];
	_ =	sdelay $0x3  }
0x96: {  	_ =	strace s3  }
0x97: {  	_ =	strace $0x8FFFFFFF  }
0x98: {  	s19 =	sld [smem:$0x3FDB];
	_ =	sdelay $0x1  }
0x99: {  	s4 =	simm.s32 $_scs_section_size  }
0x9a: {  	s5 =	simm.s32 $_size__tile_overlayer_lowered;
	s6 =	simm.s32 $_tile_overlayer_lowered  }
0x9b: {  	s22 =	simm.s32 $0x1BFF;
	s21 =	sshll.u32 s6, $0x1;
	s3 =	sadd.s32 s4, s19  }
0x9c: {  	s7 =	simm.s32 $0x0;
	s20 =	sshll.u32 s5, $0x1;
	s5 =	sadd.s32 s21, s3  }
0x9d: {  	[timem:s7], [sflag:s22] =	dma.local [hbm:s5], s20  }
0x9e: {  	_ =	swait.ge [sflag:s22], s20  }
0x9f: {  	s4 =	ssub.s32 $0x0, s20;
	[sflag:s22] =	ssyncset.done $0x0  }
0xa0: {  	[sflag:s22] =	ssyncadd.s32 s4;
	_ =	sdelay $0x1  }
0xa1: {  	s23 =	simm.s32 $0x1B8B  }
0xa2: {  	_ =	swait.ge [sflag:s23], $0x1  }
0xa3: {  	[sflag:s23] =	ssyncset.done $0x0  }
0xa4: {  	s25 =	simm.s32 $0x1B8E;
	s24 =	sld [smem:$0x3FFE];
	[sflag:s23] =	ssyncadd.s32 $0xFFFFFFFF  }
0xa5: {  	s26 =	simm.s32 $execute0_lowered;
	[smem:$0x3FD2] =	sst s25  }
0xa6: {  	s5 =	sshll.u32 s26, $0x1;
	_ =	strace $0x80000046;
	[dreg:$0x1] =	wrdreg $0xFFFFFFFF  }
0xa7: {  	s28 =	simm.s32 $_size_execute0_lowered;
	s3 =	sadd.s32 s3, s5;
	[dreg:$0x0] =	wrdreg $0x0  }
0xa8: {  	s5 =	sshll.u32 s28, $0x1;
	[dreg:$0x2] =	wrdreg s3  }
0xa9: {  	[dreg:$0x3] =	wrdreg s5  }
0xaa: {  	[dreg:$0x4] =	wrdreg $0xC0  }
0xab: {  	_ =	task [dreg:s7], $0x5FFFF  }
0xac: {  	[dreg:$0x1] =	wrdreg $0xFFFFFFFF  }
0xad: {  	[dreg:$0x0] =	wrdreg $0x60  }
0xae: {  	[dreg:$0x2] =	wrdreg s2  }
0xaf: {  	[dreg:$0x3] =	wrdreg s24  }
0xb0: {  	[dreg:$0x4] =	wrdreg $0x9  }
0xb1: {  	_ =	task.clear_ibuf [dreg:s7], $0x5FFFF;
	_ =	strace $0x90000046  }
0xb2: {  	s29 =	simm.s32 $0x9;
	_ =	strace $0x80000048  }
0xb3: {  	_ =	swait.ge [sflag:s29], $0x1  }
0xb4: {  	[sflag:s29] =	ssyncadd.s32 $0xFFFFFFFF  }
0xb5: {  	_ =	strace $0x90000048  }
0xb6: {  	_ =	sfence  }
0xb7: {  	s30 =	sld [smem:$0x0];
	_ =	sdelay $0x2  }
0xb8: {  	s31 =	sshll.u32 s1, $0xD;
	s1 =	sshrl.u32 s1, $0x2  }
0xb9: {  	s3 =	sand.u32 $0x4000, s31;
	s1 =	sadd.s32 s1, s30  }
0xba: {  	s0 =	sor.u32 s3, s0;
	s1 =	sshll.u32 s1, $0x11  }
0xbb: {  	s0 =	sor.u32 s1, s0  }
0xbc: {  	s0 =	sadd.s32 $0x8F2B, s0  }
0xbd: {  	[sflag:s0] =	ssyncadd.remote.s32 $0x1  }
0xbe: {  	_ =	sfence.sel $0xFFFF  }
0xbf: {  	[dreg:$0x0] =	wrdreg $0xFFFFFFFF;
	(pc) =	sbr.abs _section_cstart, $3  }
0xc0: {  	[dreg:$0x1] =	wrdreg $0xFFFFFFFF  }
0xc1: {  	_ =	task.clear_ibuf [dreg:s7], $0x2FFFF;
	_ =	strace $0x9FFFFFFF  }
0xc2: {  	(tm) =	ssettm $0x7FFFFFFF  }
0xc3: {  	_ =	shalt  }
tec
execute0_lowered:
.L_overlay_start_1:
0x0: {  	(tag) =	ssettag $0x1  }
0x1: {  	v1 =	vlaneseq.u32  }
0x2: {  	v0 =	vand.u32 $0x3, v1  }
0x3: {  	v0 =	vmul.u32 $0x20, v0  }
0x4: {  	s5 =	rddreg [dreg:$0x0];
	v1 =	vshrl.u32 v1, $0x2  }
0x5: {  	s0 =	rddreg [dreg:$0x1];
	s1 =	srdreg.scid;
	s2 =	simm.s32 $0x0;
	v1 =	vmul.u32 $0x80, v1;
	v2 =	vor.u32 $0x1, v0  }
0x6: {  	s6 =	stileid.u32;
	s1 =	sand.u32 $0x1, s1;
	[smem:$0x7FF] =	sst s2;
	v3 =	vor.u32 $0x2, v0;
	v4 =	vor.u32 $0x3, v0;
	v5 =	vor.u32 $0x4, v0  }
0x7: {  	s3 =	sshll.u32 s6, $0x1;
	p0 =	slt.u32 s6, $0xB;
	s6 =	simm.s32 $0x29;
	v6 =	vor.u32 $0x5, v0;
	v7 =	vor.u32 $0x6, v0;
	v8 =	vor.u32 $0x7, v0  }
0x8: {  	s7 =	sadd.s32 $0xE00, s0;
	s30 =	sadd.s32 $0xF4200, s5;
	s0 =	sadd.s32 $0x3D1600, s0;
	v9 =	vor.u32 $0x8, v0;
	v10 =	vor.u32 $0x9, v0;
	v11 =	vor.u32 $0xA, v0  }
0x9: {  	_ =	strace $0x80000047;
	s3 =	sor.u32 s1, s3;
	[smem:$0x7F7] =	sst s7;
	v12 =	vor.u32 $0xB, v0;
	v13 =	vor.u32 $0xC, v0;
	v14 =	vor.u32 $0xD, v0  }
0xa: {  	s29 =	ssub.s32 $0x2, s1;
	[smem:$0x7FA] =	sst s30;
	s1 =	smul.u32 $0x300, s3;
	v15 =	vor.u32 $0xE, v0;
	v16 =	vor.u32 $0xF, v0;
	v17 =	vor.u32 $0x10, v0  }
.Ltmp0:
0xb: {  	s6 =	simm.s32 @!p0 $0x28;
	[smem:$0x7FB] =	sst s0;
	v18 =	vor.u32 $0x11, v0;
	v19 =	vor.u32 $0x12, v0;
	v20 =	vor.u32 $0x13, v0;
	(pc) =	sbr.rel .LBB2_1-.Ltmp0, $4  }
0xc: {  	s4 =	sshrl.u32 s29, $0x1;
	[smem:$0x7F8] =	sst s6;
	v21 =	vor.u32 $0x14, v0;
	v22 =	vor.u32 $0x15, v0;
	v23 =	vor.u32 $0x16, v0  }
0xd: {  	[smem:$0x7FD] =	sst s3;
	s2 =	ssub.s32 s29, s4;
	v24 =	vor.u32 $0x17, v0;
	v25 =	vor.u32 $0x18, v0;
	v26 =	vor.u32 $0x19, v0;
	s1 =	sadd.s32 s5, s1  }
0xe: {  	s14 =	simm.s32 $0xC000;
	v27 =	vor.u32 $0x1A, v0;
	v28 =	vor.u32 $0x1B, v0;
	v29 =	vor.u32 $0x1C, v0;
	s31 =	smax.u32 s2, $0x1;
	[smem:$0x7F9] =	sst s1  }
0xf: {  	p0 =	sne.s32 s3, $0x0;
	v30 =	vor.u32 $0x1D, v0;
	v31 =	vor.u32 $0x1E, v0;
	v32 =	vor.u32 $0x1F, v0;
	[smem:$0x7FC] =	sst s31;
	s1 =	simm.s32 $0x0  }
.LBB2_10:
0x10: {  	s0 =	simm.s32 $0x3  }
0x11: {  	_ =	swait.ge [sflag:s0], $0x6000  }
.Ltmp1:
0x12: {  	[sflag:s0] =	ssyncset.done $0x0;
	(pc) =	sbr.rel @!p0 .LBB2_11-.Ltmp1, $4  }
0x13: {  	s31 =	simm.s32 $0x4;
	[sflag:s0] =	ssyncadd.s32 $0xFFFFA000  }
0x14: {  	_ =	swait.ge [sflag:s31], $0x6000  }
0x15: {  	[sflag:s31] =	ssyncset.done $0x0  }
0x16: {  	s4 =	simm.s32 $0x19000;
	s1 =	sld [smem:$0x7F6];
	[sflag:s31] =	ssyncadd.s32 $0xFFFFA000  }
.LBB2_14:
0x17: {  	s0 =	sld [smem:$0x7FC];
	_ =	sdelay $0x1  }
0x18: {  	s1 =	sadd.s32 $0x1, s1  }
0x19: {  	p1 =	sne.s32 s1, s0  }
.Ltmp2:
0x1a: {  	_ = 	snop;
	(pc) =	sbr.rel @!p1 .LBB2_15-.Ltmp2, $1  }
0x1b: {  	_ =	sdelay $0x3  }
.LBB2_1:
.Ltmp3:
0x1c: {  	(pc) =	sbr.rel .LBB2_2-.Ltmp3, $4  }
0x1d: {  	s31 =	sld [smem:$0x7F9]  }
0x1e: {  	[smem:$0x7F6] =	sst s1;
	s0 =	simm.s32 $0x0  }
0x1f: {  	s2 =	simm.s32 $0x1800;
	s3 =	simm.s32 $0x7A1400;
	s4 =	simm.s32 $0x0  }
0x20: {  	[tilespmem:s0], [sflag:$0x1] =	stream.strided.gather [hbm4b:s31+s2], $0x6000, s3, s2, $0x38;
	[tilespmem:$0x19800] =	vst v63  }
.LBB2_9:
0x21: {  	s0 =	sld [smem:$0x7F8]  }
0x22: {  	s4 =	sld [smem:$0x7D5];
	_ =	sdelay $0x2  }
0x23: {  	p1 =	sne.s32 s4, s0  }
.Ltmp4:
0x24: {  	_ = 	snop;
	(pc) =	sbr.rel @!p1 .LBB2_10-.Ltmp4, $1  }
0x25: {  	_ =	sdelay $0x3  }
.LBB2_2:
0x26: {  	s2 =	sand.u32 $0x1, s4  }
0x27: {  	p1 =	seq.s32 s2, $0x1  }
.Ltmp5:
0x28: {  	s1 =	sld [smem:$0x7FD];
	(pc) =	sbr.rel @p1 .LBB2_6-.Ltmp5, $4  }
0x29: {  	_ = 	snop  }
0x2a: {  	s0 =	sshll.u32 s4, $0x5  }
0x2b: {  	s0 =	sor.u32 s1, s0  }
0x2c: {  	[smem:$0x7F5] =	sst s0  }
0x2d: {  	s0 =	sld [smem:$0x7F8];
	_ =	sdelay $0x1  }
0x2e: {  	s1 =	sor.u32 $0x1, s4  }
0x2f: {  	[smem:$0x7D5] =	sst s1;
	p1 =	sge.u32 s1, s0  }
0x30: {  	s0 =	sshll.u32 @!p1 s1, $0x5;
	s1 =	sld [smem:$0x7FD];
	_ =	sdelay $0x2  }
0x31: {  	s0 =	sor.u32 @!p1 s1, s0  }
0x32: {  	[smem:$0x7D4] =	sst s2;
	s0 =	smul.u32 @!p1 $0x300, s0  }
0x33: {  	s22 =	simm.s32 $0x1;
	s2 =	simm.s32 @!p1 $0x7A1400;
	s1 =	rddreg [dreg:$0x0]  }
0x34: {  	s3 =	simm.s32 @!p1 $0x6000;
	s0 =	sadd.s32 @!p1 s1, s0;
	s1 =	simm.s32 @!p1 $0x1800  }
0x35: {  	[tilespmem:s3], [sflag:$0x2] =	stream.strided.gather @!p1 [hbm4b:s0+s1], $0x6000, s2, s1, $0x38;
	[tilespmem:$0x19800] =	vst v63  }
0x36: {  	_ =	swait.ge [sflag:s22], $0x6000  }
0x37: {  	s23 =	simm.s32 $0x4;
	p1 =	slt.u32 s4, $0x2;
	[sflag:s22] =	ssyncset.done $0x0  }
0x38: {  	s1 =	simm.s32 @!p1 $0x3;
	[smem:$0x7D6] =	sst s4;
	[sflag:s22] =	ssyncadd.s32 $0xFFFFA000  }
0x39: {  	s24 =	simm.s32 $0x10;
	s25 =	simm.s32 $0x0;
	v33 =	vmov s23;
	_ =	swait.ge @!p1 [sflag:s1], $0x6000  }
0x3a: {  	s6 =	sand.u32 $0x1C00, s25;
	s5 =	sand.u32 $0x70, s24;
	v33 =	vshll.u32 v33, $0x7;
	[sflag:s1] =	ssyncset.done @!p1 $0x0  }
0x3b: {  	s26 =	sor.u32 s5, s6;
	v39 =	vor.u32 v1, v33;
	[sflag:s1] =	ssyncadd.s32 @!p1 $0xFFFFA000  }
0x3c: {  	v33 =	vor.u32 v0, v39;
	v34 =	vld [tilespmem:s26+$0x0];
	_ =	sdelay $0x4  }
0x3d: {  	[tilespmem:v33+s14+$0x0] =	vst.idx.msk $0xffff, v34  }
0x3e: {  	v38 =	vor.u32 v2, v39;
	v34 =	vld [tilespmem:s26+$0x80];
	_ =	sdelay $0x4  }
0x3f: {  	[tilespmem:v38+s14+$0x0] =	vst.idx.msk $0xffff, v34  }
0x40: {  	v40 =	vor.u32 v3, v39;
	v34 =	vld [tilespmem:s26+$0x100];
	_ =	sdelay $0x4  }
0x41: {  	[tilespmem:v40+s14+$0x0] =	vst.idx.msk $0xffff, v34  }
0x42: {  	v41 =	vor.u32 v4, v39;
	v34 =	vld [tilespmem:s26+$0x180];
	_ =	sdelay $0x4  }
0x43: {  	[tilespmem:v41+s14+$0x0] =	vst.idx.msk $0xffff, v34  }
0x44: {  	v42 =	vor.u32 v5, v39;
	v34 =	vld [tilespmem:s26+$0x200];
	_ =	sdelay $0x4  }
0x45: {  	[tilespmem:v42+s14+$0x0] =	vst.idx.msk $0xffff, v34  }
0x46: {  	v43 =	vor.u32 v6, v39;
	v33 =	vld [tilespmem:s26+$0x280]  }
0x47: {  	s2 =	sand.u32 $0x7, s25  }
0x48: {  	s1 =	sshll.u32 s2, $0x4  }
0x49: {  	s1 =	sadd.s32 $0x0, s1  }
0x4a: {  	s1 =	sadd.s32 $0x10, s1  }
0x4b: {  	s1 =	sor.u32 $0x300, s1;
	[tilespmem:v43+s14+$0x0] =	vst.idx.msk $0xffff, v33  }
0x4c: {  	v44 =	vor.u32 v7, v39;
	v33 =	vld [tilespmem:s1+$0x0];
	_ =	sdelay $0x3  }
0x4d: {  	s4 =	sor.u32 s24, s25  }
0x4e: {  	s1 =	sor.u32 $0x380, s4;
	[tilespmem:v44+s14+$0x0] =	vst.idx.msk $0xffff, v33  }
0x4f: {  	v45 =	vor.u32 v8, v39;
	v33 =	vld [tilespmem:s1+$0x0];
	_ =	sdelay $0x3  }
0x50: {  	s4 =	sadd.s32 $0x1800, s6  }
0x51: {  	s7 =	sor.u32 s5, s4;
	[tilespmem:v45+s14+$0x0] =	vst.idx.msk $0xffff, v33  }
0x52: {  	s8 =	simm.s32 $0x0;
	v46 =	vor.u32 v9, v39;
	v33 =	vld [tilespmem:s7+$0x0]  }
0x53: {  	s11 =	simm.s32 $0x0;
	v35 =	vmov s8  }
0x54: {  	v35 =	vshll.u32 v35, $0x7;
	s7 =	sand.u32 $0x60, s11  }
0x55: {  	v42 =	vor.u32 v1, v35;
	s13 =	sor.u32 s7, s6  }
0x56: {  	v36 =	vor.u32 v0, v42;
	s1 =	sadd.s32 $0x1880, s6;
	v47 =	vld [tilespmem:s13+$0x0]  }
0x57: {  	s9 =	sor.u32 s5, s1;
	[tilespmem:v46+s14+$0x0] =	vst.idx.msk $0xffff, v33  }
0x58: {  	v48 =	vor.u32 v10, v39;
	v33 =	vld [tilespmem:s9+$0x0];
	_ =	sdelay $0x2  }
0x59: {  	[tilespmem:v36+s14+$0x0] =	vst.idx.msk $0xffff, v47  }
0x5a: {  	s10 =	simm.s32 $0xC;
	s3 =	sadd.s32 $0x1900, s6;
	v49 =	vor.u32 v2, v42;
	v35 =	vld [tilespmem:s13+$0x80]  }
0x5b: {  	s12 =	simm.s32 $0x30;
	v37 =	vmov s10;
	s8 =	sor.u32 s5, s3;
	s9 =	simm.s32 $0x100;
	[tilespmem:v48+s14+$0x0] =	vst.idx.msk $0xffff, v33  }
0x5c: {  	s20 =	sand.u32 $0x70, s12;
	v50 =	vshll.u32 v37, $0x7;
	v51 =	vor.u32 v11, v39;
	s14 =	sand.u32 $0x1C00, s9;
	v34 =	vld [tilespmem:s8+$0x0]  }
0x5d: {  	v33 =	vor.u32 v1, v50;
	s16 =	sor.u32 s20, s14  }
0x5e: {  	s10 =	simm.s32 $0xC000;
	v38 =	vor.u32 v0, v33;
	v40 =	vld [tilespmem:s16+$0x0]  }
0x5f: {  	[tilespmem:v49+s10+$0x0] =	vst.idx.msk $0xffff, v35  }
0x60: {  	s2 =	sadd.s32 $0x1980, s6;
	v52 =	vor.u32 v3, v42;
	v35 =	vld [tilespmem:s13+$0x100]  }
0x61: {  	s15 =	sor.u32 s5, s2;
	[tilespmem:v51+s10+$0x0] =	vst.idx.msk $0xffff, v34  }
0x62: {  	v53 =	vor.u32 v12, v39;
	v34 =	vld [tilespmem:s15+$0x0]  }
0x63: {  	[tilespmem:v38+s10+$0x0] =	vst.idx.msk $0xffff, v40  }
0x64: {  	v54 =	vor.u32 v2, v33;
	v40 =	vld [tilespmem:s16+$0x80]  }
0x65: {  	[tilespmem:v52+s10+$0x0] =	vst.idx.msk $0xffff, v35  }
0x66: {  	v55 =	vor.u32 v4, v42;
	s15 =	sadd.s32 $0x1A00, s6;
	v35 =	vld [tilespmem:s13+$0x180]  }
0x67: {  	s17 =	sor.u32 s5, s15;
	[tilespmem:v53+s10+$0x0] =	vst.idx.msk $0xffff, v34  }
0x68: {  	v56 =	vor.u32 v13, v39;
	v34 =	vld [tilespmem:s17+$0x0]  }
0x69: {  	[tilespmem:v54+s10+$0x0] =	vst.idx.msk $0xffff, v40  }
0x6a: {  	v57 =	vor.u32 v3, v33;
	v40 =	vld [tilespmem:s16+$0x100]  }
0x6b: {  	[tilespmem:v55+s10+$0x0] =	vst.idx.msk $0xffff, v35  }
0x6c: {  	v58 =	vor.u32 v5, v42;
	s8 =	sadd.s32 $0x1A80, s6;
	v35 =	vld [tilespmem:s13+$0x200]  }
0x6d: {  	s19 =	sor.u32 s5, s8;
	[tilespmem:v56+s10+$0x0] =	vst.idx.msk $0xffff, v34  }
0x6e: {  	v59 =	vor.u32 v14, v39;
	v34 =	vld [tilespmem:s19+$0x0]  }
0x6f: {  	[tilespmem:v57+s10+$0x0] =	vst.idx.msk $0xffff, v40  }
0x70: {  	v60 =	vor.u32 v4, v33;
	v40 =	vld [tilespmem:s16+$0x180]  }
0x71: {  	[tilespmem:v58+s10+$0x0] =	vst.idx.msk $0xffff, v35  }
0x72: {  	v61 =	vor.u32 v6, v42;
	s9 =	sadd.s32 $0x1B00, s6;
	v35 =	vld [tilespmem:s13+$0x280]  }
0x73: {  	s21 =	sor.u32 s5, s9;
	[tilespmem:v59+s10+$0x0] =	vst.idx.msk $0xffff, v34  }
0x74: {  	v62 =	vor.u32 v15, v39;
	s22 =	sand.u32 $0x3, s25;
	v34 =	vld [tilespmem:s21+$0x0]  }
0x75: {  	s13 =	sshll.u32 s22, $0x5;
	[tilespmem:v60+s10+$0x0] =	vst.idx.msk $0xffff, v40  }
0x76: {  	v63 =	vor.u32 v5, v33;
	s13 =	sadd.s32 $0x0, s13;
	v40 =	vld [tilespmem:s16+$0x200]  }
0x77: {  	s17 =	sor.u32 $0x300, s13;
	[tilespmem:v61+s10+$0x0] =	vst.idx.msk $0xffff, v35  }
0x78: {  	v44 =	vor.u32 v7, v42;
	s13 =	sadd.s32 $0x1B80, s6;
	v35 =	vld [tilespmem:s17+$0x0]  }
0x79: {  	s23 =	sor.u32 s5, s13;
	[tilespmem:v62+s10+$0x0] =	vst.idx.msk $0xffff, v34  }
0x7a: {  	v45 =	vor.u32 v16, v39;
	v34 =	vld [tilespmem:s23+$0x0]  }
0x7b: {  	[tilespmem:v63+s10+$0x0] =	vst.idx.msk $0xffff, v40  }
0x7c: {  	s0 =	sor.u32 s11, s25;
	s24 =	simm.s32 $0x2;
	v46 =	vor.u32 v6, v33;
	v38 =	vld [tilespmem:s16+$0x280]  }
0x7d: {  	s0 =	sor.u32 $0x380, s0;
	s25 =	sand.u32 $0x7, s24;
	[tilespmem:v44+s10+$0x0] =	vst.idx.msk $0xffff, v35  }
0x7e: {  	s26 =	sshll.u32 s25, $0x4;
	s11 =	sadd.s32 $0x3000, s6;
	v47 =	vor.u32 v8, v42;
	v35 =	vld [tilespmem:s0+$0x0]  }
0x7f: {  	s19 =	sor.u32 s5, s11;
	s17 =	sadd.s32 $0x100, s26;
	[tilespmem:v45+s10+$0x0] =	vst.idx.msk $0xffff, v34  }
0x80: {  	v48 =	vor.u32 v17, v39;
	s0 =	sadd.s32 $0x10, s17;
	v34 =	vld [tilespmem:s19+$0x0]  }
0x81: {  	s0 =	sor.u32 $0x300, s0;
	[tilespmem:v46+s10+$0x0] =	vst.idx.msk $0xffff, v38  }
0x82: {  	v49 =	vor.u32 v7, v33;
	v38 =	vld [tilespmem:s0+$0x0]  }
0x83: {  	s21 =	sor.u32 s7, s4;
	[tilespmem:v47+s10+$0x0] =	vst.idx.msk $0xffff, v35  }
0x84: {  	v50 =	vor.u32 v9, v42;
	s17 =	sadd.s32 $0x3080, s6;
	v35 =	vld [tilespmem:s21+$0x0]  }
0x85: {  	s18 =	simm.s32 $0x100;
	s22 =	sor.u32 s5, s17;
	[tilespmem:v48+s10+$0x0] =	vst.idx.msk $0xffff, v34  }
0x86: {  	v51 =	vor.u32 v18, v39;
	s23 =	sor.u32 s12, s18;
	v34 =	vld [tilespmem:s22+$0x0]  }
0x87: {  	s24 =	sor.u32 $0x380, s23;
	[tilespmem:v49+s10+$0x0] =	vst.idx.msk $0xffff, v38  }
0x88: {  	v52 =	vor.u32 v8, v33;
	v38 =	vld [tilespmem:s24+$0x0]  }
0x89: {  	s25 =	sor.u32 s7, s1;
	[tilespmem:v50+s10+$0x0] =	vst.idx.msk $0xffff, v35  }
0x8a: {  	v53 =	vor.u32 v10, v42;
	s18 =	sadd.s32 $0x3100, s6;
	v35 =	vld [tilespmem:s25+$0x0]  }
0x8b: {  	s26 =	sor.u32 s5, s18;
	[tilespmem:v51+s10+$0x0] =	vst.idx.msk $0xffff, v34  }
0x8c: {  	v54 =	vor.u32 v19, v39;
	s12 =	sadd.s32 $0x1800, s14;
	v34 =	vld [tilespmem:s26+$0x0]  }
0x8d: {  	s1 =	sor.u32 s20, s12;
	[tilespmem:v52+s10+$0x0] =	vst.idx.msk $0xffff, v38  }
0x8e: {  	v55 =	vor.u32 v9, v33;
	v38 =	vld [tilespmem:s1+$0x0]  }
0x8f: {  	s3 =	sor.u32 s7, s3;
	[tilespmem:v53+s10+$0x0] =	vst.idx.msk $0xffff, v35  }
0x90: {  	v56 =	vor.u32 v11, v42;
	s24 =	sadd.s32 $0x3180, s6;
	v35 =	vld [tilespmem:s3+$0x0]  }
0x91: {  	s16 =	sor.u32 s5, s24;
	[tilespmem:v54+s10+$0x0] =	vst.idx.msk $0xffff, v34  }
0x92: {  	v41 =	vor.u32 v20, v39;
	s4 =	simm.s32 $0x8;
	s21 =	sadd.s32 $0x1880, s14;
	s25 =	simm.s32 $0x20;
	v37 =	vld [tilespmem:s16+$0x0]  }
0x93: {  	v57 =	vmov s4;
	s19 =	sor.u32 s20, s21;
	s0 =	sand.u32 $0x60, s25;
	[tilespmem:v55+s10+$0x0] =	vst.idx.msk $0xffff, v38  }
0x94: {  	s28 =	simm.s32 $0x200;
	v34 =	vshll.u32 v57, $0x7;
	s16 =	sor.u32 s0, s14;
	v38 =	vld [tilespmem:s19+$0x0]  }
0x95: {  	s30 =	sand.u32 $0x1C00, s28;
	s2 =	sor.u32 s7, s2;
	v58 =	vor.u32 v10, v33;
	s22 =	simm.s32 $0x10;
	v34 =	vor.u32 v1, v34;
	v43 =	vld [tilespmem:s16+$0x0];
	[tilespmem:v56+s10+$0x0] =	vst.idx.msk $0xffff, v35  }
0x96: {  	s23 =	simm.s32 $0x40;
	v59 =	vmov s22;
	s19 =	sadd.s32 $0x3200, s6;
	v44 =	vor.u32 v0, v34;
	v60 =	vld [tilespmem:s2+$0x0];
	s2 =	simm.s32 $0x14  }
0x97: {  	v61 =	vor.u32 v12, v42;
	s29 =	sand.u32 $0x60, s23;
	v35 =	vshll.u32 v59, $0x7;
	s26 =	sor.u32 s5, s19;
	v62 =	vmov s2;
	s2 =	simm.s32 $0x50;
	[tilespmem:v41+s10+$0x0] =	vst.idx.msk $0xffff, v37  }
0x98: {  	s23 =	sor.u32 s29, s30;
	v46 =	vor.u32 v21, v39;
	v35 =	vor.u32 v1, v35;
	v36 =	vshll.u32 v62, $0x7;
	s31 =	sand.u32 $0x70, s2;
	v45 =	vld [tilespmem:s26+$0x0]  }
0x99: {  	s4 =	sadd.s32 $0x1900, s14;
	v63 =	vld [tilespmem:s23+$0x0];
	v52 =	vor.u32 v0, v35;
	v36 =	vor.u32 v1, v36;
	s1 =	sor.u32 s31, s30  }
0x9a: {  	s3 =	sor.u32 s20, s4;
	[tilespmem:v58+s10+$0x0] =	vst.idx.msk $0xffff, v38;
	v49 =	vor.u32 v0, v36;
	v50 =	vld [tilespmem:s1+$0x0]  }
0x9b: {  	v53 =	vor.u32 v11, v33;
	[tilespmem:v44+s10+$0x0] =	vst.idx.msk $0xffff, v43;
	v47 =	vld [tilespmem:s3+$0x0]  }
0x9c: {  	s22 =	sor.u32 s7, s15;
	v48 =	vor.u32 v2, v34;
	s26 =	sadd.s32 $0x3280, s6;
	v44 =	vld [tilespmem:s16+$0x80];
	[tilespmem:v61+s10+$0x0] =	vst.idx.msk $0xffff, v60  }
0x9d: {  	v54 =	vor.u32 v13, v42;
	s15 =	sor.u32 s5, s26;
	v37 =	vld [tilespmem:s22+$0x0];
	[tilespmem:v46+s10+$0x0] =	vst.idx.msk $0xffff, v45  }
0x9e: {  	v55 =	vor.u32 v22, v39;
	[tilespmem:v52+s10+$0x0] =	vst.idx.msk $0xffff, v63;
	v45 =	vld [tilespmem:s15+$0x0]  }
0x9f: {  	v56 =	vor.u32 v2, v35;
	s3 =	sadd.s32 $0x1980, s14;
	v38 =	vld [tilespmem:s23+$0x80];
	[tilespmem:v49+s10+$0x0] =	vst.idx.msk $0xffff, v50  }
0xa0: {  	s22 =	sor.u32 s20, s3;
	[tilespmem:v53+s10+$0x0] =	vst.idx.msk $0xffff, v47;
	v50 =	vld [tilespmem:s1+$0x80]  }
0xa1: {  	v57 =	vor.u32 v12, v33;
	[tilespmem:v48+s10+$0x0] =	vst.idx.msk $0xffff, v44;
	v43 =	vld [tilespmem:s22+$0x0]  }
0xa2: {  	s8 =	sor.u32 s7, s8;
	v59 =	vor.u32 v3, v34;
	v58 =	vld [tilespmem:s16+$0x100];
	[tilespmem:v54+s10+$0x0] =	vst.idx.msk $0xffff, v37;
	s22 =	sadd.s32 $0x3300, s6  }
0xa3: {  	v60 =	vor.u32 v2, v36;
	v37 =	vld [tilespmem:s8+$0x0];
	s15 =	sor.u32 s5, s22;
	[tilespmem:v55+s10+$0x0] =	vst.idx.msk $0xffff, v45  }
0xa4: {  	v61 =	vor.u32 v14, v42;
	[tilespmem:v56+s10+$0x0] =	vst.idx.msk $0xffff, v38;
	v45 =	vld [tilespmem:s15+$0x0];
	s15 =	sadd.s32 $0x1A00, s14  }
0xa5: {  	v62 =	vor.u32 v23, v39;
	[smem:$0x7D7] =	sst s15  }
0xa6: {  	v63 =	vor.u32 v3, v35;
	s8 =	sor.u32 s20, s15;
	v38 =	vld [tilespmem:s23+$0x100];
	[tilespmem:v57+s10+$0x0] =	vst.idx.msk $0xffff, v43  }
0xa7: {  	[tilespmem:v59+s10+$0x0] =	vst.idx.msk $0xffff, v58;
	v43 =	vld [tilespmem:s8+$0x0]  }
0xa8: {  	v52 =	vor.u32 v13, v33;
	[tilespmem:v60+s10+$0x0] =	vst.idx.msk $0xffff, v50;
	v47 =	vld [tilespmem:s16+$0x180]  }
0xa9: {  	s9 =	sor.u32 s7, s9;
	v53 =	vor.u32 v4, v34;
	[tilespmem:v61+s10+$0x0] =	vst.idx.msk $0xffff, v37;
	v50 =	vld [tilespmem:s1+$0x100];
	s8 =	sadd.s32 $0x3380, s6  }
0xaa: {  	v54 =	vor.u32 v3, v36;
	v37 =	vld [tilespmem:s9+$0x0];
	s15 =	sor.u32 s5, s8;
	[tilespmem:v62+s10+$0x0] =	vst.idx.msk $0xffff, v45  }
0xab: {  	v55 =	vor.u32 v15, v42;
	v45 =	vld [tilespmem:s15+$0x0];
	s15 =	sadd.s32 $0x1A80, s14;
	[tilespmem:v63+s10+$0x0] =	vst.idx.msk $0xffff, v38  }
0xac: {  	v56 =	vor.u32 v24, v39;
	[smem:$0x7D8] =	sst s15  }
0xad: {  	v57 =	vor.u32 v4, v35;
	v38 =	vld [tilespmem:s23+$0x180];
	[tilespmem:v52+s10+$0x0] =	vst.idx.msk $0xffff, v43  }
0xae: {  	s9 =	sor.u32 s20, s15;
	[tilespmem:v53+s10+$0x0] =	vst.idx.msk $0xffff, v47  }
0xaf: {  	v58 =	vor.u32 v14, v33;
	[tilespmem:v54+s10+$0x0] =	vst.idx.msk $0xffff, v50;
	v43 =	vld [tilespmem:s9+$0x0]  }
0xb0: {  	v59 =	vor.u32 v5, v34;
	[tilespmem:v55+s10+$0x0] =	vst.idx.msk $0xffff, v37;
	v47 =	vld [tilespmem:s16+$0x200]  }
0xb1: {  	v60 =	vor.u32 v4, v36;
	s9 =	sor.u32 s7, s13;
	v50 =	vld [tilespmem:s1+$0x180];
	s13 =	sadd.s32 $0x4800, s6;
	[tilespmem:v56+s10+$0x0] =	vst.idx.msk $0xffff, v45  }
0xb2: {  	v61 =	vor.u32 v16, v42;
	s15 =	sadd.s32 $0x1B00, s14;
	v37 =	vld [tilespmem:s9+$0x0];
	s9 =	sor.u32 s5, s13;
	[tilespmem:v57+s10+$0x0] =	vst.idx.msk $0xffff, v38  }
0xb3: {  	v62 =	vor.u32 v25, v39;
	v45 =	vld [tilespmem:s9+$0x0];
	[smem:$0x7D9] =	sst s15  }
0xb4: {  	v63 =	vor.u32 v5, v35;
	v38 =	vld [tilespmem:s23+$0x200];
	[tilespmem:v58+s10+$0x0] =	vst.idx.msk $0xffff, v43  }
0xb5: {  	s9 =	sor.u32 s20, s15;
	[tilespmem:v59+s10+$0x0] =	vst.idx.msk $0xffff, v47  }
0xb6: {  	v52 =	vor.u32 v15, v33;
	[tilespmem:v60+s10+$0x0] =	vst.idx.msk $0xffff, v50;
	v43 =	vld [tilespmem:s9+$0x0]  }
0xb7: {  	v53 =	vor.u32 v6, v34;
	[tilespmem:v61+s10+$0x0] =	vst.idx.msk $0xffff, v37;
	v47 =	vld [tilespmem:s16+$0x280]  }
0xb8: {  	s11 =	sor.u32 s7, s11;
	v54 =	vor.u32 v5, v36;
	s15 =	sadd.s32 $0x4880, s6;
	v50 =	vld [tilespmem:s1+$0x200];
	s9 =	simm.s32 $0x1;
	[tilespmem:v62+s10+$0x0] =	vst.idx.msk $0xffff, v45  }
0xb9: {  	v55 =	vor.u32 v17, v42;
	v37 =	vld [tilespmem:s11+$0x0];
	s16 =	sadd.s32 $0x1B80, s14;
	s11 =	sand.u32 $0x3, s9;
	s9 =	sor.u32 s5, s15;
	[tilespmem:v63+s10+$0x0] =	vst.idx.msk $0xffff, v38  }
0xba: {  	v56 =	vor.u32 v26, v39;
	v45 =	vld [tilespmem:s9+$0x0];
	s11 =	sshll.u32 s11, $0x5;
	[smem:$0x7DA] =	sst s16  }
0xbb: {  	v57 =	vor.u32 v6, v35;
	s11 =	sadd.s32 $0x100, s11;
	v38 =	vld [tilespmem:s23+$0x280];
	[tilespmem:v52+s10+$0x0] =	vst.idx.msk $0xffff, v43;
	s23 =	sor.u32 s20, s16  }
0xbc: {  	s9 =	simm.s32 $0x2;
	s11 =	sor.u32 $0x300, s11;
	[tilespmem:v53+s10+$0x0] =	vst.idx.msk $0xffff, v47;
	v43 =	vld [tilespmem:s23+$0x0]  }
0xbd: {  	v58 =	vor.u32 v16, v33;
	s16 =	sand.u32 $0x3, s9;
	[tilespmem:v54+s10+$0x0] =	vst.idx.msk $0xffff, v50;
	s9 =	simm.s32 $0x4;
	v47 =	vld [tilespmem:s11+$0x0]  }
0xbe: {  	v59 =	vor.u32 v7, v34;
	[tilespmem:v55+s10+$0x0] =	vst.idx.msk $0xffff, v37;
	s23 =	sor.u32 s7, s17;
	v49 =	vld [tilespmem:s1+$0x280];
	s1 =	sshll.u32 s16, $0x5;
	s16 =	sadd.s32 $0x4900, s6  }
0xbf: {  	v61 =	vor.u32 v18, v42;
	[tilespmem:v56+s10+$0x0] =	vst.idx.msk $0xffff, v45;
	v37 =	vld [tilespmem:s23+$0x0];
	s23 =	sand.u32 $0x7, s9;
	s9 =	sor.u32 s5, s16  }
0xc0: {  	v60 =	vor.u32 v6, v36;
	s1 =	sadd.s32 $0x200, s1;
	v45 =	vld [tilespmem:s9+$0x0];
	s11 =	sshll.u32 s23, $0x4;
	s9 =	sadd.s32 $0x3000, s14;
	[tilespmem:v57+s10+$0x0] =	vst.idx.msk $0xffff, v38  }
0xc1: {  	v62 =	vor.u32 v27, v39;
	s1 =	sor.u32 $0x300, s1;
	s23 =	simm.s32 $0x100;
	[smem:$0x7DB] =	sst s9  }
0xc2: {  	v63 =	vor.u32 v7, v35;
	s17 =	sor.u32 s25, s23;
	s25 =	sor.u32 s20, s9;
	v38 =	vld [tilespmem:s1+$0x0];
	[tilespmem:v58+s10+$0x0] =	vst.idx.msk $0xffff, v43  }
0xc3: {  	v52 =	vor.u32 v17, v33;
	s23 =	sadd.s32 $0x200, s11;
	s9 =	sor.u32 $0x380, s17;
	[tilespmem:v59+s10+$0x0] =	vst.idx.msk $0xffff, v47;
	v43 =	vld [tilespmem:s25+$0x0]  }
0xc4: {  	v53 =	vor.u32 v8, v34;
	s11 =	sor.u32 s7, s18;
	s1 =	sadd.s32 $0x10, s23;
	[tilespmem:v61+s10+$0x0] =	vst.idx.msk $0xffff, v37;
	v47 =	vld [tilespmem:s9+$0x0]  }
0xc5: {  	v55 =	vor.u32 v19, v42;
	s17 =	simm.s32 $0x40;
	[tilespmem:v60+s10+$0x0] =	vst.idx.msk $0xffff, v49;
	s1 =	sor.u32 $0x300, s1;
	s25 =	sadd.s32 $0x4980, s6;
	v37 =	vld [tilespmem:s11+$0x0]  }
0xc6: {  	v54 =	vor.u32 v7, v36;
	[tilespmem:v62+s10+$0x0] =	vst.idx.msk $0xffff, v45;
	v49 =	vld [tilespmem:s1+$0x0];
	s1 =	sor.u32 s17, s28;
	s18 =	sor.u32 s5, s25  }
0xc7: {  	v56 =	vor.u32 v28, v39;
	v45 =	vld [tilespmem:s18+$0x0];
	s1 =	sor.u32 $0x380, s1;
	[tilespmem:v63+s10+$0x0] =	vst.idx.msk $0xffff, v38  }
0xc8: {  	v57 =	vor.u32 v8, v35;
	s17 =	sadd.s32 $0x3080, s14;
	v38 =	vld [tilespmem:s1+$0x0];
	[tilespmem:v52+s10+$0x0] =	vst.idx.msk $0xffff, v43  }
0xc9: {  	s23 =	sor.u32 s20, s17;
	[tilespmem:v53+s10+$0x0] =	vst.idx.msk $0xffff, v47  }
0xca: {  	s2 =	sor.u32 s2, s28;
	v58 =	vor.u32 v18, v33;
	s9 =	sor.u32 s0, s12;
	[tilespmem:v55+s10+$0x0] =	vst.idx.msk $0xffff, v37;
	v43 =	vld [tilespmem:s23+$0x0]  }
0xcb: {  	v59 =	vor.u32 v9, v34;
	s11 =	sor.u32 $0x380, s2;
	v47 =	vld [tilespmem:s9+$0x0];
	[tilespmem:v54+s10+$0x0] =	vst.idx.msk $0xffff, v49  }
0xcc: {  	v60 =	vor.u32 v8, v36;
	s12 =	sor.u32 s7, s24;
	s9 =	sadd.s32 $0x4A00, s6;
	v49 =	vld [tilespmem:s11+$0x0];
	[tilespmem:v56+s10+$0x0] =	vst.idx.msk $0xffff, v45  }
0xcd: {  	v61 =	vor.u32 v20, v42;
	s24 =	sadd.s32 $0x3100, s14;
	s1 =	sadd.s32 $0x1800, s30;
	v37 =	vld [tilespmem:s12+$0x0];
	s18 =	sor.u32 s5, s9;
	[tilespmem:v57+s10+$0x0] =	vst.idx.msk $0xffff, v38  }
0xce: {  	v62 =	vor.u32 v29, v39;
	s23 =	sor.u32 s29, s1;
	v45 =	vld [tilespmem:s18+$0x0];
	[smem:$0x7DC] =	sst s24  }
0xcf: {  	v63 =	vor.u32 v9, v35;
	v38 =	vld [tilespmem:s23+$0x0];
	[tilespmem:v58+s10+$0x0] =	vst.idx.msk $0xffff, v43  }
0xd0: {  	s12 =	sor.u32 s20, s24;
	[tilespmem:v59+s10+$0x0] =	vst.idx.msk $0xffff, v47  }
0xd1: {  	v52 =	vor.u32 v19, v33;
	s18 =	sor.u32 s0, s21;
	[tilespmem:v60+s10+$0x0] =	vst.idx.msk $0xffff, v49;
	v43 =	vld [tilespmem:s12+$0x0]  }
0xd2: {  	v53 =	vor.u32 v10, v34;
	s1 =	sor.u32 s31, s1;
	[tilespmem:v61+s10+$0x0] =	vst.idx.msk $0xffff, v37;
	v47 =	vld [tilespmem:s18+$0x0]  }
0xd3: {  	s28 =	sadd.s32 $0x4A80, s6;
	v54 =	vor.u32 v9, v36;
	s21 =	sor.u32 s7, s19;
	v49 =	vld [tilespmem:s1+$0x0];
	[tilespmem:v62+s10+$0x0] =	vst.idx.msk $0xffff, v45  }
0xd4: {  	v55 =	vor.u32 v21, v42;
	s24 =	sor.u32 s5, s28;
	s23 =	sadd.s32 $0x1880, s30;
	v37 =	vld [tilespmem:s21+$0x0];
	s12 =	sadd.s32 $0x3180, s14;
	[tilespmem:v63+s10+$0x0] =	vst.idx.msk $0xffff, v38  }
0xd5: {  	v56 =	vor.u32 v30, v39;
	s11 =	sor.u32 s29, s23;
	v45 =	vld [tilespmem:s24+$0x0];
	[smem:$0x7DD] =	sst s12  }
0xd6: {  	v57 =	vor.u32 v10, v35;
	s18 =	sor.u32 s20, s12;
	v38 =	vld [tilespmem:s11+$0x0];
	[tilespmem:v52+s10+$0x0] =	vst.idx.msk $0xffff, v43  }
0xd7: {  	s19 =	sor.u32 s0, s4;
	v58 =	vor.u32 v20, v33;
	[tilespmem:v53+s10+$0x0] =	vst.idx.msk $0xffff, v47;
	v43 =	vld [tilespmem:s18+$0x0]  }
0xd8: {  	v59 =	vor.u32 v11, v34;
	s1 =	sor.u32 s31, s23;
	[tilespmem:v54+s10+$0x0] =	vst.idx.msk $0xffff, v49;
	v47 =	vld [tilespmem:s19+$0x0]  }
0xd9: {  	v60 =	vor.u32 v10, v36;
	s21 =	sor.u32 s7, s26;
	s26 =	sadd.s32 $0x4B00, s6;
	[tilespmem:v55+s10+$0x0] =	vst.idx.msk $0xffff, v37;
	v49 =	vld [tilespmem:s1+$0x0]  }
0xda: {  	v61 =	vor.u32 v22, v42;
	s23 =	sor.u32 s5, s26;
	[tilespmem:v56+s10+$0x0] =	vst.idx.msk $0xffff, v45;
	v41 =	vld [tilespmem:s21+$0x0];
	s1 =	sadd.s32 $0x1900, s30  }
0xdb: {  	v51 =	vor.u32 v31, v39;
	v46 =	vld [tilespmem:s23+$0x0];
	s24 =	sor.u32 s29, s1;
	[tilespmem:v57+s10+$0x0] =	vst.idx.msk $0xffff, v38  }
0xdc: {  	s12 =	sadd.s32 $0x3200, s14;
	v52 =	vor.u32 v11, v35;
	v40 =	vld [tilespmem:s24+$0x0];
	[tilespmem:v58+s10+$0x0] =	vst.idx.msk $0xffff, v43  }
0xdd: {  	s11 =	simm.s32 $0x18;
	s19 =	sor.u32 s20, s12;
	[tilespmem:v59+s10+$0x0] =	vst.idx.msk $0xffff, v47  }
0xde: {  	s3 =	sor.u32 s0, s3;
	v44 =	vor.u32 v21, v33;
	s4 =	simm.s32 $0x300;
	v62 =	vmov s11;
	s18 =	simm.s32 $0x60;
	[tilespmem:v60+s10+$0x0] =	vst.idx.msk $0xffff, v49;
	v43 =	vld [tilespmem:s19+$0x0]  }
0xdf: {  	s22 =	sor.u32 s7, s22;
	s2 =	sand.u32 $0x1C00, s4;
	v37 =	vshll.u32 v62, $0x7;
	s24 =	sand.u32 $0x60, s18;
	[tilespmem:v61+s10+$0x0] =	vst.idx.msk $0xffff, v41;
	v47 =	vld [tilespmem:s3+$0x0]  }
0xe0: {  	v63 =	vor.u32 v12, v34;
	v37 =	vor.u32 v1, v37;
	[tilespmem:v51+s10+$0x0] =	vst.idx.msk $0xffff, v46;
	s3 =	sor.u32 s24, s2;
	v41 =	vld [tilespmem:s22+$0x0]  }
0xe1: {  	s21 =	simm.s32 $0x1C;
	s1 =	sor.u32 s31, s1;
	v57 =	vor.u32 v0, v37;
	s18 =	sadd.s32 $0x3280, s14;
	v56 =	vld [tilespmem:s3+$0x0];
	[tilespmem:v52+s10+$0x0] =	vst.idx.msk $0xffff, v40  }
0xe2: {  	s23 =	simm.s32 $0x70;
	v55 =	vmov s21;
	v58 =	vor.u32 v23, v42;
	v59 =	vld [tilespmem:s1+$0x0];
	[smem:$0x7DE] =	sst s18  }
0xe3: {  	s11 =	sand.u32 $0x70, s23;
	v38 =	vshll.u32 v55, $0x7;
	[tilespmem:v44+s10+$0x0] =	vst.idx.msk $0xffff, v43  }
0xe4: {  	s23 =	sor.u32 s11, s2;
	v38 =	vor.u32 v1, v38;
	v60 =	vor.u32 v11, v36;
	s19 =	sld [smem:$0x7D7]  }
0xe5: {  	v61 =	vor.u32 v0, v38;
	s1 =	sor.u32 s20, s18;
	v62 =	vld [tilespmem:s23+$0x0];
	[tilespmem:v63+s10+$0x0] =	vst.idx.msk $0xffff, v47  }
0xe6: {  	v43 =	vld [tilespmem:s1+$0x0];
	[tilespmem:v57+s10+$0x0] =	vst.idx.msk $0xffff, v56  }
0xe7: {  	s22 =	sadd.s32 $0x1980, s30;
	v63 =	vor.u32 v22, v33;
	[tilespmem:v58+s10+$0x0] =	vst.idx.msk $0xffff, v41;
	v49 =	vld [tilespmem:s3+$0x80];
	s1 =	sor.u32 s0, s19  }
0xe8: {  	v57 =	vor.u32 v2, v37;
	v47 =	vld [tilespmem:s1+$0x0];
	[smem:$0x7DF] =	sst s22  }
0xe9: {  	s21 =	sor.u32 s7, s8;
	v56 =	vor.u32 v13, v34;
	[tilespmem:v60+s10+$0x0] =	vst.idx.msk $0xffff, v59  }
0xea: {  	s8 =	sor.u32 s31, s22;
	s18 =	sadd.s32 $0x3300, s14;
	v58 =	vor.u32 v24, v42;
	v41 =	vld [tilespmem:s21+$0x0];
	[tilespmem:v61+s10+$0x0] =	vst.idx.msk $0xffff, v62  }
0xeb: {  	v60 =	vor.u32 v12, v36;
	v59 =	vld [tilespmem:s8+$0x0];
	[smem:$0x7E0] =	sst s18  }
0xec: {  	v61 =	vor.u32 v2, v38;
	v52 =	vld [tilespmem:s23+$0x80];
	[tilespmem:v63+s10+$0x0] =	vst.idx.msk $0xffff, v43  }
0xed: {  	s1 =	sor.u32 s20, s18;
	s19 =	sld [smem:$0x7D8];
	[tilespmem:v57+s10+$0x0] =	vst.idx.msk $0xffff, v49  }
0xee: {  	v62 =	vor.u32 v23, v33;
	v43 =	vld [tilespmem:s1+$0x0];
	[tilespmem:v56+s10+$0x0] =	vst.idx.msk $0xffff, v47  }
0xef: {  	s21 =	sor.u32 s7, s13;
	v49 =	vld [tilespmem:s3+$0x100];
	[tilespmem:v58+s10+$0x0] =	vst.idx.msk $0xffff, v41  }
0xf0: {  	s18 =	sadd.s32 $0x1A00, s30;
	v56 =	vor.u32 v3, v37;
	s1 =	sor.u32 s0, s19;
	v40 =	vld [tilespmem:s21+$0x0];
	[tilespmem:v60+s10+$0x0] =	vst.idx.msk $0xffff, v59  }
0xf1: {  	s8 =	sadd.s32 $0x3380, s14;
	s22 =	sor.u32 s31, s18;
	v57 =	vor.u32 v25, v42;
	v47 =	vld [tilespmem:s1+$0x0];
	[tilespmem:v61+s10+$0x0] =	vst.idx.msk $0xffff, v52  }
0xf2: {  	v63 =	vor.u32 v14, v34;
	v45 =	vld [tilespmem:s22+$0x0];
	[smem:$0x7E2] =	sst s8  }
0xf3: {  	[tilespmem:v62+s10+$0x0] =	vst.idx.msk $0xffff, v43  }
0xf4: {  	v58 =	vor.u32 v13, v36;
	s13 =	sld [smem:$0x7D9]  }
0xf5: {  	v59 =	vor.u32 v3, v38;
	s1 =	sor.u32 s20, s8;
	v52 =	vld [tilespmem:s23+$0x100];
	[tilespmem:v56+s10+$0x0] =	vst.idx.msk $0xffff, v49  }
0xf6: {  	v43 =	vld [tilespmem:s1+$0x0];
	[tilespmem:v57+s10+$0x0] =	vst.idx.msk $0xffff, v40  }
0xf7: {  	v60 =	vor.u32 v24, v33;
	s21 =	sadd.s32 $0x1A80, s30;
	v49 =	vld [tilespmem:s3+$0x180];
	[tilespmem:v63+s10+$0x0] =	vst.idx.msk $0xffff, v47;
	s1 =	sor.u32 s0, s13  }
0xf8: {  	v47 =	vld [tilespmem:s1+$0x0];
	[smem:$0x7E4] =	sst s21  }
0xf9: {  	s19 =	sor.u32 s7, s15;
	v62 =	vor.u32 v4, v37;
	[tilespmem:v58+s10+$0x0] =	vst.idx.msk $0xffff, v45  }
0xfa: {  	v61 =	vor.u32 v15, v34;
	s22 =	sor.u32 s31, s21;
	s8 =	sadd.s32 $0x4800, s14;
	v40 =	vld [tilespmem:s19+$0x0];
	[tilespmem:v59+s10+$0x0] =	vst.idx.msk $0xffff, v52  }
0xfb: {  	v63 =	vor.u32 v26, v42;
	v45 =	vld [tilespmem:s22+$0x0];
	[smem:$0x7E5] =	sst s8  }
0xfc: {  	[tilespmem:v60+s10+$0x0] =	vst.idx.msk $0xffff, v43  }
0xfd: {  	v56 =	vor.u32 v14, v36;
	s13 =	sld [smem:$0x7DA]  }
0xfe: {  	v57 =	vor.u32 v4, v38;
	s1 =	sor.u32 s20, s8;
	v52 =	vld [tilespmem:s23+$0x180];
	[tilespmem:v62+s10+$0x0] =	vst.idx.msk $0xffff, v49  }
0xff: {  	v43 =	vld [tilespmem:s1+$0x0];
	[tilespmem:v61+s10+$0x0] =	vst.idx.msk $0xffff, v47  }
0x100: {  	s15 =	sor.u32 s7, s16;
	s16 =	sadd.s32 $0x1B00, s30;
	v58 =	vor.u32 v25, v33;
	v49 =	vld [tilespmem:s3+$0x200];
	[tilespmem:v63+s10+$0x0] =	vst.idx.msk $0xffff, v40;
	s1 =	sor.u32 s0, s13  }
0x101: {  	v47 =	vld [tilespmem:s1+$0x0];
	[smem:$0x7E7] =	sst s16  }
0x102: {  	[tilespmem:v56+s10+$0x0] =	vst.idx.msk $0xffff, v45  }
0x103: {  	s21 =	sadd.s32 $0x4880, s14;
	s19 =	sor.u32 s31, s16;
	v60 =	vor.u32 v5, v37;
	v40 =	vld [tilespmem:s15+$0x0];
	[tilespmem:v57+s10+$0x0] =	vst.idx.msk $0xffff, v52  }
0x104: {  	v59 =	vor.u32 v16, v34;
	v45 =	vld [tilespmem:s19+$0x0];
	[smem:$0x7E9] =	sst s21  }
0x105: {  	v61 =	vor.u32 v27, v42;
	[tilespmem:v58+s10+$0x0] =	vst.idx.msk $0xffff, v43  }
0x106: {  	v62 =	vor.u32 v15, v36;
	s22 =	sld [smem:$0x7DB]  }
0x107: {  	s1 =	sor.u32 s20, s21;
	v52 =	vld [tilespmem:s23+$0x200]  }
0x108: {  	v63 =	vor.u32 v5, v38;
	v43 =	vld [tilespmem:s1+$0x0];
	[tilespmem:v60+s10+$0x0] =	vst.idx.msk $0xffff, v49  }
0x109: {  	v56 =	vor.u32 v26, v33;
	[tilespmem:v59+s10+$0x0] =	vst.idx.msk $0xffff, v47;
	v49 =	vld [tilespmem:s3+$0x280];
	s1 =	sor.u32 s0, s22  }
0x10a: {  	s8 =	sadd.s32 $0x4B80, s6;
	v57 =	vor.u32 v17, v34;
	s3 =	sor.u32 s7, s25;
	[tilespmem:v61+s10+$0x0] =	vst.idx.msk $0xffff, v40;
	s22 =	sadd.s32 $0x1B80, s30;
	v47 =	vld [tilespmem:s1+$0x0]  }
0x10b: {  	s5 =	sor.u32 s5, s8;
	v40 =	vld [tilespmem:s3+$0x0];
	[tilespmem:v62+s10+$0x0] =	vst.idx.msk $0xffff, v45;
	s13 =	sor.u32 s31, s22  }
0x10c: {  	v58 =	vor.u32 v6, v37;
	v45 =	vld [tilespmem:s13+$0x0];
	[smem:$0x7F1] =	sst s5  }
0x10d: {  	s21 =	sadd.s32 $0x4900, s14;
	v59 =	vor.u32 v28, v42;
	s3 =	simm.s32 $0x3;
	[tilespmem:v63+s10+$0x0] =	vst.idx.msk $0xffff, v52  }
0x10e: {  	s17 =	sor.u32 s0, s17;
	s16 =	sor.u32 s20, s21;
	v60 =	vor.u32 v16, v36;
	s15 =	sand.u32 $0x3, s3;
	[tilespmem:v56+s10+$0x0] =	vst.idx.msk $0xffff, v43;
	v51 =	vld [tilespmem:s23+$0x280]  }
0x10f: {  	v61 =	vor.u32 v6, v38;
	s1 =	sor.u32 s7, s8;
	s5 =	sshll.u32 s15, $0x5;
	s23 =	simm.s32 $0x6;
	v43 =	vld [tilespmem:s16+$0x0];
	[tilespmem:v57+s10+$0x0] =	vst.idx.msk $0xffff, v47  }
0x110: {  	s5 =	sadd.s32 $0x300, s5;
	s19 =	sand.u32 $0x7, s23;
	v47 =	vld [tilespmem:s17+$0x0];
	[smem:$0x7ED] =	sst s1  }
0x111: {  	v62 =	vor.u32 v27, v33;
	s5 =	sor.u32 $0x300, s5;
	s25 =	sshll.u32 s19, $0x4;
	[tilespmem:v58+s10+$0x0] =	vst.idx.msk $0xffff, v49  }
0x112: {  	s6 =	sor.u32 s7, s9;
	s19 =	sadd.s32 $0x3000, s30;
	s1 =	sadd.s32 $0x300, s25;
	[tilespmem:v59+s10+$0x0] =	vst.idx.msk $0xffff, v40;
	v49 =	vld [tilespmem:s5+$0x0]  }
0x113: {  	s8 =	sor.u32 s31, s19;
	s1 =	sadd.s32 $0x10, s1;
	[tilespmem:v60+s10+$0x0] =	vst.idx.msk $0xffff, v45;
	v40 =	vld [tilespmem:s6+$0x0]  }
0x114: {  	s9 =	sor.u32 s0, s12;
	v63 =	vor.u32 v18, v34;
	v45 =	vld [tilespmem:s8+$0x0];
	[tilespmem:v61+s10+$0x0] =	vst.idx.msk $0xffff, v51;
	s1 =	sor.u32 $0x300, s1  }
0x115: {  	v51 =	vld [tilespmem:s1+$0x0];
	[smem:$0x7E8] =	sst s9  }
0x116: {  	[tilespmem:v62+s10+$0x0] =	vst.idx.msk $0xffff, v43  }
0x117: {  	s12 =	sadd.s32 $0x4B80, s14;
	v56 =	vor.u32 v7, v37;
	s16 =	sld [smem:$0x7DC]  }
0x118: {  	s13 =	sor.u32 s7, s28;
	s17 =	sadd.s32 $0x4980, s14;
	s25 =	simm.s32 $0x60  }
0x119: {  	s15 =	sor.u32 s20, s17;
	s5 =	sor.u32 s7, s26;
	s26 =	sor.u32 s0, s12;
	[tilespmem:v63+s10+$0x0] =	vst.idx.msk $0xffff, v47  }
0x11a: {  	v57 =	vor.u32 v29, v42;
	s1 =	sor.u32 s20, s12;
	v43 =	vld [tilespmem:s15+$0x0];
	[dreg:$0xf] =	wrdreg s26;
	s6 =	sor.u32 s0, s16  }
0x11b: {  	v58 =	vor.u32 v17, v36;
	s7 =	sor.u32 s25, s4;
	s12 =	sadd.s32 $0x4B80, s30;
	v47 =	vld [tilespmem:s6+$0x0];
	[dreg:$0xa] =	wrdreg s1  }
0x11c: {  	v59 =	vor.u32 v7, v38;
	s9 =	sor.u32 $0x380, s7;
	s15 =	sor.u32 s29, s12;
	[tilespmem:v56+s10+$0x0] =	vst.idx.msk $0xffff, v49  }
0x11d: {  	v60 =	vor.u32 v28, v33;
	s16 =	sor.u32 s31, s12;
	v49 =	vld [tilespmem:s9+$0x0];
	[dreg:$0xb] =	wrdreg s15  }
0x11e: {  	v61 =	vor.u32 v19, v34;
	[dreg:$0x9] =	wrdreg s16  }
0x11f: {  	v62 =	vor.u32 v8, v37;
	s26 =	simm.s32 $0x70;
	s16 =	sadd.s32 $0x3080, s30;
	[tilespmem:v57+s10+$0x0] =	vst.idx.msk $0xffff, v40  }
0x120: {  	v63 =	vor.u32 v30, v42;
	s1 =	sor.u32 s26, s4;
	s6 =	sor.u32 s31, s16;
	v40 =	vld [tilespmem:s13+$0x0];
	s25 =	sld [smem:$0x7DD];
	[tilespmem:v58+s10+$0x0] =	vst.idx.msk $0xffff, v45  }
0x121: {  	s8 =	sor.u32 $0x380, s1;
	s15 =	sadd.s32 $0x4A00, s14;
	[tilespmem:v59+s10+$0x0] =	vst.idx.msk $0xffff, v51;
	v45 =	vld [tilespmem:s6+$0x0]  }
0x122: {  	s28 =	sor.u32 s20, s15;
	[tilespmem:v60+s10+$0x0] =	vst.idx.msk $0xffff, v43;
	v51 =	vld [tilespmem:s8+$0x0]  }
0x123: {  	v56 =	vor.u32 v18, v36;
	s9 =	sadd.s32 $0x1800, s2;
	v43 =	vld [tilespmem:s28+$0x0];
	[tilespmem:v61+s10+$0x0] =	vst.idx.msk $0xffff, v47;
	s7 =	sor.u32 s0, s25  }
0x124: {  	s1 =	sadd.s32 $0x4B80, s2;
	s26 =	sor.u32 s24, s9;
	[tilespmem:v62+s10+$0x0] =	vst.idx.msk $0xffff, v49;
	v47 =	vld [tilespmem:s7+$0x0]  }
0x125: {  	v49 =	vld [tilespmem:s26+$0x0];
	s6 =	sld [smem:$0x7DE];
	s7 =	sor.u32 s24, s1;
	[tilespmem:v63+s10+$0x0] =	vst.idx.msk $0xffff, v40  }
0x126: {  	s1 =	sor.u32 s11, s1;
	v40 =	vld [tilespmem:s5+$0x0];
	[dreg:$0x15] =	wrdreg s7  }
0x127: {  	[dreg:$0x14] =	wrdreg s1  }
0x128: {  	s8 =	sor.u32 s11, s9;
	[tilespmem:v56+s10+$0x0] =	vst.idx.msk $0xffff, v45  }
0x129: {  	v57 =	vor.u32 v8, v38;
	s28 =	sadd.s32 $0x1900, s2;
	s25 =	sadd.s32 $0x1880, s2;
	s7 =	sld [smem:$0x7E0]  }
0x12a: {  	s12 =	sor.u32 s24, s28;
	s28 =	sor.u32 s11, s28;
	s9 =	sor.u32 s24, s25  }
0x12b: {  	s13 =	sor.u32 s11, s25;
	s25 =	sor.u32 s0, s6;
	s6 =	sadd.s32 $0x3100, s30  }
0x12c: {  	s26 =	smov.u32 s11;
	s11 =	sor.u32 s31, s6;
	s1 =	sor.u32 s0, s7  }
0x12d: {  	v46 =	vld [tilespmem:s11+$0x0];
	[smem:$0x7E1] =	sst s1  }
0x12e: {  	s5 =	sld [smem:$0x7DF];
	[tilespmem:v57+s10+$0x0] =	vst.idx.msk $0xffff, v51  }
0x12f: {  	v58 =	vor.u32 v29, v33;
	v52 =	vld [tilespmem:s8+$0x0];
	s8 =	sld [smem:$0x7E2];
	_ =	sdelay $0x2  }
0x130: {  	s7 =	sor.u32 s0, s8  }
0x131: {  	[smem:$0x7E3] =	sst s7  }
0x132: {  	s1 =	sadd.s32 $0x4A80, s14;
	[tilespmem:v58+s10+$0x0] =	vst.idx.msk $0xffff, v43  }
0x133: {  	s11 =	sor.u32 s20, s1;
	s8 =	sld [smem:$0x7E4]  }
0x134: {  	v59 =	vor.u32 v20, v34;
	v54 =	vld [tilespmem:s11+$0x0];
	s11 =	sld [smem:$0x7E5];
	_ =	sdelay $0x2  }
0x135: {  	s7 =	sor.u32 s29, s8;
	s8 =	sor.u32 s0, s11  }
0x136: {  	[smem:$0x7E6] =	sst s8  }
0x137: {  	s11 =	sld [smem:$0x7E7];
	[tilespmem:v59+s10+$0x0] =	vst.idx.msk $0xffff, v47  }
0x138: {  	s8 =	sld [smem:$0x7E8];
	_ =	sdelay $0x2  }
0x139: {  	v60 =	vor.u32 v9, v37;
	v55 =	vld [tilespmem:s8+$0x0];
	s8 =	sld [smem:$0x7E9];
	_ =	sdelay $0x1  }
0x13a: {  	s21 =	sor.u32 s0, s21;
	v61 =	vor.u32 v31, v42  }
0x13b: {  	[smem:$0x7EB] =	sst s21;
	s8 =	sor.u32 s0, s8  }
0x13c: {  	[smem:$0x7EA] =	sst s8  }
0x13d: {  	s17 =	sor.u32 s0, s17;
	[tilespmem:v60+s10+$0x0] =	vst.idx.msk $0xffff, v49  }
0x13e: {  	v57 =	vld [tilespmem:s9+$0x0];
	[smem:$0x7EC] =	sst s17  }
0x13f: {  	v62 =	vor.u32 v19, v36;
	[tilespmem:v61+s10+$0x0] =	vst.idx.msk $0xffff, v40  }
0x140: {  	s21 =	sld [smem:$0x7ED];
	_ =	sdelay $0x1  }
0x141: {  	v53 =	vor.u32 v9, v38;
	s15 =	sor.u32 s0, s15  }
0x142: {  	s9 =	sor.u32 s29, s19;
	s19 =	sadd.s32 $0x3180, s30;
	v45 =	vld [tilespmem:s21+$0x0];
	[smem:$0x7EE] =	sst s15  }
0x143: {  	s6 =	sor.u32 s29, s6;
	s8 =	sor.u32 s29, s22;
	s22 =	sor.u32 s31, s19;
	[tilespmem:v62+s10+$0x0] =	vst.idx.msk $0xffff, v46  }
0x144: {  	s1 =	sor.u32 s0, s1;
	v48 =	vld [tilespmem:s22+$0x0];
	[smem:$0x7EF] =	sst s6  }
0x145: {  	[smem:$0x7F0] =	sst s1  }
0x146: {  	v63 =	vor.u32 v30, v33;
	[tilespmem:v53+s10+$0x0] =	vst.idx.msk $0xffff, v52  }
0x147: {  	v56 =	vor.u32 v21, v34;
	s10 =	sld [smem:$0x7F1];
	_ =	sdelay $0x1  }
0x148: {  	v58 =	vor.u32 v10, v37;
	s15 =	sor.u32 s29, s19  }
0x149: {  	s21 =	sadd.s32 $0x4B00, s14;
	s14 =	simm.s32 $0xC000;
	v44 =	vld [tilespmem:s10+$0x0];
	[smem:$0x7F2] =	sst s15  }
0x14a: {  	s18 =	sor.u32 s29, s18;
	s5 =	sor.u32 s29, s5;
	s10 =	sadd.s32 $0x3200, s30;
	[tilespmem:v63+s14+$0x0] =	vst.idx.msk $0xffff, v54  }
0x14b: {  	s11 =	sor.u32 s29, s11;
	s17 =	sor.u32 s29, s16;
	[tilespmem:v56+s14+$0x0] =	vst.idx.msk $0xffff, v55;
	s16 =	sor.u32 s29, s10  }
0x14c: {  	v39 =	vor.u32 v32, v39;
	v41 =	vor.u32 v31, v33;
	v42 =	vor.u32 v32, v42;
	s19 =	sor.u32 s20, s21;
	s20 =	sadd.s32 $0x3200, s2;
	v50 =	vld [tilespmem:s13+$0x0];
	[smem:$0x7F3] =	sst s16  }
0x14d: {  	v51 =	vor.u32 v10, v38;
	v43 =	vor.u32 v31, v36;
	s6 =	simm.s32 $0x6;
	s22 =	smov.u32 s24;
	s24 =	sor.u32 s24, s20;
	[tilespmem:v58+s14+$0x0] =	vst.idx.msk $0xffff, v57  }
0x14e: {  	v47 =	vor.u32 v22, v34;
	v49 =	vor.u32 v20, v36;
	v40 =	vor.u32 v31, v38;
	s15 =	simm.s32 $0x90;
	s13 =	simm.s32 $0x24;
	v46 =	vld [tilespmem:s25+$0x0];
	[smem:$0x7F4] =	sst s20  }
.LBB2_4:
0x14f: {  	s1 =	sadd.s32 $0xFFFFFFF0, s15  }
0x150: {  	s20 =	sadd.s32 $0xFFFFFFFC, s13;
	s4 =	sadd.s32 $0x100, s4;
	s0 =	sor.u32 s0, s21  }
0x151: {  	v52 =	vld [tilespmem:s19+$0x0];
	[tilespmem:v42+s14+$0x0] =	vst.idx.msk $0xffff, v45;
	s16 =	sand.u32 $0x60, s1;
	s1 =	sor.u32 s1, s4;
	s19 =	sand.u32 $0x1C00, s4  }
0x152: {  	v45 =	vld [tilespmem:s12+$0x0];
	s12 =	sor.u32 s31, s10;
	[smem:$0x7CC] =	sst s0;
	s21 =	sadd.s32 $0x1880, s19  }
0x153: {  	v53 =	vor.u32 v11, v37;
	v56 =	vmov s20;
	[smem:$0x7CA] =	sst s1;
	[tilespmem:v49+s14+$0x0] =	vst.idx.msk $0xffff, v48;
	s1 =	sor.u32 s16, s19;
	s10 =	sor.u32 s16, s21  }
0x154: {  	v42 =	vshll.u32 v56, $0x7;
	v49 =	vor.u32 v21, v36;
	s20 =	sadd.s32 $0x1800, s19;
	v48 =	vld [tilespmem:s12+$0x0];
	[tilespmem:v39+s14+$0x0] =	vst.idx.msk $0xffff, v44;
	[smem:$0x7CF] =	sst s10;
	s10 =	sand.u32 $0x70, s15  }
0x155: {  	v59 =	vor.u32 v12, v35;
	v58 =	vld [tilespmem:s5+$0x0];
	s25 =	sor.u32 s16, s20;
	v44 =	vor.u32 v1, v42;
	[tilespmem:v51+s14+$0x0] =	vst.idx.msk $0xffff, v50;
	s0 =	sor.u32 s10, s20;
	s20 =	sld [smem:$0x7E1]  }
0x156: {  	[smem:$0x7CE] =	sst s24;
	v57 =	vmov s13;
	v60 =	vld [tilespmem:s1+$0x0];
	v54 =	vor.u32 v0, v44;
	[tilespmem:v41+s14+$0x0] =	vst.idx.msk $0xffff, v52  }
0x157: {  	v63 =	vor.u32 v11, v38;
	[smem:$0x7CB] =	sst s25;
	v39 =	vshll.u32 v57, $0x7;
	[tilespmem:v47+s14+$0x0] =	vst.idx.msk $0xffff, v46;
	s25 =	simm.s32 $0xC000;
	v62 =	vld [tilespmem:s28+$0x0]  }
0x158: {  	v61 =	vor.u32 v23, v34;
	s24 =	sor.u32 s10, s19;
	v46 =	vor.u32 v1, v39;
	s12 =	sor.u32 s10, s21;
	[smem:$0x7CD] =	sst s0;
	v39 =	vld [tilespmem:s20+$0x0];
	[tilespmem:v53+s25+$0x0] =	vst.idx.msk $0xffff, v45  }
0x159: {  	s5 =	sadd.s32 $0x3280, s30;
	s21 =	sadd.s32 $0x1900, s19;
	[smem:$0x7D2] =	sst s12;
	v52 =	vor.u32 v0, v46;
	v55 =	vld [tilespmem:s24+$0x0];
	[tilespmem:v49+s25+$0x0] =	vst.idx.msk $0xffff, v48  }
0x15a: {  	s0 =	sor.u32 s31, s5;
	s5 =	sor.u32 s29, s5;
	s20 =	sadd.s32 $0x4B80, s19;
	[tilespmem:v59+s25+$0x0] =	vst.idx.msk $0xffff, v58  }
0x15b: {  	v57 =	vor.u32 v22, v36;
	v42 =	vld [tilespmem:s0+$0x0];
	s0 =	smov.u32 s29;
	s29 =	smov.u32 s22;
	s22 =	sld [smem:$0x7E3];
	[tilespmem:v54+s25+$0x0] =	vst.idx.msk $0xffff, v60  }
0x15c: {  	s14 =	sadd.s32 $0x3200, s19;
	[smem:$0x7D3] =	sst s5;
	s5 =	sor.u32 s16, s20;
	v59 =	vor.u32 v13, v35;
	v58 =	vld [tilespmem:s18+$0x0];
	[tilespmem:v63+s25+$0x0] =	vst.idx.msk $0xffff, v62  }
0x15d: {  	[smem:$0x7D0] =	sst s5;
	s5 =	sor.u32 s10, s20;
	v60 =	vor.u32 v2, v44;
	s20 =	sadd.s32 $0x1980, s2;
	v51 =	vld [tilespmem:s1+$0x80];
	[tilespmem:v61+s25+$0x0] =	vst.idx.msk $0xffff, v39  }
0x15e: {  	s12 =	sor.u32 s16, s21;
	s28 =	sor.u32 s10, s21;
	s18 =	sor.u32 s26, s20;
	[tilespmem:v52+s25+$0x0] =	vst.idx.msk $0xffff, v55;
	v39 =	vld [tilespmem:s22+$0x0]  }
0x15f: {  	s21 =	sor.u32 s16, s14;
	[smem:$0x7D1] =	sst s5;
	s5 =	sor.u32 s29, s20;
	v61 =	vor.u32 v24, v34;
	v52 =	vld [tilespmem:s18+$0x0]  }
0x160: {  	s20 =	smov.u32 s31;
	v63 =	vor.u32 v12, v38;
	s22 =	smov.u32 s16;
	s16 =	sadd.s32 $0x3300, s30;
	v55 =	vld [tilespmem:s24+$0x80];
	[tilespmem:v57+s25+$0x0] =	vst.idx.msk $0xffff, v42  }
0x161: {  	s31 =	smov.u32 s26;
	v62 =	vor.u32 v2, v46;
	s26 =	sor.u32 s0, s16;
	s16 =	sor.u32 s20, s16;
	[tilespmem:v59+s25+$0x0] =	vst.idx.msk $0xffff, v58  }
0x162: {  	s18 =	sld [smem:$0x7F4];
	v42 =	vld [tilespmem:s16+$0x0];
	[tilespmem:v60+s25+$0x0] =	vst.idx.msk $0xffff, v51  }
0x163: {  	v57 =	vor.u32 v23, v36;
	s16 =	sld [smem:$0x7E6];
	v49 =	vld [tilespmem:s7+$0x0]  }
0x164: {  	[smem:$0x7E1] =	sst s26;
	s26 =	smov.u32 s10;
	v58 =	vor.u32 v14, v35;
	v51 =	vld [tilespmem:s1+$0x100];
	[tilespmem:v61+s25+$0x0] =	vst.idx.msk $0xffff, v39  }
0x165: {  	v59 =	vor.u32 v3, v44;
	s10 =	smov.u32 s18;
	s18 =	smov.u32 s14;
	s14 =	sadd.s32 $0x1A00, s2;
	[tilespmem:v63+s25+$0x0] =	vst.idx.msk $0xffff, v52  }
0x166: {  	s7 =	sor.u32 s31, s14;
	v39 =	vld [tilespmem:s16+$0x0];
	[tilespmem:v62+s25+$0x0] =	vst.idx.msk $0xffff, v55  }
0x167: {  	v60 =	vor.u32 v25, v34;
	v52 =	vld [tilespmem:s7+$0x0]  }
0x168: {  	v62 =	vor.u32 v13, v38;
	s7 =	sadd.s32 $0x3380, s30;
	v55 =	vld [tilespmem:s24+$0x100];
	[tilespmem:v57+s25+$0x0] =	vst.idx.msk $0xffff, v42  }
0x169: {  	v61 =	vor.u32 v3, v46;
	s16 =	sor.u32 s0, s7;
	s7 =	sor.u32 s20, s7;
	[tilespmem:v58+s25+$0x0] =	vst.idx.msk $0xffff, v49  }
0x16a: {  	[smem:$0x7E3] =	sst s16;
	v42 =	vld [tilespmem:s7+$0x0];
	[tilespmem:v59+s25+$0x0] =	vst.idx.msk $0xffff, v51  }
0x16b: {  	v63 =	vor.u32 v24, v36;
	s16 =	sld [smem:$0x7EA];
	v49 =	vld [tilespmem:s11+$0x0]  }
0x16c: {  	v57 =	vor.u32 v15, v35;
	v51 =	vld [tilespmem:s1+$0x180];
	[tilespmem:v60+s25+$0x0] =	vst.idx.msk $0xffff, v39  }
0x16d: {  	[smem:$0x7F4] =	sst s18;
	s18 =	sor.u32 s29, s14;
	s14 =	sadd.s32 $0x1A80, s2;
	v58 =	vor.u32 v4, v44;
	[tilespmem:v62+s25+$0x0] =	vst.idx.msk $0xffff, v52  }
0x16e: {  	s11 =	sor.u32 s31, s14;
	v39 =	vld [tilespmem:s16+$0x0];
	[tilespmem:v61+s25+$0x0] =	vst.idx.msk $0xffff, v55  }
0x16f: {  	v59 =	vor.u32 v26, v34;
	v52 =	vld [tilespmem:s11+$0x0]  }
0x170: {  	v61 =	vor.u32 v14, v38;
	s11 =	sadd.s32 $0x4800, s30;
	v55 =	vld [tilespmem:s24+$0x180];
	[tilespmem:v63+s25+$0x0] =	vst.idx.msk $0xffff, v42  }
0x171: {  	v60 =	vor.u32 v4, v46;
	s16 =	sor.u32 s0, s11;
	s11 =	sor.u32 s20, s11;
	[tilespmem:v57+s25+$0x0] =	vst.idx.msk $0xffff, v49  }
0x172: {  	[smem:$0x7E6] =	sst s16;
	v42 =	vld [tilespmem:s11+$0x0];
	[tilespmem:v58+s25+$0x0] =	vst.idx.msk $0xffff, v51  }
0x173: {  	v62 =	vor.u32 v25, v36;
	s16 =	sld [smem:$0x7EB];
	v49 =	vld [tilespmem:s8+$0x0]  }
0x174: {  	v63 =	vor.u32 v16, v35;
	v51 =	vld [tilespmem:s1+$0x200];
	[tilespmem:v59+s25+$0x0] =	vst.idx.msk $0xffff, v39  }
0x175: {  	s7 =	sor.u32 s29, s14;
	s14 =	sadd.s32 $0x1B00, s2;
	v57 =	vor.u32 v5, v44;
	[tilespmem:v61+s25+$0x0] =	vst.idx.msk $0xffff, v52  }
0x176: {  	s8 =	sor.u32 s31, s14;
	v39 =	vld [tilespmem:s16+$0x0];
	[tilespmem:v60+s25+$0x0] =	vst.idx.msk $0xffff, v55  }
0x177: {  	v58 =	vor.u32 v27, v34;
	v52 =	vld [tilespmem:s8+$0x0]  }
0x178: {  	v60 =	vor.u32 v15, v38;
	s8 =	sadd.s32 $0x4880, s30;
	v55 =	vld [tilespmem:s24+$0x200];
	[tilespmem:v62+s25+$0x0] =	vst.idx.msk $0xffff, v42  }
0x179: {  	v59 =	vor.u32 v5, v46;
	s16 =	sor.u32 s0, s8;
	s8 =	sor.u32 s20, s8;
	[tilespmem:v63+s25+$0x0] =	vst.idx.msk $0xffff, v49  }
0x17a: {  	[smem:$0x7EA] =	sst s16;
	v42 =	vld [tilespmem:s8+$0x0];
	[tilespmem:v57+s25+$0x0] =	vst.idx.msk $0xffff, v51  }
0x17b: {  	v61 =	vor.u32 v26, v36;
	s16 =	sld [smem:$0x7EC];
	v49 =	vld [tilespmem:s9+$0x0]  }
0x17c: {  	v62 =	vor.u32 v17, v35;
	v51 =	vld [tilespmem:s1+$0x280];
	[tilespmem:v58+s25+$0x0] =	vst.idx.msk $0xffff, v39  }
0x17d: {  	s11 =	sor.u32 s29, s14;
	s14 =	sadd.s32 $0x1B80, s2;
	v63 =	vor.u32 v6, v44;
	[tilespmem:v60+s25+$0x0] =	vst.idx.msk $0xffff, v52  }
0x17e: {  	s3 =	sadd.s32 $0x1, s3;
	s1 =	sor.u32 s31, s14;
	v39 =	vld [tilespmem:s16+$0x0];
	[tilespmem:v59+s25+$0x0] =	vst.idx.msk $0xffff, v55  }
0x17f: {  	s8 =	sor.u32 s29, s14;
	v57 =	vor.u32 v28, v34;
	s14 =	sand.u32 $0x3, s3;
	v47 =	vld [tilespmem:s1+$0x0];
	s1 =	sadd.s32 $0x4900, s30  }
0x180: {  	s23 =	sadd.s32 $0x2, s23;
	v58 =	vor.u32 v16, v38;
	s9 =	sshll.u32 s14, $0x5;
	v53 =	vld [tilespmem:s24+$0x280];
	[tilespmem:v61+s25+$0x0] =	vst.idx.msk $0xffff, v42;
	s16 =	sor.u32 s0, s1  }
0x181: {  	v59 =	vor.u32 v6, v46;
	s24 =	sand.u32 $0x7, s23;
	s1 =	sor.u32 s20, s1;
	[smem:$0x7EB] =	sst s16;
	[tilespmem:v62+s25+$0x0] =	vst.idx.msk $0xffff, v49  }
0x182: {  	s9 =	sadd.s32 s9, s4;
	v42 =	vld [tilespmem:s1+$0x0];
	s16 =	sshll.u32 s24, $0x4;
	s24 =	sld [smem:$0x7EE];
	[tilespmem:v63+s25+$0x0] =	vst.idx.msk $0xffff, v51  }
0x183: {  	s9 =	sor.u32 $0x300, s9;
	v61 =	vor.u32 v18, v35;
	s1 =	sadd.s32 s4, s16;
	v49 =	vld [tilespmem:s17+$0x0];
	s17 =	sadd.s32 $0x3000, s2  }
0x184: {  	v62 =	vor.u32 v7, v44;
	v51 =	vld [tilespmem:s9+$0x0];
	[tilespmem:v57+s25+$0x0] =	vst.idx.msk $0xffff, v39;
	s9 =	sor.u32 s29, s17;
	s14 =	sor.u32 s31, s17;
	s17 =	sadd.s32 $0x4980, s30  }
0x185: {  	v60 =	vor.u32 v27, v36;
	[tilespmem:v58+s25+$0x0] =	vst.idx.msk $0xffff, v47;
	v39 =	vld [tilespmem:s24+$0x0];
	s24 =	sor.u32 s0, s17;
	s16 =	sor.u32 s20, s17;
	s17 =	sld [smem:$0x7CA]  }
0x186: {  	v63 =	vor.u32 v29, v34;
	s1 =	sadd.s32 $0x10, s1;
	[tilespmem:v59+s25+$0x0] =	vst.idx.msk $0xffff, v53;
	[smem:$0x7EC] =	sst s24  }
0x187: {  	v57 =	vor.u32 v17, v38;
	s1 =	sor.u32 $0x300, s1;
	v47 =	vld [tilespmem:s14+$0x0];
	s24 =	sld [smem:$0x7EF]  }
0x188: {  	v58 =	vor.u32 v7, v46;
	v53 =	vld [tilespmem:s1+$0x0];
	[tilespmem:v61+s25+$0x0] =	vst.idx.msk $0xffff, v49  }
0x189: {  	[tilespmem:v62+s25+$0x0] =	vst.idx.msk $0xffff, v51  }
0x18a: {  	[tilespmem:v60+s25+$0x0] =	vst.idx.msk $0xffff, v42;
	s1 =	sor.u32 $0x380, s17;
	v49 =	vld [tilespmem:s24+$0x0];
	s24 =	sld [smem:$0x7F0]  }
0x18b: {  	v60 =	vor.u32 v19, v35;
	v51 =	vld [tilespmem:s1+$0x0];
	[tilespmem:v63+s25+$0x0] =	vst.idx.msk $0xffff, v39  }
0x18c: {  	s14 =	sor.u32 s15, s4;
	v42 =	vld [tilespmem:s16+$0x0];
	v61 =	vor.u32 v8, v44;
	[tilespmem:v57+s25+$0x0] =	vst.idx.msk $0xffff, v47  }
0x18d: {  	s16 =	sadd.s32 $0x3080, s2;
	s14 =	sor.u32 $0x380, s14;
	[tilespmem:v58+s25+$0x0] =	vst.idx.msk $0xffff, v53;
	v39 =	vld [tilespmem:s24+$0x0]  }
0x18e: {  	v59 =	vor.u32 v28, v36;
	s1 =	sor.u32 s31, s16;
	s24 =	sadd.s32 $0x4A00, s30;
	v53 =	vld [tilespmem:s14+$0x0];
	s14 =	simm.s32 $0xC000  }
0x18f: {  	v63 =	vor.u32 v18, v38;
	v47 =	vld [tilespmem:s1+$0x0];
	s25 =	sor.u32 s0, s24;
	s1 =	sor.u32 s20, s24;
	s24 =	sld [smem:$0x7CB]  }
0x190: {  	v57 =	vor.u32 v8, v46;
	[tilespmem:v60+s14+$0x0] =	vst.idx.msk $0xffff, v49  }
0x191: {  	[smem:$0x7EE] =	sst s25;
	s25 =	sadd.s32 $0x3100, s2;
	[tilespmem:v61+s14+$0x0] =	vst.idx.msk $0xffff, v51  }
0x192: {  	s17 =	sor.u32 s29, s16;
	v62 =	vor.u32 v30, v34;
	s16 =	sld [smem:$0x7F2];
	v51 =	vld [tilespmem:s24+$0x0];
	s24 =	sor.u32 s29, s25  }
0x193: {  	[tilespmem:v59+s14+$0x0] =	vst.idx.msk $0xffff, v42;
	[smem:$0x7EF] =	sst s24  }
0x194: {  	v42 =	vld [tilespmem:s1+$0x0];
	[tilespmem:v63+s14+$0x0] =	vst.idx.msk $0xffff, v47;
	s24 =	sld [smem:$0x7CD]  }
0x195: {  	v58 =	vor.u32 v29, v36;
	s1 =	sor.u32 s31, s25;
	v49 =	vld [tilespmem:s16+$0x0];
	s25 =	sld [smem:$0x7CC];
	[tilespmem:v57+s14+$0x0] =	vst.idx.msk $0xffff, v53  }
0x196: {  	v59 =	vor.u32 v20, v35;
	v47 =	vld [tilespmem:s1+$0x0]  }
0x197: {  	v54 =	vor.u32 v9, v44;
	[tilespmem:v62+s14+$0x0] =	vst.idx.msk $0xffff, v39;
	s1 =	sadd.s32 $0x4A80, s30;
	v53 =	vld [tilespmem:s24+$0x0];
	s24 =	sld [smem:$0x7CE]  }
0x198: {  	v39 =	vld [tilespmem:s25+$0x0];
	s25 =	sor.u32 s0, s1  }
0x199: {  	[smem:$0x7F0] =	sst s25  }
0x19a: {  	v60 =	vor.u32 v31, v34;
	[tilespmem:v58+s14+$0x0] =	vst.idx.msk $0xffff, v42;
	s25 =	smov.u32 s24;
	s24 =	smov.u32 s21;
	s21 =	sld [smem:$0x7CF]  }
0x19b: {  	s16 =	sld [smem:$0x7F3];
	s1 =	sor.u32 s20, s1;
	[tilespmem:v59+s14+$0x0] =	vst.idx.msk $0xffff, v49  }
0x19c: {  	v63 =	vld [tilespmem:s1+$0x0];
	[tilespmem:v54+s14+$0x0] =	vst.idx.msk $0xffff, v51;
	[smem:$0x7F3] =	sst s25;
	s25 =	sadd.s32 $0x3180, s2  }
0x19d: {  	s1 =	sor.u32 s31, s25;
	v58 =	vld [tilespmem:s21+$0x0];
	s21 =	sor.u32 s29, s25;
	s25 =	rddreg [dreg:$0xf]  }
0x19e: {  	[smem:$0x7F2] =	sst s21  }
0x19f: {  	v54 =	vld [tilespmem:s16+$0x0];
	[tilespmem:v60+s14+$0x0] =	vst.idx.msk $0xffff, v39;
	s21 =	rddreg [dreg:$0xb]  }
0x1a0: {  	v45 =	vld [tilespmem:s25+$0x0];
	s25 =	smov.u32 s21;
	s21 =	rddreg [dreg:$0x15]  }
0x1a1: {  	[dreg:$0xf] =	wrdreg s25  }
0x1a2: {  	s25 =	smov.u32 s21;
	s21 =	sld [smem:$0x7D0]  }
0x1a3: {  	s16 =	rddreg [dreg:$0xa]  }
0x1a4: {  	[dreg:$0xb] =	wrdreg s25  }
0x1a5: {  	s25 =	smov.u32 s21;
	s21 =	rddreg [dreg:$0x9]  }
0x1a6: {  	[dreg:$0x15] =	wrdreg s25  }
0x1a7: {  	v61 =	vor.u32 v19, v38;
	s25 =	smov.u32 s21;
	s21 =	rddreg [dreg:$0x14]  }
0x1a8: {  	v62 =	vor.u32 v9, v46;
	[dreg:$0xa] =	wrdreg s25  }
0x1a9: {  	v56 =	vor.u32 v30, v36;
	s25 =	smov.u32 s21;
	s21 =	sld [smem:$0x7D1]  }
0x1aa: {  	v57 =	vor.u32 v21, v35  }
0x1ab: {  	s6 =	sadd.s32 $0x2, s6;
	v59 =	vor.u32 v10, v44;
	[dreg:$0x9] =	wrdreg s25  }
0x1ac: {  	p1 =	slt.u32 s6, $0x2E;
	[tilespmem:v61+s14+$0x0] =	vst.idx.msk $0xffff, v47;
	s25 =	smov.u32 s21;
	s21 =	sld [smem:$0x7D2]  }
.Ltmp6:
0x1ad: {  	[tilespmem:v62+s14+$0x0] =	vst.idx.msk $0xffff, v53;
	[dreg:$0x14] =	wrdreg s25;
	(pc) =	sbr.rel @p1 .LBB2_4-.Ltmp6, $4  }
0x1ae: {  	v41 =	vmov v43;
	v42 =	vor.u32 v32, v34;
	v48 =	vld [tilespmem:s1+$0x0];
	[tilespmem:v56+s14+$0x0] =	vst.idx.msk $0xffff, v63;
	s25 =	sld [smem:$0x7D3]  }
0x1af: {  	v34 =	vmovc v35;
	v35 =	vmov v37;
	v37 =	vmov v44;
	v49 =	vor.u32 v20, v38;
	v44 =	vld [tilespmem:s16+$0x0];
	[tilespmem:v57+s14+$0x0] =	vst.idx.msk $0xffff, v54  }
0x1b0: {  	s13 =	sadd.s32 $0x8, s13;
	s15 =	sadd.s32 $0x20, s15;
	v39 =	vor.u32 v32, v33;
	v33 =	vmovc v36;
	v36 =	vmov v38;
	v38 =	vmov v46;
	[tilespmem:v59+s14+$0x0] =	vst.idx.msk $0xffff, v58;
	v50 =	vld [tilespmem:s21+$0x0];
	s21 =	sadd.s32 $0x4B00, s30  }
0x1b1: {  	v43 =	vmovc v40;
	v40 =	vor.u32 v31, v46;
	v47 =	vor.u32 v22, v34;
	v51 =	vor.u32 v10, v38;
	s30 =	smov.u32 s2;
	s2 =	smov.u32 s19;
	v46 =	vld [tilespmem:s25+$0x0];
	s19 =	sor.u32 s20, s21  }
0x1b2: {  	_ =	sdelay $0x2  }
0x1b3: {  	v52 =	vld [tilespmem:s12+$0x0];
	v53 =	vor.u32 v11, v37  }
0x1b4: {  	v54 =	vld [tilespmem:s5+$0x0];
	v55 =	vor.u32 v12, v35;
	[tilespmem:v51+s14+$0x0] =	vst.idx.msk $0xffff, v50  }
0x1b5: {  	v57 =	vor.u32 v11, v38;
	v50 =	vld [tilespmem:s28+$0x0];
	_ =	sdelay $0x1  }
0x1b6: {  	s1 =	sadd.s32 $0x1980, s2  }
0x1b7: {  	s3 =	sor.u32 s22, s1;
	[tilespmem:v53+s14+$0x0] =	vst.idx.msk $0xffff, v52  }
0x1b8: {  	v58 =	vor.u32 v12, v37;
	[tilespmem:v55+s14+$0x0] =	vst.idx.msk $0xffff, v54;
	v52 =	vld [tilespmem:s3+$0x0]  }
0x1b9: {  	v60 =	vor.u32 v13, v35;
	s1 =	sor.u32 s26, s1;
	v54 =	vld [tilespmem:s18+$0x0];
	[tilespmem:v57+s14+$0x0] =	vst.idx.msk $0xffff, v50  }
0x1ba: {  	v59 =	vor.u32 v12, v38;
	v51 =	vld [tilespmem:s1+$0x0];
	_ =	sdelay $0x1  }
0x1bb: {  	s16 =	sadd.s32 $0x1A00, s2  }
0x1bc: {  	s18 =	sor.u32 s22, s16;
	[tilespmem:v58+s14+$0x0] =	vst.idx.msk $0xffff, v52  }
0x1bd: {  	v61 =	vor.u32 v13, v37;
	[tilespmem:v60+s14+$0x0] =	vst.idx.msk $0xffff, v54;
	v50 =	vld [tilespmem:s18+$0x0]  }
0x1be: {  	v57 =	vor.u32 v14, v35;
	s1 =	sor.u32 s26, s16;
	v54 =	vld [tilespmem:s7+$0x0];
	[tilespmem:v59+s14+$0x0] =	vst.idx.msk $0xffff, v51  }
0x1bf: {  	v63 =	vor.u32 v13, v38;
	v62 =	vld [tilespmem:s1+$0x0];
	_ =	sdelay $0x1  }
0x1c0: {  	s20 =	sadd.s32 $0x1A80, s2  }
0x1c1: {  	s23 =	sor.u32 s22, s20;
	[tilespmem:v61+s14+$0x0] =	vst.idx.msk $0xffff, v50  }
0x1c2: {  	v58 =	vor.u32 v14, v37;
	[tilespmem:v57+s14+$0x0] =	vst.idx.msk $0xffff, v54;
	v50 =	vld [tilespmem:s23+$0x0]  }
0x1c3: {  	v60 =	vor.u32 v15, v35;
	s1 =	sor.u32 s26, s20;
	v54 =	vld [tilespmem:s11+$0x0];
	[tilespmem:v63+s14+$0x0] =	vst.idx.msk $0xffff, v62  }
0x1c4: {  	v59 =	vor.u32 v14, v38;
	v52 =	vld [tilespmem:s1+$0x0];
	_ =	sdelay $0x1  }
0x1c5: {  	s25 =	sadd.s32 $0x1B00, s2  }
0x1c6: {  	s28 =	sor.u32 s22, s25;
	[tilespmem:v58+s14+$0x0] =	vst.idx.msk $0xffff, v50  }
0x1c7: {  	v61 =	vor.u32 v15, v37;
	[tilespmem:v60+s14+$0x0] =	vst.idx.msk $0xffff, v54;
	v50 =	vld [tilespmem:s28+$0x0]  }
0x1c8: {  	v63 =	vor.u32 v16, v35;
	s1 =	sor.u32 s26, s25;
	v54 =	vld [tilespmem:s8+$0x0];
	[tilespmem:v59+s14+$0x0] =	vst.idx.msk $0xffff, v52  }
0x1c9: {  	v62 =	vor.u32 v15, v38;
	v52 =	vld [tilespmem:s1+$0x0];
	_ =	sdelay $0x1  }
0x1ca: {  	s4 =	sadd.s32 $0x1B80, s2  }
0x1cb: {  	s5 =	sor.u32 s22, s4;
	[tilespmem:v61+s14+$0x0] =	vst.idx.msk $0xffff, v50  }
0x1cc: {  	v57 =	vor.u32 v16, v37;
	[tilespmem:v63+s14+$0x0] =	vst.idx.msk $0xffff, v54;
	v50 =	vld [tilespmem:s5+$0x0]  }
0x1cd: {  	v59 =	vor.u32 v17, v35;
	s1 =	sor.u32 s26, s4;
	v54 =	vld [tilespmem:s9+$0x0];
	[tilespmem:v62+s14+$0x0] =	vst.idx.msk $0xffff, v52  }
0x1ce: {  	v58 =	vor.u32 v16, v38;
	v52 =	vld [tilespmem:s1+$0x0];
	_ =	sdelay $0x1  }
0x1cf: {  	s6 =	sadd.s32 $0x3000, s2  }
0x1d0: {  	s7 =	sor.u32 s22, s6;
	[tilespmem:v57+s14+$0x0] =	vst.idx.msk $0xffff, v50  }
0x1d1: {  	v60 =	vor.u32 v17, v37;
	[tilespmem:v59+s14+$0x0] =	vst.idx.msk $0xffff, v54;
	v50 =	vld [tilespmem:s7+$0x0]  }
0x1d2: {  	v62 =	vor.u32 v18, v35;
	s1 =	sor.u32 s26, s6;
	v54 =	vld [tilespmem:s17+$0x0];
	[tilespmem:v58+s14+$0x0] =	vst.idx.msk $0xffff, v52  }
0x1d3: {  	v61 =	vor.u32 v17, v38;
	v52 =	vld [tilespmem:s1+$0x0];
	_ =	sdelay $0x2  }
0x1d4: {  	[tilespmem:v60+s14+$0x0] =	vst.idx.msk $0xffff, v50  }
0x1d5: {  	[tilespmem:v62+s14+$0x0] =	vst.idx.msk $0xffff, v54  }
0x1d6: {  	s8 =	sadd.s32 $0x3080, s2;
	[tilespmem:v61+s14+$0x0] =	vst.idx.msk $0xffff, v52  }
0x1d7: {  	s9 =	sor.u32 s22, s8;
	s11 =	sld [smem:$0x7EF]  }
0x1d8: {  	v63 =	vor.u32 v18, v37;
	s1 =	sor.u32 s26, s8;
	v50 =	vld [tilespmem:s9+$0x0]  }
0x1d9: {  	v57 =	vor.u32 v18, v38;
	v52 =	vld [tilespmem:s1+$0x0]  }
0x1da: {  	v58 =	vor.u32 v19, v35;
	v54 =	vld [tilespmem:s11+$0x0];
	_ =	sdelay $0x2  }
0x1db: {  	s12 =	sadd.s32 $0x3100, s2;
	[tilespmem:v63+s14+$0x0] =	vst.idx.msk $0xffff, v50  }
0x1dc: {  	s13 =	sor.u32 s22, s12;
	[tilespmem:v57+s14+$0x0] =	vst.idx.msk $0xffff, v52  }
0x1dd: {  	v59 =	vor.u32 v19, v37;
	s1 =	sor.u32 s26, s12;
	v50 =	vld [tilespmem:s13+$0x0];
	[tilespmem:v58+s14+$0x0] =	vst.idx.msk $0xffff, v54  }
0x1de: {  	v60 =	vor.u32 v19, v38;
	v52 =	vld [tilespmem:s1+$0x0];
	s15 =	sld [smem:$0x7F2];
	_ =	sdelay $0x2  }
0x1df: {  	s16 =	sadd.s32 $0x3180, s2;
	v61 =	vor.u32 v20, v35;
	v54 =	vld [tilespmem:s15+$0x0]  }
0x1e0: {  	s17 =	sor.u32 s22, s16;
	[tilespmem:v59+s14+$0x0] =	vst.idx.msk $0xffff, v50  }
0x1e1: {  	v62 =	vor.u32 v20, v37;
	s1 =	sor.u32 s26, s16;
	v50 =	vld [tilespmem:s17+$0x0];
	[tilespmem:v60+s14+$0x0] =	vst.idx.msk $0xffff, v52  }
0x1e2: {  	v63 =	vor.u32 v20, v38;
	v52 =	vld [tilespmem:s1+$0x0];
	_ =	sdelay $0x1  }
0x1e3: {  	[tilespmem:v61+s14+$0x0] =	vst.idx.msk $0xffff, v54  }
0x1e4: {  	s18 =	sld [smem:$0x7F3];
	[tilespmem:v49+s14+$0x0] =	vst.idx.msk $0xffff, v48  }
0x1e5: {  	[tilespmem:v62+s14+$0x0] =	vst.idx.msk $0xffff, v50  }
0x1e6: {  	[tilespmem:v63+s14+$0x0] =	vst.idx.msk $0xffff, v52  }
0x1e7: {  	s20 =	sor.u32 s31, s10;
	s23 =	sld [smem:$0x7F4]  }
0x1e8: {  	v58 =	vor.u32 v21, v36;
	v49 =	vld [tilespmem:s20+$0x0]  }
0x1e9: {  	v59 =	vor.u32 v21, v37;
	v50 =	vld [tilespmem:s24+$0x0]  }
0x1ea: {  	v57 =	vor.u32 v21, v35;
	v54 =	vld [tilespmem:s18+$0x0];
	s1 =	sor.u32 s26, s23  }
0x1eb: {  	v60 =	vor.u32 v21, v38;
	v52 =	vld [tilespmem:s1+$0x0]  }
0x1ec: {  	[tilespmem:v47+s14+$0x0] =	vst.idx.msk $0xffff, v46  }
0x1ed: {  	[tilespmem:v58+s14+$0x0] =	vst.idx.msk $0xffff, v49  }
0x1ee: {  	s25 =	sadd.s32 $0x3280, s30;
	[tilespmem:v59+s14+$0x0] =	vst.idx.msk $0xffff, v50  }
0x1ef: {  	s4 =	sadd.s32 $0x3280, s2;
	s1 =	sor.u32 s31, s25;
	[tilespmem:v57+s14+$0x0] =	vst.idx.msk $0xffff, v54  }
0x1f0: {  	s5 =	sor.u32 s22, s4;
	v62 =	vor.u32 v22, v36;
	v61 =	vld [tilespmem:s1+$0x0];
	[tilespmem:v60+s14+$0x0] =	vst.idx.msk $0xffff, v52  }
0x1f1: {  	s28 =	sor.u32 s29, s25;
	v63 =	vor.u32 v22, v37;
	v50 =	vld [tilespmem:s5+$0x0];
	s7 =	sld [smem:$0x7E1]  }
0x1f2: {  	s6 =	sor.u32 s26, s4;
	v49 =	vor.u32 v22, v35;
	v48 =	vld [tilespmem:s28+$0x0]  }
0x1f3: {  	v58 =	vor.u32 v22, v38;
	v57 =	vld [tilespmem:s6+$0x0]  }
0x1f4: {  	v60 =	vor.u32 v23, v34;
	v59 =	vld [tilespmem:s7+$0x0]  }
0x1f5: {  	[tilespmem:v62+s14+$0x0] =	vst.idx.msk $0xffff, v61  }
0x1f6: {  	[tilespmem:v63+s14+$0x0] =	vst.idx.msk $0xffff, v50  }
0x1f7: {  	s8 =	sadd.s32 $0x3300, s30;
	[tilespmem:v49+s14+$0x0] =	vst.idx.msk $0xffff, v48  }
0x1f8: {  	s9 =	sor.u32 s29, s8;
	[tilespmem:v58+s14+$0x0] =	vst.idx.msk $0xffff, v57  }
0x1f9: {  	s10 =	sadd.s32 $0x3300, s2;
	s1 =	sor.u32 s31, s8;
	v61 =	vor.u32 v23, v35;
	v48 =	vld [tilespmem:s9+$0x0];
	[tilespmem:v60+s14+$0x0] =	vst.idx.msk $0xffff, v59  }
0x1fa: {  	s11 =	sor.u32 s22, s10;
	v62 =	vor.u32 v23, v36;
	v54 =	vld [tilespmem:s1+$0x0];
	s13 =	sld [smem:$0x7E3]  }
0x1fb: {  	s12 =	sor.u32 s26, s10;
	v63 =	vor.u32 v23, v37;
	v50 =	vld [tilespmem:s11+$0x0]  }
0x1fc: {  	v57 =	vor.u32 v23, v38;
	v47 =	vld [tilespmem:s12+$0x0]  }
0x1fd: {  	v58 =	vor.u32 v24, v34;
	v52 =	vld [tilespmem:s13+$0x0]  }
0x1fe: {  	[tilespmem:v61+s14+$0x0] =	vst.idx.msk $0xffff, v48  }
0x1ff: {  	[tilespmem:v62+s14+$0x0] =	vst.idx.msk $0xffff, v54  }
0x200: {  	s15 =	sadd.s32 $0x3380, s30;
	[tilespmem:v63+s14+$0x0] =	vst.idx.msk $0xffff, v50  }
0x201: {  	s16 =	sor.u32 s29, s15;
	[tilespmem:v57+s14+$0x0] =	vst.idx.msk $0xffff, v47  }
0x202: {  	s17 =	sadd.s32 $0x3380, s2;
	s1 =	sor.u32 s31, s15;
	v59 =	vor.u32 v24, v35;
	v48 =	vld [tilespmem:s16+$0x0];
	[tilespmem:v58+s14+$0x0] =	vst.idx.msk $0xffff, v52  }
0x203: {  	s18 =	sor.u32 s22, s17;
	v60 =	vor.u32 v24, v36;
	v54 =	vld [tilespmem:s1+$0x0];
	s23 =	sld [smem:$0x7E6]  }
0x204: {  	s20 =	sor.u32 s26, s17;
	v61 =	vor.u32 v24, v37;
	v46 =	vld [tilespmem:s18+$0x0]  }
0x205: {  	v63 =	vor.u32 v24, v38;
	v62 =	vld [tilespmem:s20+$0x0]  }
0x206: {  	v57 =	vor.u32 v25, v34;
	v52 =	vld [tilespmem:s23+$0x0]  }
0x207: {  	[tilespmem:v59+s14+$0x0] =	vst.idx.msk $0xffff, v48  }
0x208: {  	[tilespmem:v60+s14+$0x0] =	vst.idx.msk $0xffff, v54  }
0x209: {  	s24 =	sadd.s32 $0x4800, s30;
	[tilespmem:v61+s14+$0x0] =	vst.idx.msk $0xffff, v46  }
0x20a: {  	s25 =	sor.u32 s29, s24;
	[tilespmem:v63+s14+$0x0] =	vst.idx.msk $0xffff, v62  }
0x20b: {  	s28 =	sadd.s32 $0x4800, s2;
	s1 =	sor.u32 s31, s24;
	v58 =	vor.u32 v25, v35;
	v48 =	vld [tilespmem:s25+$0x0];
	[tilespmem:v57+s14+$0x0] =	vst.idx.msk $0xffff, v52  }
0x20c: {  	s4 =	sor.u32 s22, s28;
	v59 =	vor.u32 v25, v36;
	v54 =	vld [tilespmem:s1+$0x0];
	s6 =	sld [smem:$0x7EA]  }
0x20d: {  	s5 =	sor.u32 s26, s28;
	v60 =	vor.u32 v25, v37;
	v46 =	vld [tilespmem:s4+$0x0]  }
0x20e: {  	v61 =	vor.u32 v25, v38;
	v50 =	vld [tilespmem:s5+$0x0]  }
0x20f: {  	v62 =	vor.u32 v26, v34;
	v52 =	vld [tilespmem:s6+$0x0]  }
0x210: {  	[tilespmem:v58+s14+$0x0] =	vst.idx.msk $0xffff, v48  }
0x211: {  	[tilespmem:v59+s14+$0x0] =	vst.idx.msk $0xffff, v54  }
0x212: {  	s7 =	sadd.s32 $0x4880, s30;
	[tilespmem:v60+s14+$0x0] =	vst.idx.msk $0xffff, v46  }
0x213: {  	s8 =	sor.u32 s29, s7;
	[tilespmem:v61+s14+$0x0] =	vst.idx.msk $0xffff, v50  }
0x214: {  	s9 =	sadd.s32 $0x4880, s2;
	v63 =	vor.u32 v26, v35;
	s1 =	sor.u32 s31, s7;
	v48 =	vld [tilespmem:s8+$0x0];
	[tilespmem:v62+s14+$0x0] =	vst.idx.msk $0xffff, v52  }
0x215: {  	s10 =	sor.u32 s22, s9;
	v57 =	vor.u32 v26, v36;
	v54 =	vld [tilespmem:s1+$0x0];
	s12 =	sld [smem:$0x7EB]  }
0x216: {  	s11 =	sor.u32 s26, s9;
	v58 =	vor.u32 v26, v37;
	v46 =	vld [tilespmem:s10+$0x0]  }
0x217: {  	v59 =	vor.u32 v26, v38;
	v50 =	vld [tilespmem:s11+$0x0]  }
0x218: {  	v60 =	vor.u32 v27, v34;
	v52 =	vld [tilespmem:s12+$0x0]  }
0x219: {  	[tilespmem:v63+s14+$0x0] =	vst.idx.msk $0xffff, v48  }
0x21a: {  	[tilespmem:v57+s14+$0x0] =	vst.idx.msk $0xffff, v54  }
0x21b: {  	s13 =	sadd.s32 $0x4900, s30;
	[tilespmem:v58+s14+$0x0] =	vst.idx.msk $0xffff, v46  }
0x21c: {  	s15 =	sor.u32 s29, s13;
	[tilespmem:v59+s14+$0x0] =	vst.idx.msk $0xffff, v50  }
0x21d: {  	s16 =	sadd.s32 $0x4900, s2;
	v61 =	vor.u32 v27, v35;
	s1 =	sor.u32 s31, s13;
	v48 =	vld [tilespmem:s15+$0x0];
	[tilespmem:v60+s14+$0x0] =	vst.idx.msk $0xffff, v52  }
0x21e: {  	s17 =	sor.u32 s22, s16;
	v62 =	vor.u32 v27, v36;
	v54 =	vld [tilespmem:s1+$0x0];
	s20 =	sld [smem:$0x7EC]  }
0x21f: {  	s18 =	sor.u32 s26, s16;
	v63 =	vor.u32 v27, v37;
	v46 =	vld [tilespmem:s17+$0x0]  }
0x220: {  	v57 =	vor.u32 v27, v38;
	v50 =	vld [tilespmem:s18+$0x0]  }
0x221: {  	v58 =	vor.u32 v28, v34;
	v52 =	vld [tilespmem:s20+$0x0]  }
0x222: {  	[tilespmem:v61+s14+$0x0] =	vst.idx.msk $0xffff, v48  }
0x223: {  	s23 =	sadd.s32 $0x4980, s30;
	[tilespmem:v62+s14+$0x0] =	vst.idx.msk $0xffff, v54  }
0x224: {  	s24 =	sor.u32 s29, s23;
	[tilespmem:v63+s14+$0x0] =	vst.idx.msk $0xffff, v46  }
0x225: {  	s25 =	sadd.s32 $0x4980, s2;
	v59 =	vor.u32 v28, v35;
	s1 =	sor.u32 s31, s23;
	[tilespmem:v57+s14+$0x0] =	vst.idx.msk $0xffff, v50;
	v48 =	vld [tilespmem:s24+$0x0]  }
0x226: {  	s28 =	sor.u32 s22, s25;
	v60 =	vor.u32 v28, v36;
	v54 =	vld [tilespmem:s1+$0x0];
	[tilespmem:v58+s14+$0x0] =	vst.idx.msk $0xffff, v52  }
0x227: {  	s3 =	sor.u32 s26, s25;
	v61 =	vor.u32 v28, v37;
	v46 =	vld [tilespmem:s28+$0x0];
	s4 =	sld [smem:$0x7EE]  }
0x228: {  	v62 =	vor.u32 v28, v38;
	v50 =	vld [tilespmem:s3+$0x0];
	_ =	sdelay $0x1  }
0x229: {  	v63 =	vor.u32 v29, v34;
	[tilespmem:v59+s14+$0x0] =	vst.idx.msk $0xffff, v48;
	v52 =	vld [tilespmem:s4+$0x0]  }
0x22a: {  	[tilespmem:v60+s14+$0x0] =	vst.idx.msk $0xffff, v54  }
0x22b: {  	[tilespmem:v61+s14+$0x0] =	vst.idx.msk $0xffff, v46  }
0x22c: {  	s5 =	sadd.s32 $0x4A00, s30;
	[tilespmem:v62+s14+$0x0] =	vst.idx.msk $0xffff, v50  }
0x22d: {  	s6 =	sor.u32 s29, s5;
	[tilespmem:v42+s14+$0x0] =	vst.idx.msk $0xffff, v45  }
0x22e: {  	s7 =	sadd.s32 $0x4A00, s2;
	v57 =	vor.u32 v29, v35;
	s1 =	sor.u32 s31, s5;
	v48 =	vld [tilespmem:s6+$0x0];
	[tilespmem:v63+s14+$0x0] =	vst.idx.msk $0xffff, v52  }
0x22f: {  	s8 =	sor.u32 s22, s7;
	v58 =	vor.u32 v29, v36;
	v54 =	vld [tilespmem:s1+$0x0];
	s10 =	sld [smem:$0x7F0]  }
0x230: {  	s9 =	sor.u32 s26, s7;
	v59 =	vor.u32 v29, v37;
	v47 =	vld [tilespmem:s8+$0x0]  }
0x231: {  	v60 =	vor.u32 v29, v38;
	v51 =	vld [tilespmem:s9+$0x0]  }
0x232: {  	s11 =	sadd.s32 $0x4A80, s30;
	v62 =	vor.u32 v30, v34;
	v61 =	vld [tilespmem:s10+$0x0]  }
0x233: {  	s12 =	sor.u32 s29, s11;
	[tilespmem:v57+s14+$0x0] =	vst.idx.msk $0xffff, v48  }
0x234: {  	v56 =	vor.u32 v30, v35;
	s13 =	sadd.s32 $0x4A80, s2;
	s1 =	sor.u32 s31, s11;
	[tilespmem:v58+s14+$0x0] =	vst.idx.msk $0xffff, v54;
	v63 =	vld [tilespmem:s12+$0x0]  }
0x235: {  	s15 =	sor.u32 s22, s13;
	[tilespmem:v59+s14+$0x0] =	vst.idx.msk $0xffff, v47;
	v58 =	vor.u32 v30, v36;
	v57 =	vld [tilespmem:s1+$0x0]  }
0x236: {  	s16 =	sor.u32 s26, s13;
	[tilespmem:v60+s14+$0x0] =	vst.idx.msk $0xffff, v51;
	v59 =	vor.u32 v30, v37;
	v50 =	vld [tilespmem:s15+$0x0]  }
0x237: {  	s0 =	sor.u32 s0, s21;
	v60 =	vor.u32 v30, v38;
	v52 =	vld [tilespmem:s16+$0x0];
	[tilespmem:v62+s14+$0x0] =	vst.idx.msk $0xffff, v61  }
0x238: {  	[tilespmem:v39+s14+$0x0] =	vst.idx.msk $0xffff, v44;
	v61 =	vor.u32 v31, v34;
	v45 =	vld [tilespmem:s0+$0x0]  }
0x239: {  	s17 =	sadd.s32 $0x4B00, s30;
	[tilespmem:v56+s14+$0x0] =	vst.idx.msk $0xffff, v63  }
0x23a: {  	s18 =	sor.u32 s29, s17;
	[tilespmem:v58+s14+$0x0] =	vst.idx.msk $0xffff, v57;
	v62 =	vld [tilespmem:s19+$0x0]  }
0x23b: {  	v63 =	vor.u32 v31, v35;
	[tilespmem:v59+s14+$0x0] =	vst.idx.msk $0xffff, v50;
	v46 =	vld [tilespmem:s18+$0x0];
	s19 =	sadd.s32 $0x4B00, s2;
	s0 =	sor.u32 s31, s17  }
0x23c: {  	[tilespmem:v60+s14+$0x0] =	vst.idx.msk $0xffff, v52;
	s20 =	sor.u32 s22, s19;
	v53 =	vld [tilespmem:s0+$0x0]  }
0x23d: {  	v55 =	vor.u32 v31, v37;
	s1 =	sor.u32 s26, s19;
	v54 =	vld [tilespmem:s20+$0x0];
	[tilespmem:v61+s14+$0x0] =	vst.idx.msk $0xffff, v45  }
0x23e: {  	v56 =	vld [tilespmem:s1+$0x0];
	s21 =	rddreg [dreg:$0xf]  }
0x23f: {  	v57 =	vor.u32 v32, v34;
	[tilespmem:v41+s14+$0x0] =	vst.idx.msk $0xffff, v62;
	v39 =	vld [tilespmem:s21+$0x0]  }
0x240: {  	s22 =	rddreg [dreg:$0xa];
	[tilespmem:v63+s14+$0x0] =	vst.idx.msk $0xffff, v46  }
0x241: {  	s23 =	rddreg [dreg:$0xb];
	[tilespmem:v43+s14+$0x0] =	vst.idx.msk $0xffff, v53  }
0x242: {  	v33 =	vor.u32 v32, v33;
	v41 =	vld [tilespmem:s22+$0x0];
	s24 =	rddreg [dreg:$0x9];
	[tilespmem:v55+s14+$0x0] =	vst.idx.msk $0xffff, v54  }
0x243: {  	v59 =	vor.u32 v32, v35;
	v58 =	vld [tilespmem:s23+$0x0];
	s25 =	rddreg [dreg:$0x15];
	[tilespmem:v40+s14+$0x0] =	vst.idx.msk $0xffff, v56  }
0x244: {  	v60 =	vor.u32 v32, v36;
	v43 =	vld [tilespmem:s24+$0x0];
	[tilespmem:v57+s14+$0x0] =	vst.idx.msk $0xffff, v39  }
0x245: {  	v61 =	vor.u32 v32, v37;
	v42 =	vld [tilespmem:s25+$0x0];
	s26 =	rddreg [dreg:$0x14]  }
0x246: {  	v62 =	vor.u32 v32, v38;
	v63 =	vld [tilespmem:s26+$0x0]  }
0x247: {  	[tilespmem:v33+s14+$0x0] =	vst.idx.msk $0xffff, v41  }
0x248: {  	[tilespmem:v59+s14+$0x0] =	vst.idx.msk $0xffff, v58  }
0x249: {  	s28 =	sld [smem:$0x7F5];
	[tilespmem:v60+s14+$0x0] =	vst.idx.msk $0xffff, v43  }
0x24a: {  	[tilespmem:v61+s14+$0x0] =	vst.idx.msk $0xffff, v42  }
0x24b: {  	[tilespmem:v62+s14+$0x0] =	vst.idx.msk $0xffff, v63  }
0x24c: {  	s31 =	sld [smem:$0x7D4];
	_ =	sdelay $0x2  }
0x24d: {  	s0 =	smul.u32 $0x6000, s28;
	p1 =	seq.s32 s31, $0x0  }
.Ltmp7:
0x24e: {  	s29 =	sld [smem:$0x7F7];
	(pc) =	sbr.rel @p1 .LBB2_9-.Ltmp7, $4  }
0x24f: {  	_ = 	snop  }
0x250: {  	s0 =	sshrl.u32 s0, $0x3  }
0x251: {  	s30 =	simm.s32 $0x0;
	s4 =	sld [smem:$0x7D6];
	s0 =	sadd.s32 s29, s0  }
0x252: {  	[hbm4b:s0+s30] =	stream.linear.scatter [tilespmem:s14], [sflag:$0x3], $0x6000, $0x38;
	[tilespmem:$0x19800] =	vst v63  }
.LBB2_6:
0x253: {  	s0 =	sld [smem:$0x7F8];
	_ =	sdelay $0x1  }
0x254: {  	s1 =	sadd.s32 $0x1, s4  }
0x255: {  	[smem:$0x7D5] =	sst s1;
	p1 =	sge.u32 s1, s0  }
0x256: {  	s0 =	sshll.u32 @!p1 s1, $0x5;
	s1 =	sld [smem:$0x7FD];
	_ =	sdelay $0x2  }
0x257: {  	s0 =	sor.u32 @!p1 s1, s0  }
0x258: {  	s0 =	smul.u32 @!p1 $0x300, s0  }
0x259: {  	s24 =	simm.s32 $0x2;
	s2 =	simm.s32 @!p1 $0x7A1400;
	s1 =	rddreg [dreg:$0x0]  }
0x25a: {  	s3 =	simm.s32 @!p1 $0x0;
	s0 =	sadd.s32 @!p1 s1, s0;
	s1 =	simm.s32 @!p1 $0x1800  }
0x25b: {  	[tilespmem:s3], [sflag:$0x1] =	stream.strided.gather @!p1 [hbm4b:s0+s1], $0x6000, s2, s1, $0x38;
	[tilespmem:$0x19800] =	vst v63  }
0x25c: {  	_ =	swait.ge [sflag:s24], $0x6000  }
0x25d: {  	s25 =	simm.s32 $0x4;
	p1 =	slt.u32 s4, $0x2;
	[sflag:s24] =	ssyncset.done $0x0  }
0x25e: {  	s2 =	simm.s32 $0x0;
	s0 =	simm.s32 @!p1 $0x4;
	[sflag:s24] =	ssyncadd.s32 $0xFFFFA000  }
0x25f: {  	s26 =	simm.s32 $0x10;
	v33 =	vmov s25;
	s6 =	sand.u32 $0x1C00, s2;
	_ =	swait.ge @!p1 [sflag:s0], $0x6000  }
0x260: {  	s5 =	sand.u32 $0x70, s26;
	v33 =	vshll.u32 v33, $0x7;
	s31 =	sor.u32 $0x6000, s6;
	[sflag:s0] =	ssyncset.done @!p1 $0x0  }
0x261: {  	v37 =	vor.u32 v1, v33;
	s9 =	sor.u32 s5, s31;
	[sflag:s0] =	ssyncadd.s32 @!p1 $0xFFFFA000  }
0x262: {  	v33 =	vor.u32 v0, v37;
	v34 =	vld [tilespmem:s9+$0x0];
	_ =	sdelay $0x3  }
0x263: {  	s1 =	simm.s32 $0x12000  }
0x264: {  	[tilespmem:v33+s1+$0x0] =	vst.idx.msk $0xffff, v34  }
0x265: {  	v62 =	vor.u32 v2, v37;
	v34 =	vld [tilespmem:s9+$0x80];
	_ =	sdelay $0x4  }
0x266: {  	[tilespmem:v62+s1+$0x0] =	vst.idx.msk $0xffff, v34  }
0x267: {  	v63 =	vor.u32 v3, v37;
	v34 =	vld [tilespmem:s9+$0x100];
	_ =	sdelay $0x4  }
0x268: {  	[tilespmem:v63+s1+$0x0] =	vst.idx.msk $0xffff, v34  }
0x269: {  	v36 =	vor.u32 v4, v37;
	v34 =	vld [tilespmem:s9+$0x180];
	_ =	sdelay $0x4  }
0x26a: {  	[tilespmem:v36+s1+$0x0] =	vst.idx.msk $0xffff, v34  }
0x26b: {  	v38 =	vor.u32 v5, v37;
	v34 =	vld [tilespmem:s9+$0x200];
	_ =	sdelay $0x4  }
0x26c: {  	[tilespmem:v38+s1+$0x0] =	vst.idx.msk $0xffff, v34  }
0x26d: {  	v39 =	vor.u32 v6, v37;
	v33 =	vld [tilespmem:s9+$0x280]  }
0x26e: {  	s10 =	sand.u32 $0x7, s2  }
0x26f: {  	s0 =	sshll.u32 s10, $0x4  }
0x270: {  	s0 =	sadd.s32 $0x0, s0  }
0x271: {  	s0 =	sadd.s32 $0x10, s0  }
0x272: {  	s0 =	sor.u32 $0x300, s0;
	[tilespmem:v39+s1+$0x0] =	vst.idx.msk $0xffff, v33  }
0x273: {  	v40 =	vor.u32 v7, v37;
	v33 =	vld [tilespmem:s0+$0x6000];
	_ =	sdelay $0x3  }
0x274: {  	s11 =	sor.u32 s26, s2  }
0x275: {  	s0 =	sor.u32 $0x380, s11;
	[tilespmem:v40+s1+$0x0] =	vst.idx.msk $0xffff, v33  }
0x276: {  	v41 =	vor.u32 v8, v37;
	v33 =	vld [tilespmem:s0+$0x6000];
	_ =	sdelay $0x3  }
0x277: {  	s9 =	sadd.s32 $0x7800, s6  }
0x278: {  	s12 =	sor.u32 s5, s9;
	[tilespmem:v41+s1+$0x0] =	vst.idx.msk $0xffff, v33  }
0x279: {  	v42 =	vor.u32 v9, v37;
	v33 =	vld [tilespmem:s12+$0x0];
	_ =	sdelay $0x3  }
0x27a: {  	s13 =	simm.s32 $0x0;
	s8 =	sadd.s32 $0x7880, s6  }
0x27b: {  	v43 =	vmov s13;
	s14 =	sor.u32 s5, s8;
	s12 =	simm.s32 $0x0;
	[tilespmem:v42+s1+$0x0] =	vst.idx.msk $0xffff, v33  }
0x27c: {  	v35 =	vor.u32 v10, v37;
	s7 =	sand.u32 $0x60, s12;
	v33 =	vshll.u32 v43, $0x7;
	v34 =	vld [tilespmem:s14+$0x0]  }
0x27d: {  	s13 =	sor.u32 s7, s31;
	v39 =	vor.u32 v1, v33  }
0x27e: {  	v44 =	vld [tilespmem:s13+$0x0];
	v36 =	vor.u32 v0, v39;
	_ =	sdelay $0x1  }
0x27f: {  	s18 =	sadd.s32 $0x7900, s6  }
0x280: {  	s15 =	sor.u32 s5, s18;
	[tilespmem:v35+s1+$0x0] =	vst.idx.msk $0xffff, v34  }
0x281: {  	s16 =	simm.s32 $0xC;
	s17 =	simm.s32 $0x100;
	v45 =	vor.u32 v11, v37;
	v34 =	vld [tilespmem:s15+$0x0]  }
0x282: {  	s10 =	simm.s32 $0x30;
	v38 =	vmov s16;
	s11 =	sand.u32 $0x1C00, s17;
	[tilespmem:v36+s1+$0x0] =	vst.idx.msk $0xffff, v44  }
0x283: {  	s22 =	sand.u32 $0x70, s10;
	v46 =	vshll.u32 v38, $0x7;
	s3 =	sor.u32 $0x6000, s11;
	v47 =	vor.u32 v2, v39;
	v36 =	vld [tilespmem:s13+$0x80]  }
0x284: {  	v33 =	vor.u32 v1, v46;
	s15 =	sor.u32 s22, s3  }
0x285: {  	s4 =	sadd.s32 $0x7980, s6;
	v40 =	vor.u32 v0, v33;
	v41 =	vld [tilespmem:s15+$0x0]  }
0x286: {  	s14 =	sor.u32 s5, s4;
	[tilespmem:v45+s1+$0x0] =	vst.idx.msk $0xffff, v34  }
0x287: {  	v48 =	vor.u32 v12, v37;
	v34 =	vld [tilespmem:s14+$0x0]  }
0x288: {  	[tilespmem:v47+s1+$0x0] =	vst.idx.msk $0xffff, v36  }
0x289: {  	v49 =	vor.u32 v3, v39;
	v36 =	vld [tilespmem:s13+$0x100]  }
0x28a: {  	[tilespmem:v40+s1+$0x0] =	vst.idx.msk $0xffff, v41  }
0x28b: {  	v50 =	vor.u32 v2, v33;
	s14 =	sadd.s32 $0x7A00, s6;
	v41 =	vld [tilespmem:s15+$0x80]  }
0x28c: {  	s16 =	sor.u32 s5, s14;
	[tilespmem:v48+s1+$0x0] =	vst.idx.msk $0xffff, v34  }
0x28d: {  	v51 =	vor.u32 v13, v37;
	v34 =	vld [tilespmem:s16+$0x0]  }
0x28e: {  	[tilespmem:v49+s1+$0x0] =	vst.idx.msk $0xffff, v36  }
0x28f: {  	v52 =	vor.u32 v4, v39;
	v36 =	vld [tilespmem:s13+$0x180]  }
0x290: {  	[tilespmem:v50+s1+$0x0] =	vst.idx.msk $0xffff, v41  }
0x291: {  	s20 =	sadd.s32 $0x7A80, s6;
	v53 =	vor.u32 v3, v33;
	v41 =	vld [tilespmem:s15+$0x100]  }
0x292: {  	s19 =	sor.u32 s5, s20;
	[tilespmem:v51+s1+$0x0] =	vst.idx.msk $0xffff, v34  }
0x293: {  	v54 =	vor.u32 v14, v37;
	v34 =	vld [tilespmem:s19+$0x0]  }
0x294: {  	[tilespmem:v52+s1+$0x0] =	vst.idx.msk $0xffff, v36  }
0x295: {  	v55 =	vor.u32 v5, v39;
	v36 =	vld [tilespmem:s13+$0x200]  }
0x296: {  	[tilespmem:v53+s1+$0x0] =	vst.idx.msk $0xffff, v41  }
0x297: {  	s23 =	sadd.s32 $0x7B00, s6;
	v56 =	vor.u32 v4, v33;
	v41 =	vld [tilespmem:s15+$0x180]  }
0x298: {  	s21 =	sor.u32 s5, s23;
	[tilespmem:v54+s1+$0x0] =	vst.idx.msk $0xffff, v34  }
0x299: {  	v57 =	vor.u32 v15, v37;
	v34 =	vld [tilespmem:s21+$0x0]  }
0x29a: {  	[tilespmem:v55+s1+$0x0] =	vst.idx.msk $0xffff, v36  }
0x29b: {  	v58 =	vor.u32 v6, v39;
	v36 =	vld [tilespmem:s13+$0x280]  }
0x29c: {  	[tilespmem:v56+s1+$0x0] =	vst.idx.msk $0xffff, v41  }
0x29d: {  	s25 =	sand.u32 $0x3, s2;
	s29 =	sadd.s32 $0x7B80, s6;
	v59 =	vor.u32 v5, v33;
	v41 =	vld [tilespmem:s15+$0x200]  }
0x29e: {  	s24 =	sor.u32 s5, s29;
	s16 =	sshll.u32 s25, $0x5;
	[tilespmem:v57+s1+$0x0] =	vst.idx.msk $0xffff, v34  }
0x29f: {  	v60 =	vor.u32 v16, v37;
	s26 =	sadd.s32 $0x0, s16;
	v34 =	vld [tilespmem:s24+$0x0]  }
0x2a0: {  	s13 =	sor.u32 $0x300, s26;
	[tilespmem:v58+s1+$0x0] =	vst.idx.msk $0xffff, v36  }
0x2a1: {  	v61 =	vor.u32 v7, v39;
	v36 =	vld [tilespmem:s13+$0x6000]  }
0x2a2: {  	[tilespmem:v59+s1+$0x0] =	vst.idx.msk $0xffff, v41  }
0x2a3: {  	s31 =	simm.s32 $0x2;
	v62 =	vor.u32 v6, v33;
	s19 =	sadd.s32 $0x9000, s6;
	v40 =	vld [tilespmem:s15+$0x280]  }
0x2a4: {  	s16 =	sor.u32 s5, s19;
	s13 =	sand.u32 $0x7, s31;
	[tilespmem:v60+s1+$0x0] =	vst.idx.msk $0xffff, v34  }
0x2a5: {  	v63 =	vor.u32 v17, v37;
	s2 =	sor.u32 s12, s2;
	s13 =	sshll.u32 s13, $0x4;
	v34 =	vld [tilespmem:s16+$0x0]  }
0x2a6: {  	s2 =	sor.u32 $0x380, s2;
	s17 =	sadd.s32 $0x100, s13;
	[tilespmem:v61+s1+$0x0] =	vst.idx.msk $0xffff, v36  }
0x2a7: {  	v44 =	vor.u32 v8, v39;
	s12 =	sadd.s32 $0x10, s17;
	v36 =	vld [tilespmem:s2+$0x6000]  }
0x2a8: {  	s21 =	sor.u32 $0x300, s12;
	[tilespmem:v62+s1+$0x0] =	vst.idx.msk $0xffff, v40  }
0x2a9: {  	v45 =	vor.u32 v7, v33;
	s17 =	sadd.s32 $0x9080, s6;
	v40 =	vld [tilespmem:s21+$0x6000]  }
0x2aa: {  	s24 =	sor.u32 s5, s17;
	[tilespmem:v63+s1+$0x0] =	vst.idx.msk $0xffff, v34  }
0x2ab: {  	v46 =	vor.u32 v18, v37;
	v34 =	vld [tilespmem:s24+$0x0]  }
0x2ac: {  	s0 =	simm.s32 $0x100;
	s25 =	sor.u32 s7, s9;
	[tilespmem:v44+s1+$0x0] =	vst.idx.msk $0xffff, v36  }
0x2ad: {  	v47 =	vor.u32 v9, v39;
	s26 =	sor.u32 s10, s0;
	v36 =	vld [tilespmem:s25+$0x0]  }
0x2ae: {  	s31 =	sor.u32 $0x380, s26;
	[tilespmem:v45+s1+$0x0] =	vst.idx.msk $0xffff, v40  }
0x2af: {  	v48 =	vor.u32 v8, v33;
	s24 =	sadd.s32 $0x9100, s6;
	v40 =	vld [tilespmem:s31+$0x6000]  }
0x2b0: {  	s0 =	sor.u32 s5, s24;
	[tilespmem:v46+s1+$0x0] =	vst.idx.msk $0xffff, v34  }
0x2b1: {  	v49 =	vor.u32 v19, v37;
	v34 =	vld [tilespmem:s0+$0x0]  }
0x2b2: {  	s8 =	sor.u32 s7, s8;
	[tilespmem:v47+s1+$0x0] =	vst.idx.msk $0xffff, v36  }
0x2b3: {  	v50 =	vor.u32 v10, v39;
	s31 =	sadd.s32 $0x7800, s11;
	v38 =	vld [tilespmem:s8+$0x0]  }
0x2b4: {  	s9 =	sor.u32 s22, s31;
	[tilespmem:v48+s1+$0x0] =	vst.idx.msk $0xffff, v40  }
0x2b5: {  	v51 =	vor.u32 v9, v33;
	s26 =	sadd.s32 $0x9180, s6;
	v40 =	vld [tilespmem:s9+$0x0]  }
0x2b6: {  	s10 =	sor.u32 s5, s26;
	s13 =	sadd.s32 $0x7880, s11;
	[tilespmem:v49+s1+$0x0] =	vst.idx.msk $0xffff, v34  }
0x2b7: {  	v52 =	vor.u32 v20, v37;
	v34 =	vld [tilespmem:s10+$0x0];
	[smem:$0x784] =	sst s13  }
0x2b8: {  	s12 =	sor.u32 s7, s18;
	[tilespmem:v50+s1+$0x0] =	vst.idx.msk $0xffff, v38  }
0x2b9: {  	v53 =	vor.u32 v11, v39;
	s18 =	simm.s32 $0x20;
	v36 =	vld [tilespmem:s12+$0x0]  }
0x2ba: {  	s15 =	simm.s32 $0x8;
	s16 =	sor.u32 s22, s13;
	s8 =	sand.u32 $0x60, s18;
	[tilespmem:v51+s1+$0x0] =	vst.idx.msk $0xffff, v40  }
0x2bb: {  	v42 =	vor.u32 v10, v33;
	v54 =	vmov s15;
	s21 =	sadd.s32 $0x9200, s6;
	s30 =	sor.u32 s8, s3;
	v41 =	vld [tilespmem:s16+$0x0]  }
0x2bc: {  	s25 =	sor.u32 s5, s21;
	s9 =	sadd.s32 $0x7900, s11;
	v40 =	vshll.u32 v54, $0x7;
	v43 =	vld [tilespmem:s30+$0x0];
	[tilespmem:v52+s1+$0x0] =	vst.idx.msk $0xffff, v34  }
0x2bd: {  	v55 =	vor.u32 v21, v37;
	v34 =	vor.u32 v1, v40;
	v35 =	vld [tilespmem:s25+$0x0];
	[smem:$0x785] =	sst s9  }
0x2be: {  	s4 =	sor.u32 s7, s4;
	v44 =	vor.u32 v0, v34;
	[tilespmem:v53+s1+$0x0] =	vst.idx.msk $0xffff, v36  }
0x2bf: {  	v56 =	vor.u32 v12, v39;
	v36 =	vld [tilespmem:s4+$0x0]  }
0x2c0: {  	s10 =	sor.u32 s22, s9;
	[tilespmem:v42+s1+$0x0] =	vst.idx.msk $0xffff, v41  }
0x2c1: {  	v57 =	vor.u32 v11, v33;
	s18 =	sadd.s32 $0x9280, s6;
	s13 =	simm.s32 $0x200;
	s12 =	simm.s32 $0x14;
	v41 =	vld [tilespmem:s10+$0x0]  }
0x2c2: {  	s15 =	sor.u32 s5, s18;
	s16 =	simm.s32 $0x50;
	v45 =	vmov s12;
	s4 =	sand.u32 $0x1C00, s13;
	[tilespmem:v55+s1+$0x0] =	vst.idx.msk $0xffff, v35  }
0x2c3: {  	v59 =	vor.u32 v22, v37;
	s2 =	sand.u32 $0x70, s16;
	s12 =	simm.s32 $0x10;
	v58 =	vshll.u32 v45, $0x7;
	s25 =	sor.u32 $0x6000, s4;
	[tilespmem:v44+s1+$0x0] =	vst.idx.msk $0xffff, v43;
	v40 =	vld [tilespmem:s15+$0x0]  }
0x2c4: {  	v60 =	vor.u32 v2, v34;
	s13 =	sor.u32 s7, s14;
	s14 =	sadd.s32 $0x7980, s11;
	s3 =	sor.u32 s2, s25;
	v35 =	vor.u32 v1, v58;
	v44 =	vld [tilespmem:s30+$0x80];
	[tilespmem:v56+s1+$0x0] =	vst.idx.msk $0xffff, v36  }
0x2c5: {  	v46 =	vmov s12;
	v48 =	vld [tilespmem:s3+$0x0];
	v47 =	vor.u32 v0, v35;
	s15 =	simm.s32 $0x40;
	[smem:$0x786] =	sst s14  }
0x2c6: {  	v62 =	vor.u32 v13, v39;
	v61 =	vshll.u32 v46, $0x7;
	s16 =	sor.u32 s22, s14;
	s14 =	sand.u32 $0x60, s15;
	v38 =	vld [tilespmem:s13+$0x0];
	[tilespmem:v57+s1+$0x0] =	vst.idx.msk $0xffff, v41  }
0x2c7: {  	s28 =	sadd.s32 $0x9300, s6;
	v63 =	vor.u32 v12, v33;
	v36 =	vor.u32 v1, v61;
	s9 =	sor.u32 s14, s25;
	v42 =	vld [tilespmem:s16+$0x0]  }
0x2c8: {  	v50 =	vor.u32 v0, v36;
	s25 =	sor.u32 s5, s28;
	v49 =	vld [tilespmem:s9+$0x0];
	[tilespmem:v59+s1+$0x0] =	vst.idx.msk $0xffff, v40  }
0x2c9: {  	v52 =	vor.u32 v23, v37;
	[tilespmem:v60+s1+$0x0] =	vst.idx.msk $0xffff, v44;
	v40 =	vld [tilespmem:s25+$0x0]  }
0x2ca: {  	v53 =	vor.u32 v3, v34;
	[tilespmem:v47+s1+$0x0] =	vst.idx.msk $0xffff, v48;
	v44 =	vld [tilespmem:s30+$0x100]  }
0x2cb: {  	s0 =	sor.u32 s7, s20;
	s20 =	sadd.s32 $0x7A00, s11;
	v54 =	vor.u32 v2, v35;
	v48 =	vld [tilespmem:s3+$0x80];
	[tilespmem:v62+s1+$0x0] =	vst.idx.msk $0xffff, v38  }
0x2cc: {  	s12 =	sor.u32 s22, s20;
	v55 =	vor.u32 v14, v39;
	v38 =	vld [tilespmem:s0+$0x0];
	[tilespmem:v63+s1+$0x0] =	vst.idx.msk $0xffff, v42  }
0x2cd: {  	v56 =	vor.u32 v13, v33;
	[tilespmem:v50+s1+$0x0] =	vst.idx.msk $0xffff, v49;
	s0 =	sadd.s32 $0x9380, s6;
	v42 =	vld [tilespmem:s12+$0x0]  }
0x2ce: {  	v57 =	vor.u32 v2, v36;
	v49 =	vld [tilespmem:s9+$0x80];
	s13 =	sor.u32 s5, s0;
	[tilespmem:v52+s1+$0x0] =	vst.idx.msk $0xffff, v40  }
0x2cf: {  	v58 =	vor.u32 v24, v37;
	[tilespmem:v53+s1+$0x0] =	vst.idx.msk $0xffff, v44;
	v40 =	vld [tilespmem:s13+$0x0]  }
0x2d0: {  	v59 =	vor.u32 v4, v34;
	[tilespmem:v54+s1+$0x0] =	vst.idx.msk $0xffff, v48;
	v44 =	vld [tilespmem:s30+$0x180]  }
0x2d1: {  	s15 =	sor.u32 s7, s23;
	v60 =	vor.u32 v3, v35;
	s25 =	sadd.s32 $0x7A80, s11;
	v48 =	vld [tilespmem:s3+$0x100];
	[tilespmem:v55+s1+$0x0] =	vst.idx.msk $0xffff, v38  }
0x2d2: {  	v61 =	vor.u32 v15, v39;
	s16 =	sor.u32 s22, s25;
	v38 =	vld [tilespmem:s15+$0x0];
	[tilespmem:v56+s1+$0x0] =	vst.idx.msk $0xffff, v42  }
0x2d3: {  	v62 =	vor.u32 v14, v33;
	[tilespmem:v57+s1+$0x0] =	vst.idx.msk $0xffff, v49;
	v42 =	vld [tilespmem:s16+$0x0];
	s16 =	sadd.s32 $0xA800, s6  }
0x2d4: {  	v63 =	vor.u32 v3, v36;
	v49 =	vld [tilespmem:s9+$0x100];
	[tilespmem:v58+s1+$0x0] =	vst.idx.msk $0xffff, v40;
	s23 =	sor.u32 s5, s16  }
0x2d5: {  	v52 =	vor.u32 v25, v37;
	[tilespmem:v59+s1+$0x0] =	vst.idx.msk $0xffff, v44;
	v40 =	vld [tilespmem:s23+$0x0]  }
0x2d6: {  	v53 =	vor.u32 v5, v34;
	[tilespmem:v60+s1+$0x0] =	vst.idx.msk $0xffff, v48;
	v44 =	vld [tilespmem:s30+$0x200]  }
0x2d7: {  	s12 =	sor.u32 s7, s29;
	v54 =	vor.u32 v4, v35;
	v48 =	vld [tilespmem:s3+$0x180];
	s23 =	sadd.s32 $0x7B00, s11;
	[tilespmem:v61+s1+$0x0] =	vst.idx.msk $0xffff, v38  }
0x2d8: {  	v55 =	vor.u32 v16, v39;
	s13 =	sor.u32 s22, s23;
	v38 =	vld [tilespmem:s12+$0x0];
	[tilespmem:v62+s1+$0x0] =	vst.idx.msk $0xffff, v42  }
0x2d9: {  	s29 =	sadd.s32 $0xA880, s6;
	v56 =	vor.u32 v15, v33;
	[tilespmem:v63+s1+$0x0] =	vst.idx.msk $0xffff, v49;
	v42 =	vld [tilespmem:s13+$0x0]  }
0x2da: {  	v57 =	vor.u32 v4, v36;
	s15 =	sor.u32 s5, s29;
	v49 =	vld [tilespmem:s9+$0x180];
	[tilespmem:v52+s1+$0x0] =	vst.idx.msk $0xffff, v40  }
0x2db: {  	v58 =	vor.u32 v26, v37;
	[tilespmem:v53+s1+$0x0] =	vst.idx.msk $0xffff, v44;
	v40 =	vld [tilespmem:s15+$0x0]  }
0x2dc: {  	v59 =	vor.u32 v6, v34;
	[tilespmem:v54+s1+$0x0] =	vst.idx.msk $0xffff, v48;
	v44 =	vld [tilespmem:s30+$0x280]  }
0x2dd: {  	v60 =	vor.u32 v5, v35;
	s12 =	sor.u32 s7, s19;
	s13 =	simm.s32 $0x1;
	v48 =	vld [tilespmem:s3+$0x200];
	s30 =	sadd.s32 $0x7B80, s11;
	[tilespmem:v55+s1+$0x0] =	vst.idx.msk $0xffff, v38  }
0x2de: {  	v61 =	vor.u32 v17, v39;
	s15 =	sand.u32 $0x3, s13;
	s19 =	sor.u32 s22, s30;
	v38 =	vld [tilespmem:s12+$0x0];
	[tilespmem:v56+s1+$0x0] =	vst.idx.msk $0xffff, v42  }
0x2df: {  	v62 =	vor.u32 v16, v33;
	s13 =	sadd.s32 $0xA900, s6;
	s10 =	sshll.u32 s15, $0x5;
	[tilespmem:v57+s1+$0x0] =	vst.idx.msk $0xffff, v49;
	v42 =	vld [tilespmem:s19+$0x0]  }
0x2e0: {  	v63 =	vor.u32 v5, v36;
	s15 =	sor.u32 s5, s13;
	s12 =	sadd.s32 $0x100, s10;
	v49 =	vld [tilespmem:s9+$0x200];
	[tilespmem:v58+s1+$0x0] =	vst.idx.msk $0xffff, v40  }
0x2e1: {  	s24 =	sor.u32 s7, s24;
	v52 =	vor.u32 v27, v37;
	s12 =	sor.u32 $0x300, s12;
	[tilespmem:v59+s1+$0x0] =	vst.idx.msk $0xffff, v44;
	v40 =	vld [tilespmem:s15+$0x0]  }
0x2e2: {  	v53 =	vor.u32 v7, v34;
	s10 =	simm.s32 $0x4;
	s19 =	sor.u32 s7, s17;
	[tilespmem:v60+s1+$0x0] =	vst.idx.msk $0xffff, v48;
	v44 =	vld [tilespmem:s12+$0x6000];
	s15 =	sadd.s32 $0x9000, s11  }
0x2e3: {  	v54 =	vor.u32 v6, v35;
	v47 =	vld [tilespmem:s3+$0x280];
	s3 =	sand.u32 $0x7, s10;
	s12 =	simm.s32 $0x100;
	s10 =	sadd.s32 $0xA980, s6;
	[tilespmem:v61+s1+$0x0] =	vst.idx.msk $0xffff, v38  }
0x2e4: {  	v55 =	vor.u32 v18, v39;
	s17 =	sor.u32 s22, s15;
	s3 =	sshll.u32 s3, $0x4;
	v38 =	vld [tilespmem:s19+$0x0];
	[tilespmem:v62+s1+$0x0] =	vst.idx.msk $0xffff, v42;
	s19 =	simm.s32 $0x20  }
0x2e5: {  	v56 =	vor.u32 v17, v33;
	[tilespmem:v63+s1+$0x0] =	vst.idx.msk $0xffff, v49;
	s12 =	sor.u32 s19, s12;
	v42 =	vld [tilespmem:s17+$0x0];
	s17 =	sadd.s32 $0x200, s3;
	s3 =	simm.s32 $0x200  }
0x2e6: {  	v57 =	vor.u32 v6, v36;
	v49 =	vld [tilespmem:s9+$0x280];
	s19 =	simm.s32 $0x40;
	s9 =	sor.u32 $0x380, s12;
	[tilespmem:v52+s1+$0x0] =	vst.idx.msk $0xffff, v40;
	s12 =	sor.u32 s5, s10  }
0x2e7: {  	[tilespmem:v53+s1+$0x0] =	vst.idx.msk $0xffff, v44;
	s17 =	sadd.s32 $0x10, s17;
	v40 =	vld [tilespmem:s12+$0x0];
	s12 =	sor.u32 s19, s3;
	s19 =	simm.s32 $0x2  }
0x2e8: {  	v58 =	vor.u32 v28, v37;
	[tilespmem:v54+s1+$0x0] =	vst.idx.msk $0xffff, v47;
	v44 =	vld [tilespmem:s9+$0x6000];
	s9 =	simm.s32 $0x50;
	s17 =	sor.u32 $0x300, s17;
	s19 =	sand.u32 $0x3, s19  }
0x2e9: {  	v59 =	vor.u32 v8, v34;
	s3 =	sor.u32 s9, s3;
	v47 =	vld [tilespmem:s17+$0x6000];
	s17 =	sadd.s32 $0x9080, s11;
	s9 =	sshll.u32 s19, $0x5;
	[tilespmem:v55+s1+$0x0] =	vst.idx.msk $0xffff, v38  }
0x2ea: {  	v60 =	vor.u32 v7, v35;
	v38 =	vld [tilespmem:s24+$0x0];
	s24 =	sor.u32 s7, s21;
	s9 =	sadd.s32 $0x200, s9;
	[tilespmem:v56+s1+$0x0] =	vst.idx.msk $0xffff, v42;
	s21 =	sor.u32 s22, s17  }
0x2eb: {  	s19 =	sor.u32 s7, s28;
	[tilespmem:v57+s1+$0x0] =	vst.idx.msk $0xffff, v49;
	v42 =	vld [tilespmem:s21+$0x0];
	s9 =	sor.u32 $0x300, s9  }
0x2ec: {  	s21 =	sor.u32 s7, s26;
	s26 =	sadd.s32 $0xAA00, s6;
	v49 =	vld [tilespmem:s9+$0x6000];
	[smem:$0x787] =	sst s19  }
0x2ed: {  	v61 =	vor.u32 v19, v39;
	s9 =	sor.u32 s5, s26;
	[tilespmem:v58+s1+$0x0] =	vst.idx.msk $0xffff, v40  }
0x2ee: {  	v62 =	vor.u32 v18, v33;
	s28 =	sor.u32 s8, s31;
	[tilespmem:v59+s1+$0x0] =	vst.idx.msk $0xffff, v44;
	v40 =	vld [tilespmem:s9+$0x0]  }
0x2ef: {  	s16 =	sor.u32 s7, s16;
	s3 =	sor.u32 $0x380, s3;
	[tilespmem:v60+s1+$0x0] =	vst.idx.msk $0xffff, v47;
	v44 =	vld [tilespmem:s28+$0x0]  }
0x2f0: {  	v63 =	vor.u32 v7, v36;
	v47 =	vld [tilespmem:s3+$0x6000];
	[smem:$0x78F] =	sst s16;
	s9 =	sor.u32 s7, s29  }
0x2f1: {  	[smem:$0x791] =	sst s9  }
0x2f2: {  	s3 =	sadd.s32 $0x9100, s11;
	[tilespmem:v61+s1+$0x0] =	vst.idx.msk $0xffff, v38  }
0x2f3: {  	s13 =	sor.u32 s7, s13;
	s28 =	sor.u32 s22, s3;
	[tilespmem:v62+s1+$0x0] =	vst.idx.msk $0xffff, v42;
	v38 =	vld [tilespmem:s21+$0x0]  }
0x2f4: {  	v52 =	vor.u32 v29, v37;
	v42 =	vld [tilespmem:s28+$0x0];
	[smem:$0x796] =	sst s13  }
0x2f5: {  	s10 =	sor.u32 s7, s10;
	s12 =	sor.u32 $0x380, s12;
	s31 =	sadd.s32 $0xAA80, s6;
	[tilespmem:v63+s1+$0x0] =	vst.idx.msk $0xffff, v49  }
0x2f6: {  	s13 =	sor.u32 s7, s31;
	v49 =	vld [tilespmem:s12+$0x6000];
	[smem:$0x79A] =	sst s10  }
0x2f7: {  	v53 =	vor.u32 v9, v34;
	s12 =	sor.u32 s7, s26;
	[smem:$0x7B0] =	sst s13  }
0x2f8: {  	[smem:$0x7A3] =	sst s12  }
0x2f9: {  	v54 =	vor.u32 v8, v35;
	s19 =	sor.u32 s7, s0;
	s0 =	sadd.s32 $0xAB00, s6;
	s16 =	sor.u32 s5, s31;
	[tilespmem:v52+s1+$0x0] =	vst.idx.msk $0xffff, v40  }
0x2fa: {  	v55 =	vor.u32 v20, v39;
	s9 =	sor.u32 s5, s0;
	s0 =	sor.u32 s7, s0;
	v40 =	vld [tilespmem:s16+$0x0];
	s16 =	sld [smem:$0x784]  }
0x2fb: {  	v56 =	vor.u32 v19, v33;
	s6 =	sadd.s32 $0xAB80, s6;
	[smem:$0x7BE] =	sst s0  }
0x2fc: {  	s5 =	sor.u32 s5, s6;
	s6 =	sor.u32 s7, s6;
	[tilespmem:v53+s1+$0x0] =	vst.idx.msk $0xffff, v44  }
0x2fd: {  	v57 =	vor.u32 v8, v36;
	s12 =	sadd.s32 $0x7800, s4;
	[smem:$0x7C5] =	sst s6;
	s0 =	sor.u32 s8, s16  }
0x2fe: {  	s18 =	sor.u32 s7, s18;
	s26 =	sor.u32 s2, s12;
	s21 =	sld [smem:$0x785];
	[tilespmem:v54+s1+$0x0] =	vst.idx.msk $0xffff, v47;
	v44 =	vld [tilespmem:s0+$0x0]  }
0x2ff: {  	s13 =	sor.u32 s8, s20;
	s20 =	sadd.s32 $0x9180, s11;
	v47 =	vld [tilespmem:s26+$0x0];
	s31 =	sld [smem:$0x786];
	[tilespmem:v55+s1+$0x0] =	vst.idx.msk $0xffff, v38  }
0x300: {  	v58 =	vor.u32 v30, v37;
	s28 =	sor.u32 s8, s23;
	s23 =	sor.u32 s8, s15;
	s7 =	sor.u32 s22, s20;
	[tilespmem:v56+s1+$0x0] =	vst.idx.msk $0xffff, v42;
	v38 =	vld [tilespmem:s24+$0x0]  }
0x301: {  	v42 =	vld [tilespmem:s7+$0x0];
	[smem:$0x798] =	sst s23  }
0x302: {  	v59 =	vor.u32 v10, v34;
	s12 =	sor.u32 s14, s12;
	s24 =	sor.u32 s8, s17;
	[tilespmem:v57+s1+$0x0] =	vst.idx.msk $0xffff, v49  }
0x303: {  	s16 =	sor.u32 s8, s25;
	s25 =	sor.u32 s8, s3;
	v49 =	vld [tilespmem:s12+$0x0];
	[smem:$0x79E] =	sst s24  }
0x304: {  	v60 =	vor.u32 v9, v35;
	s26 =	sadd.s32 $0x9200, s11;
	[smem:$0x7A7] =	sst s25  }
0x305: {  	s3 =	sor.u32 s8, s26;
	[tilespmem:v58+s1+$0x0] =	vst.idx.msk $0xffff, v40  }
0x306: {  	v61 =	vor.u32 v21, v39;
	v40 =	vld [tilespmem:s9+$0x0];
	[smem:$0x7C1] =	sst s3  }
0x307: {  	s6 =	sor.u32 s8, s21;
	s12 =	sor.u32 s8, s20;
	[tilespmem:v59+s1+$0x0] =	vst.idx.msk $0xffff, v44  }
0x308: {  	v62 =	vor.u32 v20, v33;
	s15 =	sadd.s32 $0x9280, s11;
	s7 =	sadd.s32 $0x7880, s4;
	v44 =	vld [tilespmem:s6+$0x0];
	[smem:$0x7B4] =	sst s12  }
0x309: {  	s23 =	sor.u32 s8, s15;
	s20 =	sor.u32 s2, s7;
	[tilespmem:v60+s1+$0x0] =	vst.idx.msk $0xffff, v47  }
0x30a: {  	s24 =	sadd.s32 $0x9300, s11;
	v47 =	vld [tilespmem:s20+$0x0];
	[smem:$0x7C9] =	sst s23  }
0x30b: {  	v63 =	vor.u32 v9, v36;
	s25 =	sor.u32 s8, s24;
	[tilespmem:v61+s1+$0x0] =	vst.idx.msk $0xffff, v38  }
0x30c: {  	v52 =	vor.u32 v31, v37;
	v38 =	vld [tilespmem:s18+$0x0];
	[smem:$0x7C8] =	sst s25  }
0x30d: {  	v53 =	vor.u32 v11, v34;
	s10 =	sor.u32 s8, s31;
	s31 =	sor.u32 s22, s26;
	s26 =	sadd.s32 $0x9380, s11;
	[tilespmem:v62+s1+$0x0] =	vst.idx.msk $0xffff, v42  }
0x30e: {  	v54 =	vor.u32 v10, v35;
	v42 =	vld [tilespmem:s31+$0x0];
	s31 =	sor.u32 s8, s26  }
0x30f: {  	v55 =	vor.u32 v22, v39;
	[smem:$0x7C7] =	sst s31  }
0x310: {  	v56 =	vor.u32 v21, v33;
	s3 =	sor.u32 s14, s7;
	[tilespmem:v63+s1+$0x0] =	vst.idx.msk $0xffff, v49  }
0x311: {  	v57 =	vor.u32 v10, v36;
	[tilespmem:v52+s1+$0x0] =	vst.idx.msk $0xffff, v40;
	v49 =	vld [tilespmem:s3+$0x0]  }
0x312: {  	[tilespmem:v53+s1+$0x0] =	vst.idx.msk $0xffff, v44  }
0x313: {  	s29 =	simm.s32 $0x300;
	[tilespmem:v54+s1+$0x0] =	vst.idx.msk $0xffff, v47  }
0x314: {  	s17 =	sor.u32 s22, s15;
	s7 =	simm.s32 $0x60;
	v59 =	vor.u32 v32, v37;
	s12 =	sadd.s32 $0x7900, s4;
	v43 =	vld [tilespmem:s5+$0x0];
	[tilespmem:v55+s1+$0x0] =	vst.idx.msk $0xffff, v38  }
0x315: {  	s6 =	simm.s32 $0x18;
	s9 =	sor.u32 s2, s12;
	s23 =	sor.u32 s22, s24;
	[tilespmem:v56+s1+$0x0] =	vst.idx.msk $0xffff, v42  }
0x316: {  	v58 =	vmov s6;
	s20 =	sor.u32 s22, s26;
	v61 =	vor.u32 v12, v34;
	s18 =	sand.u32 $0x1C00, s29;
	s25 =	simm.s32 $0x70;
	v45 =	vld [tilespmem:s10+$0x0];
	[tilespmem:v57+s1+$0x0] =	vst.idx.msk $0xffff, v49  }
0x317: {  	v60 =	vshll.u32 v58, $0x7;
	s26 =	sand.u32 $0x60, s7;
	s10 =	sor.u32 $0x6000, s18;
	v47 =	vld [tilespmem:s9+$0x0];
	s3 =	sld [smem:$0x787]  }
0x318: {  	s24 =	sadd.s32 $0xA800, s11;
	v37 =	vor.u32 v1, v60;
	v62 =	vor.u32 v11, v35;
	s31 =	sor.u32 s26, s10;
	v42 =	vld [tilespmem:s17+$0x0];
	s17 =	sand.u32 $0x70, s25  }
0x319: {  	s21 =	sor.u32 s8, s30;
	v51 =	vor.u32 v0, v37;
	v54 =	vld [tilespmem:s31+$0x0];
	s30 =	sor.u32 s17, s10;
	s10 =	sor.u32 s8, s24;
	[tilespmem:v59+s1+$0x0] =	vst.idx.msk $0xffff, v43  }
0x31a: {  	s0 =	sadd.s32 $0x7980, s4;
	s5 =	sadd.s32 $0xA880, s11;
	v56 =	vld [tilespmem:s3+$0x0];
	[smem:$0x788] =	sst s10  }
0x31b: {  	s25 =	sor.u32 s22, s24;
	s24 =	sor.u32 s22, s5;
	s5 =	sor.u32 s8, s5;
	v59 =	vld [tilespmem:s30+$0x0];
	[tilespmem:v61+s1+$0x0] =	vst.idx.msk $0xffff, v45  }
0x31c: {  	s15 =	simm.s32 $0x1C;
	s6 =	sadd.s32 $0xAA80, s11;
	v40 =	vld [tilespmem:s13+$0x0];
	[dreg:$0x1d] =	wrdreg s5  }
0x31d: {  	s7 =	sadd.s32 $0xA900, s11;
	s9 =	sadd.s32 $0xAA00, s11;
	s13 =	sor.u32 s2, s0;
	[tilespmem:v62+s1+$0x0] =	vst.idx.msk $0xffff, v47  }
0x31e: {  	v63 =	vmov s15;
	s15 =	sadd.s32 $0xA980, s11;
	v55 =	vor.u32 v22, v33;
	s3 =	sadd.s32 $0xAB00, s11;
	[tilespmem:v51+s1+$0x0] =	vst.idx.msk $0xffff, v54;
	v47 =	vld [tilespmem:s13+$0x0];
	s13 =	sor.u32 s22, s9  }
0x31f: {  	s11 =	sadd.s32 $0xAB80, s11;
	[smem:$0x7AD] =	sst s13;
	s13 =	sor.u32 s22, s6  }
0x320: {  	s10 =	sor.u32 s22, s15;
	[smem:$0x7BB] =	sst s13;
	s13 =	sor.u32 s22, s3  }
0x321: {  	s5 =	sor.u32 s22, s7;
	s22 =	sor.u32 s22, s11;
	[smem:$0x7C4] =	sst s13  }
0x322: {  	v57 =	vor.u32 v23, v39;
	[smem:$0x7C6] =	sst s22  }
0x323: {  	s7 =	sor.u32 s8, s7;
	v62 =	vld [tilespmem:s31+$0x80];
	[tilespmem:v55+s1+$0x0] =	vst.idx.msk $0xffff, v42  }
0x324: {  	v38 =	vshll.u32 v63, $0x7;
	s15 =	sor.u32 s8, s15;
	v42 =	vld [tilespmem:s23+$0x0];
	[dreg:$0x19] =	wrdreg s7  }
0x325: {  	v38 =	vor.u32 v1, v38;
	s22 =	sor.u32 s8, s9;
	[dreg:$0xc] =	wrdreg s15  }
0x326: {  	v58 =	vor.u32 v0, v38;
	[dreg:$0x5] =	wrdreg s22  }
0x327: {  	s6 =	sor.u32 s8, s6;
	[tilespmem:v57+s1+$0x0] =	vst.idx.msk $0xffff, v56  }
0x328: {  	v60 =	vor.u32 v13, v34;
	s3 =	sor.u32 s8, s3;
	[dreg:$0x4] =	wrdreg s6  }
0x329: {  	s23 =	sor.u32 s8, s11;
	[dreg:$0x3] =	wrdreg s3  }
0x32a: {  	v61 =	vor.u32 v12, v35;
	[smem:$0x789] =	sst s23  }
0x32b: {  	s0 =	sor.u32 s14, s0;
	[tilespmem:v58+s1+$0x0] =	vst.idx.msk $0xffff, v59  }
0x32c: {  	v63 =	vor.u32 v2, v37;
	s6 =	sadd.s32 $0x7A00, s4;
	v49 =	vld [tilespmem:s19+$0x0];
	[smem:$0x78A] =	sst s0  }
0x32d: {  	s0 =	sor.u32 s14, s6;
	v57 =	vld [tilespmem:s30+$0x80];
	[tilespmem:v60+s1+$0x0] =	vst.idx.msk $0xffff, v40  }
0x32e: {  	v54 =	vor.u32 v23, v33;
	s8 =	sadd.s32 $0x7A80, s4;
	v40 =	vld [tilespmem:s16+$0x0];
	[smem:$0x78B] =	sst s0  }
0x32f: {  	s7 =	sor.u32 s2, s6;
	s0 =	sor.u32 s14, s8;
	[tilespmem:v61+s1+$0x0] =	vst.idx.msk $0xffff, v47  }
0x330: {  	s9 =	sadd.s32 $0x7B00, s4;
	v55 =	vor.u32 v24, v39;
	v59 =	vld [tilespmem:s7+$0x0];
	[smem:$0x78C] =	sst s0  }
0x331: {  	s0 =	sor.u32 s14, s9;
	[tilespmem:v63+s1+$0x0] =	vst.idx.msk $0xffff, v62  }
0x332: {  	s11 =	sadd.s32 $0x7B80, s4;
	[smem:$0x78D] =	sst s0  }
0x333: {  	s0 =	sor.u32 s14, s11;
	v48 =	vld [tilespmem:s31+$0x100];
	[tilespmem:v54+s1+$0x0] =	vst.idx.msk $0xffff, v42  }
0x334: {  	v42 =	vld [tilespmem:s20+$0x0];
	[smem:$0x78E] =	sst s0  }
0x335: {  	v56 =	vor.u32 v2, v38;
	[tilespmem:v55+s1+$0x0] =	vst.idx.msk $0xffff, v49  }
0x336: {  	s13 =	sld [smem:$0x78F]  }
0x337: {  	s15 =	sor.u32 s14, s12;
	s12 =	sadd.s32 $0x9000, s4;
	v58 =	vor.u32 v14, v34  }
0x338: {  	s0 =	sor.u32 s14, s12  }
0x339: {  	v60 =	vor.u32 v13, v35;
	s16 =	sadd.s32 $0x9080, s4;
	v43 =	vld [tilespmem:s13+$0x0];
	[dreg:$0x1f] =	wrdreg s0  }
0x33a: {  	s0 =	sor.u32 s14, s16;
	[tilespmem:v56+s1+$0x0] =	vst.idx.msk $0xffff, v57  }
0x33b: {  	v61 =	vor.u32 v3, v37;
	s20 =	sadd.s32 $0x9100, s4;
	[dreg:$0x1e] =	wrdreg s0  }
0x33c: {  	s0 =	sor.u32 s14, s20;
	v50 =	vld [tilespmem:s30+$0x100];
	[tilespmem:v58+s1+$0x0] =	vst.idx.msk $0xffff, v40  }
0x33d: {  	s22 =	sadd.s32 $0x9200, s4;
	v62 =	vor.u32 v24, v33;
	v40 =	vld [tilespmem:s28+$0x0];
	[dreg:$0x1b] =	wrdreg s0  }
0x33e: {  	s6 =	sor.u32 s2, s8;
	s0 =	sor.u32 s14, s22;
	[tilespmem:v60+s1+$0x0] =	vst.idx.msk $0xffff, v59  }
0x33f: {  	v45 =	vld [tilespmem:s6+$0x0];
	[dreg:$0x17] =	wrdreg s0;
	s6 =	sadd.s32 $0x9180, s4  }
0x340: {  	v63 =	vor.u32 v25, v39;
	[tilespmem:v61+s1+$0x0] =	vst.idx.msk $0xffff, v48;
	s0 =	sor.u32 s14, s6  }
0x341: {  	s19 =	sor.u32 s2, s12;
	s12 =	sadd.s32 $0x9280, s4;
	[dreg:$0x1c] =	wrdreg s0  }
0x342: {  	s13 =	sor.u32 s2, s12;
	v48 =	vld [tilespmem:s31+$0x180];
	[tilespmem:v62+s1+$0x0] =	vst.idx.msk $0xffff, v42  }
0x343: {  	s0 =	sor.u32 s14, s12;
	v42 =	vld [tilespmem:s25+$0x0];
	[smem:$0x790] =	sst s13  }
0x344: {  	[dreg:$0x18] =	wrdreg s0  }
0x345: {  	[tilespmem:v63+s1+$0x0] =	vst.idx.msk $0xffff, v43  }
0x346: {  	v54 =	vor.u32 v3, v38;
	s23 =	sor.u32 s2, s20;
	s20 =	sld [smem:$0x791]  }
0x347: {  	s3 =	sor.u32 s2, s9;
	s9 =	sor.u32 s2, s16;
	s16 =	sadd.s32 $0x9300, s4  }
0x348: {  	s8 =	sor.u32 s2, s11;
	s11 =	sor.u32 s2, s22;
	s22 =	sor.u32 s2, s16  }
0x349: {  	v55 =	vor.u32 v15, v34;
	s0 =	sor.u32 s14, s16;
	v43 =	vld [tilespmem:s20+$0x0];
	[smem:$0x792] =	sst s22  }
0x34a: {  	v56 =	vor.u32 v14, v35;
	s25 =	sadd.s32 $0x9380, s4;
	[dreg:$0x13] =	wrdreg s0  }
0x34b: {  	v57 =	vor.u32 v4, v37;
	s12 =	sor.u32 s2, s25;
	[tilespmem:v54+s1+$0x0] =	vst.idx.msk $0xffff, v50  }
0x34c: {  	s0 =	sor.u32 s14, s25;
	[smem:$0x793] =	sst s12  }
0x34d: {  	[dreg:$0x12] =	wrdreg s0  }
0x34e: {  	v58 =	vor.u32 v25, v33;
	[tilespmem:v55+s1+$0x0] =	vst.idx.msk $0xffff, v40  }
0x34f: {  	s13 =	sadd.s32 $0xA800, s4;
	v50 =	vld [tilespmem:s30+$0x180];
	[tilespmem:v56+s1+$0x0] =	vst.idx.msk $0xffff, v45  }
0x350: {  	s22 =	sor.u32 s2, s13;
	[tilespmem:v57+s1+$0x0] =	vst.idx.msk $0xffff, v48;
	v40 =	vld [tilespmem:s21+$0x0]  }
0x351: {  	v59 =	vor.u32 v26, v39;
	s0 =	sor.u32 s14, s13;
	v45 =	vld [tilespmem:s3+$0x0];
	[smem:$0x794] =	sst s22  }
0x352: {  	s21 =	sadd.s32 $0xA880, s4;
	[dreg:$0x16] =	wrdreg s0  }
0x353: {  	v48 =	vld [tilespmem:s31+$0x200];
	[tilespmem:v58+s1+$0x0] =	vst.idx.msk $0xffff, v42;
	s13 =	sor.u32 s2, s21  }
0x354: {  	v60 =	vor.u32 v4, v38;
	s21 =	sor.u32 s14, s21;
	v42 =	vld [tilespmem:s24+$0x0];
	[smem:$0x795] =	sst s13  }
0x355: {  	[dreg:$0x11] =	wrdreg s21  }
0x356: {  	s7 =	sor.u32 s2, s6;
	s6 =	sadd.s32 $0xA900, s4;
	[tilespmem:v59+s1+$0x0] =	vst.idx.msk $0xffff, v43  }
0x357: {  	s22 =	sor.u32 s2, s6;
	s24 =	sld [smem:$0x796]  }
0x358: {  	s16 =	sadd.s32 $0xAA80, s4;
	s12 =	sadd.s32 $0xA980, s4;
	[dreg:$0x1a] =	wrdreg s22  }
0x359: {  	v61 =	vor.u32 v16, v34;
	s20 =	sadd.s32 $0xAB00, s4;
	s25 =	sor.u32 s2, s12;
	s3 =	sadd.s32 $0xAA00, s4;
	[tilespmem:v60+s1+$0x0] =	vst.idx.msk $0xffff, v50  }
0x35a: {  	s4 =	sadd.s32 $0xAB80, s4;
	s13 =	sor.u32 s2, s3;
	v43 =	vld [tilespmem:s24+$0x0];
	[dreg:$0xd] =	wrdreg s25  }
0x35b: {  	s21 =	sor.u32 s2, s4;
	[dreg:$0x7] =	wrdreg s13  }
0x35c: {  	s22 =	sor.u32 s14, s6;
	[smem:$0x797] =	sst s21  }
0x35d: {  	[dreg:$0x10] =	wrdreg s22  }
0x35e: {  	[tilespmem:v61+s1+$0x0] =	vst.idx.msk $0xffff, v40  }
0x35f: {  	s25 =	sor.u32 s2, s16;
	s24 =	sor.u32 s2, s20;
	s2 =	sld [smem:$0x798]  }
0x360: {  	v62 =	vor.u32 v15, v35  }
0x361: {  	s6 =	sor.u32 s14, s12;
	v50 =	vld [tilespmem:s30+$0x200]  }
0x362: {  	v63 =	vor.u32 v5, v37;
	s12 =	sor.u32 s14, s3;
	v40 =	vld [tilespmem:s2+$0x0];
	[dreg:$0xe] =	wrdreg s6  }
0x363: {  	v54 =	vor.u32 v26, v33;
	s13 =	sor.u32 s14, s16;
	[dreg:$0x8] =	wrdreg s12  }
0x364: {  	v55 =	vor.u32 v27, v39;
	[dreg:$0x6] =	wrdreg s13  }
0x365: {  	s16 =	sor.u32 s14, s20;
	s14 =	sor.u32 s14, s4;
	[tilespmem:v62+s1+$0x0] =	vst.idx.msk $0xffff, v45  }
0x366: {  	[smem:$0x799] =	sst s14  }
0x367: {  	v56 =	vor.u32 v5, v38;
	[tilespmem:v63+s1+$0x0] =	vst.idx.msk $0xffff, v48  }
0x368: {  	[tilespmem:v54+s1+$0x0] =	vst.idx.msk $0xffff, v42  }
0x369: {  	[tilespmem:v55+s1+$0x0] =	vst.idx.msk $0xffff, v43  }
0x36a: {  	v57 =	vor.u32 v17, v34;
	v45 =	vld [tilespmem:s8+$0x0];
	s13 =	sld [smem:$0x79A]  }
0x36b: {  	s20 =	sadd.s32 $0x7800, s18;
	v48 =	vld [tilespmem:s31+$0x280];
	s31 =	sadd.s32 $0x7880, s18  }
0x36c: {  	s4 =	sor.u32 s26, s20;
	v42 =	vld [tilespmem:s5+$0x0];
	[tilespmem:v56+s1+$0x0] =	vst.idx.msk $0xffff, v50;
	s14 =	sor.u32 s26, s31  }
0x36d: {  	v58 =	vor.u32 v16, v35;
	s3 =	sor.u32 s17, s20;
	s20 =	simm.s32 $0x3;
	v43 =	vld [tilespmem:s13+$0x0];
	[smem:$0x79B] =	sst s14  }
0x36e: {  	v59 =	vor.u32 v6, v37;
	[smem:$0x79C] =	sst s20  }
0x36f: {  	s21 =	simm.s32 $0x60;
	s2 =	sor.u32 s17, s31;
	s31 =	simm.s32 $0x6;
	[tilespmem:v57+s1+$0x0] =	vst.idx.msk $0xffff, v40  }
0x370: {  	s22 =	simm.s32 $0x70;
	s12 =	simm.s32 $0x3;
	v49 =	vld [tilespmem:s30+$0x280];
	[smem:$0x79D] =	sst s31  }
0x371: {  	v60 =	vor.u32 v27, v33;
	s6 =	sor.u32 s22, s29;
	s5 =	sand.u32 $0x3, s12;
	s14 =	sld [smem:$0x79E]  }
0x372: {  	s8 =	sor.u32 s21, s29;
	s22 =	sshll.u32 s5, $0x5;
	s20 =	sadd.s32 $0x7900, s18;
	[tilespmem:v58+s1+$0x0] =	vst.idx.msk $0xffff, v45  }
0x373: {  	s21 =	simm.s32 $0x6;
	s0 =	sadd.s32 $0x300, s22;
	s22 =	sor.u32 s17, s20;
	[tilespmem:v59+s1+$0x0] =	vst.idx.msk $0xffff, v48;
	v45 =	vld [tilespmem:s19+$0x0]  }
0x374: {  	v61 =	vor.u32 v28, v39;
	s0 =	sor.u32 $0x300, s0;
	s31 =	sor.u32 s26, s20;
	v40 =	vld [tilespmem:s14+$0x0];
	[smem:$0x79F] =	sst s22  }
0x375: {  	s13 =	sand.u32 $0x7, s21;
	s21 =	sadd.s32 $0x7980, s18;
	v48 =	vld [tilespmem:s0+$0x6000];
	[smem:$0x7A0] =	sst s31  }
0x376: {  	s5 =	sshll.u32 s13, $0x4;
	s13 =	sor.u32 s17, s21;
	[tilespmem:v60+s1+$0x0] =	vst.idx.msk $0xffff, v42  }
0x377: {  	v62 =	vor.u32 v6, v38;
	s19 =	sor.u32 s26, s21;
	[smem:$0x7A1] =	sst s13  }
0x378: {  	v42 =	vld [tilespmem:s10+$0x0];
	[smem:$0x7A2] =	sst s19  }
0x379: {  	[tilespmem:v61+s1+$0x0] =	vst.idx.msk $0xffff, v43  }
0x37a: {  	v63 =	vor.u32 v18, v34;
	s21 =	sld [smem:$0x7A3]  }
0x37b: {  	s12 =	sadd.s32 $0x300, s5;
	s20 =	sadd.s32 $0x7A00, s18  }
0x37c: {  	s0 =	sadd.s32 $0x10, s12;
	s31 =	sor.u32 s17, s20;
	[tilespmem:v62+s1+$0x0] =	vst.idx.msk $0xffff, v49  }
0x37d: {  	s0 =	sor.u32 $0x300, s0;
	s13 =	sor.u32 s26, s20;
	v43 =	vld [tilespmem:s21+$0x0];
	[smem:$0x7A4] =	sst s31  }
0x37e: {  	v49 =	vld [tilespmem:s0+$0x6000];
	[smem:$0x7A5] =	sst s13  }
0x37f: {  	v54 =	vor.u32 v17, v35;
	[tilespmem:v63+s1+$0x0] =	vst.idx.msk $0xffff, v40  }
0x380: {  	s22 =	sadd.s32 $0x7A80, s18;
	s20 =	sld [smem:$0x7A7]  }
0x381: {  	s19 =	sor.u32 s17, s22  }
0x382: {  	v55 =	vor.u32 v7, v37;
	s21 =	sor.u32 s26, s22;
	[smem:$0x7A6] =	sst s19  }
0x383: {  	s14 =	sadd.s32 $0x7B00, s18;
	v40 =	vld [tilespmem:s20+$0x0];
	[smem:$0x7A8] =	sst s21  }
0x384: {  	s31 =	sor.u32 s17, s14;
	[tilespmem:v54+s1+$0x0] =	vst.idx.msk $0xffff, v45  }
0x385: {  	v56 =	vor.u32 v28, v33;
	s0 =	sor.u32 s26, s14;
	[smem:$0x7A9] =	sst s31  }
0x386: {  	s22 =	sadd.s32 $0x7B80, s18;
	v45 =	vld [tilespmem:s9+$0x0];
	[smem:$0x7AA] =	sst s0  }
0x387: {  	s13 =	sor.u32 s17, s22;
	[tilespmem:v55+s1+$0x0] =	vst.idx.msk $0xffff, v48  }
0x388: {  	s12 =	sor.u32 $0x380, s8;
	s14 =	sor.u32 s26, s22;
	[smem:$0x7AB] =	sst s13  }
0x389: {  	v48 =	vld [tilespmem:s12+$0x6000];
	[smem:$0x7AC] =	sst s14  }
0x38a: {  	[tilespmem:v56+s1+$0x0] =	vst.idx.msk $0xffff, v42  }
0x38b: {  	v57 =	vor.u32 v29, v39;
	s21 =	sld [smem:$0x7AD]  }
0x38c: {  	s19 =	sadd.s32 $0x9000, s18  }
0x38d: {  	s22 =	sor.u32 s17, s19  }
0x38e: {  	s0 =	sor.u32 s26, s19;
	v42 =	vld [tilespmem:s21+$0x0];
	[smem:$0x7AE] =	sst s22  }
0x38f: {  	[smem:$0x7AF] =	sst s0  }
0x390: {  	v58 =	vor.u32 v7, v38;
	[tilespmem:v57+s1+$0x0] =	vst.idx.msk $0xffff, v43  }
0x391: {  	s31 =	sld [smem:$0x7B0]  }
0x392: {  	s20 =	sadd.s32 $0x9080, s18  }
0x393: {  	v59 =	vor.u32 v19, v34;
	s8 =	sor.u32 s26, s20  }
0x394: {  	s10 =	sadd.s32 $0x9100, s18;
	v43 =	vld [tilespmem:s31+$0x0];
	[smem:$0x7B1] =	sst s8  }
0x395: {  	s9 =	sor.u32 $0x380, s6;
	s12 =	sor.u32 s17, s10;
	[tilespmem:v58+s1+$0x0] =	vst.idx.msk $0xffff, v49  }
0x396: {  	s13 =	sor.u32 s26, s10;
	v49 =	vld [tilespmem:s9+$0x6000];
	[smem:$0x7B2] =	sst s12  }
0x397: {  	[smem:$0x7B3] =	sst s13  }
0x398: {  	[tilespmem:v59+s1+$0x0] =	vst.idx.msk $0xffff, v40  }
0x399: {  	v60 =	vor.u32 v18, v35;
	s19 =	sld [smem:$0x7B4]  }
0x39a: {  	s14 =	sadd.s32 $0x9200, s18  }
0x39b: {  	s22 =	sor.u32 s17, s20;
	s20 =	sor.u32 s17, s14  }
0x39c: {  	v61 =	vor.u32 v8, v37;
	s0 =	sor.u32 s26, s14;
	v40 =	vld [tilespmem:s19+$0x0];
	[smem:$0x7B5] =	sst s20  }
0x39d: {  	s21 =	sadd.s32 $0x9180, s18;
	[smem:$0x7B6] =	sst s0  }
0x39e: {  	s31 =	sor.u32 s17, s21;
	[tilespmem:v60+s1+$0x0] =	vst.idx.msk $0xffff, v45  }
0x39f: {  	v62 =	vor.u32 v29, v33;
	s0 =	sor.u32 s26, s21;
	v45 =	vld [tilespmem:s23+$0x0];
	[smem:$0x7B7] =	sst s31  }
0x3a0: {  	s5 =	sadd.s32 $0x9280, s18;
	[smem:$0x7B8] =	sst s0  }
0x3a1: {  	s6 =	sor.u32 s17, s5;
	[tilespmem:v61+s1+$0x0] =	vst.idx.msk $0xffff, v48  }
0x3a2: {  	s0 =	sor.u32 s26, s5;
	v48 =	vld [tilespmem:s4+$0x0];
	[smem:$0x7B9] =	sst s6  }
0x3a3: {  	[smem:$0x7BA] =	sst s0  }
0x3a4: {  	[tilespmem:v62+s1+$0x0] =	vst.idx.msk $0xffff, v42  }
0x3a5: {  	v63 =	vor.u32 v30, v39;
	s9 =	sld [smem:$0x7BB]  }
0x3a6: {  	s8 =	sadd.s32 $0x9300, s18  }
0x3a7: {  	s10 =	sor.u32 s17, s8  }
0x3a8: {  	s0 =	sor.u32 s26, s8;
	v42 =	vld [tilespmem:s9+$0x0];
	[smem:$0x7BC] =	sst s10  }
0x3a9: {  	[smem:$0x7BD] =	sst s0  }
0x3aa: {  	[tilespmem:v63+s1+$0x0] =	vst.idx.msk $0xffff, v43  }
0x3ab: {  	v54 =	vor.u32 v8, v38;
	s13 =	sld [smem:$0x7BE]  }
0x3ac: {  	v55 =	vor.u32 v20, v34;
	s12 =	sadd.s32 $0x9380, s18  }
0x3ad: {  	s14 =	sor.u32 s17, s12  }
0x3ae: {  	v56 =	vor.u32 v19, v35;
	s0 =	sor.u32 s26, s12;
	v43 =	vld [tilespmem:s13+$0x0];
	[smem:$0x7BF] =	sst s14  }
0x3af: {  	[smem:$0x7C0] =	sst s0  }
0x3b0: {  	[tilespmem:v54+s1+$0x0] =	vst.idx.msk $0xffff, v49  }
0x3b1: {  	v57 =	vor.u32 v9, v37;
	[tilespmem:v55+s1+$0x0] =	vst.idx.msk $0xffff, v40  }
0x3b2: {  	s23 =	sld [smem:$0x7C1]  }
0x3b3: {  	v58 =	vor.u32 v30, v33;
	s19 =	sadd.s32 $0xA800, s18;
	v49 =	vld [tilespmem:s3+$0x0];
	[tilespmem:v56+s1+$0x0] =	vst.idx.msk $0xffff, v45  }
0x3b4: {  	v59 =	vor.u32 v31, v39;
	s14 =	sor.u32 s17, s19;
	v47 =	vld [tilespmem:s7+$0x0]  }
0x3b5: {  	s20 =	sadd.s32 $0xA880, s18;
	s21 =	sor.u32 s26, s19;
	v52 =	vld [tilespmem:s23+$0x0];
	[smem:$0x7C2] =	sst s14  }
0x3b6: {  	v60 =	vor.u32 v9, v38;
	s29 =	sor.u32 s26, s20;
	s5 =	sadd.s32 $0xA980, s18;
	[tilespmem:v57+s1+$0x0] =	vst.idx.msk $0xffff, v48;
	v63 =	vld [tilespmem:s15+$0x0];
	s15 =	sor.u32 s17, s20  }
0x3b7: {  	s31 =	sadd.s32 $0xAB80, s18;
	s3 =	simm.s32 $0x12000;
	[smem:$0x7C3] =	sst s15  }
0x3b8: {  	v61 =	vor.u32 v21, v34;
	s4 =	sadd.s32 $0xA900, s18;
	s6 =	sadd.s32 $0xAA00, s18;
	s8 =	sadd.s32 $0xAA80, s18;
	[tilespmem:v58+s3+$0x0] =	vst.idx.msk $0xffff, v42  }
0x3b9: {  	s30 =	sor.u32 s17, s4;
	s9 =	sadd.s32 $0xAB00, s18;
	s18 =	sld [smem:$0x7C4];
	[tilespmem:v59+s3+$0x0] =	vst.idx.msk $0xffff, v43  }
0x3ba: {  	v62 =	vor.u32 v20, v35;
	s12 =	sor.u32 s17, s31;
	s13 =	sor.u32 s17, s9;
	s19 =	sld [smem:$0x7C5]  }
0x3bb: {  	s23 =	sor.u32 s17, s5;
	s14 =	sor.u32 s17, s8;
	s20 =	sor.u32 s17, s6;
	[tilespmem:v60+s3+$0x0] =	vst.idx.msk $0xffff, v49  }
0x3bc: {  	v53 =	vor.u32 v11, v36;
	s17 =	sor.u32 s26, s5;
	s5 =	sor.u32 s26, s6;
	s6 =	sld [smem:$0x7C6]  }
0x3bd: {  	v41 =	vld [tilespmem:s19+$0x0];
	s19 =	sor.u32 s26, s4;
	s4 =	sor.u32 s26, s8;
	s8 =	sld [smem:$0x7C7];
	[tilespmem:v61+s3+$0x0] =	vst.idx.msk $0xffff, v52  }
0x3be: {  	s1 =	sor.u32 s26, s31;
	v49 =	vld [tilespmem:s2+$0x0];
	s31 =	sld [smem:$0x7C9]  }
0x3bf: {  	v46 =	vor.u32 v22, v34;
	s2 =	sor.u32 s26, s9;
	v42 =	vld [tilespmem:s18+$0x0];
	s9 =	sld [smem:$0x7C8];
	[tilespmem:v62+s3+$0x0] =	vst.idx.msk $0xffff, v47  }
0x3c0: {  	v44 =	vor.u32 v31, v33;
	s28 =	simm.s32 $0x400;
	v40 =	vor.u32 v10, v37;
	v48 =	vor.u32 v21, v35;
	v47 =	vld [tilespmem:s11+$0x0]  }
0x3c1: {  	s15 =	simm.s32 $0x6;
	v43 =	vor.u32 v32, v39;
	v39 =	vor.u32 v10, v38;
	s18 =	simm.s32 $0x24;
	s26 =	simm.s32 $0x90;
	[tilespmem:v53+s3+$0x0] =	vst.idx.msk $0xffff, v63;
	v45 =	vld [tilespmem:s31+$0x0]  }
.LBB2_7:
0x3c2: {  	[smem:$0x75D] =	sst s30  }
0x3c3: {  	[smem:$0x76D] =	sst s19  }
0x3c4: {  	[smem:$0x762] =	sst s22  }
0x3c5: {  	[smem:$0x76F] =	sst s14  }
0x3c6: {  	[smem:$0x767] =	sst s21  }
0x3c7: {  	[smem:$0x768] =	sst s29  }
0x3c8: {  	[smem:$0x771] =	sst s17  }
0x3c9: {  	[smem:$0x76E] =	sst s25  }
0x3ca: {  	[smem:$0x75E] =	sst s23  }
0x3cb: {  	[smem:$0x765] =	sst s20  }
0x3cc: {  	[smem:$0x77E] =	sst s13  }
0x3cd: {  	[smem:$0x779] =	sst s16  }
0x3ce: {  	[smem:$0x77D] =	sst s24  }
0x3cf: {  	[smem:$0x76B] =	sst s12  }
0x3d0: {  	[smem:$0x780] =	sst s1  }
0x3d1: {  	[smem:$0x774] =	sst s5  }
0x3d2: {  	[smem:$0x776] =	sst s4  }
0x3d3: {  	[smem:$0x77B] =	sst s2  }
0x3d4: {  	s7 =	sld [smem:$0x79B]  }
0x3d5: {  	s0 =	sadd.s32 $0xFFFFFFF0, s26;
	s20 =	sld [smem:$0x78A]  }
0x3d6: {  	s16 =	sadd.s32 $0xFFFFFFFC, s18;
	s5 =	sand.u32 $0x1C00, s28;
	v50 =	vmov s18;
	[tilespmem:v44+s3+$0x0] =	vst.idx.msk $0xffff, v42;
	s22 =	sld [smem:$0x79F]  }
0x3d7: {  	s29 =	simm.s32 $0x12000;
	s10 =	sand.u32 $0x60, s0;
	v57 =	vshll.u32 v50, $0x7;
	v50 =	vld [tilespmem:s6+$0x0];
	s6 =	sld [smem:$0x790]  }
0x3d8: {  	v56 =	vmov s16;
	s0 =	sor.u32 s0, s28;
	s19 =	sadd.s32 $0x7800, s5;
	s16 =	sld [smem:$0x78B]  }
0x3d9: {  	s4 =	sand.u32 $0x70, s26;
	v52 =	vor.u32 v32, v33;
	[smem:$0x761] =	sst s0;
	s21 =	sor.u32 s10, s19  }
0x3da: {  	v33 =	vmov v35;
	v35 =	vmov v38;
	[tilespmem:v39+s29+$0x0] =	vst.idx.msk $0xffff, v49;
	s24 =	sadd.s32 $0x7880, s5;
	s0 =	sor.u32 s4, s19;
	v51 =	vld [tilespmem:s7+$0x0];
	[smem:$0x76C] =	sst s21  }
0x3db: {  	s17 =	sor.u32 $0x6000, s5;
	v62 =	vor.u32 v11, v35;
	s31 =	sor.u32 s10, s24;
	[tilespmem:v43+s29+$0x0] =	vst.idx.msk $0xffff, v41;
	[smem:$0x773] =	sst s0;
	v61 =	vld [tilespmem:s22+$0x0]  }
0x3dc: {  	v60 =	vor.u32 v12, v36;
	s23 =	sor.u32 s10, s17;
	[smem:$0x79B] =	sst s31;
	s0 =	sor.u32 s4, s24;
	v59 =	vld [tilespmem:s20+$0x0];
	[tilespmem:v46+s29+$0x0] =	vst.idx.msk $0xffff, v45  }
0x3dd: {  	s3 =	sadd.s32 $0x7980, s5;
	s12 =	sor.u32 s4, s17;
	[tilespmem:v48+s29+$0x0] =	vst.idx.msk $0xffff, v47;
	[smem:$0x782] =	sst s0;
	v45 =	vld [tilespmem:s23+$0x0]  }
0x3de: {  	s7 =	sor.u32 s4, s3;
	s0 =	sadd.s32 $0x7A00, s5;
	s20 =	sld [smem:$0x7A1];
	v47 =	vld [tilespmem:s6+$0x0];
	[tilespmem:v52+s29+$0x0] =	vst.idx.msk $0xffff, v50  }
0x3df: {  	v58 =	vshll.u32 v56, $0x7;
	v38 =	vor.u32 v1, v57;
	v57 =	vor.u32 v22, v33;
	[smem:$0x754] =	sst s7;
	s7 =	sadd.s32 $0x7B00, s5;
	s11 =	sor.u32 s4, s0;
	v50 =	vld [tilespmem:s12+$0x0];
	[tilespmem:v40+s29+$0x0] =	vst.idx.msk $0xffff, v51  }
0x3e0: {  	v39 =	vor.u32 v1, v58;
	v58 =	vor.u32 v0, v38;
	s14 =	sor.u32 s4, s7;
	[smem:$0x755] =	sst s11;
	[tilespmem:v62+s29+$0x0] =	vst.idx.msk $0xffff, v61;
	v51 =	vld [tilespmem:s9+$0x0]  }
0x3e1: {  	s11 =	sadd.s32 $0x9000, s5;
	[smem:$0x757] =	sst s14;
	v61 =	vor.u32 v12, v35;
	[tilespmem:v60+s29+$0x0] =	vst.idx.msk $0xffff, v59;
	v60 =	vld [tilespmem:s20+$0x0]  }
0x3e2: {  	s14 =	sld [smem:$0x792];
	s19 =	sor.u32 s4, s11  }
0x3e3: {  	s25 =	sadd.s32 $0x7900, s5;
	v63 =	vor.u32 v0, v39;
	[smem:$0x75A] =	sst s19  }
0x3e4: {  	s1 =	sor.u32 s4, s25;
	s19 =	sld [smem:$0x7A4];
	[tilespmem:v57+s29+$0x0] =	vst.idx.msk $0xffff, v47  }
0x3e5: {  	v53 =	vor.u32 v23, v34;
	[smem:$0x79F] =	sst s1;
	s22 =	sadd.s32 $0x9080, s5;
	s21 =	sor.u32 s10, s25;
	v47 =	vld [tilespmem:s14+$0x0];
	[tilespmem:v58+s29+$0x0] =	vst.idx.msk $0xffff, v50  }
0x3e6: {  	[smem:$0x77A] =	sst s21;
	s24 =	sor.u32 s4, s22;
	s9 =	sadd.s32 $0x7B80, s5;
	v52 =	vld [tilespmem:s12+$0x80];
	[tilespmem:v61+s29+$0x0] =	vst.idx.msk $0xffff, v60  }
0x3e7: {  	[smem:$0x763] =	sst s24;
	s17 =	sor.u32 s4, s9;
	v43 =	vld [tilespmem:s19+$0x0];
	s19 =	sadd.s32 $0xA800, s5  }
0x3e8: {  	v41 =	vld [tilespmem:s16+$0x0];
	[tilespmem:v63+s29+$0x0] =	vst.idx.msk $0xffff, v45;
	v63 =	vor.u32 v23, v33;
	[smem:$0x758] =	sst s17;
	s14 =	sadd.s32 $0xA880, s5;
	s21 =	sor.u32 s4, s19  }
0x3e9: {  	v59 =	vor.u32 v13, v36;
	[smem:$0x759] =	sst s21;
	s21 =	sor.u32 s4, s14  }
0x3ea: {  	v62 =	vor.u32 v2, v39;
	v45 =	vld [tilespmem:s23+$0x80];
	[tilespmem:v53+s29+$0x0] =	vst.idx.msk $0xffff, v51;
	[smem:$0x75B] =	sst s21  }
0x3eb: {  	s1 =	sadd.s32 $0x9100, s5;
	v58 =	vor.u32 v24, v34;
	v57 =	vld [tilespmem:s8+$0x0];
	s21 =	sld [smem:$0x793]  }
0x3ec: {  	s25 =	sor.u32 s4, s1;
	s17 =	sld [smem:$0x78C]  }
0x3ed: {  	s2 =	sadd.s32 $0x9180, s5;
	[smem:$0x76A] =	sst s25;
	[tilespmem:v63+s29+$0x0] =	vst.idx.msk $0xffff, v47  }
0x3ee: {  	s31 =	sadd.s32 $0x9200, s5;
	s22 =	sor.u32 s10, s22;
	[tilespmem:v59+s29+$0x0] =	vst.idx.msk $0xffff, v41;
	v47 =	vld [tilespmem:s21+$0x0];
	s21 =	sld [smem:$0x788]  }
0x3ef: {  	s1 =	sor.u32 s10, s1;
	s6 =	sadd.s32 $0x7A80, s5;
	[smem:$0x75C] =	sst s22;
	v41 =	vld [tilespmem:s17+$0x0];
	[tilespmem:v62+s29+$0x0] =	vst.idx.msk $0xffff, v45  }
0x3f0: {  	s24 =	sor.u32 s4, s31;
	[smem:$0x760] =	sst s1;
	s22 =	sor.u32 s10, s31;
	v45 =	vld [tilespmem:s23+$0x100];
	[tilespmem:v58+s29+$0x0] =	vst.idx.msk $0xffff, v57  }
0x3f1: {  	s13 =	sor.u32 s4, s6;
	[smem:$0x775] =	sst s22;
	v59 =	vor.u32 v14, v36;
	v50 =	vld [tilespmem:s21+$0x0];
	s21 =	sadd.s32 $0xA980, s5  }
0x3f2: {  	s1 =	sadd.s32 $0xA900, s5;
	[smem:$0x756] =	sst s13;
	s31 =	sor.u32 s4, s21  }
0x3f3: {  	s25 =	sor.u32 s10, s6;
	s22 =	sor.u32 s4, s1;
	[smem:$0x75F] =	sst s31  }
0x3f4: {  	v56 =	vor.u32 v10, v39;
	s20 =	sor.u32 s10, s3;
	s16 =	sor.u32 s4, s2;
	s31 =	sld [smem:$0x78D]  }
0x3f5: {  	v40 =	vmov v56;
	v56 =	vor.u32 v2, v38;
	s6 =	sor.u32 s10, s9;
	s2 =	sor.u32 s10, s2;
	[smem:$0x777] =	sst s16  }
0x3f6: {  	[smem:$0x769] =	sst s2;
	s2 =	sadd.s32 $0xAA00, s5;
	s16 =	sadd.s32 $0xAB00, s5;
	v60 =	vor.u32 v13, v35;
	[tilespmem:v59+s29+$0x0] =	vst.idx.msk $0xffff, v41  }
0x3f7: {  	s8 =	sor.u32 s10, s0;
	s0 =	sadd.s32 $0x9280, s5;
	v41 =	vld [tilespmem:s31+$0x0];
	s31 =	sor.u32 s4, s2  }
0x3f8: {  	s30 =	sor.u32 s4, s0;
	s17 =	sadd.s32 $0x9380, s5;
	[smem:$0x766] =	sst s31  }
0x3f9: {  	s0 =	sor.u32 s10, s0;
	s9 =	sor.u32 s4, s17;
	s31 =	sld [smem:$0x7A6]  }
0x3fa: {  	[smem:$0x783] =	sst s0;
	s0 =	sadd.s32 $0xAA80, s5;
	s17 =	sor.u32 s10, s17;
	[tilespmem:v56+s29+$0x0] =	vst.idx.msk $0xffff, v52  }
0x3fb: {  	v61 =	vor.u32 v3, v39;
	[smem:$0x764] =	sst s17;
	s17 =	sor.u32 s10, s14;
	s14 =	sor.u32 s10, s1;
	v52 =	vld [tilespmem:s12+$0x100];
	[tilespmem:v60+s29+$0x0] =	vst.idx.msk $0xffff, v43  }
0x3fc: {  	v62 =	vor.u32 v24, v33;
	s1 =	smov.u32 s20;
	s20 =	sld [smem:$0x7A5];
	v43 =	vld [tilespmem:s31+$0x0];
	s31 =	sor.u32 s4, s0  }
0x3fd: {  	v56 =	vor.u32 v25, v34;
	[smem:$0x770] =	sst s31;
	s31 =	sor.u32 s4, s16  }
0x3fe: {  	[smem:$0x77F] =	sst s31  }
0x3ff: {  	s0 =	sor.u32 s10, s0;
	s31 =	sld [smem:$0x794]  }
0x400: {  	[tilespmem:v61+s29+$0x0] =	vst.idx.msk $0xffff, v45;
	[smem:$0x778] =	sst s0  }
0x401: {  	s13 =	sor.u32 s10, s7;
	s7 =	sadd.s32 $0x9300, s5;
	v45 =	vld [tilespmem:s23+$0x180];
	[tilespmem:v62+s29+$0x0] =	vst.idx.msk $0xffff, v47;
	s0 =	sld [smem:$0x754]  }
0x402: {  	s11 =	sor.u32 s10, s11;
	s3 =	sor.u32 s4, s7;
	[tilespmem:v56+s29+$0x0] =	vst.idx.msk $0xffff, v50;
	v47 =	vld [tilespmem:s31+$0x0];
	s31 =	rddreg [dreg:$0x1d]  }
0x403: {  	s7 =	sor.u32 s10, s7;
	v50 =	vld [tilespmem:s31+$0x0];
	s31 =	sor.u32 s10, s21;
	s21 =	sld [smem:$0x7A9]  }
0x404: {  	s19 =	sor.u32 s10, s19;
	s5 =	sadd.s32 $0xAB80, s5;
	[smem:$0x772] =	sst s31  }
0x405: {  	s31 =	sor.u32 s10, s2;
	s2 =	sor.u32 s10, s16;
	s16 =	sld [smem:$0x78E]  }
0x406: {  	v57 =	vor.u32 v15, v36;
	s4 =	sor.u32 s4, s5;
	s10 =	sor.u32 s10, s5;
	s5 =	sld [smem:$0x755]  }
0x407: {  	[smem:$0x77C] =	sst s2  }
0x408: {  	[smem:$0x781] =	sst s10  }
0x409: {  	s2 =	smov.u32 s0;
	s0 =	sld [smem:$0x7A8]  }
0x40a: {  	v63 =	vor.u32 v3, v38;
	[smem:$0x7A1] =	sst s2  }
0x40b: {  	v58 =	vor.u32 v14, v35;
	[tilespmem:v57+s29+$0x0] =	vst.idx.msk $0xffff, v41;
	s2 =	sld [smem:$0x757]  }
0x40c: {  	v41 =	vld [tilespmem:s16+$0x0];
	s10 =	smov.u32 s5;
	s16 =	sld [smem:$0x756]  }
0x40d: {  	[smem:$0x7A4] =	sst s10  }
0x40e: {  	v59 =	vor.u32 v4, v39;
	s10 =	sld [smem:$0x795]  }
0x40f: {  	v62 =	vor.u32 v26, v34;
	[tilespmem:v63+s29+$0x0] =	vst.idx.msk $0xffff, v52;
	s5 =	smov.u32 s2;
	s2 =	sld [smem:$0x7B5]  }
0x410: {  	v52 =	vld [tilespmem:s12+$0x180];
	[tilespmem:v58+s29+$0x0] =	vst.idx.msk $0xffff, v43;
	[smem:$0x7A9] =	sst s5  }
0x411: {  	v60 =	vor.u32 v25, v33;
	v43 =	vld [tilespmem:s21+$0x0];
	s21 =	smov.u32 s16;
	s16 =	sld [smem:$0x7A2]  }
0x412: {  	[smem:$0x7A2] =	sst s1  }
0x413: {  	[tilespmem:v59+s29+$0x0] =	vst.idx.msk $0xffff, v45;
	s5 =	rddreg [dreg:$0x19]  }
0x414: {  	v45 =	vld [tilespmem:s23+$0x200];
	[tilespmem:v62+s29+$0x0] =	vst.idx.msk $0xffff, v50;
	s1 =	sld [smem:$0x7BF]  }
0x415: {  	[smem:$0x7A6] =	sst s21;
	v50 =	vld [tilespmem:s5+$0x0];
	s5 =	smov.u32 s25  }
0x416: {  	[tilespmem:v60+s29+$0x0] =	vst.idx.msk $0xffff, v47;
	[smem:$0x7A8] =	sst s5  }
0x417: {  	v47 =	vld [tilespmem:s10+$0x0];
	s10 =	smov.u32 s2;
	s2 =	smov.u32 s0;
	s5 =	sld [smem:$0x7AB]  }
0x418: {  	s21 =	smov.u32 s16;
	[smem:$0x78C] =	sst s2  }
0x419: {  	s16 =	smov.u32 s24;
	s24 =	smov.u32 s8;
	s8 =	sld [smem:$0x7AA]  }
0x41a: {  	s2 =	smov.u32 s30;
	s30 =	smov.u32 s22;
	s22 =	rddreg [dreg:$0x13]  }
0x41b: {  	[smem:$0x78A] =	sst s21  }
0x41c: {  	v61 =	vor.u32 v4, v38;
	[smem:$0x7B5] =	sst s16  }
0x41d: {  	v56 =	vor.u32 v15, v35;
	[smem:$0x7A5] =	sst s24  }
0x41e: {  	s21 =	smov.u32 s20;
	s20 =	rddreg [dreg:$0x1f]  }
0x41f: {  	s24 =	sld [smem:$0x7B9]  }
0x420: {  	v63 =	vor.u32 v16, v36;
	[smem:$0x7B9] =	sst s2  }
0x421: {  	v57 =	vor.u32 v5, v39;
	[tilespmem:v61+s29+$0x0] =	vst.idx.msk $0xffff, v52;
	s2 =	smov.u32 s1;
	[smem:$0x78B] =	sst s21  }
0x422: {  	v52 =	vld [tilespmem:s12+$0x200];
	[tilespmem:v56+s29+$0x0] =	vst.idx.msk $0xffff, v43;
	[smem:$0x793] =	sst s2  }
0x423: {  	v43 =	vld [tilespmem:s5+$0x0];
	s5 =	sld [smem:$0x79C]  }
0x424: {  	v58 =	vor.u32 v26, v33;
	s21 =	smov.u32 s13;
	s2 =	rddreg [dreg:$0x1b]  }
0x425: {  	[tilespmem:v63+s29+$0x0] =	vst.idx.msk $0xffff, v41;
	[smem:$0x7AA] =	sst s21  }
0x426: {  	v41 =	vld [tilespmem:s20+$0x0];
	[tilespmem:v57+s29+$0x0] =	vst.idx.msk $0xffff, v45;
	s16 =	smov.u32 s8;
	s8 =	sld [smem:$0x758]  }
0x427: {  	v45 =	vld [tilespmem:s23+$0x280];
	s23 =	sld [smem:$0x7BC]  }
0x428: {  	s21 =	smov.u32 s6;
	s6 =	rddreg [dreg:$0x1a]  }
0x429: {  	[tilespmem:v58+s29+$0x0] =	vst.idx.msk $0xffff, v47;
	s29 =	smov.u32 s17;
	s17 =	sld [smem:$0x797]  }
0x42a: {  	[smem:$0x78D] =	sst s16  }
0x42b: {  	s16 =	sld [smem:$0x7AC]  }
0x42c: {  	[smem:$0x7AC] =	sst s21  }
0x42d: {  	s25 =	smov.u32 s24;
	s21 =	rddreg [dreg:$0xc]  }
0x42e: {  	[smem:$0x790] =	sst s25;
	s25 =	smov.u32 s3  }
0x42f: {  	s1 =	sadd.s32 $0x1, s5;
	[smem:$0x7BC] =	sst s25  }
0x430: {  	s13 =	smov.u32 s8;
	s8 =	smov.u32 s9;
	s9 =	sld [smem:$0x7AF]  }
0x431: {  	[smem:$0x79C] =	sst s1  }
0x432: {  	s24 =	smov.u32 s23;
	s23 =	smov.u32 s11;
	s11 =	sld [smem:$0x7C3]  }
0x433: {  	v60 =	vor.u32 v27, v34;
	[smem:$0x7AB] =	sst s13  }
0x434: {  	[smem:$0x792] =	sst s24  }
0x435: {  	[smem:$0x7BF] =	sst s8  }
0x436: {  	[smem:$0x7AF] =	sst s23  }
0x437: {  	s3 =	simm.s32 $0x12000;
	s24 =	sld [smem:$0x7C2]  }
0x438: {  	v59 =	vor.u32 v5, v38;
	[tilespmem:v60+s3+$0x0] =	vst.idx.msk $0xffff, v50;
	s20 =	smov.u32 s16;
	s16 =	sand.u32 $0x3, s1;
	s1 =	sld [smem:$0x759]  }
0x439: {  	v57 =	vld [tilespmem:s21+$0x0];
	s21 =	sld [smem:$0x75B]  }
0x43a: {  	[smem:$0x78E] =	sst s20  }
0x43b: {  	s20 =	sld [smem:$0x79D]  }
0x43c: {  	s0 =	sshll.u32 s16, $0x5;
	s16 =	sld [smem:$0x75A]  }
0x43d: {  	v47 =	vld [tilespmem:s6+$0x0];
	[tilespmem:v59+s3+$0x0] =	vst.idx.msk $0xffff, v52;
	s13 =	smov.u32 s9;
	s9 =	rddreg [dreg:$0x1e]  }
0x43e: {  	v59 =	vld [tilespmem:s12+$0x280];
	s12 =	smov.u32 s11;
	s11 =	sld [smem:$0x75D]  }
0x43f: {  	[dreg:$0x1f] =	wrdreg s13  }
0x440: {  	[smem:$0x795] =	sst s12  }
0x441: {  	s13 =	sld [smem:$0x7AE]  }
0x442: {  	s25 =	smov.u32 s24;
	s24 =	sld [smem:$0x7B1]  }
0x443: {  	s23 =	smov.u32 s21;
	s21 =	sld [smem:$0x75F]  }
0x444: {  	s6 =	smov.u32 s1;
	[smem:$0x794] =	sst s25  }
0x445: {  	[smem:$0x7C2] =	sst s6  }
0x446: {  	[smem:$0x7C3] =	sst s23  }
0x447: {  	v62 =	vor.u32 v16, v35;
	s6 =	rddreg [dreg:$0xd]  }
0x448: {  	s5 =	sadd.s32 $0x2, s20;
	s20 =	smov.u32 s16;
	s16 =	sld [smem:$0x75E]  }
0x449: {  	[smem:$0x79D] =	sst s5  }
0x44a: {  	v61 =	vor.u32 v17, v36;
	s8 =	sand.u32 $0x7, s5;
	[smem:$0x7AE] =	sst s20  }
0x44b: {  	v63 =	vor.u32 v6, v39;
	s12 =	smov.u32 s11;
	s1 =	sshll.u32 s8, $0x4;
	s8 =	sld [smem:$0x75C]  }
0x44c: {  	v58 =	vor.u32 v28, v34;
	[tilespmem:v62+s3+$0x0] =	vst.idx.msk $0xffff, v43;
	[dreg:$0x1a] =	wrdreg s12  }
0x44d: {  	v43 =	vld [tilespmem:s13+$0x0];
	s13 =	rddreg [dreg:$0x5]  }
0x44e: {  	s25 =	smov.u32 s24;
	s24 =	sld [smem:$0x7BD]  }
0x44f: {  	[tilespmem:v61+s3+$0x0] =	vst.idx.msk $0xffff, v41;
	s0 =	sadd.s32 s0, s28;
	s23 =	smov.u32 s21;
	s21 =	rddreg [dreg:$0x12]  }
0x450: {  	v41 =	vld [tilespmem:s9+$0x0];
	[tilespmem:v63+s3+$0x0] =	vst.idx.msk $0xffff, v45;
	s0 =	sor.u32 $0x300, s0;
	s12 =	smov.u32 s7;
	[dreg:$0x1e] =	wrdreg s25  }
0x451: {  	v45 =	vld [tilespmem:s0+$0x6000];
	[tilespmem:v58+s3+$0x0] =	vst.idx.msk $0xffff, v57;
	[smem:$0x7BD] =	sst s12  }
0x452: {  	v49 =	vld [tilespmem:s13+$0x0];
	s13 =	sld [smem:$0x761]  }
0x453: {  	s20 =	smov.u32 s16;
	s16 =	sld [smem:$0x762]  }
0x454: {  	v56 =	vor.u32 v27, v33;
	s12 =	sld [smem:$0x765]  }
0x455: {  	v61 =	vor.u32 v18, v36;
	[dreg:$0xd] =	wrdreg s20  }
0x456: {  	v60 =	vor.u32 v6, v38;
	s1 =	sadd.s32 s28, s1;
	s20 =	sld [smem:$0x763]  }
0x457: {  	v63 =	vor.u32 v7, v39;
	s5 =	sadd.s32 $0x10, s1;
	s1 =	rddreg [dreg:$0x11]  }
0x458: {  	s0 =	sor.u32 $0x300, s5;
	s5 =	sld [smem:$0x7B3]  }
0x459: {  	v62 =	vor.u32 v17, v35;
	[tilespmem:v56+s3+$0x0] =	vst.idx.msk $0xffff, v47;
	s9 =	smov.u32 s8;
	s8 =	sld [smem:$0x760]  }
0x45a: {  	v47 =	vld [tilespmem:s6+$0x0];
	[tilespmem:v61+s3+$0x0] =	vst.idx.msk $0xffff, v41;
	s25 =	smov.u32 s24;
	s24 =	sld [smem:$0x7C0]  }
0x45b: {  	[tilespmem:v60+s3+$0x0] =	vst.idx.msk $0xffff, v59;
	v41 =	vld [tilespmem:s2+$0x0];
	[smem:$0x7B1] =	sst s9  }
0x45c: {  	[tilespmem:v63+s3+$0x0] =	vst.idx.msk $0xffff, v45;
	v51 =	vld [tilespmem:s0+$0x6000];
	[dreg:$0x13] =	wrdreg s25;
	s0 =	sor.u32 $0x380, s13  }
0x45d: {  	v45 =	vld [tilespmem:s0+$0x6000];
	s0 =	sld [smem:$0x764]  }
0x45e: {  	[tilespmem:v62+s3+$0x0] =	vst.idx.msk $0xffff, v43;
	s6 =	smov.u32 s5;
	s5 =	rddreg [dreg:$0x16]  }
0x45f: {  	v43 =	vld [tilespmem:s16+$0x0];
	s16 =	sld [smem:$0x766]  }
0x460: {  	s11 =	smov.u32 s8;
	s8 =	smov.u32 s21;
	s21 =	rddreg [dreg:$0x4]  }
0x461: {  	s25 =	smov.u32 s24;
	s24 =	sld [smem:$0x767]  }
0x462: {  	[dreg:$0x1b] =	wrdreg s6  }
0x463: {  	v57 =	vor.u32 v29, v34;
	[smem:$0x7B3] =	sst s11  }
0x464: {  	[dreg:$0x12] =	wrdreg s25  }
0x465: {  	s13 =	smov.u32 s12;
	s11 =	rddreg [dreg:$0x7]  }
0x466: {  	v56 =	vor.u32 v28, v33;
	[dreg:$0x7] =	wrdreg s13  }
0x467: {  	s6 =	smov.u32 s5;
	s5 =	sld [smem:$0x768]  }
0x468: {  	[tilespmem:v57+s3+$0x0] =	vst.idx.msk $0xffff, v49;
	s13 =	sld [smem:$0x769]  }
0x469: {  	v49 =	vld [tilespmem:s21+$0x0];
	s21 =	smov.u32 s19;
	s19 =	sld [smem:$0x7B2]  }
0x46a: {  	s7 =	sor.u32 s26, s28;
	[smem:$0x788] =	sst s6  }
0x46b: {  	[tilespmem:v56+s3+$0x0] =	vst.idx.msk $0xffff, v47;
	s2 =	smov.u32 s0;
	s0 =	sor.u32 $0x380, s7;
	s7 =	rddreg [dreg:$0x1c]  }
0x46c: {  	v58 =	vor.u32 v7, v38;
	v47 =	vld [tilespmem:s11+$0x0];
	s11 =	sld [smem:$0x7B8]  }
0x46d: {  	[smem:$0x7C0] =	sst s2  }
0x46e: {  	s25 =	smov.u32 s24;
	s24 =	sld [smem:$0x76A]  }
0x46f: {  	s2 =	smov.u32 s1;
	s1 =	sld [smem:$0x7A0]  }
0x470: {  	[dreg:$0x16] =	wrdreg s25  }
0x471: {  	[tilespmem:v58+s3+$0x0] =	vst.idx.msk $0xffff, v51;
	[dreg:$0x1d] =	wrdreg s2  }
0x472: {  	s9 =	smov.u32 s22;
	v51 =	vld [tilespmem:s0+$0x6000];
	s0 =	sld [smem:$0x76B]  }
0x473: {  	v59 =	vor.u32 v19, v36;
	s22 =	smov.u32 s20;
	s6 =	smov.u32 s5;
	s5 =	rddreg [dreg:$0x10]  }
0x474: {  	s20 =	smov.u32 s16;
	s16 =	smov.u32 s13;
	[dreg:$0x11] =	wrdreg s6  }
0x475: {  	[smem:$0x7B8] =	sst s16  }
0x476: {  	s12 =	smov.u32 s11;
	s11 =	sld [smem:$0x76D]  }
0x477: {  	s16 =	sld [smem:$0x76E]  }
0x478: {  	[tilespmem:v59+s3+$0x0] =	vst.idx.msk $0xffff, v41;
	s6 =	smov.u32 s17;
	s17 =	sld [smem:$0x76F]  }
0x479: {  	v41 =	vld [tilespmem:s7+$0x0];
	s7 =	smov.u32 s5;
	s5 =	sld [smem:$0x771]  }
0x47a: {  	[dreg:$0x1c] =	wrdreg s12  }
0x47b: {  	s12 =	smov.u32 s4;
	s4 =	sld [smem:$0x76C]  }
0x47c: {  	[dreg:$0x19] =	wrdreg s7  }
0x47d: {  	s25 =	smov.u32 s24;
	s24 =	sld [smem:$0x770]  }
0x47e: {  	[smem:$0x7B2] =	sst s25  }
0x47f: {  	v61 =	vor.u32 v8, v39;
	s2 =	smov.u32 s0;
	s0 =	rddreg [dreg:$0xe]  }
0x480: {  	[smem:$0x797] =	sst s2  }
0x481: {  	s13 =	smov.u32 s11;
	s11 =	sld [smem:$0x772]  }
0x482: {  	v60 =	vor.u32 v18, v35;
	s2 =	smov.u32 s0;
	s0 =	sld [smem:$0x774]  }
0x483: {  	v63 =	vor.u32 v30, v34;
	[dreg:$0x10] =	wrdreg s13  }
0x484: {  	v62 =	vor.u32 v29, v33;
	[tilespmem:v61+s3+$0x0] =	vst.idx.msk $0xffff, v45;
	[dreg:$0xc] =	wrdreg s2  }
0x485: {  	s7 =	smov.u32 s5;
	v45 =	vld [tilespmem:s4+$0x0];
	s4 =	rddreg [dreg:$0x3]  }
0x486: {  	[dreg:$0xe] =	wrdreg s7  }
0x487: {  	[tilespmem:v60+s3+$0x0] =	vst.idx.msk $0xffff, v43;
	s13 =	rddreg [dreg:$0x8]  }
0x488: {  	v43 =	vld [tilespmem:s19+$0x0];
	s19 =	smov.u32 s14;
	[tilespmem:v63+s3+$0x0] =	vst.idx.msk $0xffff, v49;
	s14 =	smov.u32 s24;
	s24 =	sld [smem:$0x773]  }
0x489: {  	[tilespmem:v62+s3+$0x0] =	vst.idx.msk $0xffff, v47;
	v49 =	vld [tilespmem:s4+$0x0];
	s4 =	rddreg [dreg:$0x6]  }
0x48a: {  	v56 =	vor.u32 v8, v38;
	v47 =	vld [tilespmem:s16+$0x0];
	s16 =	smov.u32 s13;
	s13 =	sld [smem:$0x7B6]  }
0x48b: {  	[dreg:$0x5] =	wrdreg s16  }
0x48c: {  	s25 =	smov.u32 s17;
	s17 =	smov.u32 s11;
	s11 =	rddreg [dreg:$0x17]  }
0x48d: {  	v57 =	vor.u32 v20, v36;
	s2 =	smov.u32 s0;
	s0 =	sld [smem:$0x780]  }
0x48e: {  	s7 =	smov.u32 s4;
	[dreg:$0x8] =	wrdreg s2  }
0x48f: {  	[tilespmem:v56+s3+$0x0] =	vst.idx.msk $0xffff, v51;
	[dreg:$0x4] =	wrdreg s7  }
0x490: {  	v51 =	vld [tilespmem:s24+$0x0];
	s24 =	sld [smem:$0x775]  }
0x491: {  	s2 =	sld [smem:$0x776]  }
0x492: {  	[tilespmem:v57+s3+$0x0] =	vst.idx.msk $0xffff, v41;
	s7 =	sld [smem:$0x7B7]  }
0x493: {  	v59 =	vor.u32 v9, v39;
	v53 =	vld [tilespmem:s11+$0x0];
	s11 =	sld [smem:$0x777];
	s16 =	smov.u32 s13  }
0x494: {  	[dreg:$0x17] =	wrdreg s16  }
0x495: {  	s16 =	sld [smem:$0x778]  }
0x496: {  	s5 =	smov.u32 s31;
	s31 =	smov.u32 s24;
	s24 =	sld [smem:$0x779]  }
0x497: {  	s4 =	smov.u32 s2;
	s2 =	sld [smem:$0x77A]  }
0x498: {  	[tilespmem:v59+s3+$0x0] =	vst.idx.msk $0xffff, v45;
	s13 =	smov.u32 s11;
	s11 =	sld [smem:$0x77B]  }
0x499: {  	v55 =	vld [tilespmem:s1+$0x0];
	s1 =	sld [smem:$0x77F]  }
0x49a: {  	[smem:$0x7B6] =	sst s31  }
0x49b: {  	v58 =	vor.u32 v19, v35;
	[dreg:$0x6] =	wrdreg s4  }
0x49c: {  	[smem:$0x7B7] =	sst s13  }
0x49d: {  	s13 =	sld [smem:$0x77C]  }
0x49e: {  	v48 =	vor.u32 v30, v33;
	s31 =	smov.u32 s24;
	s24 =	sld [smem:$0x77D]  }
0x49f: {  	s4 =	smov.u32 s16;
	s16 =	smov.u32 s11;
	s11 =	sld [smem:$0x799]  }
0x4a0: {  	[tilespmem:v58+s3+$0x0] =	vst.idx.msk $0xffff, v43;
	[dreg:$0x3] =	wrdreg s31  }
0x4a1: {  	v62 =	vld [tilespmem:s7+$0x0];
	s7 =	smov.u32 s2;
	s31 =	sld [smem:$0x77E]  }
0x4a2: {  	[smem:$0x7A0] =	sst s7  }
0x4a3: {  	v60 =	vor.u32 v31, v34;
	[tilespmem:v48+s3+$0x0] =	vst.idx.msk $0xffff, v47;
	s7 =	sld [smem:$0x789]  }
0x4a4: {  	v61 =	vor.u32 v9, v38;
	v42 =	vld [tilespmem:s24+$0x0];
	s24 =	smov.u32 s31;
	s31 =	smov.u32 s11;
	s11 =	sld [smem:$0x781]  }
0x4a5: {  	[smem:$0x789] =	sst s31  }
0x4a6: {  	s2 =	smov.u32 s13;
	s31 =	sld [smem:$0x782]  }
0x4a7: {  	v54 =	vor.u32 v21, v36;
	s13 =	smov.u32 s1;
	s1 =	smov.u32 s11;
	s11 =	sld [smem:$0x7BA]  }
0x4a8: {  	s15 =	sadd.s32 $0x2, s15;
	v63 =	vor.u32 v20, v35;
	[tilespmem:v60+s3+$0x0] =	vst.idx.msk $0xffff, v49  }
0x4a9: {  	p1 =	slt.u32 s15, $0x2E;
	v56 =	vor.u32 v11, v37;
	[tilespmem:v61+s3+$0x0] =	vst.idx.msk $0xffff, v51;
	v41 =	vld [tilespmem:s7+$0x0];
	s7 =	smov.u32 s0  }
.Ltmp8:
0x4aa: {  	v49 =	vld [tilespmem:s31+$0x0];
	s31 =	smov.u32 s11;
	s11 =	sld [smem:$0x783];
	(pc) =	sbr.rel @p1 .LBB2_7-.Ltmp8, $4  }
0x4ab: {  	[smem:$0x799] =	sst s7  }
0x4ac: {  	v44 =	vor.u32 v31, v33;
	v43 =	vor.u32 v32, v34;
	[tilespmem:v54+s3+$0x0] =	vst.idx.msk $0xffff, v53;
	s7 =	rddreg [dreg:$0x18]  }
0x4ad: {  	s18 =	sadd.s32 $0x8, s18;
	v34 =	vmovc v36;
	v36 =	vmov v37;
	v37 =	vmov v39;
	v39 =	vor.u32 v10, v38;
	v45 =	vld [tilespmem:s7+$0x0];
	[tilespmem:v63+s3+$0x0] =	vst.idx.msk $0xffff, v62;
	[dreg:$0x18] =	wrdreg s31;
	s31 =	smov.u32 s11  }
0x4ae: {  	s26 =	sadd.s32 $0x20, s26;
	s28 =	sadd.s32 $0x100, s28;
	v46 =	vor.u32 v22, v34;
	v48 =	vor.u32 v21, v35;
	[tilespmem:v56+s3+$0x0] =	vst.idx.msk $0xffff, v55;
	v47 =	vld [tilespmem:s10+$0x0];
	[smem:$0x7BA] =	sst s31  }
0x4af: {  	s0 =	sld [smem:$0x79B];
	_ =	sdelay $0x2  }
0x4b0: {  	v50 =	vld [tilespmem:s0+$0x0];
	_ =	sdelay $0x3  }
0x4b1: {  	[tilespmem:v39+s3+$0x0] =	vst.idx.msk $0xffff, v49  }
0x4b2: {  	s11 =	sld [smem:$0x79F];
	[tilespmem:v40+s3+$0x0] =	vst.idx.msk $0xffff, v50  }
0x4b3: {  	s15 =	sld [smem:$0x7A0];
	_ =	sdelay $0x1  }
0x4b4: {  	v60 =	vor.u32 v11, v38;
	v39 =	vld [tilespmem:s11+$0x0]  }
0x4b5: {  	v61 =	vor.u32 v11, v37;
	v40 =	vld [tilespmem:s15+$0x0];
	_ =	sdelay $0x3  }
0x4b6: {  	s18 =	sld [smem:$0x78A];
	[tilespmem:v60+s3+$0x0] =	vst.idx.msk $0xffff, v39  }
0x4b7: {  	s26 =	sld [smem:$0x7A1];
	[tilespmem:v61+s3+$0x0] =	vst.idx.msk $0xffff, v40  }
0x4b8: {  	s28 =	sld [smem:$0x7A2]  }
0x4b9: {  	v52 =	vor.u32 v12, v36;
	v51 =	vld [tilespmem:s18+$0x0]  }
0x4ba: {  	v62 =	vor.u32 v12, v38;
	v39 =	vld [tilespmem:s26+$0x0]  }
0x4bb: {  	v63 =	vor.u32 v12, v37;
	v40 =	vld [tilespmem:s28+$0x0];
	_ =	sdelay $0x2  }
0x4bc: {  	[tilespmem:v52+s3+$0x0] =	vst.idx.msk $0xffff, v51  }
0x4bd: {  	s31 =	sld [smem:$0x78B];
	[tilespmem:v62+s3+$0x0] =	vst.idx.msk $0xffff, v39  }
0x4be: {  	s7 =	sld [smem:$0x7A4];
	[tilespmem:v63+s3+$0x0] =	vst.idx.msk $0xffff, v40  }
0x4bf: {  	s10 =	sld [smem:$0x7A5]  }
0x4c0: {  	v56 =	vor.u32 v13, v36;
	v51 =	vld [tilespmem:s31+$0x0]  }
0x4c1: {  	v57 =	vor.u32 v13, v38;
	v39 =	vld [tilespmem:s7+$0x0]  }
0x4c2: {  	v58 =	vor.u32 v13, v37;
	v40 =	vld [tilespmem:s10+$0x0];
	_ =	sdelay $0x2  }
0x4c3: {  	[tilespmem:v56+s3+$0x0] =	vst.idx.msk $0xffff, v51  }
0x4c4: {  	s11 =	sld [smem:$0x78C];
	[tilespmem:v57+s3+$0x0] =	vst.idx.msk $0xffff, v39  }
0x4c5: {  	s15 =	sld [smem:$0x7A6];
	[tilespmem:v58+s3+$0x0] =	vst.idx.msk $0xffff, v40  }
0x4c6: {  	s18 =	sld [smem:$0x7A8]  }
0x4c7: {  	v59 =	vor.u32 v14, v36;
	v51 =	vld [tilespmem:s11+$0x0]  }
0x4c8: {  	v60 =	vor.u32 v14, v38;
	v39 =	vld [tilespmem:s15+$0x0]  }
0x4c9: {  	v61 =	vor.u32 v14, v37;
	v40 =	vld [tilespmem:s18+$0x0];
	_ =	sdelay $0x2  }
0x4ca: {  	[tilespmem:v59+s3+$0x0] =	vst.idx.msk $0xffff, v51  }
0x4cb: {  	s26 =	sld [smem:$0x78D];
	[tilespmem:v60+s3+$0x0] =	vst.idx.msk $0xffff, v39  }
0x4cc: {  	s28 =	sld [smem:$0x7A9];
	[tilespmem:v61+s3+$0x0] =	vst.idx.msk $0xffff, v40  }
0x4cd: {  	s31 =	sld [smem:$0x7AA]  }
0x4ce: {  	v62 =	vor.u32 v15, v36;
	v51 =	vld [tilespmem:s26+$0x0]  }
0x4cf: {  	v63 =	vor.u32 v15, v38;
	v39 =	vld [tilespmem:s28+$0x0]  }
0x4d0: {  	v56 =	vor.u32 v15, v37;
	v40 =	vld [tilespmem:s31+$0x0];
	_ =	sdelay $0x2  }
0x4d1: {  	[tilespmem:v62+s3+$0x0] =	vst.idx.msk $0xffff, v51  }
0x4d2: {  	s7 =	sld [smem:$0x78E];
	[tilespmem:v63+s3+$0x0] =	vst.idx.msk $0xffff, v39  }
0x4d3: {  	s10 =	sld [smem:$0x7AB];
	[tilespmem:v56+s3+$0x0] =	vst.idx.msk $0xffff, v40  }
0x4d4: {  	s11 =	sld [smem:$0x7AC]  }
0x4d5: {  	v57 =	vor.u32 v16, v36;
	v51 =	vld [tilespmem:s7+$0x0]  }
0x4d6: {  	v58 =	vor.u32 v16, v38;
	v39 =	vld [tilespmem:s10+$0x0]  }
0x4d7: {  	v59 =	vor.u32 v16, v37;
	v40 =	vld [tilespmem:s11+$0x0];
	_ =	sdelay $0x2  }
0x4d8: {  	[tilespmem:v57+s3+$0x0] =	vst.idx.msk $0xffff, v51  }
0x4d9: {  	s15 =	rddreg [dreg:$0x1f];
	[tilespmem:v58+s3+$0x0] =	vst.idx.msk $0xffff, v39  }
0x4da: {  	s18 =	sld [smem:$0x7AE];
	[tilespmem:v59+s3+$0x0] =	vst.idx.msk $0xffff, v40  }
0x4db: {  	v60 =	vor.u32 v17, v36;
	v51 =	vld [tilespmem:s15+$0x0];
	s26 =	sld [smem:$0x7AF];
	_ =	sdelay $0x1  }
0x4dc: {  	v61 =	vor.u32 v17, v38;
	v39 =	vld [tilespmem:s18+$0x0]  }
0x4dd: {  	v62 =	vor.u32 v17, v37;
	v40 =	vld [tilespmem:s26+$0x0];
	_ =	sdelay $0x1  }
0x4de: {  	[tilespmem:v60+s3+$0x0] =	vst.idx.msk $0xffff, v51  }
0x4df: {  	s28 =	rddreg [dreg:$0x1e]  }
0x4e0: {  	v63 =	vor.u32 v18, v36;
	[tilespmem:v61+s3+$0x0] =	vst.idx.msk $0xffff, v39;
	v51 =	vld [tilespmem:s28+$0x0]  }
0x4e1: {  	v56 =	vor.u32 v18, v38;
	v39 =	vld [tilespmem:s22+$0x0];
	[tilespmem:v62+s3+$0x0] =	vst.idx.msk $0xffff, v40  }
0x4e2: {  	s31 =	sld [smem:$0x7B1];
	_ =	sdelay $0x2  }
0x4e3: {  	v57 =	vor.u32 v18, v37;
	[tilespmem:v63+s3+$0x0] =	vst.idx.msk $0xffff, v51;
	v40 =	vld [tilespmem:s31+$0x0]  }
0x4e4: {  	s7 =	rddreg [dreg:$0x1b];
	[tilespmem:v56+s3+$0x0] =	vst.idx.msk $0xffff, v39  }
0x4e5: {  	s10 =	sld [smem:$0x7B2];
	_ =	sdelay $0x1  }
0x4e6: {  	v58 =	vor.u32 v19, v36;
	v51 =	vld [tilespmem:s7+$0x0]  }
0x4e7: {  	v59 =	vor.u32 v19, v38;
	v39 =	vld [tilespmem:s10+$0x0];
	[tilespmem:v57+s3+$0x0] =	vst.idx.msk $0xffff, v40  }
0x4e8: {  	s11 =	sld [smem:$0x7B3];
	_ =	sdelay $0x2  }
0x4e9: {  	v60 =	vor.u32 v19, v37;
	[tilespmem:v58+s3+$0x0] =	vst.idx.msk $0xffff, v51;
	v40 =	vld [tilespmem:s11+$0x0]  }
0x4ea: {  	s15 =	rddreg [dreg:$0x1c];
	[tilespmem:v59+s3+$0x0] =	vst.idx.msk $0xffff, v39  }
0x4eb: {  	s18 =	sld [smem:$0x7B7];
	_ =	sdelay $0x1  }
0x4ec: {  	v61 =	vor.u32 v20, v36;
	v51 =	vld [tilespmem:s15+$0x0]  }
0x4ed: {  	v62 =	vor.u32 v20, v38;
	v39 =	vld [tilespmem:s18+$0x0];
	[tilespmem:v60+s3+$0x0] =	vst.idx.msk $0xffff, v40  }
0x4ee: {  	s22 =	sld [smem:$0x7B8];
	_ =	sdelay $0x2  }
0x4ef: {  	v63 =	vor.u32 v20, v37;
	[tilespmem:v61+s3+$0x0] =	vst.idx.msk $0xffff, v51;
	v40 =	vld [tilespmem:s22+$0x0]  }
0x4f0: {  	s26 =	rddreg [dreg:$0x17];
	[tilespmem:v62+s3+$0x0] =	vst.idx.msk $0xffff, v39  }
0x4f1: {  	s28 =	sld [smem:$0x7B5];
	_ =	sdelay $0x1  }
0x4f2: {  	v56 =	vor.u32 v21, v36;
	v51 =	vld [tilespmem:s26+$0x0]  }
0x4f3: {  	v57 =	vor.u32 v21, v38;
	v39 =	vld [tilespmem:s28+$0x0];
	[tilespmem:v63+s3+$0x0] =	vst.idx.msk $0xffff, v40  }
0x4f4: {  	s31 =	sld [smem:$0x7B6]  }
0x4f5: {  	[tilespmem:v48+s3+$0x0] =	vst.idx.msk $0xffff, v47  }
0x4f6: {  	s7 =	sld [smem:$0x790]  }
0x4f7: {  	v58 =	vor.u32 v21, v37;
	[tilespmem:v56+s3+$0x0] =	vst.idx.msk $0xffff, v51;
	v40 =	vld [tilespmem:s31+$0x0]  }
0x4f8: {  	s10 =	rddreg [dreg:$0x18];
	[tilespmem:v57+s3+$0x0] =	vst.idx.msk $0xffff, v39  }
0x4f9: {  	v59 =	vor.u32 v22, v35;
	s11 =	sld [smem:$0x7B9];
	v47 =	vld [tilespmem:s7+$0x0];
	_ =	sdelay $0x1  }
0x4fa: {  	v60 =	vor.u32 v22, v36;
	v51 =	vld [tilespmem:s10+$0x0]  }
0x4fb: {  	v61 =	vor.u32 v22, v38;
	v39 =	vld [tilespmem:s11+$0x0];
	[tilespmem:v58+s3+$0x0] =	vst.idx.msk $0xffff, v40  }
0x4fc: {  	s15 =	sld [smem:$0x7BA];
	[tilespmem:v46+s3+$0x0] =	vst.idx.msk $0xffff, v45  }
0x4fd: {  	[tilespmem:v59+s3+$0x0] =	vst.idx.msk $0xffff, v47  }
0x4fe: {  	s18 =	sld [smem:$0x792]  }
0x4ff: {  	v62 =	vor.u32 v22, v37;
	[tilespmem:v60+s3+$0x0] =	vst.idx.msk $0xffff, v51;
	v40 =	vld [tilespmem:s15+$0x0]  }
0x500: {  	v63 =	vor.u32 v23, v34;
	v45 =	vld [tilespmem:s9+$0x0];
	s22 =	rddreg [dreg:$0x13];
	[tilespmem:v61+s3+$0x0] =	vst.idx.msk $0xffff, v39  }
0x501: {  	v56 =	vor.u32 v23, v35;
	s26 =	sld [smem:$0x7BC];
	v47 =	vld [tilespmem:s18+$0x0];
	_ =	sdelay $0x1  }
0x502: {  	v57 =	vor.u32 v23, v36;
	v51 =	vld [tilespmem:s22+$0x0]  }
0x503: {  	v58 =	vor.u32 v23, v38;
	v39 =	vld [tilespmem:s26+$0x0];
	[tilespmem:v62+s3+$0x0] =	vst.idx.msk $0xffff, v40  }
0x504: {  	s28 =	sld [smem:$0x7BD];
	[tilespmem:v63+s3+$0x0] =	vst.idx.msk $0xffff, v45  }
0x505: {  	[tilespmem:v56+s3+$0x0] =	vst.idx.msk $0xffff, v47  }
0x506: {  	s31 =	sld [smem:$0x793]  }
0x507: {  	v59 =	vor.u32 v23, v37;
	[tilespmem:v57+s3+$0x0] =	vst.idx.msk $0xffff, v51;
	v40 =	vld [tilespmem:s28+$0x0]  }
0x508: {  	v60 =	vor.u32 v24, v34;
	v45 =	vld [tilespmem:s8+$0x0];
	s7 =	rddreg [dreg:$0x12];
	[tilespmem:v58+s3+$0x0] =	vst.idx.msk $0xffff, v39  }
0x509: {  	v61 =	vor.u32 v24, v35;
	s8 =	sld [smem:$0x7BF];
	v47 =	vld [tilespmem:s31+$0x0];
	_ =	sdelay $0x1  }
0x50a: {  	v62 =	vor.u32 v24, v36;
	v51 =	vld [tilespmem:s7+$0x0]  }
0x50b: {  	v63 =	vor.u32 v24, v38;
	v39 =	vld [tilespmem:s8+$0x0];
	[tilespmem:v59+s3+$0x0] =	vst.idx.msk $0xffff, v40  }
0x50c: {  	s9 =	sld [smem:$0x7C0];
	[tilespmem:v60+s3+$0x0] =	vst.idx.msk $0xffff, v45  }
0x50d: {  	s10 =	sld [smem:$0x788];
	[tilespmem:v61+s3+$0x0] =	vst.idx.msk $0xffff, v47  }
0x50e: {  	s11 =	sld [smem:$0x794]  }
0x50f: {  	v56 =	vor.u32 v24, v37;
	[tilespmem:v62+s3+$0x0] =	vst.idx.msk $0xffff, v51;
	v40 =	vld [tilespmem:s9+$0x0]  }
0x510: {  	v57 =	vor.u32 v25, v34;
	s15 =	rddreg [dreg:$0x16];
	[tilespmem:v63+s3+$0x0] =	vst.idx.msk $0xffff, v39;
	v45 =	vld [tilespmem:s10+$0x0]  }
0x511: {  	v58 =	vor.u32 v25, v35;
	s18 =	sld [smem:$0x7C2];
	v47 =	vld [tilespmem:s11+$0x0];
	_ =	sdelay $0x1  }
0x512: {  	v59 =	vor.u32 v25, v36;
	v51 =	vld [tilespmem:s15+$0x0]  }
0x513: {  	v60 =	vor.u32 v25, v38;
	v39 =	vld [tilespmem:s18+$0x0];
	[tilespmem:v56+s3+$0x0] =	vst.idx.msk $0xffff, v40  }
0x514: {  	[tilespmem:v57+s3+$0x0] =	vst.idx.msk $0xffff, v45  }
0x515: {  	s22 =	rddreg [dreg:$0x1d];
	[tilespmem:v58+s3+$0x0] =	vst.idx.msk $0xffff, v47  }
0x516: {  	v61 =	vor.u32 v25, v37;
	v40 =	vld [tilespmem:s21+$0x0];
	s26 =	sld [smem:$0x795]  }
0x517: {  	v62 =	vor.u32 v26, v34;
	v45 =	vld [tilespmem:s22+$0x0];
	[tilespmem:v59+s3+$0x0] =	vst.idx.msk $0xffff, v51  }
0x518: {  	s28 =	rddreg [dreg:$0x11];
	[tilespmem:v60+s3+$0x0] =	vst.idx.msk $0xffff, v39  }
0x519: {  	v63 =	vor.u32 v26, v35;
	s31 =	sld [smem:$0x7C3];
	v47 =	vld [tilespmem:s26+$0x0]  }
0x51a: {  	v56 =	vor.u32 v26, v36;
	v51 =	vld [tilespmem:s28+$0x0]  }
0x51b: {  	[tilespmem:v61+s3+$0x0] =	vst.idx.msk $0xffff, v40  }
0x51c: {  	v57 =	vor.u32 v26, v38;
	v39 =	vld [tilespmem:s31+$0x0];
	[tilespmem:v62+s3+$0x0] =	vst.idx.msk $0xffff, v45  }
0x51d: {  	v58 =	vor.u32 v26, v37;
	v40 =	vld [tilespmem:s29+$0x0];
	s7 =	rddreg [dreg:$0x19]  }
0x51e: {  	v59 =	vor.u32 v27, v34;
	v45 =	vld [tilespmem:s7+$0x0];
	[tilespmem:v63+s3+$0x0] =	vst.idx.msk $0xffff, v47  }
0x51f: {  	s8 =	rddreg [dreg:$0x1a];
	[tilespmem:v56+s3+$0x0] =	vst.idx.msk $0xffff, v51  }
0x520: {  	v60 =	vor.u32 v27, v35;
	v47 =	vld [tilespmem:s8+$0x0];
	s9 =	rddreg [dreg:$0x10]  }
0x521: {  	v61 =	vor.u32 v27, v36;
	[tilespmem:v57+s3+$0x0] =	vst.idx.msk $0xffff, v39;
	v51 =	vld [tilespmem:s9+$0x0]  }
0x522: {  	[tilespmem:v58+s3+$0x0] =	vst.idx.msk $0xffff, v40  }
0x523: {  	v62 =	vor.u32 v27, v38;
	v39 =	vld [tilespmem:s30+$0x0];
	[tilespmem:v59+s3+$0x0] =	vst.idx.msk $0xffff, v45  }
0x524: {  	v63 =	vor.u32 v27, v37;
	v40 =	vld [tilespmem:s19+$0x0];
	s10 =	rddreg [dreg:$0xc]  }
0x525: {  	v56 =	vor.u32 v28, v34;
	v45 =	vld [tilespmem:s10+$0x0];
	[tilespmem:v60+s3+$0x0] =	vst.idx.msk $0xffff, v47  }
0x526: {  	s11 =	rddreg [dreg:$0xd];
	[tilespmem:v61+s3+$0x0] =	vst.idx.msk $0xffff, v51  }
0x527: {  	v57 =	vor.u32 v28, v35;
	v47 =	vld [tilespmem:s11+$0x0];
	s15 =	rddreg [dreg:$0xe]  }
0x528: {  	v58 =	vor.u32 v28, v36;
	[tilespmem:v62+s3+$0x0] =	vst.idx.msk $0xffff, v39;
	v51 =	vld [tilespmem:s15+$0x0]  }
0x529: {  	[tilespmem:v63+s3+$0x0] =	vst.idx.msk $0xffff, v40  }
0x52a: {  	v59 =	vor.u32 v28, v38;
	v39 =	vld [tilespmem:s23+$0x0];
	[tilespmem:v56+s3+$0x0] =	vst.idx.msk $0xffff, v45  }
0x52b: {  	v60 =	vor.u32 v28, v37;
	v40 =	vld [tilespmem:s17+$0x0];
	s17 =	rddreg [dreg:$0x5]  }
0x52c: {  	v61 =	vor.u32 v29, v34;
	v45 =	vld [tilespmem:s17+$0x0];
	[tilespmem:v57+s3+$0x0] =	vst.idx.msk $0xffff, v47  }
0x52d: {  	s18 =	rddreg [dreg:$0x7];
	[tilespmem:v58+s3+$0x0] =	vst.idx.msk $0xffff, v51  }
0x52e: {  	v62 =	vor.u32 v29, v35;
	v47 =	vld [tilespmem:s18+$0x0];
	s19 =	rddreg [dreg:$0x8]  }
0x52f: {  	v63 =	vor.u32 v29, v36;
	[tilespmem:v59+s3+$0x0] =	vst.idx.msk $0xffff, v39;
	v51 =	vld [tilespmem:s19+$0x0]  }
0x530: {  	v55 =	vor.u32 v29, v38;
	[tilespmem:v60+s3+$0x0] =	vst.idx.msk $0xffff, v40;
	v39 =	vld [tilespmem:s20+$0x0]  }
0x531: {  	v56 =	vor.u32 v29, v37;
	v40 =	vld [tilespmem:s5+$0x0];
	[tilespmem:v61+s3+$0x0] =	vst.idx.msk $0xffff, v45  }
0x532: {  	s21 =	rddreg [dreg:$0x4]  }
0x533: {  	v57 =	vor.u32 v30, v34;
	v45 =	vld [tilespmem:s21+$0x0];
	[tilespmem:v62+s3+$0x0] =	vst.idx.msk $0xffff, v47  }
0x534: {  	[tilespmem:v63+s3+$0x0] =	vst.idx.msk $0xffff, v51  }
0x535: {  	v58 =	vor.u32 v30, v35;
	v47 =	vld [tilespmem:s25+$0x0];
	s22 =	rddreg [dreg:$0x6];
	[tilespmem:v55+s3+$0x0] =	vst.idx.msk $0xffff, v39  }
0x536: {  	[tilespmem:v56+s3+$0x0] =	vst.idx.msk $0xffff, v40  }
0x537: {  	v59 =	vor.u32 v30, v36;
	[tilespmem:v44+s3+$0x0] =	vst.idx.msk $0xffff, v42;
	v51 =	vld [tilespmem:s22+$0x0]  }
0x538: {  	v60 =	vor.u32 v30, v38;
	v49 =	vld [tilespmem:s14+$0x0];
	[tilespmem:v57+s3+$0x0] =	vst.idx.msk $0xffff, v45  }
0x539: {  	v61 =	vor.u32 v30, v37;
	v50 =	vld [tilespmem:s4+$0x0];
	s23 =	rddreg [dreg:$0x3]  }
0x53a: {  	v63 =	vor.u32 v31, v34;
	v62 =	vld [tilespmem:s23+$0x0];
	[tilespmem:v58+s3+$0x0] =	vst.idx.msk $0xffff, v47  }
0x53b: {  	v53 =	vor.u32 v31, v35;
	[tilespmem:v43+s3+$0x0] =	vst.idx.msk $0xffff, v41;
	v52 =	vld [tilespmem:s24+$0x0]  }
0x53c: {  	[tilespmem:v59+s3+$0x0] =	vst.idx.msk $0xffff, v51  }
0x53d: {  	[tilespmem:v60+s3+$0x0] =	vst.idx.msk $0xffff, v49  }
0x53e: {  	[tilespmem:v61+s3+$0x0] =	vst.idx.msk $0xffff, v50  }
0x53f: {  	v54 =	vor.u32 v31, v36;
	v39 =	vld [tilespmem:s16+$0x0];
	[tilespmem:v63+s3+$0x0] =	vst.idx.msk $0xffff, v62  }
0x540: {  	v55 =	vor.u32 v31, v38;
	v40 =	vld [tilespmem:s13+$0x0];
	s25 =	sld [smem:$0x789];
	[tilespmem:v53+s3+$0x0] =	vst.idx.msk $0xffff, v52  }
0x541: {  	v56 =	vor.u32 v31, v37;
	v42 =	vld [tilespmem:s2+$0x0];
	s26 =	sld [smem:$0x797]  }
0x542: {  	v33 =	vor.u32 v32, v33;
	v57 =	vld [tilespmem:s6+$0x0]  }
0x543: {  	v58 =	vor.u32 v32, v34;
	v44 =	vld [tilespmem:s25+$0x0]  }
0x544: {  	v60 =	vor.u32 v32, v35;
	[tilespmem:v54+s3+$0x0] =	vst.idx.msk $0xffff, v39;
	v59 =	vld [tilespmem:s26+$0x0]  }
0x545: {  	s28 =	sld [smem:$0x799];
	[tilespmem:v55+s3+$0x0] =	vst.idx.msk $0xffff, v40  }
0x546: {  	v62 =	vor.u32 v32, v38;
	[tilespmem:v56+s3+$0x0] =	vst.idx.msk $0xffff, v42;
	v40 =	vld [tilespmem:s12+$0x0]  }
0x547: {  	v63 =	vor.u32 v32, v37;
	[tilespmem:v33+s3+$0x0] =	vst.idx.msk $0xffff, v57;
	v41 =	vld [tilespmem:s1+$0x0]  }
0x548: {  	v61 =	vor.u32 v32, v36;
	v39 =	vld [tilespmem:s28+$0x0];
	[tilespmem:v58+s3+$0x0] =	vst.idx.msk $0xffff, v44  }
0x549: {  	[tilespmem:v60+s3+$0x0] =	vst.idx.msk $0xffff, v59  }
0x54a: {  	s29 =	sld [smem:$0x7F5]  }
0x54b: {  	[tilespmem:v62+s3+$0x0] =	vst.idx.msk $0xffff, v40  }
0x54c: {  	[tilespmem:v63+s3+$0x0] =	vst.idx.msk $0xffff, v41  }
0x54d: {  	[tilespmem:v61+s3+$0x0] =	vst.idx.msk $0xffff, v39;
	s0 =	smul.u32 $0x6000, s29  }
.Ltmp9:
0x54e: {  	s30 =	sld [smem:$0x7F7];
	(pc) =	sbr.rel .LBB2_9-.Ltmp9, $4  }
0x54f: {  	_ = 	snop  }
0x550: {  	s0 =	sshrl.u32 s0, $0x3  }
0x551: {  	s31 =	simm.s32 $0x0;
	s14 =	simm.s32 $0xC000;
	s0 =	sadd.s32 s30, s0  }
0x552: {  	[hbm4b:s0+s31] =	stream.linear.scatter [tilespmem:s3], [sflag:$0x4], $0x6000, $0x38;
	[tilespmem:$0x19800] =	vst v63  }
.LBB2_11:
0x553: {  	s0 =	sld [smem:$0x7FA]  }
0x554: {  	s1 =	simm.s32 $0x7A1400  }
0x555: {  	s2 =	simm.s32 $0x400;
	s3 =	simm.s32 $0x18000;
	s31 =	simm.s32 $0x5  }
0x556: {  	[tilespmem:s3], [sflag:$0x5] =	stream.strided.gather [hbm4b:s0+s2], $0x1000, s1, s2, $0x38;
	[tilespmem:$0x19800] =	vst v63  }
0x557: {  	_ =	swait.ge [sflag:s31], $0x1000  }
0x558: {  	[sflag:s31] =	ssyncset.done $0x0  }
0x559: {  	p1 =	por $0x1, $0x1;
	s0 =	simm.s32 $0x0;
	[sflag:s31] =	ssyncadd.s32 $0xFFFFF000  }
.LBB2_12:
0x55a: {  	s1 =	sshll.u32 s0, $0x2;
	s2 =	sor.u32 $0x1, s0  }
0x55b: {  	v33 =	vmov s1;
	s29 =	sshll.u32 s2, $0x2  }
0x55c: {  	v33 =	vshll.u32 v33, $0x7;
	v34 =	vmov s29  }
0x55d: {  	s30 =	sshll.u32 s0, $0x4;
	v33 =	vor.u32 v1, v33;
	v34 =	vshll.u32 v34, $0x7  }
0x55e: {  	v35 =	vld [tilespmem:s30+$0x18000];
	s31 =	sshll.u32 s2, $0x4;
	v36 =	vor.u32 v0, v33;
	v34 =	vor.u32 v1, v34  }
0x55f: {  	v37 =	vld [tilespmem:s31+$0x18000];
	v38 =	vor.u32 v0, v34;
	_ =	sdelay $0x3  }
0x560: {  	[tilespmem:v36+s4+$0x0] =	vst.idx.msk $0xffff, v35  }
0x561: {  	v51 =	vor.u32 v2, v33;
	v35 =	vld [tilespmem:s30+$0x18080];
	[tilespmem:v38+s4+$0x0] =	vst.idx.msk $0xffff, v37  }
0x562: {  	v52 =	vor.u32 v2, v34;
	v37 =	vld [tilespmem:s31+$0x18080];
	_ =	sdelay $0x3  }
0x563: {  	[tilespmem:v51+s4+$0x0] =	vst.idx.msk $0xffff, v35  }
0x564: {  	v53 =	vor.u32 v3, v33;
	v35 =	vld [tilespmem:s30+$0x18100];
	[tilespmem:v52+s4+$0x0] =	vst.idx.msk $0xffff, v37  }
0x565: {  	v54 =	vor.u32 v3, v34;
	v37 =	vld [tilespmem:s31+$0x18100];
	_ =	sdelay $0x3  }
0x566: {  	[tilespmem:v53+s4+$0x0] =	vst.idx.msk $0xffff, v35  }
0x567: {  	v55 =	vor.u32 v4, v33;
	v35 =	vld [tilespmem:s30+$0x18180];
	[tilespmem:v54+s4+$0x0] =	vst.idx.msk $0xffff, v37  }
0x568: {  	v56 =	vor.u32 v4, v34;
	v37 =	vld [tilespmem:s31+$0x18180];
	_ =	sdelay $0x3  }
0x569: {  	[tilespmem:v55+s4+$0x0] =	vst.idx.msk $0xffff, v35  }
0x56a: {  	v57 =	vor.u32 v5, v33;
	v35 =	vld [tilespmem:s30+$0x18200];
	[tilespmem:v56+s4+$0x0] =	vst.idx.msk $0xffff, v37  }
0x56b: {  	v58 =	vor.u32 v5, v34;
	v37 =	vld [tilespmem:s31+$0x18200];
	_ =	sdelay $0x3  }
0x56c: {  	[tilespmem:v57+s4+$0x0] =	vst.idx.msk $0xffff, v35  }
0x56d: {  	v59 =	vor.u32 v6, v33;
	v35 =	vld [tilespmem:s30+$0x18280];
	[tilespmem:v58+s4+$0x0] =	vst.idx.msk $0xffff, v37  }
0x56e: {  	v60 =	vor.u32 v6, v34;
	v37 =	vld [tilespmem:s31+$0x18280];
	_ =	sdelay $0x3  }
0x56f: {  	[tilespmem:v59+s4+$0x0] =	vst.idx.msk $0xffff, v35  }
0x570: {  	v61 =	vor.u32 v7, v33;
	v35 =	vld [tilespmem:s30+$0x18300];
	[tilespmem:v60+s4+$0x0] =	vst.idx.msk $0xffff, v37  }
0x571: {  	v62 =	vor.u32 v7, v34;
	v37 =	vld [tilespmem:s31+$0x18300];
	_ =	sdelay $0x3  }
0x572: {  	[tilespmem:v61+s4+$0x0] =	vst.idx.msk $0xffff, v35  }
0x573: {  	v63 =	vor.u32 v8, v33;
	v35 =	vld [tilespmem:s30+$0x18380];
	[tilespmem:v62+s4+$0x0] =	vst.idx.msk $0xffff, v37  }
0x574: {  	v40 =	vor.u32 v8, v34;
	v37 =	vld [tilespmem:s31+$0x18380];
	_ =	sdelay $0x3  }
0x575: {  	[tilespmem:v63+s4+$0x0] =	vst.idx.msk $0xffff, v35  }
0x576: {  	v41 =	vor.u32 v9, v33;
	v35 =	vld [tilespmem:s30+$0x18400];
	[tilespmem:v40+s4+$0x0] =	vst.idx.msk $0xffff, v37  }
0x577: {  	v42 =	vor.u32 v9, v34;
	v37 =	vld [tilespmem:s31+$0x18400];
	_ =	sdelay $0x3  }
0x578: {  	[tilespmem:v41+s4+$0x0] =	vst.idx.msk $0xffff, v35  }
0x579: {  	v43 =	vor.u32 v10, v33;
	v35 =	vld [tilespmem:s30+$0x18480];
	[tilespmem:v42+s4+$0x0] =	vst.idx.msk $0xffff, v37  }
0x57a: {  	v44 =	vor.u32 v10, v34;
	v37 =	vld [tilespmem:s31+$0x18480];
	_ =	sdelay $0x3  }
0x57b: {  	[tilespmem:v43+s4+$0x0] =	vst.idx.msk $0xffff, v35  }
0x57c: {  	v45 =	vor.u32 v11, v33;
	v35 =	vld [tilespmem:s30+$0x18500];
	[tilespmem:v44+s4+$0x0] =	vst.idx.msk $0xffff, v37  }
0x57d: {  	v46 =	vor.u32 v11, v34;
	v37 =	vld [tilespmem:s31+$0x18500];
	_ =	sdelay $0x3  }
0x57e: {  	[tilespmem:v45+s4+$0x0] =	vst.idx.msk $0xffff, v35  }
0x57f: {  	v47 =	vor.u32 v12, v33;
	v35 =	vld [tilespmem:s30+$0x18580];
	[tilespmem:v46+s4+$0x0] =	vst.idx.msk $0xffff, v37  }
0x580: {  	v48 =	vor.u32 v12, v34;
	v37 =	vld [tilespmem:s31+$0x18580];
	_ =	sdelay $0x3  }
0x581: {  	[tilespmem:v47+s4+$0x0] =	vst.idx.msk $0xffff, v35  }
0x582: {  	v49 =	vor.u32 v13, v33;
	v35 =	vld [tilespmem:s30+$0x18600];
	[tilespmem:v48+s4+$0x0] =	vst.idx.msk $0xffff, v37  }
0x583: {  	v50 =	vor.u32 v13, v34;
	v37 =	vld [tilespmem:s31+$0x18600];
	_ =	sdelay $0x3  }
0x584: {  	[tilespmem:v49+s4+$0x0] =	vst.idx.msk $0xffff, v35  }
0x585: {  	v51 =	vor.u32 v14, v33;
	v35 =	vld [tilespmem:s30+$0x18680];
	[tilespmem:v50+s4+$0x0] =	vst.idx.msk $0xffff, v37  }
0x586: {  	v52 =	vor.u32 v14, v34;
	v37 =	vld [tilespmem:s31+$0x18680];
	_ =	sdelay $0x3  }
0x587: {  	[tilespmem:v51+s4+$0x0] =	vst.idx.msk $0xffff, v35  }
0x588: {  	v53 =	vor.u32 v15, v33;
	v35 =	vld [tilespmem:s30+$0x18700];
	[tilespmem:v52+s4+$0x0] =	vst.idx.msk $0xffff, v37  }
0x589: {  	v54 =	vor.u32 v15, v34;
	v37 =	vld [tilespmem:s31+$0x18700];
	_ =	sdelay $0x3  }
0x58a: {  	[tilespmem:v53+s4+$0x0] =	vst.idx.msk $0xffff, v35  }
0x58b: {  	v55 =	vor.u32 v16, v33;
	v35 =	vld [tilespmem:s30+$0x18780];
	[tilespmem:v54+s4+$0x0] =	vst.idx.msk $0xffff, v37  }
0x58c: {  	v56 =	vor.u32 v16, v34;
	v37 =	vld [tilespmem:s31+$0x18780];
	_ =	sdelay $0x3  }
0x58d: {  	[tilespmem:v55+s4+$0x0] =	vst.idx.msk $0xffff, v35  }
0x58e: {  	v57 =	vor.u32 v17, v33;
	v35 =	vld [tilespmem:s30+$0x18800];
	[tilespmem:v56+s4+$0x0] =	vst.idx.msk $0xffff, v37  }
0x58f: {  	v58 =	vor.u32 v17, v34;
	v37 =	vld [tilespmem:s31+$0x18800];
	_ =	sdelay $0x3  }
0x590: {  	[tilespmem:v57+s4+$0x0] =	vst.idx.msk $0xffff, v35  }
0x591: {  	v59 =	vor.u32 v18, v33;
	v35 =	vld [tilespmem:s30+$0x18880];
	[tilespmem:v58+s4+$0x0] =	vst.idx.msk $0xffff, v37  }
0x592: {  	v60 =	vor.u32 v18, v34;
	v37 =	vld [tilespmem:s31+$0x18880];
	_ =	sdelay $0x3  }
0x593: {  	[tilespmem:v59+s4+$0x0] =	vst.idx.msk $0xffff, v35  }
0x594: {  	v61 =	vor.u32 v19, v33;
	v35 =	vld [tilespmem:s30+$0x18900];
	[tilespmem:v60+s4+$0x0] =	vst.idx.msk $0xffff, v37  }
0x595: {  	v62 =	vor.u32 v19, v34;
	v37 =	vld [tilespmem:s31+$0x18900];
	_ =	sdelay $0x3  }
0x596: {  	[tilespmem:v61+s4+$0x0] =	vst.idx.msk $0xffff, v35  }
0x597: {  	v63 =	vor.u32 v20, v33;
	v35 =	vld [tilespmem:s30+$0x18980];
	[tilespmem:v62+s4+$0x0] =	vst.idx.msk $0xffff, v37  }
0x598: {  	v40 =	vor.u32 v20, v34;
	v37 =	vld [tilespmem:s31+$0x18980];
	_ =	sdelay $0x3  }
0x599: {  	[tilespmem:v63+s4+$0x0] =	vst.idx.msk $0xffff, v35  }
0x59a: {  	v41 =	vor.u32 v21, v33;
	v35 =	vld [tilespmem:s30+$0x18A00];
	[tilespmem:v40+s4+$0x0] =	vst.idx.msk $0xffff, v37  }
0x59b: {  	v42 =	vor.u32 v21, v34;
	v37 =	vld [tilespmem:s31+$0x18A00];
	_ =	sdelay $0x3  }
0x59c: {  	[tilespmem:v41+s4+$0x0] =	vst.idx.msk $0xffff, v35  }
0x59d: {  	v43 =	vor.u32 v22, v33;
	v35 =	vld [tilespmem:s30+$0x18A80];
	[tilespmem:v42+s4+$0x0] =	vst.idx.msk $0xffff, v37  }
0x59e: {  	v44 =	vor.u32 v22, v34;
	v37 =	vld [tilespmem:s31+$0x18A80];
	_ =	sdelay $0x3  }
0x59f: {  	[tilespmem:v43+s4+$0x0] =	vst.idx.msk $0xffff, v35  }
0x5a0: {  	v45 =	vor.u32 v23, v33;
	v35 =	vld [tilespmem:s30+$0x18B00];
	[tilespmem:v44+s4+$0x0] =	vst.idx.msk $0xffff, v37  }
0x5a1: {  	v46 =	vor.u32 v23, v34;
	v37 =	vld [tilespmem:s31+$0x18B00];
	_ =	sdelay $0x3  }
0x5a2: {  	[tilespmem:v45+s4+$0x0] =	vst.idx.msk $0xffff, v35  }
0x5a3: {  	v47 =	vor.u32 v24, v33;
	v35 =	vld [tilespmem:s30+$0x18B80];
	[tilespmem:v46+s4+$0x0] =	vst.idx.msk $0xffff, v37  }
0x5a4: {  	v48 =	vor.u32 v24, v34;
	v37 =	vld [tilespmem:s31+$0x18B80];
	_ =	sdelay $0x3  }
0x5a5: {  	[tilespmem:v47+s4+$0x0] =	vst.idx.msk $0xffff, v35  }
0x5a6: {  	v49 =	vor.u32 v25, v33;
	v35 =	vld [tilespmem:s30+$0x18C00];
	[tilespmem:v48+s4+$0x0] =	vst.idx.msk $0xffff, v37  }
0x5a7: {  	v50 =	vor.u32 v25, v34;
	v37 =	vld [tilespmem:s31+$0x18C00];
	_ =	sdelay $0x3  }
0x5a8: {  	[tilespmem:v49+s4+$0x0] =	vst.idx.msk $0xffff, v35  }
0x5a9: {  	v51 =	vor.u32 v26, v33;
	v35 =	vld [tilespmem:s30+$0x18C80];
	[tilespmem:v50+s4+$0x0] =	vst.idx.msk $0xffff, v37  }
0x5aa: {  	v52 =	vor.u32 v26, v34;
	v37 =	vld [tilespmem:s31+$0x18C80];
	_ =	sdelay $0x3  }
0x5ab: {  	[tilespmem:v51+s4+$0x0] =	vst.idx.msk $0xffff, v35  }
0x5ac: {  	v53 =	vor.u32 v27, v33;
	v35 =	vld [tilespmem:s30+$0x18D00];
	[tilespmem:v52+s4+$0x0] =	vst.idx.msk $0xffff, v37  }
0x5ad: {  	v54 =	vor.u32 v27, v34;
	v37 =	vld [tilespmem:s31+$0x18D00];
	_ =	sdelay $0x3  }
0x5ae: {  	[tilespmem:v53+s4+$0x0] =	vst.idx.msk $0xffff, v35  }
0x5af: {  	v55 =	vor.u32 v28, v33;
	v35 =	vld [tilespmem:s30+$0x18D80];
	[tilespmem:v54+s4+$0x0] =	vst.idx.msk $0xffff, v37  }
0x5b0: {  	v56 =	vor.u32 v28, v34;
	v37 =	vld [tilespmem:s31+$0x18D80];
	_ =	sdelay $0x3  }
0x5b1: {  	[tilespmem:v55+s4+$0x0] =	vst.idx.msk $0xffff, v35  }
0x5b2: {  	v57 =	vor.u32 v29, v33;
	v35 =	vld [tilespmem:s30+$0x18E00];
	[tilespmem:v56+s4+$0x0] =	vst.idx.msk $0xffff, v37  }
0x5b3: {  	v58 =	vor.u32 v29, v34;
	v37 =	vld [tilespmem:s31+$0x18E00];
	_ =	sdelay $0x3  }
0x5b4: {  	[tilespmem:v57+s4+$0x0] =	vst.idx.msk $0xffff, v35  }
0x5b5: {  	v59 =	vor.u32 v30, v33;
	v35 =	vld [tilespmem:s30+$0x18E80];
	[tilespmem:v58+s4+$0x0] =	vst.idx.msk $0xffff, v37  }
0x5b6: {  	v60 =	vor.u32 v30, v34;
	v37 =	vld [tilespmem:s31+$0x18E80];
	_ =	sdelay $0x3  }
0x5b7: {  	[tilespmem:v59+s4+$0x0] =	vst.idx.msk $0xffff, v35  }
0x5b8: {  	v61 =	vor.u32 v31, v33;
	v35 =	vld [tilespmem:s30+$0x18F00];
	[tilespmem:v60+s4+$0x0] =	vst.idx.msk $0xffff, v37  }
0x5b9: {  	v62 =	vor.u32 v31, v34;
	v37 =	vld [tilespmem:s31+$0x18F00];
	_ =	sdelay $0x3  }
0x5ba: {  	[tilespmem:v61+s4+$0x0] =	vst.idx.msk $0xffff, v35  }
0x5bb: {  	v33 =	vor.u32 v32, v33;
	[tilespmem:v62+s4+$0x0] =	vst.idx.msk $0xffff, v37;
	v35 =	vld [tilespmem:s30+$0x18F80]  }
0x5bc: {  	p2 =	por p1, p1;
	v34 =	vor.u32 v32, v34;
	v63 =	vld [tilespmem:s31+$0x18F80]  }
.Ltmp10:
0x5bd: {  	_ = 	snop;
	(pc) =	sbr.rel @p2 .LBB2_12-.Ltmp10, $3  }
0x5be: {  	_ =	sdelay $0x1  }
0x5bf: {  	[tilespmem:v33+s4+$0x0] =	vst.idx.msk $0xffff, v35  }
0x5c0: {  	s0 =	simm.s32 $0x2;
	p1 =	por $0x0, $0x0;
	[tilespmem:v34+s4+$0x0] =	vst.idx.msk $0xffff, v63  }
0x5c1: {  	s1 =	sld [smem:$0x7FB];
	_ =	sdelay $0x1  }
.Ltmp11:
0x5c2: {  	s0 =	simm.s32 $0x0;
	s31 =	simm.s32 $0x5;
	(pc) =	sbr.rel .LBB2_14-.Ltmp11, $4  }
0x5c3: {  	[hbm4b:s1+s0] =	stream.linear.scatter [tilespmem:s4], [sflag:$0x5], $0x800, $0x38;
	[tilespmem:$0x19800] =	vst v63  }
0x5c4: {  	_ =	swait.ge [sflag:s31], $0x800  }
0x5c5: {  	[sflag:s31] =	ssyncset.done $0x0  }
0x5c6: {  	s1 =	sld [smem:$0x7F6];
	[sflag:s31] =	ssyncadd.s32 $0xFFFFF800  }
.LBB2_15:
0x5c7: {  	_ =	sfence.sel $0x180000  }
0x5c8: {  	[bflag:$0x0] =	sbarrier.arrive $0xFFFF  }
0x5c9: {  	_ =	strace $0x90000047  }
0x5ca: {  	s0 =	stileid.u32;
	[bflag:$0x2] =	sbarrier.arrive $0xFFFF  }
0x5cb: {  	p0 =	sne.s32 s0, $0x0;
	s0 =	rddreg [dreg:$0x2]  }
0x5cc: {  	s0 =	sadd.s32 @!p0 $0x100000, s0  }
0x5cd: {  	[sflag:s0] =	ssyncadd.tile.s32 @!p0 $0x1;
	_ =	shalt  }
.Lfunc_end2:
_tile_overlayer_lowered:
.L_overlay_start_2:
0x5ce: {  	(tag) =	ssettag $0x2  }
0x5cf: {  	s0 =	rddreg [dreg:$0x0];
	s2 =	stileid.u32  }
0x5d0: {  	s1 =	rddreg [dreg:$0x1];
	p0 =	sne.s32 s2, $0x0  }
0x5d1: {  	s3 =	rddreg [dreg:$0x2];
	[bflag:$0x3] =	sbarrier.arrive $0xFFFF;
	s2 =	simm.s32 @!p0 $0x1C05  }
0x5d2: {  	[timem:s3], [sflag:s2] =	dma.local @!p0 [hbm:s0], s1  }
0x5d3: {  	s0 =	simm.s32 @!p0 $0x5  }
0x5d4: {  	_ =	swait.ge @!p0 [sflag:s0], s1  }
0x5d5: {  	s1 =	ssub.s32 @!p0 $0x0, s1;
	[sflag:s0] =	ssyncset.done @!p0 $0x0  }
0x5d6: {  	[sflag:s0] =	ssyncadd.s32 @!p0 s1  }
0x5d7: {  	[bflag:$0x3] =	sbarrier.arrive $0xFFFF  }
0x5d8: {  	_ =	shalt  }

// kernel: kernel.7.cloned.1.call-start
scs
__scs_entry_jumppad:
0x0: {  	(pc) =	sbr.rel $0x88, $3  }
0x1: {  	(tag) =	ssettag $0x0;
	lr =	simm.s32 $0x1  }
0x2: {  	[smem:$0x3F9F] =	sst lr;
	_ =	strace $0xD0000000  }
0x3: {  	_ = 	snop  }
0x4: {  	_ = 	snop  }
0x5: {  	_ = 	snop  }
0x6: {  	_ = 	snop  }
0x7: {  	_ = 	snop  }
__scs_overlays_trampoline_lowered:
0x8: {  	[smem:$0x3FAE] =	sst s0  }
0x9: {  	[smem:$0x3FAF] =	sst s1  }
0xa: {  	[smem:$0x3FB0] =	sst s2  }
0xb: {  	[smem:$0x3FB1] =	sst s3  }
0xc: {  	[smem:$0x3FB2] =	sst s4  }
0xd: {  	[smem:$0x3FB3] =	sst s5  }
0xe: {  	[smem:$0x3FB4] =	sst s6  }
0xf: {  	[smem:$0x3FB5] =	sst s7  }
0x10: {  	[smem:$0x3FB6] =	sst s8  }
0x11: {  	[smem:$0x3FB7] =	sst s9;
	s0 =	simm.s32 @!p0 $0x0  }
0x12: {  	s1 =	sld [smem:$0x3F9D];
	s0 =	simm.s32 @p0 $0x1  }
0x13: {  	[smem:$0x3FB8] =	sst s0;
	s0 =	simm.s32 @!p1 $0x0  }
0x14: {  	s2 =	sld [smem:$0x3F9C];
	s0 =	simm.s32 @p1 $0x1  }
0x15: {  	[smem:$0x3FB9] =	sst s0;
	s0 =	simm.s32 @!p2 $0x0  }
0x16: {  	s3 =	sld [smem:$0x3FDB];
	s0 =	simm.s32 @p2 $0x1  }
0x17: {  	s4 =	simm.s32 $0x1BF5;
	[smem:$0x3FBB] =	sst s0  }
0x18: {  	s0 =	sld [smem:$0x3F9E];
	_ =	swait.ge [sflag:s4], $0x0  }
0x19: {  	s7 =	sld [smem:$0x3F9F]  }
0x1a: {  	s8 =	sadd.s32 $0xFFFFE003, lr  }
0x1b: {  	s9 =	sadd.s32 $0xFFFFFEF7, lr;
	s5 =	simm.s32 $0xFFFFFFFF;
	p2 =	slt.u32 s8, $0xFFFFF086  }
0x1c: {  	p1 =	slt.u32 s9, $0xF7A;
	s5 =	simm.s32 @!p2 $0x0  }
0x1d: {  	s5 =	simm.s32 @p1 $0x1;
	p0 =	seq.s32 s7, s2  }
0x1e: {  	s7 =	smul.u32 @!p0 $0xF7A, s2;
	p2 =	seq.s32 @!p0 s5, $0x0  }
0x1f: {  	s9 =	smul.u32 $0xF7A, s1;
	s8 =	simm.s32 @!p0 $0x1BF5;
	p2 =	por !p2, p0  }
0x20: {  	[sflag:s8] =	ssyncset.s32 @!p0 $0xFFFFF086;
	s6 =	sadd.s32 @!p0 s3, s7;
	s7 =	simm.s32 @!p0 $0x108  }
0x21: {  	s3 =	sadd.s32 s3, s9;
	s6 =	sadd.s32 @!p0 $0x88, s6;
	s7 =	simm.s32 @p2 $0x1082  }
0x22: {  	[simem:s7], [sflag:s8] =	dma.local @!p0 [hbm:s6], $0xF7A  }
0x23: {  	s9 =	sor.u32 $0xD0000000, s2;
	s6 =	simm.s32 $0x108;
	_ =	swait.ge @!p0 [sflag:s8], $0x0  }
0x24: {  	s3 =	sadd.s32 $0x88, s3;
	s6 =	simm.s32 @!p1 $0x1082;
	[sflag:s4] =	ssyncset.s32 $0xFFFFF086  }
0x25: {  	[simem:s6], [sflag:s4] =	dma.local [hbm:s3], $0xF7A  }
0x26: {  	[smem:$0x3F9F] =	sst s1;
	(tag) =	ssettag s2;
	_ =	strace s9  }
0x27: {  	s1 =	sld [smem:$0x3FAF]  }
0x28: {  	s2 =	sld [smem:$0x3FB0]  }
0x29: {  	s4 =	sld [smem:$0x3FB2]  }
0x2a: {  	p0 =	seq.s32 s5, $0x0;
	s5 =	sld [smem:$0x3FB3]  }
0x2b: {  	s6 =	sld [smem:$0x3FB4]  }
0x2c: {  	s7 =	sld [smem:$0x3FB5]  }
0x2d: {  	s3 =	simm.s32 $0x108;
	s8 =	sld [smem:$0x3FB6]  }
0x2e: {  	s3 =	simm.s32 @!p0 $0x1082;
	s9 =	sld [smem:$0x3FB7]  }
0x2f: {  	lr =	sadd.s32 s0, s3;
	s0 =	sld [smem:$0x3FAE]  }
0x30: {  	s3 =	sld [smem:$0x3FB1]  }
0x31: {  	[smem:$0x3FBA] =	sst s10  }
0x32: {  	s10 =	sld [smem:$0x3FB8];
	_ =	sdelay $0x3  }
0x33: {  	p0 =	seq.s32 s10, $0x1;
	s10 =	sld [smem:$0x3FBA];
	_ =	sdelay $0x3  }
0x34: {  	[smem:$0x3FBA] =	sst s10  }
0x35: {  	s10 =	sld [smem:$0x3FB9];
	_ =	sdelay $0x3  }
0x36: {  	p1 =	seq.s32 s10, $0x1;
	s10 =	sld [smem:$0x3FBA];
	_ =	sdelay $0x3  }
0x37: {  	[smem:$0x3FBA] =	sst s10  }
0x38: {  	s10 =	sld [smem:$0x3FBB]  }
0x39: {  	_ = 	snop;
	(pc) =	sbr.ind lr, $3  }
0x3a: {  	_ = 	snop  }
0x3b: {  	_ = 	snop  }
0x3c: {  	p2 =	seq.s32 s10, $0x1;
	s10 =	sld [smem:$0x3FBA]  }
0x3d: {  	_ =	shalt  }
0x3e: {  	_ =	shalt  }
0x3f: {  	_ =	shalt  }
0x40: {  	_ =	shalt  }
0x41: {  	_ =	shalt  }
0x42: {  	_ =	shalt  }
0x43: {  	_ =	shalt  }
0x44: {  	_ =	shalt  }
0x45: {  	_ =	shalt  }
0x46: {  	_ =	shalt  }
0x47: {  	_ =	shalt  }
0x48: {  	_ =	shalt  }
0x49: {  	_ =	shalt  }
0x4a: {  	_ =	shalt  }
0x4b: {  	_ =	shalt  }
0x4c: {  	_ =	shalt  }
0x4d: {  	_ =	shalt  }
0x4e: {  	_ =	shalt  }
0x4f: {  	_ =	shalt  }
0x50: {  	_ =	shalt  }
0x51: {  	_ =	shalt  }
0x52: {  	_ =	shalt  }
0x53: {  	_ =	shalt  }
0x54: {  	_ =	shalt  }
0x55: {  	_ =	shalt  }
0x56: {  	_ =	shalt  }
0x57: {  	_ =	shalt  }
0x58: {  	_ =	shalt  }
0x59: {  	_ =	shalt  }
0x5a: {  	_ =	shalt  }
0x5b: {  	_ =	shalt  }
0x5c: {  	_ =	shalt  }
0x5d: {  	_ =	shalt  }
0x5e: {  	_ =	shalt  }
0x5f: {  	_ =	shalt  }
0x60: {  	_ =	shalt  }
0x61: {  	_ =	shalt  }
0x62: {  	_ =	shalt  }
0x63: {  	_ =	shalt  }
0x64: {  	_ =	shalt  }
0x65: {  	_ =	shalt  }
0x66: {  	_ =	shalt  }
0x67: {  	_ =	shalt  }
0x68: {  	_ =	shalt  }
0x69: {  	_ =	shalt  }
0x6a: {  	_ =	shalt  }
0x6b: {  	_ =	shalt  }
0x6c: {  	_ =	shalt  }
0x6d: {  	_ =	shalt  }
0x6e: {  	_ =	shalt  }
0x6f: {  	_ =	shalt  }
0x70: {  	_ =	shalt  }
0x71: {  	_ =	shalt  }
0x72: {  	_ =	shalt  }
0x73: {  	_ =	shalt  }
0x74: {  	_ =	shalt  }
0x75: {  	_ =	shalt  }
0x76: {  	_ =	shalt  }
0x77: {  	_ =	shalt  }
0x78: {  	_ =	shalt  }
0x79: {  	_ =	shalt  }
0x7a: {  	_ =	shalt  }
0x7b: {  	_ =	shalt  }
0x7c: {  	_ =	shalt  }
0x7d: {  	_ =	shalt  }
0x7e: {  	_ =	shalt  }
0x7f: {  	_ =	shalt  }
0x80: {  	_ =	shalt  }
0x81: {  	_ =	shalt  }
0x82: {  	_ =	shalt  }
0x83: {  	_ =	shalt  }
0x84: {  	_ =	shalt  }
0x85: {  	_ =	shalt  }
0x86: {  	_ =	shalt  }
0x87: {  	_ =	shalt  }
.Lfunc_end0:
.L_simem_size_0:
called_computation.2_lowered:
.L_overlay_start_0:
0x88: {  	s2 =	sld [smem:$0x3FD9]  }
0x89: {  	s3 =	sld [smem:$0x3FFE];
	_ =	sdelay $0x1  }
0x8a: {  	s1 =	srdreg.scid  }
0x8b: {  	s0 =	sand.u32 $0x1, s1  }
0x8c: {  	s17 =	sshll.u32 s0, $0xA;
	s2 =	sadd.s32 s3, s2  }
0x8d: {  	s2 =	sadd.s32 s2, s17  }
0x8e: {  	[smem:$0x3FC6] =	sst s2  }
0x8f: {  	_ = 	snop  }
0x90: {  	s2 =	sld [smem:$0x3FD0];
	(tm) =	ssettm $0x1  }
0x91: {  	s18 =	sld [smem:$0x3FFB];
	_ =	sdelay $0x3  }
0x92: {  	_ =	strace s18  }
0x93: {  	s3 =	sld [smem:$0x3FFC];
	_ =	sdelay $0x3  }
0x94: {  	_ =	strace s3  }
0x95: {  	s3 =	sld [smem:$0x3FFD];
	_ =	sdelay $0x3  }
0x96: {  	_ =	strace s3  }
0x97: {  	_ =	strace $0x8FFFFFFF  }
0x98: {  	s19 =	sld [smem:$0x3FDB];
	_ =	sdelay $0x1  }
0x99: {  	s4 =	simm.s32 $_scs_section_size  }
0x9a: {  	s5 =	simm.s32 $_size__tile_overlayer_lowered;
	s6 =	simm.s32 $_tile_overlayer_lowered  }
0x9b: {  	s22 =	simm.s32 $0x1BFF;
	s21 =	sshll.u32 s6, $0x1;
	s3 =	sadd.s32 s4, s19  }
0x9c: {  	s7 =	simm.s32 $0x0;
	s20 =	sshll.u32 s5, $0x1;
	s5 =	sadd.s32 s21, s3  }
0x9d: {  	[timem:s7], [sflag:s22] =	dma.local [hbm:s5], s20  }
0x9e: {  	_ =	swait.ge [sflag:s22], s20  }
0x9f: {  	s4 =	ssub.s32 $0x0, s20;
	[sflag:s22] =	ssyncset.done $0x0  }
0xa0: {  	[sflag:s22] =	ssyncadd.s32 s4;
	_ =	sdelay $0x1  }
0xa1: {  	s23 =	simm.s32 $0x1B8B  }
0xa2: {  	_ =	swait.ge [sflag:s23], $0x1  }
0xa3: {  	[sflag:s23] =	ssyncset.done $0x0  }
0xa4: {  	s25 =	simm.s32 $0x1B8E;
	s24 =	sld [smem:$0x3FFE];
	[sflag:s23] =	ssyncadd.s32 $0xFFFFFFFF  }
0xa5: {  	s26 =	simm.s32 $execute0_lowered;
	[smem:$0x3FD2] =	sst s25  }
0xa6: {  	s5 =	sshll.u32 s26, $0x1;
	_ =	strace $0x80000049;
	[dreg:$0x1] =	wrdreg $0xFFFFFFFF  }
0xa7: {  	s28 =	simm.s32 $_size_execute0_lowered;
	s3 =	sadd.s32 s3, s5;
	[dreg:$0x0] =	wrdreg $0x0  }
0xa8: {  	s5 =	sshll.u32 s28, $0x1;
	[dreg:$0x2] =	wrdreg s3  }
0xa9: {  	[dreg:$0x3] =	wrdreg s5  }
0xaa: {  	[dreg:$0x4] =	wrdreg $0xC0  }
0xab: {  	_ =	task [dreg:s7], $0x5FFFF  }
0xac: {  	[dreg:$0x1] =	wrdreg $0xFFFFFFFF  }
0xad: {  	[dreg:$0x0] =	wrdreg $0x60  }
0xae: {  	[dreg:$0x2] =	wrdreg s24  }
0xaf: {  	[dreg:$0x3] =	wrdreg s2  }
0xb0: {  	[dreg:$0x4] =	wrdreg $0x9  }
0xb1: {  	_ =	task.clear_ibuf [dreg:s7], $0x5FFFF;
	_ =	strace $0x90000049  }
0xb2: {  	s29 =	simm.s32 $0x9;
	_ =	strace $0x8000004B  }
0xb3: {  	_ =	swait.ge [sflag:s29], $0x1  }
0xb4: {  	[sflag:s29] =	ssyncadd.s32 $0xFFFFFFFF  }
0xb5: {  	_ =	strace $0x9000004B  }
0xb6: {  	_ =	sfence  }
0xb7: {  	s30 =	sld [smem:$0x0];
	_ =	sdelay $0x2  }
0xb8: {  	s31 =	sshll.u32 s1, $0xD;
	s1 =	sshrl.u32 s1, $0x2  }
0xb9: {  	s3 =	sand.u32 $0x4000, s31;
	s1 =	sadd.s32 s1, s30  }
0xba: {  	s0 =	sor.u32 s3, s0;
	s1 =	sshll.u32 s1, $0x11  }
0xbb: {  	s0 =	sor.u32 s1, s0  }
0xbc: {  	s0 =	sadd.s32 $0x8F2B, s0  }
0xbd: {  	[sflag:s0] =	ssyncadd.remote.s32 $0x1  }
0xbe: {  	_ =	sfence.sel $0xFFFF  }
0xbf: {  	[dreg:$0x0] =	wrdreg $0xFFFFFFFF;
	(pc) =	sbr.abs _section_cstart, $3  }
0xc0: {  	[dreg:$0x1] =	wrdreg $0xFFFFFFFF  }
0xc1: {  	_ =	task.clear_ibuf [dreg:s7], $0x2FFFF;
	_ =	strace $0x9FFFFFFF  }
0xc2: {  	(tm) =	ssettm $0x7FFFFFFF  }
0xc3: {  	_ =	shalt  }
tec
execute0_lowered:
.L_overlay_start_1:
0x0: {  	(tag) =	ssettag $0x1  }
0x1: {  	s3 =	rddreg [dreg:$0x0]  }
0x2: {  	s9 =	rddreg [dreg:$0x1];
	s2 =	srdreg.scid  }
0x3: {  	s0 =	rddreg [dreg:$0x2];
	s1 =	stileid.u32  }
0x4: {  	s12 =	simm.s32 $0x3400;
	s13 =	simm.s32 $0x200;
	s14 =	simm.s32 $0x7400  }
0x5: {  	s15 =	simm.s32 $0x1;
	s16 =	simm.s32 $0x20;
	s17 =	simm.s32 $0x340  }
0x6: {  	s18 =	simm.s32 $0x2;
	s19 =	simm.s32 $0x3200;
	s20 =	simm.s32 $0x0  }
0x7: {  	s4 =	sand.u32 $0x1, s2;
	s2 =	simm.s32 $0x0;
	s5 =	sshll.u32 s1, $0xA  }
0x8: {  	s8 =	smul.u32 $0xD0000, s1;
	s6 =	sshll.u32 s4, $0x9;
	[smem:$0x7FF] =	sst s2  }
0x9: {  	s7 =	ssub.s32 $0x2, s4;
	s11 =	smul.u32 $0x68000, s4;
	s5 =	sor.u32 s6, s5  }
0xa: {  	_ =	strace $0x8000004A;
	s10 =	sshrl.u32 s7, $0x1;
	s6 =	sshrl.u32 s5, $0x3  }
0xb: {  	s5 =	smul.u32 $0x340, s5;
	s7 =	ssub.s32 s7, s10;
	s8 =	sadd.s32 s11, s8  }
0xc: {  	s10 =	simm.s32 $0x4000;
	s6 =	sadd.s32 s6, s3;
	s3 =	sadd.s32 $0xE00, s3  }
0xd: {  	s30 =	sshrl.u32 s8, $0x3;
	s11 =	sor.u32 $0x20, s8;
	s4 =	sadd.s32 $0x3D1800, s6  }
0xe: {  	s28 =	sshrl.u32 s5, $0x3;
	s5 =	smax.u32 s7, $0x1;
	s8 =	sadd.s32 s30, s9  }
0xf: {  	s31 =	sshrl.u32 s11, $0x3;
	s11 =	simm.s32 $0x3;
	s29 =	sadd.s32 s28, s9  }
0x10: {  	s9 =	sadd.s32 s31, s9;
	s6 =	sadd.s32 $0x60, s29;
	s7 =	sadd.s32 $0x64, s29  }
.LBB2_1:
0x11: {  	[tilespmem:s2], [sflag:$0x3] =	stream.strided.gather [hbm4b:s4+s13], $0x3400, s10, s13, $0x38;
	[tilespmem:$0xB400] =	vst v63  }
0x12: {  	_ =	swait.ge [sflag:s11], $0x3400  }
0x13: {  	[sflag:s11] =	ssyncset.done $0x0  }
0x14: {  	[sflag:s11] =	ssyncadd.s32 $0xFFFFCC00  }
0x15: {  	[tilespmem:s12], [sflag:$0x1] =	stream.indirect.gather [hbm4b:s3+s13], $0x20, s2, s13, $0xb8;
	[tilespmem:$0xB400] =	vst v63  }
0x16: {  	_ = 	snop  }
0x17: {  	[tilespmem:s14], [sflag:$0x2] =	stream.indirect.gather [hbm4b:s3+s13], $0x20, s13, s13, $0xb8;
	[tilespmem:$0xB400] =	vst v63  }
0x18: {  	_ =	swait.ge [sflag:s15], $0x4000  }
0x19: {  	[sflag:s15] =	ssyncset.done $0x0  }
0x1a: {  	s21 =	sadd.s32 $0x0, s8;
	[sflag:s15] =	ssyncadd.s32 $0xFFFFC000  }
0x1b: {  	[hbm4b:s21+s16] =	stream.strided.scatter [tilespmem:s12], [sflag:$0x3], $0x4000, s17, s16, $0x38;
	[tilespmem:$0xB400] =	vst v63  }
0x1c: {  	_ =	swait.ge [sflag:s11], $0x4000  }
0x1d: {  	[sflag:s11] =	ssyncset.done $0x0  }
0x1e: {  	s30 =	simm.s32 $0x400;
	[sflag:s11] =	ssyncadd.s32 $0xFFFFC000  }
0x1f: {  	[tilespmem:s12], [sflag:$0x1] =	stream.indirect.gather [hbm4b:s3+s13], $0x20, s30, s13, $0xb8;
	[tilespmem:$0xB400] =	vst v63  }
0x20: {  	_ =	swait.ge [sflag:s18], $0x4000  }
0x21: {  	[sflag:s18] =	ssyncset.done $0x0  }
0x22: {  	s31 =	sadd.s32 $0x0, s9;
	[sflag:s18] =	ssyncadd.s32 $0xFFFFC000  }
0x23: {  	[hbm4b:s31+s16] =	stream.strided.scatter [tilespmem:s14], [sflag:$0x3], $0x4000, s17, s16, $0x38;
	[tilespmem:$0xB400] =	vst v63  }
0x24: {  	_ =	swait.ge [sflag:s11], $0x4000  }
0x25: {  	s22 =	simm.s32 $0x200;
	s21 =	simm.s32 $0x8;
	[sflag:s11] =	ssyncset.done $0x0  }
.LBB2_2:
0x26: {  	p0 =	sne.s32 s21, $0x58;
	[sflag:s11] =	ssyncadd.s32 $0xFFFFC000;
	s22 =	sadd.s32 $0x400, s22  }
0x27: {  	[tilespmem:s14], [sflag:$0x2] =	stream.indirect.gather [hbm4b:s3+s13], $0x20, s22, s13, $0xb8;
	[tilespmem:$0xB400] =	vst v63  }
0x28: {  	s23 =	smov.u32 s21;
	s21 =	sadd.s32 $0x8, s21;
	_ =	swait.ge [sflag:s15], $0x4000  }
0x29: {  	[sflag:s15] =	ssyncset.done $0x0  }
0x2a: {  	s24 =	sadd.s32 s23, s8;
	[sflag:s15] =	ssyncadd.s32 $0xFFFFC000  }
0x2b: {  	[hbm4b:s24+s16] =	stream.strided.scatter [tilespmem:s12], [sflag:$0x3], $0x4000, s17, s16, $0x38;
	[tilespmem:$0xB400] =	vst v63  }
0x2c: {  	_ =	swait.ge [sflag:s11], $0x4000  }
0x2d: {  	[sflag:s11] =	ssyncset.done $0x0  }
0x2e: {  	s24 =	sadd.s32 $0x200, s22;
	[sflag:s11] =	ssyncadd.s32 $0xFFFFC000  }
0x2f: {  	[tilespmem:s12], [sflag:$0x1] =	stream.indirect.gather [hbm4b:s3+s13], $0x20, s24, s13, $0xb8;
	[tilespmem:$0xB400] =	vst v63  }
0x30: {  	_ =	swait.ge [sflag:s18], $0x4000  }
.Ltmp0:
0x31: {  	[sflag:s18] =	ssyncset.done $0x0;
	(pc) =	sbr.rel @p0 .LBB2_2-.Ltmp0, $4  }
0x32: {  	s23 =	sadd.s32 s23, s9;
	[sflag:s18] =	ssyncadd.s32 $0xFFFFC000  }
0x33: {  	[hbm4b:s23+s16] =	stream.strided.scatter [tilespmem:s14], [sflag:$0x3], $0x4000, s17, s16, $0x38;
	[tilespmem:$0xB400] =	vst v63  }
0x34: {  	_ =	swait.ge [sflag:s11], $0x4000  }
0x35: {  	[sflag:s11] =	ssyncset.done $0x0  }
0x36: {  	[sflag:s11] =	ssyncadd.s32 $0xFFFFC000  }
0x37: {  	[tilespmem:s14], [sflag:$0x2] =	stream.indirect.gather [hbm4b:s3+s13], $0x20, s19, s13, $0xb8;
	[tilespmem:$0xB400] =	vst v63  }
0x38: {  	_ =	swait.ge [sflag:s15], $0x4000  }
0x39: {  	[sflag:s15] =	ssyncset.done $0x0  }
0x3a: {  	[sflag:s15] =	ssyncadd.s32 $0xFFFFC000  }
0x3b: {  	[hbm4b:s6+s16] =	stream.strided.scatter [tilespmem:s12], [sflag:$0x3], $0x4000, s17, s16, $0x38;
	[tilespmem:$0xB400] =	vst v63  }
0x3c: {  	_ =	swait.ge [sflag:s11], $0x4000  }
0x3d: {  	[sflag:s11] =	ssyncset.done $0x0  }
0x3e: {  	[sflag:s11] =	ssyncadd.s32 $0xFFFFC000  }
0x3f: {  	s20 =	sadd.s32 $0x1, s20;
	_ =	swait.ge [sflag:s18], $0x4000  }
0x40: {  	p0 =	sne.s32 s20, s5;
	[sflag:s18] =	ssyncset.done $0x0  }
.Ltmp1:
0x41: {  	[sflag:s18] =	ssyncadd.s32 $0xFFFFC000;
	(pc) =	sbr.rel @p0 .LBB2_1-.Ltmp1, $4  }
0x42: {  	[hbm4b:s7+s16] =	stream.strided.scatter [tilespmem:s14], [sflag:$0x3], $0x4000, s17, s16, $0x38;
	[tilespmem:$0xB400] =	vst v63  }
0x43: {  	_ =	swait.ge [sflag:s11], $0x4000  }
0x44: {  	[sflag:s11] =	ssyncset.done $0x0  }
0x45: {  	[sflag:s11] =	ssyncadd.s32 $0xFFFFC000  }
0x46: {  	_ =	sfence.sel $0x180000  }
0x47: {  	[bflag:$0x0] =	sbarrier.arrive $0xFFFF  }
0x48: {  	p0 =	sne.s32 s1, $0x0;
	_ =	strace $0x9000004A  }
0x49: {  	s0 =	sadd.s32 @!p0 $0x100000, s0;
	[bflag:$0x2] =	sbarrier.arrive $0xFFFF  }
0x4a: {  	[sflag:s0] =	ssyncadd.tile.s32 @!p0 $0x1;
	_ =	shalt  }
.Lfunc_end2:
_tile_overlayer_lowered:
.L_overlay_start_2:
0x4b: {  	(tag) =	ssettag $0x2  }
0x4c: {  	s0 =	rddreg [dreg:$0x0];
	s2 =	stileid.u32  }
0x4d: {  	s1 =	rddreg [dreg:$0x1];
	p0 =	sne.s32 s2, $0x0  }
0x4e: {  	s3 =	rddreg [dreg:$0x2];
	[bflag:$0x3] =	sbarrier.arrive $0xFFFF;
	s2 =	simm.s32 @!p0 $0x1C03  }
0x4f: {  	[timem:s3], [sflag:s2] =	dma.local @!p0 [hbm:s0], s1  }
0x50: {  	s0 =	simm.s32 @!p0 $0x3  }
0x51: {  	_ =	swait.ge @!p0 [sflag:s0], s1  }
0x52: {  	s1 =	ssub.s32 @!p0 $0x0, s1;
	[sflag:s0] =	ssyncset.done @!p0 $0x0  }
0x53: {  	[sflag:s0] =	ssyncadd.s32 @!p0 s1  }
0x54: {  	[bflag:$0x3] =	sbarrier.arrive $0xFFFF  }
0x55: {  	_ =	shalt  }

// kernel: sparse-core-data-format-call.cloned.1.call-start
scs
called_computation_lowered:
.L_overlay_start_0:
0x0: {  	s2 =	sld [smem:$0x3FD9]  }
0x1: {  	s3 =	sld [smem:$0x3FFE];
	_ =	sdelay $0x1  }
0x2: {  	s1 =	srdreg.scid  }
0x3: {  	s0 =	sand.u32 $0x1, s1  }
0x4: {  	s18 =	sshll.u32 s0, $0xA;
	s2 =	sadd.s32 s3, s2  }
0x5: {  	s2 =	sadd.s32 s2, s18  }
0x6: {  	[smem:$0x3FC6] =	sst s2  }
0x7: {  	_ = 	snop  }
0x8: {  	s2 =	sld [smem:$0x3FD0];
	(tm) =	ssettm $0x1  }
0x9: {  	s19 =	sld [smem:$0x3FFB];
	_ =	sdelay $0x3  }
0xa: {  	_ =	strace s19  }
0xb: {  	s3 =	sld [smem:$0x3FFC];
	_ =	sdelay $0x3  }
0xc: {  	_ =	strace s3  }
0xd: {  	s3 =	sld [smem:$0x3FFD];
	_ =	sdelay $0x3  }
0xe: {  	_ =	strace s3  }
0xf: {  	_ =	strace $0x8FFFFFFF  }
0x10: {  	s20 =	sld [smem:$0x3FDB];
	_ =	sdelay $0x1  }
0x11: {  	s4 =	simm.s32 $_scs_section_size  }
0x12: {  	s5 =	simm.s32 $_size__tile_overlayer_lowered;
	s6 =	simm.s32 $_tile_overlayer_lowered  }
0x13: {  	s23 =	simm.s32 $0x1BFF;
	s22 =	sshll.u32 s6, $0x1;
	s3 =	sadd.s32 s4, s20  }
0x14: {  	s7 =	simm.s32 $0x0;
	s21 =	sshll.u32 s5, $0x1;
	s5 =	sadd.s32 s22, s3  }
0x15: {  	[timem:s7], [sflag:s23] =	dma.local [hbm:s5], s21  }
0x16: {  	_ =	swait.ge [sflag:s23], s21  }
0x17: {  	s4 =	ssub.s32 $0x0, s21;
	[sflag:s23] =	ssyncset.done $0x0  }
0x18: {  	[sflag:s23] =	ssyncadd.s32 s4;
	_ =	sdelay $0x1  }
0x19: {  	s24 =	simm.s32 $0x1B8B  }
0x1a: {  	_ =	swait.ge [sflag:s24], $0x1  }
0x1b: {  	[sflag:s24] =	ssyncset.done $0x0  }
0x1c: {  	s26 =	simm.s32 $0x1B8E;
	s25 =	sld [smem:$0x3FFE];
	[sflag:s24] =	ssyncadd.s32 $0xFFFFFFFF  }
0x1d: {  	s27 =	simm.s32 $execute0_lowered;
	[smem:$0x3FD2] =	sst s26  }
0x1e: {  	s5 =	sshll.u32 s27, $0x1;
	_ =	strace $0x8000004C;
	[dreg:$0x1] =	wrdreg $0xFFFFFFFF  }
0x1f: {  	s28 =	simm.s32 $_size_execute0_lowered;
	s3 =	sadd.s32 s3, s5;
	[dreg:$0x0] =	wrdreg $0x0  }
0x20: {  	s5 =	sshll.u32 s28, $0x1;
	[dreg:$0x2] =	wrdreg s3  }
0x21: {  	[dreg:$0x3] =	wrdreg s5  }
0x22: {  	[dreg:$0x4] =	wrdreg $0xC0  }
0x23: {  	_ =	task [dreg:s7], $0x5FFFF  }
0x24: {  	[dreg:$0x1] =	wrdreg $0xFFFFFFFF  }
0x25: {  	[dreg:$0x0] =	wrdreg $0x60  }
0x26: {  	[dreg:$0x2] =	wrdreg s25  }
0x27: {  	[dreg:$0x3] =	wrdreg s2  }
0x28: {  	[dreg:$0x4] =	wrdreg $0x9  }
0x29: {  	_ =	task.clear_ibuf [dreg:s7], $0x5FFFF;
	_ =	strace $0x9000004C  }
0x2a: {  	s29 =	simm.s32 $0x9;
	_ =	strace $0x8000004E  }
0x2b: {  	_ =	swait.ge [sflag:s29], $0x1  }
0x2c: {  	[sflag:s29] =	ssyncadd.s32 $0xFFFFFFFF  }
0x2d: {  	_ =	strace $0x9000004E  }
0x2e: {  	_ =	sfence  }
0x2f: {  	s30 =	sld [smem:$0x0];
	_ =	sdelay $0x2  }
0x30: {  	s31 =	sshll.u32 s1, $0xD;
	s1 =	sshrl.u32 s1, $0x2  }
0x31: {  	s3 =	sand.u32 $0x4000, s31;
	s1 =	sadd.s32 s1, s30  }
0x32: {  	s0 =	sor.u32 s3, s0;
	s1 =	sshll.u32 s1, $0x11  }
0x33: {  	s0 =	sor.u32 s1, s0  }
0x34: {  	s0 =	sadd.s32 $0x8F2B, s0  }
0x35: {  	[sflag:s0] =	ssyncadd.remote.s32 $0x1  }
0x36: {  	_ =	sfence.sel $0xFFFF  }
0x37: {  	[dreg:$0x0] =	wrdreg $0xFFFFFFFF;
	(pc) =	sbr.abs _section_cstart, $3  }
0x38: {  	[dreg:$0x1] =	wrdreg $0xFFFFFFFF  }
0x39: {  	_ =	task.clear_ibuf [dreg:s7], $0x2FFFF;
	_ =	strace $0x9FFFFFFF  }
0x3a: {  	(tm) =	ssettm $0x7FFFFFFF  }
0x3b: {  	_ =	shalt  }
tec
execute0_lowered:
.L_overlay_start_1:
0x0: {  	(tag) =	ssettag $0x1  }
0x1: {  	s0 =	srdreg.scid  }
0x2: {  	s1 =	sshll.u32 s0, $0x4  }
0x3: {  	s0 =	stileid.u32;
	s1 =	sand.u32 $0x10, s1  }
0x4: {  	s1 =	sor.u32 s0, s1  }
0x5: {  	s6 =	rddreg [dreg:$0x0];
	s4 =	simm.s32 $0x1;
	s2 =	sshll.u32 s1, $0x7  }
0x6: {  	s7 =	simm.s32 $0x2;
	s12 =	simm.s32 $0x0;
	s1 =	ssub.s32 $0x4000, s2  }
0x7: {  	s8 =	simm.s32 $0x20000;
	s13 =	simm.s32 $0x0;
	s3 =	sand.u32 $0xF80, s1  }
0x8: {  	s9 =	simm.s32 $0x0;
	s5 =	sshrl.u32 s1, $0xC;
	p0 =	sne.s32 s3, $0x0  }
.Ltmp0:
0x9: {  	s1 =	rddreg [dreg:$0x2];
	s4 =	simm.s32 @!p0 $0x0;
	(pc) =	sbr.rel .LBB1_1-.Ltmp0, $4  }
0xa: {  	s11 =	simm.s32 $0x0;
	s3 =	rddreg [dreg:$0x1];
	s5 =	sadd.s32 s4, s5  }
0xb: {  	_ =	strace $0x8000004D;
	s4 =	simm.s32 $0x1;
	s5 =	smul.u32 $0x1A, s5  }
0xc: {  	s6 =	sadd.s32 $0xE00, s6;
	s10 =	smov.u32 s2;
	[sflag:s4] =	ssyncpa.u1 $0x0  }
0xd: {  	p0 =	por $0x0, $0x0;
	[sflag:s7] =	ssyncpa.u1 $0x0;
	s7 =	sor.u32 $0x1, s5  }
.LBB1_4:
0xe: {  	s16 =	sshll.u32 s13, $0x3;
	s17 =	sand.u32 $0x78, s13  }
0xf: {  	s30 =	sand.u32 $0xF800, s13;
	s12 =	sshll.u32 s12, $0x10;
	s16 =	sand.u32 $0x3C00, s16  }
0x10: {  	s31 =	sand.u32 $0x7, s13;
	s16 =	sor.u32 s17, s16;
	s17 =	sadd.s32 s3, s30  }
0x11: {  	s13 =	sshll.u32 s31, $0x12;
	s16 =	sshrl.u32 s16, $0x3;
	s12 =	sadd.s32 s12, s17  }
0x12: {  	[tilespmem:s15+$0x0 ss:$0x81] =	vst.msk $0xffff, v0;
	s13 =	sor.u32 $0x400, s13;
	s12 =	sadd.s32 s16, s12  }
0x13: {  	[hbm4b:s12+s13] =	stream.strided.scatter [tilespmem:s14], [sflag:$0x2], $0x1000, s8, s13, $0x20;
	[tilespmem:$0x4040] =	vst v63  }
.LBB1_5:
0x14: {  	s14 =	sadd.s32 $0x1, s9  }
0x15: {  	s12 =	sadd.s32 $0x1000, s10;
	s16 =	smov.u32 s10;
	p2 =	sgt.s32 s14, $0x19  }
0x16: {  	s16 =	smov.u32 @p2 s12  }
0x17: {  	s14 =	simm.s32 @p2 $0x0;
	p2 =	sgt.s32 s16, $0x3FFF  }
0x18: {  	s16 =	smov.u32 @p2 s2;
	p2 =	sne.s32 s11, s7  }
.Ltmp1:
0x19: {  	p1 =	slt.u32 s11, $0x2;
	(pc) =	sbr.rel @!p2 .LBB1_6-.Ltmp1, $4  }
0x1a: {  	s15 =	simm.s32 @!p1 $0x2  }
0x1b: {  	s13 =	smov.u32 s10;
	p0 =	por !p0, !p0;
	_ =	swait.ge @!p1 [sflag:s15], $0x1000  }
0x1c: {  	s12 =	smov.u32 s9;
	[sflag:s15] =	ssyncset.done @!p1 $0x0;
	s9 =	smov.u32 s14  }
0x1d: {  	s11 =	sadd.s32 $0x1, s11;
	[sflag:s15] =	ssyncadd.s32 @!p1 $0xFFFFF000;
	s10 =	smov.u32 s16  }
.LBB1_1:
0x1e: {  	p1 =	sge.u32 s11, s5  }
0x1f: {  	s31 =	sadd.s32 $0xFFFFFFFF, s11;
	s14 =	sxor.u32 @!p1 $0xFFFFFFFF, s11  }
0x20: {  	s15 =	sshll.u32 @!p1 s10, $0x9;
	s16 =	sshll.u32 @!p1 s9, $0x4;
	s17 =	simm.s32 @!p1 $0x1000  }
0x21: {  	s14 =	sshll.u32 @!p1 s14, $0xC;
	s16 =	sand.u32 @!p1 $0x1F0, s16;
	s15 =	sadd.s32 @!p1 s6, s15  }
0x22: {  	s14 =	sand.u32 @!p1 $0x1000, s14;
	s15 =	sadd.s32 @!p1 s16, s15;
	s16 =	simm.s32 @!p1 $0x20  }
0x23: {  	[tilespmem:s14], [sflag:$0x1] =	stream.strided.gather @!p1 [hbm4b:s15+s16], $0x1000, s17, s16, $0x38;
	[tilespmem:$0x4040] =	vst v63  }
0x24: {  	p1 =	sge.u32 s31, s5  }
.Ltmp2:
0x25: {  	_ = 	snop;
	(pc) =	sbr.rel @p1 .LBB1_5-.Ltmp2, $1  }
0x26: {  	_ =	sdelay $0x3  }
0x27: {  	s14 =	simm.s32 $0x1  }
0x28: {  	_ =	swait.ge [sflag:s4], $0x1000;
	s14 =	simm.s32 @!p0 $0x0  }
0x29: {  	[sflag:s4] =	ssyncset.done $0x0;
	s15 =	sshll.u32 s14, $0xC  }
0x2a: {  	[sflag:s4] =	ssyncadd.s32 $0xFFFFF000;
	s18 =	sor.u32 $0x10, s15  }
0x2b: {  	s14 =	smul.u32 $0x4080, s14;
	v1 =	vld [tilespmem:s18+$0x0]  }
0x2c: {  	s30 =	sand.u32 $0x1, s11;
	v0 =	vld [tilespmem:s18+$0xFFFFFFF0]  }
0x2d: {  	s15 =	smul.u32 $0x4080, s30;
	s14 =	sshrl.u32 s14, $0x2  }
0x2e: {  	s16 =	sor.u32 $0x2000, s14  }
0x2f: {  	s31 =	sshrl.u32 s15, $0x2;
	s15 =	sadd.s32 $0x0, s16  }
0x30: {  	s17 =	simm.s32 $0x4;
	s18 =	sadd.s32 $0x20, s18;
	s14 =	sor.u32 $0x2000, s31;
	[tilespmem:s15+$0x810 ss:$0x81] =	vst.msk $0xffff, v1  }
.LBB1_3:
0x31: {  	v1 =	vld [tilespmem:s18+$0x0];
	p1 =	sne.s32 s17, $0x1FC;
	[tilespmem:s15+$0x0 ss:$0x81] =	vst.msk $0xffff, v0;
	s15 =	smov.u32 s17;
	s17 =	sadd.s32 $0x4, s17  }
.Ltmp3:
0x32: {  	v0 =	vld [tilespmem:s18+$0xFFFFFFF0];
	(pc) =	sbr.rel @p1 .LBB1_3-.Ltmp3, $4  }
0x33: {  	_ = 	snop  }
0x34: {  	s15 =	sshra.s32 s15, $0x2  }
0x35: {  	s15 =	sadd.s32 s15, s16  }
0x36: {  	s18 =	sadd.s32 $0x20, s18;
	[tilespmem:s15+$0x810 ss:$0x81] =	vst.msk $0xffff, v1  }
.Ltmp4:
0x37: {  	_ = 	snop;
	(pc) =	sbr.rel .LBB1_4-.Ltmp4, $1  }
0x38: {  	_ =	sdelay $0x3  }
.LBB1_6:
0x39: {  	_ =	sfence.sel $0x180000  }
0x3a: {  	s2 =	simm.s32 $0x1;
	[bflag:$0x0] =	sbarrier.arrive $0xFFFF  }
0x3b: {  	s31 =	simm.s32 $0x2;
	[sflag:s2] =	ssyncpa.u1 $0x1  }
0x3c: {  	[sflag:s31] =	ssyncpa.u1 $0x1  }
0x3d: {  	p0 =	sne.s32 s0, $0x0;
	_ =	strace $0x9000004D  }
0x3e: {  	s0 =	sadd.s32 @!p0 $0x100000, s1;
	[bflag:$0x2] =	sbarrier.arrive $0xFFFF  }
0x3f: {  	[sflag:s0] =	ssyncadd.tile.s32 @!p0 $0x1;
	_ =	shalt  }
.Lfunc_end1:
_tile_overlayer_lowered:
.L_overlay_start_2:
0x40: {  	(tag) =	ssettag $0x2  }
0x41: {  	s0 =	rddreg [dreg:$0x0];
	s2 =	stileid.u32  }
0x42: {  	s1 =	rddreg [dreg:$0x1];
	p0 =	sne.s32 s2, $0x0  }
0x43: {  	s3 =	rddreg [dreg:$0x2];
	[bflag:$0x3] =	sbarrier.arrive $0xFFFF;
	s2 =	simm.s32 @!p0 $0x1C01  }
0x44: {  	[timem:s3], [sflag:s2] =	dma.local @!p0 [hbm:s0], s1  }
0x45: {  	s0 =	simm.s32 @!p0 $0x1  }
0x46: {  	_ =	swait.ge @!p0 [sflag:s0], s1  }
0x47: {  	s1 =	ssub.s32 @!p0 $0x0, s1;
	[sflag:s0] =	ssyncset.done @!p0 $0x0  }
0x48: {  	[sflag:s0] =	ssyncadd.s32 @!p0 s1  }
0x49: {  	[bflag:$0x3] =	sbarrier.arrive $0xFFFF  }
0x4a: {  	_ =	shalt  }

</sc_bundles>
